<compile_context>
chip_gen: v7x
topology: tpu7x:2x2x1
jax: 0.10.2.dev20260603
libtpu: 0.0.44.dev20260713+nightly
codegen_flags: <defaults>
</compile_context>

<pallas_src>
import functools

import jax
import jax.numpy as jnp
from jax import lax
from jax.experimental import pallas as pl
from jax.experimental.pallas import tpu as pltpu
from jax.experimental.pallas import tpu_sc as plsc

MAX_LEN = 50
BATCH = 16384
EMBED = 32
VOCAB = 1000000
TOTAL = MAX_LEN * BATCH
NUM_WORKERS = 32

VMAIN = 999936
VTAIL = VOCAB - VMAIN
CHV = 512
NCHV = VMAIN // CHV
K1_GROUPS = 31
PITCH = CHV + 1

PER_WORKER = TOTAL // NUM_WORKERS
CHUNK = 640
NCHUNK = PER_WORKER // CHUNK
NBUF = 4
NGROUP = NCHUNK // NBUF

_mesh = plsc.VectorSubcoreMesh(core_axis_name="c", subcore_axis_name="s")


@functools.partial(
    pl.kernel,
    out_type=jax.ShapeDtypeStruct((VOCAB * EMBED,), jnp.float32),
    mesh=_mesh,
    compiler_params=pltpu.CompilerParams(
        use_tc_tiling_on_sc=True, needs_layout_passes=False),
    scratch_types=[
        pltpu.VMEM((EMBED, CHV), jnp.float32),
        pltpu.VMEM((EMBED, CHV), jnp.float32),
        pltpu.VMEM((CHV * EMBED,), jnp.float32),
        pltpu.VMEM((CHV * EMBED,), jnp.float32),
        pltpu.VMEM((EMBED * PITCH,), jnp.float32),
        pltpu.VMEM((VTAIL, EMBED), jnp.float32),
        pltpu.VMEM((VTAIL * EMBED,), jnp.float32),
        [pltpu.SemaphoreType.DMA] * 2,
        [pltpu.SemaphoreType.DMA] * 2,
    ],
)
def _table_to_rowmajor(tab_t, tail, out_flat, colbuf0, colbuf1, rowbuf0,
                       rowbuf1, oddbuf, tailbuf, tailrow, isems, osems):
    colbufs = (colbuf0, colbuf1)
    rowbufs = (rowbuf0, rowbuf1)
    wid = lax.axis_index("s") * 2 + lax.axis_index("c")
    iota16 = lax.iota(jnp.int32, 16)
    iota_pitch = iota16 * PITCH

    def chunk_id(go, p):
        return wid + (go * 2 + p) * NUM_WORKERS

    def fire_in(chunk, p):
        pltpu.async_copy(
            tab_t.at[:, pl.ds(chunk * CHV, CHV)], colbufs[p], isems[p])

    def wait_in(p):
        pltpu.make_async_copy(
            tab_t.at[:, pl.ds(0, CHV)], colbufs[p], isems[p]).wait()

    def fire_out(chunk, p):
        pltpu.async_copy(
            rowbufs[p],
            out_flat.at[pl.ds(chunk * CHV * EMBED, CHV * EMBED)], osems[p])

    def wait_out(p):
        pltpu.make_async_copy(
            rowbufs[p], out_flat.at[pl.ds(0, CHV * EMBED)], osems[p]).wait()

    def compute(p):
        def pass1(w16, carry):
            off16 = w16 * 16
            for c in range(EMBED):
                oddbuf[pl.ds(c * PITCH + off16, 16)] = (
                    colbufs[p][c, pl.ds(off16, 16)])
            return carry

        lax.fori_loop(0, CHV // 16, pass1, 0)

        def pass2(rr, carry):
            r0 = rr * 8
            for dr in range(8):
                r = r0 + dr
                idx = iota_pitch + r
                g0 = plsc.load_gather(oddbuf, [idx])
                g1 = plsc.load_gather(oddbuf, [idx + 16 * PITCH])
                rowbufs[p][pl.ds(r * EMBED, 16)] = g0
                rowbufs[p][pl.ds(r * EMBED + 16, 16)] = g1
            return carry

        lax.fori_loop(0, CHV // 8, pass2, 0)

    for p in range(2):
        fire_in(chunk_id(0, p), p)

    def body(go, carry):
        for p in range(2):
            wait_in(p)
            compute(p)
            fire_out(chunk_id(go, p), p)
        for p in range(2):
            nxt = chunk_id(go + 1, p)
            wait_out(p)

            @pl.when(nxt < NCHV)
            def _():
                fire_in(nxt, p)

        return carry

    lax.fori_loop(0, K1_GROUPS - 1, body, 0)

    wait_in(0)
    compute(0)
    fire_out(chunk_id(K1_GROUPS - 1, 0), 0)

    @pl.when(chunk_id(K1_GROUPS - 1, 1) < NCHV)
    def _lastp1():
        wait_in(1)
        compute(1)
        fire_out(chunk_id(K1_GROUPS - 1, 1), 1)

    wait_out(0)

    @pl.when(chunk_id(K1_GROUPS - 1, 1) < NCHV)
    def _drain1():
        wait_out(1)

    @pl.when(wid == 0)
    def _tail():
        pltpu.async_copy(tail, tailbuf, isems[0]).wait()
        for r in range(VTAIL):
            for h in range(EMBED // 16):
                v = tailbuf[r, pl.ds(h * 16, 16)]
                plsc.store_scatter(
                    tailrow, [iota16 + (r * EMBED + h * 16)], v)
        pltpu.async_copy(
            tailrow, out_flat.at[pl.ds(VMAIN * EMBED, VTAIL * EMBED)],
            isems[0]).wait()


@functools.partial(
    pl.kernel,
    out_type=jax.ShapeDtypeStruct((TOTAL, EMBED), jnp.float32),
    mesh=_mesh,
    compiler_params=pltpu.CompilerParams(use_tc_tiling_on_sc=False),
    scratch_types=[
        pltpu.VMEM((PER_WORKER,), jnp.int32),
        pltpu.VMEM((NBUF, CHUNK, EMBED), jnp.float32),
        [pltpu.SemaphoreType.DMA] * NBUF,
        [pltpu.SemaphoreType.DMA] * NBUF,
    ],
)
def _embedding_gather(idx_hbm, table_hbm, out_hbm, idx_v, rows_v, gsems, ssems):
    wid = lax.axis_index("s") * 2 + lax.axis_index("c")
    base = wid * PER_WORKER
    pltpu.sync_copy(idx_hbm.at[pl.ds(base, PER_WORKER)], idx_v)

    def fire_gather(g, b):
        pltpu.async_copy(
            table_hbm.at[idx_v.at[pl.ds(g * CHUNK, CHUNK)]],
            rows_v.at[b], gsems[b])

    def wait_gather(b):
        pltpu.make_async_copy(
            table_hbm.at[idx_v.at[pl.ds(0, CHUNK)]],
            rows_v.at[b], gsems[b]).wait()

    def fire_store(g, b):
        pltpu.async_copy(
            rows_v.at[b], out_hbm.at[pl.ds(base + g * CHUNK, CHUNK)], ssems[b])

    def wait_store(b):
        pltpu.make_async_copy(
            rows_v.at[b], out_hbm.at[pl.ds(base, CHUNK)], ssems[b]).wait()

    for b in range(NBUF):
        fire_gather(b, b)

    def body(go, carry):
        for b in range(NBUF):
            wait_gather(b)
            fire_store(go * NBUF + b, b)
        for b in range(NBUF):
            wait_store(b)
            fire_gather((go + 1) * NBUF + b, b)
        return carry

    lax.fori_loop(0, NGROUP - 1, body, 0)

    last = (NGROUP - 1) * NBUF
    for b in range(NBUF):
        wait_gather(b)
        fire_store(last + b, b)
    for b in range(NBUF):
        wait_store(b)


def kernel(inputs, src_emb, tgt_emb):
    del tgt_emb
    flat_idx = inputs.reshape(TOTAL)
    tab_flat = _table_to_rowmajor(src_emb.T, src_emb[VMAIN:])
    tab_rm = tab_flat.reshape(VOCAB, EMBED)
    out = _embedding_gather(flat_idx, tab_rm)
    return out.reshape(MAX_LEN, BATCH, EMBED)

# --- scband reference (transcript-rebuilt; emitter-appended) ---
"""Pipeline reference for scband-model-embeddings-18726057410746 (READ-ONLY COPY).

The authoritative reference and input builder live on the scoring server;
editing this copy changes nothing except your own understanding.
"""

import jax, jax.numpy as jnp
import numpy as np

VOCAB_SRC = 1000000
VOCAB_TGT = 1000000
EMBED = 32
PAD_IDX = 0
MAX_LEN = 50
BATCH = 16384


def setup_inputs(seed: int = 0) -> dict:
    key = jax.random.key(seed)
    k_idx, k_src, k_tgt = jax.random.split(key, 3)
    inputs = jax.random.randint(k_idx, (MAX_LEN, BATCH), 0, VOCAB_SRC, dtype=jnp.int32)
    src_emb = jax.random.normal(k_src, (VOCAB_SRC, EMBED), dtype=jnp.float32)
    tgt_emb = jax.random.normal(k_tgt, (VOCAB_TGT, EMBED), dtype=jnp.float32)
    # nn.Embedding(padding_idx=PAD_IDX) zeroes the padding row
    src_emb = src_emb.at[PAD_IDX].set(0.0)
    tgt_emb = tgt_emb.at[PAD_IDX].set(0.0)
    return {"inputs": inputs, "src_emb": src_emb, "tgt_emb": tgt_emb}


def reference(inputs, src_emb, tgt_emb):
    # forward(inputs, domain='src') -> src_embedding(inputs)
    # embedding lookup: gather rows of the table by token id
    out = jnp.take(src_emb, inputs, axis=0)  # (MAX_LEN, BATCH, EMBED)
    return out

if __name__ == "__main__":
    import jax
    _d = setup_inputs()
    print(jax.jit(kernel)(*tuple(_d.values())))

</pallas_src>

<mosaic_0001>
#map = affine_map<(d0, d1) -> (0, 0)>
#map1 = affine_map<(d0, d1) -> (0)>
module attributes {stable_mosaic.version = 14 : i64} {
  func.func @_table_to_rowmajor(%arg0: i32, %arg1: i32, %arg2: memref<32x1000000xf32, #tpu.memory_space<hbm>>, %arg3: memref<64x32xf32, #tpu.memory_space<hbm>>, %arg4: memref<32000000xf32, #tpu.memory_space<hbm>>, %arg5: memref<32x512xf32, #tpu.memory_space<vmem>>, %arg6: memref<32x512xf32, #tpu.memory_space<vmem>>, %arg7: memref<16384xf32, #tpu.memory_space<vmem>>, %arg8: memref<16384xf32, #tpu.memory_space<vmem>>, %arg9: memref<16416xf32, #tpu.memory_space<vmem>>, %arg10: memref<64x32xf32, #tpu.memory_space<vmem>>, %arg11: memref<2048xf32, #tpu.memory_space<vmem>>, %arg12: memref<!tpu.dma_semaphore, #tpu.memory_space<semaphore_mem>>, %arg13: memref<!tpu.dma_semaphore, #tpu.memory_space<semaphore_mem>>, %arg14: memref<!tpu.dma_semaphore, #tpu.memory_space<semaphore_mem>>, %arg15: memref<!tpu.dma_semaphore, #tpu.memory_space<semaphore_mem>>) attributes {dimension_semantics = [#tpu.dimension_semantics<core_parallel>, #tpu.dimension_semantics<subcore_parallel>], iteration_bounds = array<i64: 2, 16>, scalar_prefetch = 0 : i64, scratch_operands = 11 : i64, tpu.core_type = #tpu.core_type<sc_vector_subcore>, window_params = [{transform_indices = #map}, {transform_indices = #map}, {transform_indices = #map1}]} {
    %mul3A = arith.constant 2 : i32
    %mul3A_0 = arith.muli %arg1, %mul3A : i32
    %add3A = arith.addi %mul3A_0, %arg0 : i32
    %iota3A = tpu.iota {dimensions = array<i32: 0>} : vector<16xi32>
    %mul3A_1 = arith.constant 513 : i32
    %mul3A_2 = vector.broadcast %mul3A_1 : i32 to vector<16xi32>
    %mul3A_3 = arith.muli %iota3A, %mul3A_2 : vector<16xi32>
    %add3A_4 = arith.constant 0 : i32
    %add3A_5 = arith.addi %add3A, %add3A_4 : i32
    %mul3A_6 = arith.constant 512 : i32
    %mul3A_7 = arith.muli %add3A_5, %mul3A_6 : i32
    %dma_start3A = arith.constant 0 : i32
    %dma_start3A_8 = tpu.memref_slice %arg2[%dma_start3A, %mul3A_7] : memref<32x1000000xf32, #tpu.memory_space<hbm>> -> memref<32x512xf32, #tpu.memory_space<hbm>>
    %dma_start3A_9 = arith.constant 0 : i32
    %dma_start3A_10 = tpu.memref_slice %arg2[%dma_start3A_9, %mul3A_7] : memref<32x1000000xf32, #tpu.memory_space<hbm>> -> memref<32x512xf32, #tpu.memory_space<hbm>>
    tpu.enqueue_dma source(%dma_start3A_10 : memref<32x512xf32, #tpu.memory_space<hbm>>) target(%arg5 : memref<32x512xf32, #tpu.memory_space<vmem>>) target_semaphore(%arg12 : memref<!tpu.dma_semaphore, #tpu.memory_space<semaphore_mem>>)
    %add3A_11 = arith.constant 32 : i32
    %add3A_12 = arith.addi %add3A, %add3A_11 : i32
    %mul3A_13 = arith.constant 512 : i32
    %mul3A_14 = arith.muli %add3A_12, %mul3A_13 : i32
    %dma_start3A_15 = arith.constant 0 : i32
    %dma_start3A_16 = tpu.memref_slice %arg2[%dma_start3A_15, %mul3A_14] : memref<32x1000000xf32, #tpu.memory_space<hbm>> -> memref<32x512xf32, #tpu.memory_space<hbm>>
    %dma_start3A_17 = arith.constant 0 : i32
    %dma_start3A_18 = tpu.memref_slice %arg2[%dma_start3A_17, %mul3A_14] : memref<32x1000000xf32, #tpu.memory_space<hbm>> -> memref<32x512xf32, #tpu.memory_space<hbm>>
    tpu.enqueue_dma source(%dma_start3A_18 : memref<32x512xf32, #tpu.memory_space<hbm>>) target(%arg6 : memref<32x512xf32, #tpu.memory_space<vmem>>) target_semaphore(%arg13 : memref<!tpu.dma_semaphore, #tpu.memory_space<semaphore_mem>>)
    %scan3A = arith.constant 0 : i32
    %scan3A_19 = arith.constant 0 : i32
    %scan3A_20 = arith.constant 30 : i32
    %scan3A_21 = arith.addi %scan3A_19, %scan3A_20 : i32
    %scan3A_22 = arith.constant 1 : i32
    scf.for %scan3A_68 = %scan3A_19 to %scan3A_21 step %scan3A_22  : i32 {
      %dma_wait3A_69 = arith.constant 0 : i32
      %dma_wait3A_70 = arith.constant 0 : i32
      %dma_wait3A_71 = tpu.memref_slice %arg2[%dma_wait3A_69, %dma_wait3A_70] : memref<32x1000000xf32, #tpu.memory_space<hbm>> -> memref<32x512xf32, #tpu.memory_space<hbm>>
      %dma_wait3A_72 = arith.constant 0 : i32
      %dma_wait3A_73 = arith.constant 0 : i32
      %dma_wait3A_74 = tpu.memref_slice %arg2[%dma_wait3A_72, %dma_wait3A_73] : memref<32x1000000xf32, #tpu.memory_space<hbm>> -> memref<32x512xf32, #tpu.memory_space<hbm>>
      tpu.wait_dma2 semaphore(%arg12 : memref<!tpu.dma_semaphore, #tpu.memory_space<semaphore_mem>>) src(%dma_wait3A_74 : memref<32x512xf32, #tpu.memory_space<hbm>>) dst(%arg5 : memref<32x512xf32, #tpu.memory_space<vmem>>)
      %scan3A_75 = arith.constant 0 : i32
      %scan3A_76 = arith.constant 0 : i32
      %scan3A_77 = arith.constant 32 : i32
      %scan3A_78 = arith.addi %scan3A_76, %scan3A_77 : i32
      %scan3A_79 = arith.constant 1 : i32
      scf.for %scan3A_167 = %scan3A_76 to %scan3A_78 step %scan3A_79  : i32 {
        %mul3A_168 = arith.constant 16 : i32
        %mul3A_169 = arith.muli %scan3A_167, %mul3A_168 : i32
        %get3A = arith.constant 0 : i32
        %get3A_170 = arith.index_cast %get3A : i32 to index
        %get3A_171 = arith.index_cast %mul3A_169 : i32 to index
        %get3A_172 = tpu.vector_load %arg5[%get3A_170, %get3A_171] {strides = array<i32>} : memref<32x512xf32, #tpu.memory_space<vmem>>, vector<16xf32>,
        %add3A_173 = arith.constant 0 : i32
        %add3A_174 = arith.addi %add3A_173, %mul3A_169 : i32
        %swap3A = arith.index_cast %add3A_174 : i32 to index
        %swap3A_175 = tpu.vector_load %arg9[%swap3A] {strides = array<i32>} : memref<16416xf32, #tpu.memory_space<vmem>>, vector<16xf32>,
        tpu.vector_store %arg9[%swap3A], %get3A_172 {strides = array<i32>} : memref<16416xf32, #tpu.memory_space<vmem>>, vector<16xf32>,
        %get3A_176 = arith.constant 1 : i32
        %get3A_177 = arith.index_cast %get3A_176 : i32 to index
        %get3A_178 = arith.index_cast %mul3A_169 : i32 to index
        %get3A_179 = tpu.vector_load %arg5[%get3A_177, %get3A_178] {strides = array<i32>} : memref<32x512xf32, #tpu.memory_space<vmem>>, vector<16xf32>,
        %add3A_180 = arith.constant 513 : i32
        %add3A_181 = arith.addi %add3A_180, %mul3A_169 : i32
        %swap3A_182 = arith.index_cast %add3A_181 : i32 to index
        %swap3A_183 = tpu.vector_load %arg9[%swap3A_182] {strides = array<i32>} : memref<16416xf32, #tpu.memory_space<vmem>>, vector<16xf32>,
        tpu.vector_store %arg9[%swap3A_182], %get3A_179 {strides = array<i32>} : memref<16416xf32, #tpu.memory_space<vmem>>, vector<16xf32>,
        %get3A_184 = arith.constant 2 : i32
        %get3A_185 = arith.index_cast %get3A_184 : i32 to index
        %get3A_186 = arith.index_cast %mul3A_169 : i32 to index
        %get3A_187 = tpu.vector_load %arg5[%get3A_185, %get3A_186] {strides = array<i32>} : memref<32x512xf32, #tpu.memory_space<vmem>>, vector<16xf32>,
        %add3A_188 = arith.constant 1026 : i32
        %add3A_189 = arith.addi %add3A_188, %mul3A_169 : i32
        %swap3A_190 = arith.index_cast %add3A_189 : i32 to index
        %swap3A_191 = tpu.vector_load %arg9[%swap3A_190] {strides = array<i32>} : memref<16416xf32, #tpu.memory_space<vmem>>, vector<16xf32>,
        tpu.vector_store %arg9[%swap3A_190], %get3A_187 {strides = array<i32>} : memref<16416xf32, #tpu.memory_space<vmem>>, vector<16xf32>,
        %get3A_192 = arith.constant 3 : i32
        %get3A_193 = arith.index_cast %get3A_192 : i32 to index
        %get3A_194 = arith.index_cast %mul3A_169 : i32 to index
        %get3A_195 = tpu.vector_load %arg5[%get3A_193, %get3A_194] {strides = array<i32>} : memref<32x512xf32, #tpu.memory_space<vmem>>, vector<16xf32>,
        %add3A_196 = arith.constant 1539 : i32
        %add3A_197 = arith.addi %add3A_196, %mul3A_169 : i32
        %swap3A_198 = arith.index_cast %add3A_197 : i32 to index
        %swap3A_199 = tpu.vector_load %arg9[%swap3A_198] {strides = array<i32>} : memref<16416xf32, #tpu.memory_space<vmem>>, vector<16xf32>,
        tpu.vector_store %arg9[%swap3A_198], %get3A_195 {strides = array<i32>} : memref<16416xf32, #tpu.memory_space<vmem>>, vector<16xf32>,
        %get3A_200 = arith.constant 4 : i32
        %get3A_201 = arith.index_cast %get3A_200 : i32 to index
        %get3A_202 = arith.index_cast %mul3A_169 : i32 to index
        %get3A_203 = tpu.vector_load %arg5[%get3A_201, %get3A_202] {strides = array<i32>} : memref<32x512xf32, #tpu.memory_space<vmem>>, vector<16xf32>,
        %add3A_204 = arith.constant 2052 : i32
        %add3A_205 = arith.addi %add3A_204, %mul3A_169 : i32
        %swap3A_206 = arith.index_cast %add3A_205 : i32 to index
        %swap3A_207 = tpu.vector_load %arg9[%swap3A_206] {strides = array<i32>} : memref<16416xf32, #tpu.memory_space<vmem>>, vector<16xf32>,
        tpu.vector_store %arg9[%swap3A_206], %get3A_203 {strides = array<i32>} : memref<16416xf32, #tpu.memory_space<vmem>>, vector<16xf32>,
        %get3A_208 = arith.constant 5 : i32
        %get3A_209 = arith.index_cast %get3A_208 : i32 to index
        %get3A_210 = arith.index_cast %mul3A_169 : i32 to index
        %get3A_211 = tpu.vector_load %arg5[%get3A_209, %get3A_210] {strides = array<i32>} : memref<32x512xf32, #tpu.memory_space<vmem>>, vector<16xf32>,
        %add3A_212 = arith.constant 2565 : i32
        %add3A_213 = arith.addi %add3A_212, %mul3A_169 : i32
        %swap3A_214 = arith.index_cast %add3A_213 : i32 to index
        %swap3A_215 = tpu.vector_load %arg9[%swap3A_214] {strides = array<i32>} : memref<16416xf32, #tpu.memory_space<vmem>>, vector<16xf32>,
        tpu.vector_store %arg9[%swap3A_214], %get3A_211 {strides = array<i32>} : memref<16416xf32, #tpu.memory_space<vmem>>, vector<16xf32>,
        %get3A_216 = arith.constant 6 : i32
        %get3A_217 = arith.index_cast %get3A_216 : i32 to index
        %get3A_218 = arith.index_cast %mul3A_169 : i32 to index
        %get3A_219 = tpu.vector_load %arg5[%get3A_217, %get3A_218] {strides = array<i32>} : memref<32x512xf32, #tpu.memory_space<vmem>>, vector<16xf32>,
        %add3A_220 = arith.constant 3078 : i32
        %add3A_221 = arith.addi %add3A_220, %mul3A_169 : i32
        %swap3A_222 = arith.index_cast %add3A_221 : i32 to index
        %swap3A_223 = tpu.vector_load %arg9[%swap3A_222] {strides = array<i32>} : memref<16416xf32, #tpu.memory_space<vmem>>, vector<16xf32>,
        tpu.vector_store %arg9[%swap3A_222], %get3A_219 {strides = array<i32>} : memref<16416xf32, #tpu.memory_space<vmem>>, vector<16xf32>,
        %get3A_224 = arith.constant 7 : i32
        %get3A_225 = arith.index_cast %get3A_224 : i32 to index
        %get3A_226 = arith.index_cast %mul3A_169 : i32 to index
        %get3A_227 = tpu.vector_load %arg5[%get3A_225, %get3A_226] {strides = array<i32>} : memref<32x512xf32, #tpu.memory_space<vmem>>, vector<16xf32>,
        %add3A_228 = arith.constant 3591 : i32
        %add3A_229 = arith.addi %add3A_228, %mul3A_169 : i32
        %swap3A_230 = arith.index_cast %add3A_229 : i32 to index
        %swap3A_231 = tpu.vector_load %arg9[%swap3A_230] {strides = array<i32>} : memref<16416xf32, #tpu.memory_space<vmem>>, vector<16xf32>,
        tpu.vector_store %arg9[%swap3A_230], %get3A_227 {strides = array<i32>} : memref<16416xf32, #tpu.memory_space<vmem>>, vector<16xf32>,
        %get3A_232 = arith.constant 8 : i32
        %get3A_233 = arith.index_cast %get3A_232 : i32 to index
        %get3A_234 = arith.index_cast %mul3A_169 : i32 to index
        %get3A_235 = tpu.vector_load %arg5[%get3A_233, %get3A_234] {strides = array<i32>} : memref<32x512xf32, #tpu.memory_space<vmem>>, vector<16xf32>,
        %add3A_236 = arith.constant 4104 : i32
        %add3A_237 = arith.addi %add3A_236, %mul3A_169 : i32
        %swap3A_238 = arith.index_cast %add3A_237 : i32 to index
        %swap3A_239 = tpu.vector_load %arg9[%swap3A_238] {strides = array<i32>} : memref<16416xf32, #tpu.memory_space<vmem>>, vector<16xf32>,
        tpu.vector_store %arg9[%swap3A_238], %get3A_235 {strides = array<i32>} : memref<16416xf32, #tpu.memory_space<vmem>>, vector<16xf32>,
        %get3A_240 = arith.constant 9 : i32
        %get3A_241 = arith.index_cast %get3A_240 : i32 to index
        %get3A_242 = arith.index_cast %mul3A_169 : i32 to index
        %get3A_243 = tpu.vector_load %arg5[%get3A_241, %get3A_242] {strides = array<i32>} : memref<32x512xf32, #tpu.memory_space<vmem>>, vector<16xf32>,
        %add3A_244 = arith.constant 4617 : i32
        %add3A_245 = arith.addi %add3A_244, %mul3A_169 : i32
        %swap3A_246 = arith.index_cast %add3A_245 : i32 to index
        %swap3A_247 = tpu.vector_load %arg9[%swap3A_246] {strides = array<i32>} : memref<16416xf32, #tpu.memory_space<vmem>>, vector<16xf32>,
        tpu.vector_store %arg9[%swap3A_246], %get3A_243 {strides = array<i32>} : memref<16416xf32, #tpu.memory_space<vmem>>, vector<16xf32>,
        %get3A_248 = arith.constant 10 : i32
        %get3A_249 = arith.index_cast %get3A_248 : i32 to index
        %get3A_250 = arith.index_cast %mul3A_169 : i32 to index
        %get3A_251 = tpu.vector_load %arg5[%get3A_249, %get3A_250] {strides = array<i32>} : memref<32x512xf32, #tpu.memory_space<vmem>>, vector<16xf32>,
        %add3A_252 = arith.constant 5130 : i32
        %add3A_253 = arith.addi %add3A_252, %mul3A_169 : i32
        %swap3A_254 = arith.index_cast %add3A_253 : i32 to index
        %swap3A_255 = tpu.vector_load %arg9[%swap3A_254] {strides = array<i32>} : memref<16416xf32, #tpu.memory_space<vmem>>, vector<16xf32>,
        tpu.vector_store %arg9[%swap3A_254], %get3A_251 {strides = array<i32>} : memref<16416xf32, #tpu.memory_space<vmem>>, vector<16xf32>,
        %get3A_256 = arith.constant 11 : i32
        %get3A_257 = arith.index_cast %get3A_256 : i32 to index
        %get3A_258 = arith.index_cast %mul3A_169 : i32 to index
        %get3A_259 = tpu.vector_load %arg5[%get3A_257, %get3A_258] {strides = array<i32>} : memref<32x512xf32, #tpu.memory_space<vmem>>, vector<16xf32>,
        %add3A_260 = arith.constant 5643 : i32
        %add3A_261 = arith.addi %add3A_260, %mul3A_169 : i32
        %swap3A_262 = arith.index_cast %add3A_261 : i32 to index
        %swap3A_263 = tpu.vector_load %arg9[%swap3A_262] {strides = array<i32>} : memref<16416xf32, #tpu.memory_space<vmem>>, vector<16xf32>,
        tpu.vector_store %arg9[%swap3A_262], %get3A_259 {strides = array<i32>} : memref<16416xf32, #tpu.memory_space<vmem>>, vector<16xf32>,
        %get3A_264 = arith.constant 12 : i32
        %get3A_265 = arith.index_cast %get3A_264 : i32 to index
        %get3A_266 = arith.index_cast %mul3A_169 : i32 to index
        %get3A_267 = tpu.vector_load %arg5[%get3A_265, %get3A_266] {strides = array<i32>} : memref<32x512xf32, #tpu.memory_space<vmem>>, vector<16xf32>,
        %add3A_268 = arith.constant 6156 : i32
        %add3A_269 = arith.addi %add3A_268, %mul3A_169 : i32
        %swap3A_270 = arith.index_cast %add3A_269 : i32 to index
        %swap3A_271 = tpu.vector_load %arg9[%swap3A_270] {strides = array<i32>} : memref<16416xf32, #tpu.memory_space<vmem>>, vector<16xf32>,
        tpu.vector_store %arg9[%swap3A_270], %get3A_267 {strides = array<i32>} : memref<16416xf32, #tpu.memory_space<vmem>>, vector<16xf32>,
        %get3A_272 = arith.constant 13 : i32
        %get3A_273 = arith.index_cast %get3A_272 : i32 to index
        %get3A_274 = arith.index_cast %mul3A_169 : i32 to index
        %get3A_275 = tpu.vector_load %arg5[%get3A_273, %get3A_274] {strides = array<i32>} : memref<32x512xf32, #tpu.memory_space<vmem>>, vector<16xf32>,
        %add3A_276 = arith.constant 6669 : i32
        %add3A_277 = arith.addi %add3A_276, %mul3A_169 : i32
        %swap3A_278 = arith.index_cast %add3A_277 : i32 to index
        %swap3A_279 = tpu.vector_load %arg9[%swap3A_278] {strides = array<i32>} : memref<16416xf32, #tpu.memory_space<vmem>>, vector<16xf32>,
        tpu.vector_store %arg9[%swap3A_278], %get3A_275 {strides = array<i32>} : memref<16416xf32, #tpu.memory_space<vmem>>, vector<16xf32>,
        %get3A_280 = arith.constant 14 : i32
        %get3A_281 = arith.index_cast %get3A_280 : i32 to index
        %get3A_282 = arith.index_cast %mul3A_169 : i32 to index
        %get3A_283 = tpu.vector_load %arg5[%get3A_281, %get3A_282] {strides = array<i32>} : memref<32x512xf32, #tpu.memory_space<vmem>>, vector<16xf32>,
        %add3A_284 = arith.constant 7182 : i32
        %add3A_285 = arith.addi %add3A_284, %mul3A_169 : i32
        %swap3A_286 = arith.index_cast %add3A_285 : i32 to index
        %swap3A_287 = tpu.vector_load %arg9[%swap3A_286] {strides = array<i32>} : memref<16416xf32, #tpu.memory_space<vmem>>, vector<16xf32>,
        tpu.vector_store %arg9[%swap3A_286], %get3A_283 {strides = array<i32>} : memref<16416xf32, #tpu.memory_space<vmem>>, vector<16xf32>,
        %get3A_288 = arith.constant 15 : i32
        %get3A_289 = arith.index_cast %get3A_288 : i32 to index
        %get3A_290 = arith.index_cast %mul3A_169 : i32 to index
        %get3A_291 = tpu.vector_load %arg5[%get3A_289, %get3A_290] {strides = array<i32>} : memref<32x512xf32, #tpu.memory_space<vmem>>, vector<16xf32>,
        %add3A_292 = arith.constant 7695 : i32
        %add3A_293 = arith.addi %add3A_292, %mul3A_169 : i32
        %swap3A_294 = arith.index_cast %add3A_293 : i32 to index
        %swap3A_295 = tpu.vector_load %arg9[%swap3A_294] {strides = array<i32>} : memref<16416xf32, #tpu.memory_space<vmem>>, vector<16xf32>,
        tpu.vector_store %arg9[%swap3A_294], %get3A_291 {strides = array<i32>} : memref<16416xf32, #tpu.memory_space<vmem>>, vector<16xf32>,
        %get3A_296 = arith.constant 16 : i32
        %get3A_297 = arith.index_cast %get3A_296 : i32 to index
        %get3A_298 = arith.index_cast %mul3A_169 : i32 to index
        %get3A_299 = tpu.vector_load %arg5[%get3A_297, %get3A_298] {strides = array<i32>} : memref<32x512xf32, #tpu.memory_space<vmem>>, vector<16xf32>,
        %add3A_300 = arith.constant 8208 : i32
        %add3A_301 = arith.addi %add3A_300, %mul3A_169 : i32
        %swap3A_302 = arith.index_cast %add3A_301 : i32 to index
        %swap3A_303 = tpu.vector_load %arg9[%swap3A_302] {strides = array<i32>} : memref<16416xf32, #tpu.memory_space<vmem>>, vector<16xf32>,
        tpu.vector_store %arg9[%swap3A_302], %get3A_299 {strides = array<i32>} : memref<16416xf32, #tpu.memory_space<vmem>>, vector<16xf32>,
        %get3A_304 = arith.constant 17 : i32
        %get3A_305 = arith.index_cast %get3A_304 : i32 to index
        %get3A_306 = arith.index_cast %mul3A_169 : i32 to index
        %get3A_307 = tpu.vector_load %arg5[%get3A_305, %get3A_306] {strides = array<i32>} : memref<32x512xf32, #tpu.memory_space<vmem>>, vector<16xf32>,
        %add3A_308 = arith.constant 8721 : i32
        %add3A_309 = arith.addi %add3A_308, %mul3A_169 : i32
        %swap3A_310 = arith.index_cast %add3A_309 : i32 to index
        %swap3A_311 = tpu.vector_load %arg9[%swap3A_310] {strides = array<i32>} : memref<16416xf32, #tpu.memory_space<vmem>>, vector<16xf32>,
        tpu.vector_store %arg9[%swap3A_310], %get3A_307 {strides = array<i32>} : memref<16416xf32, #tpu.memory_space<vmem>>, vector<16xf32>,
        %get3A_312 = arith.constant 18 : i32
        %get3A_313 = arith.index_cast %get3A_312 : i32 to index
        %get3A_314 = arith.index_cast %mul3A_169 : i32 to index
        %get3A_315 = tpu.vector_load %arg5[%get3A_313, %get3A_314] {strides = array<i32>} : memref<32x512xf32, #tpu.memory_space<vmem>>, vector<16xf32>,
        %add3A_316 = arith.constant 9234 : i32
        %add3A_317 = arith.addi %add3A_316, %mul3A_169 : i32
        %swap3A_318 = arith.index_cast %add3A_317 : i32 to index
        %swap3A_319 = tpu.vector_load %arg9[%swap3A_318] {strides = array<i32>} : memref<16416xf32, #tpu.memory_space<vmem>>, vector<16xf32>,
        tpu.vector_store %arg9[%swap3A_318], %get3A_315 {strides = array<i32>} : memref<16416xf32, #tpu.memory_space<vmem>>, vector<16xf32>,
        %get3A_320 = arith.constant 19 : i32
        %get3A_321 = arith.index_cast %get3A_320 : i32 to index
        %get3A_322 = arith.index_cast %mul3A_169 : i32 to index
        %get3A_323 = tpu.vector_load %arg5[%get3A_321, %get3A_322] {strides = array<i32>} : memref<32x512xf32, #tpu.memory_space<vmem>>, vector<16xf32>,
        %add3A_324 = arith.constant 9747 : i32
        %add3A_325 = arith.addi %add3A_324, %mul3A_169 : i32
        %swap3A_326 = arith.index_cast %add3A_325 : i32 to index
        %swap3A_327 = tpu.vector_load %arg9[%swap3A_326] {strides = array<i32>} : memref<16416xf32, #tpu.memory_space<vmem>>, vector<16xf32>,
        tpu.vector_store %arg9[%swap3A_326], %get3A_323 {strides = array<i32>} : memref<16416xf32, #tpu.memory_space<vmem>>, vector<16xf32>,
        %get3A_328 = arith.constant 20 : i32
        %get3A_329 = arith.index_cast %get3A_328 : i32 to index
        %get3A_330 = arith.index_cast %mul3A_169 : i32 to index
        %get3A_331 = tpu.vector_load %arg5[%get3A_329, %get3A_330] {strides = array<i32>} : memref<32x512xf32, #tpu.memory_space<vmem>>, vector<16xf32>,
        %add3A_332 = arith.constant 10260 : i32
        %add3A_333 = arith.addi %add3A_332, %mul3A_169 : i32
        %swap3A_334 = arith.index_cast %add3A_333 : i32 to index
        %swap3A_335 = tpu.vector_load %arg9[%swap3A_334] {strides = array<i32>} : memref<16416xf32, #tpu.memory_space<vmem>>, vector<16xf32>,
        tpu.vector_store %arg9[%swap3A_334], %get3A_331 {strides = array<i32>} : memref<16416xf32, #tpu.memory_space<vmem>>, vector<16xf32>,
        %get3A_336 = arith.constant 21 : i32
        %get3A_337 = arith.index_cast %get3A_336 : i32 to index
        %get3A_338 = arith.index_cast %mul3A_169 : i32 to index
        %get3A_339 = tpu.vector_load %arg5[%get3A_337, %get3A_338] {strides = array<i32>} : memref<32x512xf32, #tpu.memory_space<vmem>>, vector<16xf32>,
        %add3A_340 = arith.constant 10773 : i32
        %add3A_341 = arith.addi %add3A_340, %mul3A_169 : i32
        %swap3A_342 = arith.index_cast %add3A_341 : i32 to index
        %swap3A_343 = tpu.vector_load %arg9[%swap3A_342] {strides = array<i32>} : memref<16416xf32, #tpu.memory_space<vmem>>, vector<16xf32>,
        tpu.vector_store %arg9[%swap3A_342], %get3A_339 {strides = array<i32>} : memref<16416xf32, #tpu.memory_space<vmem>>, vector<16xf32>,
        %get3A_344 = arith.constant 22 : i32
        %get3A_345 = arith.index_cast %get3A_344 : i32 to index
        %get3A_346 = arith.index_cast %mul3A_169 : i32 to index
        %get3A_347 = tpu.vector_load %arg5[%get3A_345, %get3A_346] {strides = array<i32>} : memref<32x512xf32, #tpu.memory_space<vmem>>, vector<16xf32>,
        %add3A_348 = arith.constant 11286 : i32
        %add3A_349 = arith.addi %add3A_348, %mul3A_169 : i32
        %swap3A_350 = arith.index_cast %add3A_349 : i32 to index
        %swap3A_351 = tpu.vector_load %arg9[%swap3A_350] {strides = array<i32>} : memref<16416xf32, #tpu.memory_space<vmem>>, vector<16xf32>,
        tpu.vector_store %arg9[%swap3A_350], %get3A_347 {strides = array<i32>} : memref<16416xf32, #tpu.memory_space<vmem>>, vector<16xf32>,
        %get3A_352 = arith.constant 23 : i32
        %get3A_353 = arith.index_cast %get3A_352 : i32 to index
        %get3A_354 = arith.index_cast %mul3A_169 : i32 to index
        %get3A_355 = tpu.vector_load %arg5[%get3A_353, %get3A_354] {strides = array<i32>} : memref<32x512xf32, #tpu.memory_space<vmem>>, vector<16xf32>,
        %add3A_356 = arith.constant 11799 : i32
        %add3A_357 = arith.addi %add3A_356, %mul3A_169 : i32
        %swap3A_358 = arith.index_cast %add3A_357 : i32 to index
        %swap3A_359 = tpu.vector_load %arg9[%swap3A_358] {strides = array<i32>} : memref<16416xf32, #tpu.memory_space<vmem>>, vector<16xf32>,
        tpu.vector_store %arg9[%swap3A_358], %get3A_355 {strides = array<i32>} : memref<16416xf32, #tpu.memory_space<vmem>>, vector<16xf32>,
        %get3A_360 = arith.constant 24 : i32
        %get3A_361 = arith.index_cast %get3A_360 : i32 to index
        %get3A_362 = arith.index_cast %mul3A_169 : i32 to index
        %get3A_363 = tpu.vector_load %arg5[%get3A_361, %get3A_362] {strides = array<i32>} : memref<32x512xf32, #tpu.memory_space<vmem>>, vector<16xf32>,
        %add3A_364 = arith.constant 12312 : i32
        %add3A_365 = arith.addi %add3A_364, %mul3A_169 : i32
        %swap3A_366 = arith.index_cast %add3A_365 : i32 to index
        %swap3A_367 = tpu.vector_load %arg9[%swap3A_366] {strides = array<i32>} : memref<16416xf32, #tpu.memory_space<vmem>>, vector<16xf32>,
        tpu.vector_store %arg9[%swap3A_366], %get3A_363 {strides = array<i32>} : memref<16416xf32, #tpu.memory_space<vmem>>, vector<16xf32>,
        %get3A_368 = arith.constant 25 : i32
        %get3A_369 = arith.index_cast %get3A_368 : i32 to index
        %get3A_370 = arith.index_cast %mul3A_169 : i32 to index
        %get3A_371 = tpu.vector_load %arg5[%get3A_369, %get3A_370] {strides = array<i32>} : memref<32x512xf32, #tpu.memory_space<vmem>>, vector<16xf32>,
        %add3A_372 = arith.constant 12825 : i32
        %add3A_373 = arith.addi %add3A_372, %mul3A_169 : i32
        %swap3A_374 = arith.index_cast %add3A_373 : i32 to index
        %swap3A_375 = tpu.vector_load %arg9[%swap3A_374] {strides = array<i32>} : memref<16416xf32, #tpu.memory_space<vmem>>, vector<16xf32>,
        tpu.vector_store %arg9[%swap3A_374], %get3A_371 {strides = array<i32>} : memref<16416xf32, #tpu.memory_space<vmem>>, vector<16xf32>,
        %get3A_376 = arith.constant 26 : i32
        %get3A_377 = arith.index_cast %get3A_376 : i32 to index
        %get3A_378 = arith.index_cast %mul3A_169 : i32 to index
        %get3A_379 = tpu.vector_load %arg5[%get3A_377, %get3A_378] {strides = array<i32>} : memref<32x512xf32, #tpu.memory_space<vmem>>, vector<16xf32>,
        %add3A_380 = arith.constant 13338 : i32
        %add3A_381 = arith.addi %add3A_380, %mul3A_169 : i32
        %swap3A_382 = arith.index_cast %add3A_381 : i32 to index
        %swap3A_383 = tpu.vector_load %arg9[%swap3A_382] {strides = array<i32>} : memref<16416xf32, #tpu.memory_space<vmem>>, vector<16xf32>,
        tpu.vector_store %arg9[%swap3A_382], %get3A_379 {strides = array<i32>} : memref<16416xf32, #tpu.memory_space<vmem>>, vector<16xf32>,
        %get3A_384 = arith.constant 27 : i32
        %get3A_385 = arith.index_cast %get3A_384 : i32 to index
        %get3A_386 = arith.index_cast %mul3A_169 : i32 to index
        %get3A_387 = tpu.vector_load %arg5[%get3A_385, %get3A_386] {strides = array<i32>} : memref<32x512xf32, #tpu.memory_space<vmem>>, vector<16xf32>,
        %add3A_388 = arith.constant 13851 : i32
        %add3A_389 = arith.addi %add3A_388, %mul3A_169 : i32
        %swap3A_390 = arith.index_cast %add3A_389 : i32 to index
        %swap3A_391 = tpu.vector_load %arg9[%swap3A_390] {strides = array<i32>} : memref<16416xf32, #tpu.memory_space<vmem>>, vector<16xf32>,
        tpu.vector_store %arg9[%swap3A_390], %get3A_387 {strides = array<i32>} : memref<16416xf32, #tpu.memory_space<vmem>>, vector<16xf32>,
        %get3A_392 = arith.constant 28 : i32
        %get3A_393 = arith.index_cast %get3A_392 : i32 to index
        %get3A_394 = arith.index_cast %mul3A_169 : i32 to index
        %get3A_395 = tpu.vector_load %arg5[%get3A_393, %get3A_394] {strides = array<i32>} : memref<32x512xf32, #tpu.memory_space<vmem>>, vector<16xf32>,
        %add3A_396 = arith.constant 14364 : i32
        %add3A_397 = arith.addi %add3A_396, %mul3A_169 : i32
        %swap3A_398 = arith.index_cast %add3A_397 : i32 to index
        %swap3A_399 = tpu.vector_load %arg9[%swap3A_398] {strides = array<i32>} : memref<16416xf32, #tpu.memory_space<vmem>>, vector<16xf32>,
        tpu.vector_store %arg9[%swap3A_398], %get3A_395 {strides = array<i32>} : memref<16416xf32, #tpu.memory_space<vmem>>, vector<16xf32>,
        %get3A_400 = arith.constant 29 : i32
        %get3A_401 = arith.index_cast %get3A_400 : i32 to index
        %get3A_402 = arith.index_cast %mul3A_169 : i32 to index
        %get3A_403 = tpu.vector_load %arg5[%get3A_401, %get3A_402] {strides = array<i32>} : memref<32x512xf32, #tpu.memory_space<vmem>>, vector<16xf32>,
        %add3A_404 = arith.constant 14877 : i32
        %add3A_405 = arith.addi %add3A_404, %mul3A_169 : i32
        %swap3A_406 = arith.index_cast %add3A_405 : i32 to index
        %swap3A_407 = tpu.vector_load %arg9[%swap3A_406] {strides = array<i32>} : memref<16416xf32, #tpu.memory_space<vmem>>, vector<16xf32>,
        tpu.vector_store %arg9[%swap3A_406], %get3A_403 {strides = array<i32>} : memref<16416xf32, #tpu.memory_space<vmem>>, vector<16xf32>,
        %get3A_408 = arith.constant 30 : i32
        %get3A_409 = arith.index_cast %get3A_408 : i32 to index
        %get3A_410 = arith.index_cast %mul3A_169 : i32 to index
        %get3A_411 = tpu.vector_load %arg5[%get3A_409, %get3A_410] {strides = array<i32>} : memref<32x512xf32, #tpu.memory_space<vmem>>, vector<16xf32>,
        %add3A_412 = arith.constant 15390 : i32
        %add3A_413 = arith.addi %add3A_412, %mul3A_169 : i32
        %swap3A_414 = arith.index_cast %add3A_413 : i32 to index
        %swap3A_415 = tpu.vector_load %arg9[%swap3A_414] {strides = array<i32>} : memref<16416xf32, #tpu.memory_space<vmem>>, vector<16xf32>,
        tpu.vector_store %arg9[%swap3A_414], %get3A_411 {strides = array<i32>} : memref<16416xf32, #tpu.memory_space<vmem>>, vector<16xf32>,
        %get3A_416 = arith.constant 31 : i32
        %get3A_417 = arith.index_cast %get3A_416 : i32 to index
        %get3A_418 = arith.index_cast %mul3A_169 : i32 to index
        %get3A_419 = tpu.vector_load %arg5[%get3A_417, %get3A_418] {strides = array<i32>} : memref<32x512xf32, #tpu.memory_space<vmem>>, vector<16xf32>,
        %add3A_420 = arith.constant 15903 : i32
        %add3A_421 = arith.addi %add3A_420, %mul3A_169 : i32
        %swap3A_422 = arith.index_cast %add3A_421 : i32 to index
        %swap3A_423 = tpu.vector_load %arg9[%swap3A_422] {strides = array<i32>} : memref<16416xf32, #tpu.memory_space<vmem>>, vector<16xf32>,
        tpu.vector_store %arg9[%swap3A_422], %get3A_419 {strides = array<i32>} : memref<16416xf32, #tpu.memory_space<vmem>>, vector<16xf32>,
      }
      %scan3A_80 = arith.constant 32 : i32
      %scan3A_81 = arith.constant 0 : i32
      %scan3A_82 = arith.constant 0 : i32
      %scan3A_83 = arith.constant 64 : i32
      %scan3A_84 = arith.addi %scan3A_82, %scan3A_83 : i32
      %scan3A_85 = arith.constant 1 : i32
      scf.for %scan3A_167 = %scan3A_82 to %scan3A_84 step %scan3A_85  : i32 {
        %mul3A_168 = arith.constant 8 : i32
        %mul3A_169 = arith.muli %scan3A_167, %mul3A_168 : i32
        %add3A_170 = arith.constant 0 : i32
        %add3A_171 = arith.addi %mul3A_169, %add3A_170 : i32
        %add3A_172 = vector.broadcast %add3A_171 : i32 to vector<16xi32>
        %add3A_173 = arith.addi %mul3A_3, %add3A_172 : vector<16xi32>
        %gather3A = tpu.vector_load_idx %arg9[%add3A_173] : memref<16416xf32, #tpu.memory_space<vmem>>[vector<16xi32>], vector<16xf32>,
        %add3A_174 = arith.constant 8208 : i32
        %add3A_175 = vector.broadcast %add3A_174 : i32 to vector<16xi32>
        %add3A_176 = arith.addi %add3A_173, %add3A_175 : vector<16xi32>
        %gather3A_177 = tpu.vector_load_idx %arg9[%add3A_176] : memref<16416xf32, #tpu.memory_space<vmem>>[vector<16xi32>], vector<16xf32>,
        %mul3A_178 = arith.constant 32 : i32
        %mul3A_179 = arith.muli %add3A_171, %mul3A_178 : i32
        %swap3A = arith.index_cast %mul3A_179 : i32 to index
        %swap3A_180 = tpu.vector_load %arg7[%swap3A] {strides = array<i32>} : memref<16384xf32, #tpu.memory_space<vmem>>, vector<16xf32>,
        tpu.vector_store %arg7[%swap3A], %gather3A {strides = array<i32>} : memref<16384xf32, #tpu.memory_space<vmem>>, vector<16xf32>,
        %mul3A_181 = arith.constant 32 : i32
        %mul3A_182 = arith.muli %add3A_171, %mul3A_181 : i32
        %add3A_183 = arith.constant 16 : i32
        %add3A_184 = arith.addi %mul3A_182, %add3A_183 : i32
        %swap3A_185 = arith.index_cast %add3A_184 : i32 to index
        %swap3A_186 = tpu.vector_load %arg7[%swap3A_185] {strides = array<i32>} : memref<16384xf32, #tpu.memory_space<vmem>>, vector<16xf32>,
        tpu.vector_store %arg7[%swap3A_185], %gather3A_177 {strides = array<i32>} : memref<16384xf32, #tpu.memory_space<vmem>>, vector<16xf32>,
        %add3A_187 = arith.constant 1 : i32
        %add3A_188 = arith.addi %mul3A_169, %add3A_187 : i32
        %add3A_189 = vector.broadcast %add3A_188 : i32 to vector<16xi32>
        %add3A_190 = arith.addi %mul3A_3, %add3A_189 : vector<16xi32>
        %gather3A_191 = tpu.vector_load_idx %arg9[%add3A_190] : memref<16416xf32, #tpu.memory_space<vmem>>[vector<16xi32>], vector<16xf32>,
        %add3A_192 = arith.constant 8208 : i32
        %add3A_193 = vector.broadcast %add3A_192 : i32 to vector<16xi32>
        %add3A_194 = arith.addi %add3A_190, %add3A_193 : vector<16xi32>
        %gather3A_195 = tpu.vector_load_idx %arg9[%add3A_194] : memref<16416xf32, #tpu.memory_space<vmem>>[vector<16xi32>], vector<16xf32>,
        %mul3A_196 = arith.constant 32 : i32
        %mul3A_197 = arith.muli %add3A_188, %mul3A_196 : i32
        %swap3A_198 = arith.index_cast %mul3A_197 : i32 to index
        %swap3A_199 = tpu.vector_load %arg7[%swap3A_198] {strides = array<i32>} : memref<16384xf32, #tpu.memory_space<vmem>>, vector<16xf32>,
        tpu.vector_store %arg7[%swap3A_198], %gather3A_191 {strides = array<i32>} : memref<16384xf32, #tpu.memory_space<vmem>>, vector<16xf32>,
        %mul3A_200 = arith.constant 32 : i32
        %mul3A_201 = arith.muli %add3A_188, %mul3A_200 : i32
        %add3A_202 = arith.constant 16 : i32
        %add3A_203 = arith.addi %mul3A_201, %add3A_202 : i32
        %swap3A_204 = arith.index_cast %add3A_203 : i32 to index
        %swap3A_205 = tpu.vector_load %arg7[%swap3A_204] {strides = array<i32>} : memref<16384xf32, #tpu.memory_space<vmem>>, vector<16xf32>,
        tpu.vector_store %arg7[%swap3A_204], %gather3A_195 {strides = array<i32>} : memref<16384xf32, #tpu.memory_space<vmem>>, vector<16xf32>,
        %add3A_206 = arith.constant 2 : i32
        %add3A_207 = arith.addi %mul3A_169, %add3A_206 : i32
        %add3A_208 = vector.broadcast %add3A_207 : i32 to vector<16xi32>
        %add3A_209 = arith.addi %mul3A_3, %add3A_208 : vector<16xi32>
        %gather3A_210 = tpu.vector_load_idx %arg9[%add3A_209] : memref<16416xf32, #tpu.memory_space<vmem>>[vector<16xi32>], vector<16xf32>,
        %add3A_211 = arith.constant 8208 : i32
        %add3A_212 = vector.broadcast %add3A_211 : i32 to vector<16xi32>
        %add3A_213 = arith.addi %add3A_209, %add3A_212 : vector<16xi32>
        %gather3A_214 = tpu.vector_load_idx %arg9[%add3A_213] : memref<16416xf32, #tpu.memory_space<vmem>>[vector<16xi32>], vector<16xf32>,
        %mul3A_215 = arith.constant 32 : i32
        %mul3A_216 = arith.muli %add3A_207, %mul3A_215 : i32
        %swap3A_217 = arith.index_cast %mul3A_216 : i32 to index
        %swap3A_218 = tpu.vector_load %arg7[%swap3A_217] {strides = array<i32>} : memref<16384xf32, #tpu.memory_space<vmem>>, vector<16xf32>,
        tpu.vector_store %arg7[%swap3A_217], %gather3A_210 {strides = array<i32>} : memref<16384xf32, #tpu.memory_space<vmem>>, vector<16xf32>,
        %mul3A_219 = arith.constant 32 : i32
        %mul3A_220 = arith.muli %add3A_207, %mul3A_219 : i32
        %add3A_221 = arith.constant 16 : i32
        %add3A_222 = arith.addi %mul3A_220, %add3A_221 : i32
        %swap3A_223 = arith.index_cast %add3A_222 : i32 to index
        %swap3A_224 = tpu.vector_load %arg7[%swap3A_223] {strides = array<i32>} : memref<16384xf32, #tpu.memory_space<vmem>>, vector<16xf32>,
        tpu.vector_store %arg7[%swap3A_223], %gather3A_214 {strides = array<i32>} : memref<16384xf32, #tpu.memory_space<vmem>>, vector<16xf32>,
        %add3A_225 = arith.constant 3 : i32
        %add3A_226 = arith.addi %mul3A_169, %add3A_225 : i32
        %add3A_227 = vector.broadcast %add3A_226 : i32 to vector<16xi32>
        %add3A_228 = arith.addi %mul3A_3, %add3A_227 : vector<16xi32>
        %gather3A_229 = tpu.vector_load_idx %arg9[%add3A_228] : memref<16416xf32, #tpu.memory_space<vmem>>[vector<16xi32>], vector<16xf32>,
        %add3A_230 = arith.constant 8208 : i32
        %add3A_231 = vector.broadcast %add3A_230 : i32 to vector<16xi32>
        %add3A_232 = arith.addi %add3A_228, %add3A_231 : vector<16xi32>
        %gather3A_233 = tpu.vector_load_idx %arg9[%add3A_232] : memref<16416xf32, #tpu.memory_space<vmem>>[vector<16xi32>], vector<16xf32>,
        %mul3A_234 = arith.constant 32 : i32
        %mul3A_235 = arith.muli %add3A_226, %mul3A_234 : i32
        %swap3A_236 = arith.index_cast %mul3A_235 : i32 to index
        %swap3A_237 = tpu.vector_load %arg7[%swap3A_236] {strides = array<i32>} : memref<16384xf32, #tpu.memory_space<vmem>>, vector<16xf32>,
        tpu.vector_store %arg7[%swap3A_236], %gather3A_229 {strides = array<i32>} : memref<16384xf32, #tpu.memory_space<vmem>>, vector<16xf32>,
        %mul3A_238 = arith.constant 32 : i32
        %mul3A_239 = arith.muli %add3A_226, %mul3A_238 : i32
        %add3A_240 = arith.constant 16 : i32
        %add3A_241 = arith.addi %mul3A_239, %add3A_240 : i32
        %swap3A_242 = arith.index_cast %add3A_241 : i32 to index
        %swap3A_243 = tpu.vector_load %arg7[%swap3A_242] {strides = array<i32>} : memref<16384xf32, #tpu.memory_space<vmem>>, vector<16xf32>,
        tpu.vector_store %arg7[%swap3A_242], %gather3A_233 {strides = array<i32>} : memref<16384xf32, #tpu.memory_space<vmem>>, vector<16xf32>,
        %add3A_244 = arith.constant 4 : i32
        %add3A_245 = arith.addi %mul3A_169, %add3A_244 : i32
        %add3A_246 = vector.broadcast %add3A_245 : i32 to vector<16xi32>
        %add3A_247 = arith.addi %mul3A_3, %add3A_246 : vector<16xi32>
        %gather3A_248 = tpu.vector_load_idx %arg9[%add3A_247] : memref<16416xf32, #tpu.memory_space<vmem>>[vector<16xi32>], vector<16xf32>,
        %add3A_249 = arith.constant 8208 : i32
        %add3A_250 = vector.broadcast %add3A_249 : i32 to vector<16xi32>
        %add3A_251 = arith.addi %add3A_247, %add3A_250 : vector<16xi32>
        %gather3A_252 = tpu.vector_load_idx %arg9[%add3A_251] : memref<16416xf32, #tpu.memory_space<vmem>>[vector<16xi32>], vector<16xf32>,
        %mul3A_253 = arith.constant 32 : i32
        %mul3A_254 = arith.muli %add3A_245, %mul3A_253 : i32
        %swap3A_255 = arith.index_cast %mul3A_254 : i32 to index
        %swap3A_256 = tpu.vector_load %arg7[%swap3A_255] {strides = array<i32>} : memref<16384xf32, #tpu.memory_space<vmem>>, vector<16xf32>,
        tpu.vector_store %arg7[%swap3A_255], %gather3A_248 {strides = array<i32>} : memref<16384xf32, #tpu.memory_space<vmem>>, vector<16xf32>,
        %mul3A_257 = arith.constant 32 : i32
        %mul3A_258 = arith.muli %add3A_245, %mul3A_257 : i32
        %add3A_259 = arith.constant 16 : i32
        %add3A_260 = arith.addi %mul3A_258, %add3A_259 : i32
        %swap3A_261 = arith.index_cast %add3A_260 : i32 to index
        %swap3A_262 = tpu.vector_load %arg7[%swap3A_261] {strides = array<i32>} : memref<16384xf32, #tpu.memory_space<vmem>>, vector<16xf32>,
        tpu.vector_store %arg7[%swap3A_261], %gather3A_252 {strides = array<i32>} : memref<16384xf32, #tpu.memory_space<vmem>>, vector<16xf32>,
        %add3A_263 = arith.constant 5 : i32
        %add3A_264 = arith.addi %mul3A_169, %add3A_263 : i32
        %add3A_265 = vector.broadcast %add3A_264 : i32 to vector<16xi32>
        %add3A_266 = arith.addi %mul3A_3, %add3A_265 : vector<16xi32>
        %gather3A_267 = tpu.vector_load_idx %arg9[%add3A_266] : memref<16416xf32, #tpu.memory_space<vmem>>[vector<16xi32>], vector<16xf32>,
        %add3A_268 = arith.constant 8208 : i32
        %add3A_269 = vector.broadcast %add3A_268 : i32 to vector<16xi32>
        %add3A_270 = arith.addi %add3A_266, %add3A_269 : vector<16xi32>
        %gather3A_271 = tpu.vector_load_idx %arg9[%add3A_270] : memref<16416xf32, #tpu.memory_space<vmem>>[vector<16xi32>], vector<16xf32>,
        %mul3A_272 = arith.constant 32 : i32
        %mul3A_273 = arith.muli %add3A_264, %mul3A_272 : i32
        %swap3A_274 = arith.index_cast %mul3A_273 : i32 to index
        %swap3A_275 = tpu.vector_load %arg7[%swap3A_274] {strides = array<i32>} : memref<16384xf32, #tpu.memory_space<vmem>>, vector<16xf32>,
        tpu.vector_store %arg7[%swap3A_274], %gather3A_267 {strides = array<i32>} : memref<16384xf32, #tpu.memory_space<vmem>>, vector<16xf32>,
        %mul3A_276 = arith.constant 32 : i32
        %mul3A_277 = arith.muli %add3A_264, %mul3A_276 : i32
        %add3A_278 = arith.constant 16 : i32
        %add3A_279 = arith.addi %mul3A_277, %add3A_278 : i32
        %swap3A_280 = arith.index_cast %add3A_279 : i32 to index
        %swap3A_281 = tpu.vector_load %arg7[%swap3A_280] {strides = array<i32>} : memref<16384xf32, #tpu.memory_space<vmem>>, vector<16xf32>,
        tpu.vector_store %arg7[%swap3A_280], %gather3A_271 {strides = array<i32>} : memref<16384xf32, #tpu.memory_space<vmem>>, vector<16xf32>,
        %add3A_282 = arith.constant 6 : i32
        %add3A_283 = arith.addi %mul3A_169, %add3A_282 : i32
        %add3A_284 = vector.broadcast %add3A_283 : i32 to vector<16xi32>
        %add3A_285 = arith.addi %mul3A_3, %add3A_284 : vector<16xi32>
        %gather3A_286 = tpu.vector_load_idx %arg9[%add3A_285] : memref<16416xf32, #tpu.memory_space<vmem>>[vector<16xi32>], vector<16xf32>,
        %add3A_287 = arith.constant 8208 : i32
        %add3A_288 = vector.broadcast %add3A_287 : i32 to vector<16xi32>
        %add3A_289 = arith.addi %add3A_285, %add3A_288 : vector<16xi32>
        %gather3A_290 = tpu.vector_load_idx %arg9[%add3A_289] : memref<16416xf32, #tpu.memory_space<vmem>>[vector<16xi32>], vector<16xf32>,
        %mul3A_291 = arith.constant 32 : i32
        %mul3A_292 = arith.muli %add3A_283, %mul3A_291 : i32
        %swap3A_293 = arith.index_cast %mul3A_292 : i32 to index
        %swap3A_294 = tpu.vector_load %arg7[%swap3A_293] {strides = array<i32>} : memref<16384xf32, #tpu.memory_space<vmem>>, vector<16xf32>,
        tpu.vector_store %arg7[%swap3A_293], %gather3A_286 {strides = array<i32>} : memref<16384xf32, #tpu.memory_space<vmem>>, vector<16xf32>,
        %mul3A_295 = arith.constant 32 : i32
        %mul3A_296 = arith.muli %add3A_283, %mul3A_295 : i32
        %add3A_297 = arith.constant 16 : i32
        %add3A_298 = arith.addi %mul3A_296, %add3A_297 : i32
        %swap3A_299 = arith.index_cast %add3A_298 : i32 to index
        %swap3A_300 = tpu.vector_load %arg7[%swap3A_299] {strides = array<i32>} : memref<16384xf32, #tpu.memory_space<vmem>>, vector<16xf32>,
        tpu.vector_store %arg7[%swap3A_299], %gather3A_290 {strides = array<i32>} : memref<16384xf32, #tpu.memory_space<vmem>>, vector<16xf32>,
        %add3A_301 = arith.constant 7 : i32
        %add3A_302 = arith.addi %mul3A_169, %add3A_301 : i32
        %add3A_303 = vector.broadcast %add3A_302 : i32 to vector<16xi32>
        %add3A_304 = arith.addi %mul3A_3, %add3A_303 : vector<16xi32>
        %gather3A_305 = tpu.vector_load_idx %arg9[%add3A_304] : memref<16416xf32, #tpu.memory_space<vmem>>[vector<16xi32>], vector<16xf32>,
        %add3A_306 = arith.constant 8208 : i32
        %add3A_307 = vector.broadcast %add3A_306 : i32 to vector<16xi32>
        %add3A_308 = arith.addi %add3A_304, %add3A_307 : vector<16xi32>
        %gather3A_309 = tpu.vector_load_idx %arg9[%add3A_308] : memref<16416xf32, #tpu.memory_space<vmem>>[vector<16xi32>], vector<16xf32>,
        %mul3A_310 = arith.constant 32 : i32
        %mul3A_311 = arith.muli %add3A_302, %mul3A_310 : i32
        %swap3A_312 = arith.index_cast %mul3A_311 : i32 to index
        %swap3A_313 = tpu.vector_load %arg7[%swap3A_312] {strides = array<i32>} : memref<16384xf32, #tpu.memory_space<vmem>>, vector<16xf32>,
        tpu.vector_store %arg7[%swap3A_312], %gather3A_305 {strides = array<i32>} : memref<16384xf32, #tpu.memory_space<vmem>>, vector<16xf32>,
        %mul3A_314 = arith.constant 32 : i32
        %mul3A_315 = arith.muli %add3A_302, %mul3A_314 : i32
        %add3A_316 = arith.constant 16 : i32
        %add3A_317 = arith.addi %mul3A_315, %add3A_316 : i32
        %swap3A_318 = arith.index_cast %add3A_317 : i32 to index
        %swap3A_319 = tpu.vector_load %arg7[%swap3A_318] {strides = array<i32>} : memref<16384xf32, #tpu.memory_space<vmem>>, vector<16xf32>,
        tpu.vector_store %arg7[%swap3A_318], %gather3A_309 {strides = array<i32>} : memref<16384xf32, #tpu.memory_space<vmem>>, vector<16xf32>,
      }
      %scan3A_86 = arith.constant 64 : i32
      %mul3A_87 = arith.constant 2 : i32
      %mul3A_88 = arith.muli %scan3A_68, %mul3A_87 : i32
      %add3A_89 = arith.constant 0 : i32
      %add3A_90 = arith.addi %mul3A_88, %add3A_89 : i32
      %mul3A_91 = arith.constant 32 : i32
      %mul3A_92 = arith.muli %add3A_90, %mul3A_91 : i32
      %add3A_93 = arith.addi %add3A, %mul3A_92 : i32
      %mul3A_94 = arith.constant 512 : i32
      %mul3A_95 = arith.muli %add3A_93, %mul3A_94 : i32
      %mul3A_96 = arith.constant 32 : i32
      %mul3A_97 = arith.muli %mul3A_95, %mul3A_96 : i32
      %dma_start3A_98 = tpu.memref_slice %arg4[%mul3A_97] : memref<32000000xf32, #tpu.memory_space<hbm>> -> memref<16384xf32, #tpu.memory_space<hbm>>
      %dma_start3A_99 = tpu.memref_slice %arg4[%mul3A_97] : memref<32000000xf32, #tpu.memory_space<hbm>> -> memref<16384xf32, #tpu.memory_space<hbm>>
      tpu.enqueue_dma source(%arg7 : memref<16384xf32, #tpu.memory_space<vmem>>) target(%dma_start3A_99 : memref<16384xf32, #tpu.memory_space<hbm>>) target_semaphore(%arg14 : memref<!tpu.dma_semaphore, #tpu.memory_space<semaphore_mem>>)
      %dma_wait3A_100 = arith.constant 0 : i32
      %dma_wait3A_101 = arith.constant 0 : i32
      %dma_wait3A_102 = tpu.memref_slice %arg2[%dma_wait3A_100, %dma_wait3A_101] : memref<32x1000000xf32, #tpu.memory_space<hbm>> -> memref<32x512xf32, #tpu.memory_space<hbm>>
      %dma_wait3A_103 = arith.constant 0 : i32
      %dma_wait3A_104 = arith.constant 0 : i32
      %dma_wait3A_105 = tpu.memref_slice %arg2[%dma_wait3A_103, %dma_wait3A_104] : memref<32x1000000xf32, #tpu.memory_space<hbm>> -> memref<32x512xf32, #tpu.memory_space<hbm>>
      tpu.wait_dma2 semaphore(%arg13 : memref<!tpu.dma_semaphore, #tpu.memory_space<semaphore_mem>>) src(%dma_wait3A_105 : memref<32x512xf32, #tpu.memory_space<hbm>>) dst(%arg6 : memref<32x512xf32, #tpu.memory_space<vmem>>)
      %scan3A_106 = arith.constant 0 : i32
      %scan3A_107 = arith.constant 0 : i32
      %scan3A_108 = arith.constant 32 : i32
      %scan3A_109 = arith.addi %scan3A_107, %scan3A_108 : i32
      %scan3A_110 = arith.constant 1 : i32
      scf.for %scan3A_167 = %scan3A_107 to %scan3A_109 step %scan3A_110  : i32 {
        %mul3A_168 = arith.constant 16 : i32
        %mul3A_169 = arith.muli %scan3A_167, %mul3A_168 : i32
        %get3A = arith.constant 0 : i32
        %get3A_170 = arith.index_cast %get3A : i32 to index
        %get3A_171 = arith.index_cast %mul3A_169 : i32 to index
        %get3A_172 = tpu.vector_load %arg6[%get3A_170, %get3A_171] {strides = array<i32>} : memref<32x512xf32, #tpu.memory_space<vmem>>, vector<16xf32>,
        %add3A_173 = arith.constant 0 : i32
        %add3A_174 = arith.addi %add3A_173, %mul3A_169 : i32
        %swap3A = arith.index_cast %add3A_174 : i32 to index
        %swap3A_175 = tpu.vector_load %arg9[%swap3A] {strides = array<i32>} : memref<16416xf32, #tpu.memory_space<vmem>>, vector<16xf32>,
        tpu.vector_store %arg9[%swap3A], %get3A_172 {strides = array<i32>} : memref<16416xf32, #tpu.memory_space<vmem>>, vector<16xf32>,
        %get3A_176 = arith.constant 1 : i32
        %get3A_177 = arith.index_cast %get3A_176 : i32 to index
        %get3A_178 = arith.index_cast %mul3A_169 : i32 to index
        %get3A_179 = tpu.vector_load %arg6[%get3A_177, %get3A_178] {strides = array<i32>} : memref<32x512xf32, #tpu.memory_space<vmem>>, vector<16xf32>,
        %add3A_180 = arith.constant 513 : i32
        %add3A_181 = arith.addi %add3A_180, %mul3A_169 : i32
        %swap3A_182 = arith.index_cast %add3A_181 : i32 to index
        %swap3A_183 = tpu.vector_load %arg9[%swap3A_182] {strides = array<i32>} : memref<16416xf32, #tpu.memory_space<vmem>>, vector<16xf32>,
        tpu.vector_store %arg9[%swap3A_182], %get3A_179 {strides = array<i32>} : memref<16416xf32, #tpu.memory_space<vmem>>, vector<16xf32>,
        %get3A_184 = arith.constant 2 : i32
        %get3A_185 = arith.index_cast %get3A_184 : i32 to index
        %get3A_186 = arith.index_cast %mul3A_169 : i32 to index
        %get3A_187 = tpu.vector_load %arg6[%get3A_185, %get3A_186] {strides = array<i32>} : memref<32x512xf32, #tpu.memory_space<vmem>>, vector<16xf32>,
        %add3A_188 = arith.constant 1026 : i32
        %add3A_189 = arith.addi %add3A_188, %mul3A_169 : i32
        %swap3A_190 = arith.index_cast %add3A_189 : i32 to index
        %swap3A_191 = tpu.vector_load %arg9[%swap3A_190] {strides = array<i32>} : memref<16416xf32, #tpu.memory_space<vmem>>, vector<16xf32>,
        tpu.vector_store %arg9[%swap3A_190], %get3A_187 {strides = array<i32>} : memref<16416xf32, #tpu.memory_space<vmem>>, vector<16xf32>,
        %get3A_192 = arith.constant 3 : i32
        %get3A_193 = arith.index_cast %get3A_192 : i32 to index
        %get3A_194 = arith.index_cast %mul3A_169 : i32 to index
        %get3A_195 = tpu.vector_load %arg6[%get3A_193, %get3A_194] {strides = array<i32>} : memref<32x512xf32, #tpu.memory_space<vmem>>, vector<16xf32>,
        %add3A_196 = arith.constant 1539 : i32
        %add3A_197 = arith.addi %add3A_196, %mul3A_169 : i32
        %swap3A_198 = arith.index_cast %add3A_197 : i32 to index
        %swap3A_199 = tpu.vector_load %arg9[%swap3A_198] {strides = array<i32>} : memref<16416xf32, #tpu.memory_space<vmem>>, vector<16xf32>,
        tpu.vector_store %arg9[%swap3A_198], %get3A_195 {strides = array<i32>} : memref<16416xf32, #tpu.memory_space<vmem>>, vector<16xf32>,
        %get3A_200 = arith.constant 4 : i32
        %get3A_201 = arith.index_cast %get3A_200 : i32 to index
        %get3A_202 = arith.index_cast %mul3A_169 : i32 to index
        %get3A_203 = tpu.vector_load %arg6[%get3A_201, %get3A_202] {strides = array<i32>} : memref<32x512xf32, #tpu.memory_space<vmem>>, vector<16xf32>,
        %add3A_204 = arith.constant 2052 : i32
        %add3A_205 = arith.addi %add3A_204, %mul3A_169 : i32
        %swap3A_206 = arith.index_cast %add3A_205 : i32 to index
        %swap3A_207 = tpu.vector_load %arg9[%swap3A_206] {strides = array<i32>} : memref<16416xf32, #tpu.memory_space<vmem>>, vector<16xf32>,
        tpu.vector_store %arg9[%swap3A_206], %get3A_203 {strides = array<i32>} : memref<16416xf32, #tpu.memory_space<vmem>>, vector<16xf32>,
        %get3A_208 = arith.constant 5 : i32
        %get3A_209 = arith.index_cast %get3A_208 : i32 to index
        %get3A_210 = arith.index_cast %mul3A_169 : i32 to index
        %get3A_211 = tpu.vector_load %arg6[%get3A_209, %get3A_210] {strides = array<i32>} : memref<32x512xf32, #tpu.memory_space<vmem>>, vector<16xf32>,
        %add3A_212 = arith.constant 2565 : i32
        %add3A_213 = arith.addi %add3A_212, %mul3A_169 : i32
        %swap3A_214 = arith.index_cast %add3A_213 : i32 to index
        %swap3A_215 = tpu.vector_load %arg9[%swap3A_214] {strides = array<i32>} : memref<16416xf32, #tpu.memory_space<vmem>>, vector<16xf32>,
        tpu.vector_store %arg9[%swap3A_214], %get3A_211 {strides = array<i32>} : memref<16416xf32, #tpu.memory_space<vmem>>, vector<16xf32>,
        %get3A_216 = arith.constant 6 : i32
        %get3A_217 = arith.index_cast %get3A_216 : i32 to index
        %get3A_218 = arith.index_cast %mul3A_169 : i32 to index
        %get3A_219 = tpu.vector_load %arg6[%get3A_217, %get3A_218] {strides = array<i32>} : memref<32x512xf32, #tpu.memory_space<vmem>>, vector<16xf32>,
        %add3A_220 = arith.constant 3078 : i32
        %add3A_221 = arith.addi %add3A_220, %mul3A_169 : i32
        %swap3A_222 = arith.index_cast %add3A_221 : i32 to index
        %swap3A_223 = tpu.vector_load %arg9[%swap3A_222] {strides = array<i32>} : memref<16416xf32, #tpu.memory_space<vmem>>, vector<16xf32>,
        tpu.vector_store %arg9[%swap3A_222], %get3A_219 {strides = array<i32>} : memref<16416xf32, #tpu.memory_space<vmem>>, vector<16xf32>,
        %get3A_224 = arith.constant 7 : i32
        %get3A_225 = arith.index_cast %get3A_224 : i32 to index
        %get3A_226 = arith.index_cast %mul3A_169 : i32 to index
        %get3A_227 = tpu.vector_load %arg6[%get3A_225, %get3A_226] {strides = array<i32>} : memref<32x512xf32, #tpu.memory_space<vmem>>, vector<16xf32>,
        %add3A_228 = arith.constant 3591 : i32
        %add3A_229 = arith.addi %add3A_228, %mul3A_169 : i32
        %swap3A_230 = arith.index_cast %add3A_229 : i32 to index
        %swap3A_231 = tpu.vector_load %arg9[%swap3A_230] {strides = array<i32>} : memref<16416xf32, #tpu.memory_space<vmem>>, vector<16xf32>,
        tpu.vector_store %arg9[%swap3A_230], %get3A_227 {strides = array<i32>} : memref<16416xf32, #tpu.memory_space<vmem>>, vector<16xf32>,
        %get3A_232 = arith.constant 8 : i32
        %get3A_233 = arith.index_cast %get3A_232 : i32 to index
        %get3A_234 = arith.index_cast %mul3A_169 : i32 to index
        %get3A_235 = tpu.vector_load %arg6[%get3A_233, %get3A_234] {strides = array<i32>} : memref<32x512xf32, #tpu.memory_space<vmem>>, vector<16xf32>,
        %add3A_236 = arith.constant 4104 : i32
        %add3A_237 = arith.addi %add3A_236, %mul3A_169 : i32
        %swap3A_238 = arith.index_cast %add3A_237 : i32 to index
        %swap3A_239 = tpu.vector_load %arg9[%swap3A_238] {strides = array<i32>} : memref<16416xf32, #tpu.memory_space<vmem>>, vector<16xf32>,
        tpu.vector_store %arg9[%swap3A_238], %get3A_235 {strides = array<i32>} : memref<16416xf32, #tpu.memory_space<vmem>>, vector<16xf32>,
        %get3A_240 = arith.constant 9 : i32
        %get3A_241 = arith.index_cast %get3A_240 : i32 to index
        %get3A_242 = arith.index_cast %mul3A_169 : i32 to index
        %get3A_243 = tpu.vector_load %arg6[%get3A_241, %get3A_242] {strides = array<i32>} : memref<32x512xf32, #tpu.memory_space<vmem>>, vector<16xf32>,
        %add3A_244 = arith.constant 4617 : i32
        %add3A_245 = arith.addi %add3A_244, %mul3A_169 : i32
        %swap3A_246 = arith.index_cast %add3A_245 : i32 to index
        %swap3A_247 = tpu.vector_load %arg9[%swap3A_246] {strides = array<i32>} : memref<16416xf32, #tpu.memory_space<vmem>>, vector<16xf32>,
        tpu.vector_store %arg9[%swap3A_246], %get3A_243 {strides = array<i32>} : memref<16416xf32, #tpu.memory_space<vmem>>, vector<16xf32>,
        %get3A_248 = arith.constant 10 : i32
        %get3A_249 = arith.index_cast %get3A_248 : i32 to index
        %get3A_250 = arith.index_cast %mul3A_169 : i32 to index
        %get3A_251 = tpu.vector_load %arg6[%get3A_249, %get3A_250] {strides = array<i32>} : memref<32x512xf32, #tpu.memory_space<vmem>>, vector<16xf32>,
        %add3A_252 = arith.constant 5130 : i32
        %add3A_253 = arith.addi %add3A_252, %mul3A_169 : i32
        %swap3A_254 = arith.index_cast %add3A_253 : i32 to index
        %swap3A_255 = tpu.vector_load %arg9[%swap3A_254] {strides = array<i32>} : memref<16416xf32, #tpu.memory_space<vmem>>, vector<16xf32>,
        tpu.vector_store %arg9[%swap3A_254], %get3A_251 {strides = array<i32>} : memref<16416xf32, #tpu.memory_space<vmem>>, vector<16xf32>,
        %get3A_256 = arith.constant 11 : i32
        %get3A_257 = arith.index_cast %get3A_256 : i32 to index
        %get3A_258 = arith.index_cast %mul3A_169 : i32 to index
        %get3A_259 = tpu.vector_load %arg6[%get3A_257, %get3A_258] {strides = array<i32>} : memref<32x512xf32, #tpu.memory_space<vmem>>, vector<16xf32>,
        %add3A_260 = arith.constant 5643 : i32
        %add3A_261 = arith.addi %add3A_260, %mul3A_169 : i32
        %swap3A_262 = arith.index_cast %add3A_261 : i32 to index
        %swap3A_263 = tpu.vector_load %arg9[%swap3A_262] {strides = array<i32>} : memref<16416xf32, #tpu.memory_space<vmem>>, vector<16xf32>,
        tpu.vector_store %arg9[%swap3A_262], %get3A_259 {strides = array<i32>} : memref<16416xf32, #tpu.memory_space<vmem>>, vector<16xf32>,
        %get3A_264 = arith.constant 12 : i32
        %get3A_265 = arith.index_cast %get3A_264 : i32 to index
        %get3A_266 = arith.index_cast %mul3A_169 : i32 to index
        %get3A_267 = tpu.vector_load %arg6[%get3A_265, %get3A_266] {strides = array<i32>} : memref<32x512xf32, #tpu.memory_space<vmem>>, vector<16xf32>,
        %add3A_268 = arith.constant 6156 : i32
        %add3A_269 = arith.addi %add3A_268, %mul3A_169 : i32
        %swap3A_270 = arith.index_cast %add3A_269 : i32 to index
        %swap3A_271 = tpu.vector_load %arg9[%swap3A_270] {strides = array<i32>} : memref<16416xf32, #tpu.memory_space<vmem>>, vector<16xf32>,
        tpu.vector_store %arg9[%swap3A_270], %get3A_267 {strides = array<i32>} : memref<16416xf32, #tpu.memory_space<vmem>>, vector<16xf32>,
        %get3A_272 = arith.constant 13 : i32
        %get3A_273 = arith.index_cast %get3A_272 : i32 to index
        %get3A_274 = arith.index_cast %mul3A_169 : i32 to index
        %get3A_275 = tpu.vector_load %arg6[%get3A_273, %get3A_274] {strides = array<i32>} : memref<32x512xf32, #tpu.memory_space<vmem>>, vector<16xf32>,
        %add3A_276 = arith.constant 6669 : i32
        %add3A_277 = arith.addi %add3A_276, %mul3A_169 : i32
        %swap3A_278 = arith.index_cast %add3A_277 : i32 to index
        %swap3A_279 = tpu.vector_load %arg9[%swap3A_278] {strides = array<i32>} : memref<16416xf32, #tpu.memory_space<vmem>>, vector<16xf32>,
        tpu.vector_store %arg9[%swap3A_278], %get3A_275 {strides = array<i32>} : memref<16416xf32, #tpu.memory_space<vmem>>, vector<16xf32>,
        %get3A_280 = arith.constant 14 : i32
        %get3A_281 = arith.index_cast %get3A_280 : i32 to index
        %get3A_282 = arith.index_cast %mul3A_169 : i32 to index
        %get3A_283 = tpu.vector_load %arg6[%get3A_281, %get3A_282] {strides = array<i32>} : memref<32x512xf32, #tpu.memory_space<vmem>>, vector<16xf32>,
        %add3A_284 = arith.constant 7182 : i32
        %add3A_285 = arith.addi %add3A_284, %mul3A_169 : i32
        %swap3A_286 = arith.index_cast %add3A_285 : i32 to index
        %swap3A_287 = tpu.vector_load %arg9[%swap3A_286] {strides = array<i32>} : memref<16416xf32, #tpu.memory_space<vmem>>, vector<16xf32>,
        tpu.vector_store %arg9[%swap3A_286], %get3A_283 {strides = array<i32>} : memref<16416xf32, #tpu.memory_space<vmem>>, vector<16xf32>,
        %get3A_288 = arith.constant 15 : i32
        %get3A_289 = arith.index_cast %get3A_288 : i32 to index
        %get3A_290 = arith.index_cast %mul3A_169 : i32 to index
        %get3A_291 = tpu.vector_load %arg6[%get3A_289, %get3A_290] {strides = array<i32>} : memref<32x512xf32, #tpu.memory_space<vmem>>, vector<16xf32>,
        %add3A_292 = arith.constant 7695 : i32
        %add3A_293 = arith.addi %add3A_292, %mul3A_169 : i32
        %swap3A_294 = arith.index_cast %add3A_293 : i32 to index
        %swap3A_295 = tpu.vector_load %arg9[%swap3A_294] {strides = array<i32>} : memref<16416xf32, #tpu.memory_space<vmem>>, vector<16xf32>,
        tpu.vector_store %arg9[%swap3A_294], %get3A_291 {strides = array<i32>} : memref<16416xf32, #tpu.memory_space<vmem>>, vector<16xf32>,
        %get3A_296 = arith.constant 16 : i32
        %get3A_297 = arith.index_cast %get3A_296 : i32 to index
        %get3A_298 = arith.index_cast %mul3A_169 : i32 to index
        %get3A_299 = tpu.vector_load %arg6[%get3A_297, %get3A_298] {strides = array<i32>} : memref<32x512xf32, #tpu.memory_space<vmem>>, vector<16xf32>,
        %add3A_300 = arith.constant 8208 : i32
        %add3A_301 = arith.addi %add3A_300, %mul3A_169 : i32
        %swap3A_302 = arith.index_cast %add3A_301 : i32 to index
        %swap3A_303 = tpu.vector_load %arg9[%swap3A_302] {strides = array<i32>} : memref<16416xf32, #tpu.memory_space<vmem>>, vector<16xf32>,
        tpu.vector_store %arg9[%swap3A_302], %get3A_299 {strides = array<i32>} : memref<16416xf32, #tpu.memory_space<vmem>>, vector<16xf32>,
        %get3A_304 = arith.constant 17 : i32
        %get3A_305 = arith.index_cast %get3A_304 : i32 to index
        %get3A_306 = arith.index_cast %mul3A_169 : i32 to index
        %get3A_307 = tpu.vector_load %arg6[%get3A_305, %get3A_306] {strides = array<i32>} : memref<32x512xf32, #tpu.memory_space<vmem>>, vector<16xf32>,
        %add3A_308 = arith.constant 8721 : i32
        %add3A_309 = arith.addi %add3A_308, %mul3A_169 : i32
        %swap3A_310 = arith.index_cast %add3A_309 : i32 to index
        %swap3A_311 = tpu.vector_load %arg9[%swap3A_310] {strides = array<i32>} : memref<16416xf32, #tpu.memory_space<vmem>>, vector<16xf32>,
        tpu.vector_store %arg9[%swap3A_310], %get3A_307 {strides = array<i32>} : memref<16416xf32, #tpu.memory_space<vmem>>, vector<16xf32>,
        %get3A_312 = arith.constant 18 : i32
        %get3A_313 = arith.index_cast %get3A_312 : i32 to index
        %get3A_314 = arith.index_cast %mul3A_169 : i32 to index
        %get3A_315 = tpu.vector_load %arg6[%get3A_313, %get3A_314] {strides = array<i32>} : memref<32x512xf32, #tpu.memory_space<vmem>>, vector<16xf32>,
        %add3A_316 = arith.constant 9234 : i32
        %add3A_317 = arith.addi %add3A_316, %mul3A_169 : i32
        %swap3A_318 = arith.index_cast %add3A_317 : i32 to index
        %swap3A_319 = tpu.vector_load %arg9[%swap3A_318] {strides = array<i32>} : memref<16416xf32, #tpu.memory_space<vmem>>, vector<16xf32>,
        tpu.vector_store %arg9[%swap3A_318], %get3A_315 {strides = array<i32>} : memref<16416xf32, #tpu.memory_space<vmem>>, vector<16xf32>,
        %get3A_320 = arith.constant 19 : i32
        %get3A_321 = arith.index_cast %get3A_320 : i32 to index
        %get3A_322 = arith.index_cast %mul3A_169 : i32 to index
        %get3A_323 = tpu.vector_load %arg6[%get3A_321, %get3A_322] {strides = array<i32>} : memref<32x512xf32, #tpu.memory_space<vmem>>, vector<16xf32>,
        %add3A_324 = arith.constant 9747 : i32
        %add3A_325 = arith.addi %add3A_324, %mul3A_169 : i32
        %swap3A_326 = arith.index_cast %add3A_325 : i32 to index
        %swap3A_327 = tpu.vector_load %arg9[%swap3A_326] {strides = array<i32>} : memref<16416xf32, #tpu.memory_space<vmem>>, vector<16xf32>,
        tpu.vector_store %arg9[%swap3A_326], %get3A_323 {strides = array<i32>} : memref<16416xf32, #tpu.memory_space<vmem>>, vector<16xf32>,
        %get3A_328 = arith.constant 20 : i32
        %get3A_329 = arith.index_cast %get3A_328 : i32 to index
        %get3A_330 = arith.index_cast %mul3A_169 : i32 to index
        %get3A_331 = tpu.vector_load %arg6[%get3A_329, %get3A_330] {strides = array<i32>} : memref<32x512xf32, #tpu.memory_space<vmem>>, vector<16xf32>,
        %add3A_332 = arith.constant 10260 : i32
        %add3A_333 = arith.addi %add3A_332, %mul3A_169 : i32
        %swap3A_334 = arith.index_cast %add3A_333 : i32 to index
        %swap3A_335 = tpu.vector_load %arg9[%swap3A_334] {strides = array<i32>} : memref<16416xf32, #tpu.memory_space<vmem>>, vector<16xf32>,
        tpu.vector_store %arg9[%swap3A_334], %get3A_331 {strides = array<i32>} : memref<16416xf32, #tpu.memory_space<vmem>>, vector<16xf32>,
        %get3A_336 = arith.constant 21 : i32
        %get3A_337 = arith.index_cast %get3A_336 : i32 to index
        %get3A_338 = arith.index_cast %mul3A_169 : i32 to index
        %get3A_339 = tpu.vector_load %arg6[%get3A_337, %get3A_338] {strides = array<i32>} : memref<32x512xf32, #tpu.memory_space<vmem>>, vector<16xf32>,
        %add3A_340 = arith.constant 10773 : i32
        %add3A_341 = arith.addi %add3A_340, %mul3A_169 : i32
        %swap3A_342 = arith.index_cast %add3A_341 : i32 to index
        %swap3A_343 = tpu.vector_load %arg9[%swap3A_342] {strides = array<i32>} : memref<16416xf32, #tpu.memory_space<vmem>>, vector<16xf32>,
        tpu.vector_store %arg9[%swap3A_342], %get3A_339 {strides = array<i32>} : memref<16416xf32, #tpu.memory_space<vmem>>, vector<16xf32>,
        %get3A_344 = arith.constant 22 : i32
        %get3A_345 = arith.index_cast %get3A_344 : i32 to index
        %get3A_346 = arith.index_cast %mul3A_169 : i32 to index
        %get3A_347 = tpu.vector_load %arg6[%get3A_345, %get3A_346] {strides = array<i32>} : memref<32x512xf32, #tpu.memory_space<vmem>>, vector<16xf32>,
        %add3A_348 = arith.constant 11286 : i32
        %add3A_349 = arith.addi %add3A_348, %mul3A_169 : i32
        %swap3A_350 = arith.index_cast %add3A_349 : i32 to index
        %swap3A_351 = tpu.vector_load %arg9[%swap3A_350] {strides = array<i32>} : memref<16416xf32, #tpu.memory_space<vmem>>, vector<16xf32>,
        tpu.vector_store %arg9[%swap3A_350], %get3A_347 {strides = array<i32>} : memref<16416xf32, #tpu.memory_space<vmem>>, vector<16xf32>,
        %get3A_352 = arith.constant 23 : i32
        %get3A_353 = arith.index_cast %get3A_352 : i32 to index
        %get3A_354 = arith.index_cast %mul3A_169 : i32 to index
        %get3A_355 = tpu.vector_load %arg6[%get3A_353, %get3A_354] {strides = array<i32>} : memref<32x512xf32, #tpu.memory_space<vmem>>, vector<16xf32>,
        %add3A_356 = arith.constant 11799 : i32
        %add3A_357 = arith.addi %add3A_356, %mul3A_169 : i32
        %swap3A_358 = arith.index_cast %add3A_357 : i32 to index
        %swap3A_359 = tpu.vector_load %arg9[%swap3A_358] {strides = array<i32>} : memref<16416xf32, #tpu.memory_space<vmem>>, vector<16xf32>,
        tpu.vector_store %arg9[%swap3A_358], %get3A_355 {strides = array<i32>} : memref<16416xf32, #tpu.memory_space<vmem>>, vector<16xf32>,
        %get3A_360 = arith.constant 24 : i32
        %get3A_361 = arith.index_cast %get3A_360 : i32 to index
        %get3A_362 = arith.index_cast %mul3A_169 : i32 to index
        %get3A_363 = tpu.vector_load %arg6[%get3A_361, %get3A_362] {strides = array<i32>} : memref<32x512xf32, #tpu.memory_space<vmem>>, vector<16xf32>,
        %add3A_364 = arith.constant 12312 : i32
        %add3A_365 = arith.addi %add3A_364, %mul3A_169 : i32
        %swap3A_366 = arith.index_cast %add3A_365 : i32 to index
        %swap3A_367 = tpu.vector_load %arg9[%swap3A_366] {strides = array<i32>} : memref<16416xf32, #tpu.memory_space<vmem>>, vector<16xf32>,
        tpu.vector_store %arg9[%swap3A_366], %get3A_363 {strides = array<i32>} : memref<16416xf32, #tpu.memory_space<vmem>>, vector<16xf32>,
        %get3A_368 = arith.constant 25 : i32
        %get3A_369 = arith.index_cast %get3A_368 : i32 to index
        %get3A_370 = arith.index_cast %mul3A_169 : i32 to index
        %get3A_371 = tpu.vector_load %arg6[%get3A_369, %get3A_370] {strides = array<i32>} : memref<32x512xf32, #tpu.memory_space<vmem>>, vector<16xf32>,
        %add3A_372 = arith.constant 12825 : i32
        %add3A_373 = arith.addi %add3A_372, %mul3A_169 : i32
        %swap3A_374 = arith.index_cast %add3A_373 : i32 to index
        %swap3A_375 = tpu.vector_load %arg9[%swap3A_374] {strides = array<i32>} : memref<16416xf32, #tpu.memory_space<vmem>>, vector<16xf32>,
        tpu.vector_store %arg9[%swap3A_374], %get3A_371 {strides = array<i32>} : memref<16416xf32, #tpu.memory_space<vmem>>, vector<16xf32>,
        %get3A_376 = arith.constant 26 : i32
        %get3A_377 = arith.index_cast %get3A_376 : i32 to index
        %get3A_378 = arith.index_cast %mul3A_169 : i32 to index
        %get3A_379 = tpu.vector_load %arg6[%get3A_377, %get3A_378] {strides = array<i32>} : memref<32x512xf32, #tpu.memory_space<vmem>>, vector<16xf32>,
        %add3A_380 = arith.constant 13338 : i32
        %add3A_381 = arith.addi %add3A_380, %mul3A_169 : i32
        %swap3A_382 = arith.index_cast %add3A_381 : i32 to index
        %swap3A_383 = tpu.vector_load %arg9[%swap3A_382] {strides = array<i32>} : memref<16416xf32, #tpu.memory_space<vmem>>, vector<16xf32>,
        tpu.vector_store %arg9[%swap3A_382], %get3A_379 {strides = array<i32>} : memref<16416xf32, #tpu.memory_space<vmem>>, vector<16xf32>,
        %get3A_384 = arith.constant 27 : i32
        %get3A_385 = arith.index_cast %get3A_384 : i32 to index
        %get3A_386 = arith.index_cast %mul3A_169 : i32 to index
        %get3A_387 = tpu.vector_load %arg6[%get3A_385, %get3A_386] {strides = array<i32>} : memref<32x512xf32, #tpu.memory_space<vmem>>, vector<16xf32>,
        %add3A_388 = arith.constant 13851 : i32
        %add3A_389 = arith.addi %add3A_388, %mul3A_169 : i32
        %swap3A_390 = arith.index_cast %add3A_389 : i32 to index
        %swap3A_391 = tpu.vector_load %arg9[%swap3A_390] {strides = array<i32>} : memref<16416xf32, #tpu.memory_space<vmem>>, vector<16xf32>,
        tpu.vector_store %arg9[%swap3A_390], %get3A_387 {strides = array<i32>} : memref<16416xf32, #tpu.memory_space<vmem>>, vector<16xf32>,
        %get3A_392 = arith.constant 28 : i32
        %get3A_393 = arith.index_cast %get3A_392 : i32 to index
        %get3A_394 = arith.index_cast %mul3A_169 : i32 to index
        %get3A_395 = tpu.vector_load %arg6[%get3A_393, %get3A_394] {strides = array<i32>} : memref<32x512xf32, #tpu.memory_space<vmem>>, vector<16xf32>,
        %add3A_396 = arith.constant 14364 : i32
        %add3A_397 = arith.addi %add3A_396, %mul3A_169 : i32
        %swap3A_398 = arith.index_cast %add3A_397 : i32 to index
        %swap3A_399 = tpu.vector_load %arg9[%swap3A_398] {strides = array<i32>} : memref<16416xf32, #tpu.memory_space<vmem>>, vector<16xf32>,
        tpu.vector_store %arg9[%swap3A_398], %get3A_395 {strides = array<i32>} : memref<16416xf32, #tpu.memory_space<vmem>>, vector<16xf32>,
        %get3A_400 = arith.constant 29 : i32
        %get3A_401 = arith.index_cast %get3A_400 : i32 to index
        %get3A_402 = arith.index_cast %mul3A_169 : i32 to index
        %get3A_403 = tpu.vector_load %arg6[%get3A_401, %get3A_402] {strides = array<i32>} : memref<32x512xf32, #tpu.memory_space<vmem>>, vector<16xf32>,
        %add3A_404 = arith.constant 14877 : i32
        %add3A_405 = arith.addi %add3A_404, %mul3A_169 : i32
        %swap3A_406 = arith.index_cast %add3A_405 : i32 to index
        %swap3A_407 = tpu.vector_load %arg9[%swap3A_406] {strides = array<i32>} : memref<16416xf32, #tpu.memory_space<vmem>>, vector<16xf32>,
        tpu.vector_store %arg9[%swap3A_406], %get3A_403 {strides = array<i32>} : memref<16416xf32, #tpu.memory_space<vmem>>, vector<16xf32>,
        %get3A_408 = arith.constant 30 : i32
        %get3A_409 = arith.index_cast %get3A_408 : i32 to index
        %get3A_410 = arith.index_cast %mul3A_169 : i32 to index
        %get3A_411 = tpu.vector_load %arg6[%get3A_409, %get3A_410] {strides = array<i32>} : memref<32x512xf32, #tpu.memory_space<vmem>>, vector<16xf32>,
        %add3A_412 = arith.constant 15390 : i32
        %add3A_413 = arith.addi %add3A_412, %mul3A_169 : i32
        %swap3A_414 = arith.index_cast %add3A_413 : i32 to index
        %swap3A_415 = tpu.vector_load %arg9[%swap3A_414] {strides = array<i32>} : memref<16416xf32, #tpu.memory_space<vmem>>, vector<16xf32>,
        tpu.vector_store %arg9[%swap3A_414], %get3A_411 {strides = array<i32>} : memref<16416xf32, #tpu.memory_space<vmem>>, vector<16xf32>,
        %get3A_416 = arith.constant 31 : i32
        %get3A_417 = arith.index_cast %get3A_416 : i32 to index
        %get3A_418 = arith.index_cast %mul3A_169 : i32 to index
        %get3A_419 = tpu.vector_load %arg6[%get3A_417, %get3A_418] {strides = array<i32>} : memref<32x512xf32, #tpu.memory_space<vmem>>, vector<16xf32>,
        %add3A_420 = arith.constant 15903 : i32
        %add3A_421 = arith.addi %add3A_420, %mul3A_169 : i32
        %swap3A_422 = arith.index_cast %add3A_421 : i32 to index
        %swap3A_423 = tpu.vector_load %arg9[%swap3A_422] {strides = array<i32>} : memref<16416xf32, #tpu.memory_space<vmem>>, vector<16xf32>,
        tpu.vector_store %arg9[%swap3A_422], %get3A_419 {strides = array<i32>} : memref<16416xf32, #tpu.memory_space<vmem>>, vector<16xf32>,
      }
      %scan3A_111 = arith.constant 32 : i32
      %scan3A_112 = arith.constant 0 : i32
      %scan3A_113 = arith.constant 0 : i32
      %scan3A_114 = arith.constant 64 : i32
      %scan3A_115 = arith.addi %scan3A_113, %scan3A_114 : i32
      %scan3A_116 = arith.constant 1 : i32
      scf.for %scan3A_167 = %scan3A_113 to %scan3A_115 step %scan3A_116  : i32 {
        %mul3A_168 = arith.constant 8 : i32
        %mul3A_169 = arith.muli %scan3A_167, %mul3A_168 : i32
        %add3A_170 = arith.constant 0 : i32
        %add3A_171 = arith.addi %mul3A_169, %add3A_170 : i32
        %add3A_172 = vector.broadcast %add3A_171 : i32 to vector<16xi32>
        %add3A_173 = arith.addi %mul3A_3, %add3A_172 : vector<16xi32>
        %gather3A = tpu.vector_load_idx %arg9[%add3A_173] : memref<16416xf32, #tpu.memory_space<vmem>>[vector<16xi32>], vector<16xf32>,
        %add3A_174 = arith.constant 8208 : i32
        %add3A_175 = vector.broadcast %add3A_174 : i32 to vector<16xi32>
        %add3A_176 = arith.addi %add3A_173, %add3A_175 : vector<16xi32>
        %gather3A_177 = tpu.vector_load_idx %arg9[%add3A_176] : memref<16416xf32, #tpu.memory_space<vmem>>[vector<16xi32>], vector<16xf32>,
        %mul3A_178 = arith.constant 32 : i32
        %mul3A_179 = arith.muli %add3A_171, %mul3A_178 : i32
        %swap3A = arith.index_cast %mul3A_179 : i32 to index
        %swap3A_180 = tpu.vector_load %arg8[%swap3A] {strides = array<i32>} : memref<16384xf32, #tpu.memory_space<vmem>>, vector<16xf32>,
        tpu.vector_store %arg8[%swap3A], %gather3A {strides = array<i32>} : memref<16384xf32, #tpu.memory_space<vmem>>, vector<16xf32>,
        %mul3A_181 = arith.constant 32 : i32
        %mul3A_182 = arith.muli %add3A_171, %mul3A_181 : i32
        %add3A_183 = arith.constant 16 : i32
        %add3A_184 = arith.addi %mul3A_182, %add3A_183 : i32
        %swap3A_185 = arith.index_cast %add3A_184 : i32 to index
        %swap3A_186 = tpu.vector_load %arg8[%swap3A_185] {strides = array<i32>} : memref<16384xf32, #tpu.memory_space<vmem>>, vector<16xf32>,
        tpu.vector_store %arg8[%swap3A_185], %gather3A_177 {strides = array<i32>} : memref<16384xf32, #tpu.memory_space<vmem>>, vector<16xf32>,
        %add3A_187 = arith.constant 1 : i32
        %add3A_188 = arith.addi %mul3A_169, %add3A_187 : i32
        %add3A_189 = vector.broadcast %add3A_188 : i32 to vector<16xi32>
        %add3A_190 = arith.addi %mul3A_3, %add3A_189 : vector<16xi32>
        %gather3A_191 = tpu.vector_load_idx %arg9[%add3A_190] : memref<16416xf32, #tpu.memory_space<vmem>>[vector<16xi32>], vector<16xf32>,
        %add3A_192 = arith.constant 8208 : i32
        %add3A_193 = vector.broadcast %add3A_192 : i32 to vector<16xi32>
        %add3A_194 = arith.addi %add3A_190, %add3A_193 : vector<16xi32>
        %gather3A_195 = tpu.vector_load_idx %arg9[%add3A_194] : memref<16416xf32, #tpu.memory_space<vmem>>[vector<16xi32>], vector<16xf32>,
        %mul3A_196 = arith.constant 32 : i32
        %mul3A_197 = arith.muli %add3A_188, %mul3A_196 : i32
        %swap3A_198 = arith.index_cast %mul3A_197 : i32 to index
        %swap3A_199 = tpu.vector_load %arg8[%swap3A_198] {strides = array<i32>} : memref<16384xf32, #tpu.memory_space<vmem>>, vector<16xf32>,
        tpu.vector_store %arg8[%swap3A_198], %gather3A_191 {strides = array<i32>} : memref<16384xf32, #tpu.memory_space<vmem>>, vector<16xf32>,
        %mul3A_200 = arith.constant 32 : i32
        %mul3A_201 = arith.muli %add3A_188, %mul3A_200 : i32
        %add3A_202 = arith.constant 16 : i32
        %add3A_203 = arith.addi %mul3A_201, %add3A_202 : i32
        %swap3A_204 = arith.index_cast %add3A_203 : i32 to index
        %swap3A_205 = tpu.vector_load %arg8[%swap3A_204] {strides = array<i32>} : memref<16384xf32, #tpu.memory_space<vmem>>, vector<16xf32>,
        tpu.vector_store %arg8[%swap3A_204], %gather3A_195 {strides = array<i32>} : memref<16384xf32, #tpu.memory_space<vmem>>, vector<16xf32>,
        %add3A_206 = arith.constant 2 : i32
        %add3A_207 = arith.addi %mul3A_169, %add3A_206 : i32
        %add3A_208 = vector.broadcast %add3A_207 : i32 to vector<16xi32>
        %add3A_209 = arith.addi %mul3A_3, %add3A_208 : vector<16xi32>
        %gather3A_210 = tpu.vector_load_idx %arg9[%add3A_209] : memref<16416xf32, #tpu.memory_space<vmem>>[vector<16xi32>], vector<16xf32>,
        %add3A_211 = arith.constant 8208 : i32
        %add3A_212 = vector.broadcast %add3A_211 : i32 to vector<16xi32>
        %add3A_213 = arith.addi %add3A_209, %add3A_212 : vector<16xi32>
        %gather3A_214 = tpu.vector_load_idx %arg9[%add3A_213] : memref<16416xf32, #tpu.memory_space<vmem>>[vector<16xi32>], vector<16xf32>,
        %mul3A_215 = arith.constant 32 : i32
        %mul3A_216 = arith.muli %add3A_207, %mul3A_215 : i32
        %swap3A_217 = arith.index_cast %mul3A_216 : i32 to index
        %swap3A_218 = tpu.vector_load %arg8[%swap3A_217] {strides = array<i32>} : memref<16384xf32, #tpu.memory_space<vmem>>, vector<16xf32>,
        tpu.vector_store %arg8[%swap3A_217], %gather3A_210 {strides = array<i32>} : memref<16384xf32, #tpu.memory_space<vmem>>, vector<16xf32>,
        %mul3A_219 = arith.constant 32 : i32
        %mul3A_220 = arith.muli %add3A_207, %mul3A_219 : i32
        %add3A_221 = arith.constant 16 : i32
        %add3A_222 = arith.addi %mul3A_220, %add3A_221 : i32
        %swap3A_223 = arith.index_cast %add3A_222 : i32 to index
        %swap3A_224 = tpu.vector_load %arg8[%swap3A_223] {strides = array<i32>} : memref<16384xf32, #tpu.memory_space<vmem>>, vector<16xf32>,
        tpu.vector_store %arg8[%swap3A_223], %gather3A_214 {strides = array<i32>} : memref<16384xf32, #tpu.memory_space<vmem>>, vector<16xf32>,
        %add3A_225 = arith.constant 3 : i32
        %add3A_226 = arith.addi %mul3A_169, %add3A_225 : i32
        %add3A_227 = vector.broadcast %add3A_226 : i32 to vector<16xi32>
        %add3A_228 = arith.addi %mul3A_3, %add3A_227 : vector<16xi32>
        %gather3A_229 = tpu.vector_load_idx %arg9[%add3A_228] : memref<16416xf32, #tpu.memory_space<vmem>>[vector<16xi32>], vector<16xf32>,
        %add3A_230 = arith.constant 8208 : i32
        %add3A_231 = vector.broadcast %add3A_230 : i32 to vector<16xi32>
        %add3A_232 = arith.addi %add3A_228, %add3A_231 : vector<16xi32>
        %gather3A_233 = tpu.vector_load_idx %arg9[%add3A_232] : memref<16416xf32, #tpu.memory_space<vmem>>[vector<16xi32>], vector<16xf32>,
        %mul3A_234 = arith.constant 32 : i32
        %mul3A_235 = arith.muli %add3A_226, %mul3A_234 : i32
        %swap3A_236 = arith.index_cast %mul3A_235 : i32 to index
        %swap3A_237 = tpu.vector_load %arg8[%swap3A_236] {strides = array<i32>} : memref<16384xf32, #tpu.memory_space<vmem>>, vector<16xf32>,
        tpu.vector_store %arg8[%swap3A_236], %gather3A_229 {strides = array<i32>} : memref<16384xf32, #tpu.memory_space<vmem>>, vector<16xf32>,
        %mul3A_238 = arith.constant 32 : i32
        %mul3A_239 = arith.muli %add3A_226, %mul3A_238 : i32
        %add3A_240 = arith.constant 16 : i32
        %add3A_241 = arith.addi %mul3A_239, %add3A_240 : i32
        %swap3A_242 = arith.index_cast %add3A_241 : i32 to index
        %swap3A_243 = tpu.vector_load %arg8[%swap3A_242] {strides = array<i32>} : memref<16384xf32, #tpu.memory_space<vmem>>, vector<16xf32>,
        tpu.vector_store %arg8[%swap3A_242], %gather3A_233 {strides = array<i32>} : memref<16384xf32, #tpu.memory_space<vmem>>, vector<16xf32>,
        %add3A_244 = arith.constant 4 : i32
        %add3A_245 = arith.addi %mul3A_169, %add3A_244 : i32
        %add3A_246 = vector.broadcast %add3A_245 : i32 to vector<16xi32>
        %add3A_247 = arith.addi %mul3A_3, %add3A_246 : vector<16xi32>
        %gather3A_248 = tpu.vector_load_idx %arg9[%add3A_247] : memref<16416xf32, #tpu.memory_space<vmem>>[vector<16xi32>], vector<16xf32>,
        %add3A_249 = arith.constant 8208 : i32
        %add3A_250 = vector.broadcast %add3A_249 : i32 to vector<16xi32>
        %add3A_251 = arith.addi %add3A_247, %add3A_250 : vector<16xi32>
        %gather3A_252 = tpu.vector_load_idx %arg9[%add3A_251] : memref<16416xf32, #tpu.memory_space<vmem>>[vector<16xi32>], vector<16xf32>,
        %mul3A_253 = arith.constant 32 : i32
        %mul3A_254 = arith.muli %add3A_245, %mul3A_253 : i32
        %swap3A_255 = arith.index_cast %mul3A_254 : i32 to index
        %swap3A_256 = tpu.vector_load %arg8[%swap3A_255] {strides = array<i32>} : memref<16384xf32, #tpu.memory_space<vmem>>, vector<16xf32>,
        tpu.vector_store %arg8[%swap3A_255], %gather3A_248 {strides = array<i32>} : memref<16384xf32, #tpu.memory_space<vmem>>, vector<16xf32>,
        %mul3A_257 = arith.constant 32 : i32
        %mul3A_258 = arith.muli %add3A_245, %mul3A_257 : i32
        %add3A_259 = arith.constant 16 : i32
        %add3A_260 = arith.addi %mul3A_258, %add3A_259 : i32
        %swap3A_261 = arith.index_cast %add3A_260 : i32 to index
        %swap3A_262 = tpu.vector_load %arg8[%swap3A_261] {strides = array<i32>} : memref<16384xf32, #tpu.memory_space<vmem>>, vector<16xf32>,
        tpu.vector_store %arg8[%swap3A_261], %gather3A_252 {strides = array<i32>} : memref<16384xf32, #tpu.memory_space<vmem>>, vector<16xf32>,
        %add3A_263 = arith.constant 5 : i32
        %add3A_264 = arith.addi %mul3A_169, %add3A_263 : i32
        %add3A_265 = vector.broadcast %add3A_264 : i32 to vector<16xi32>
        %add3A_266 = arith.addi %mul3A_3, %add3A_265 : vector<16xi32>
        %gather3A_267 = tpu.vector_load_idx %arg9[%add3A_266] : memref<16416xf32, #tpu.memory_space<vmem>>[vector<16xi32>], vector<16xf32>,
        %add3A_268 = arith.constant 8208 : i32
        %add3A_269 = vector.broadcast %add3A_268 : i32 to vector<16xi32>
        %add3A_270 = arith.addi %add3A_266, %add3A_269 : vector<16xi32>
        %gather3A_271 = tpu.vector_load_idx %arg9[%add3A_270] : memref<16416xf32, #tpu.memory_space<vmem>>[vector<16xi32>], vector<16xf32>,
        %mul3A_272 = arith.constant 32 : i32
        %mul3A_273 = arith.muli %add3A_264, %mul3A_272 : i32
        %swap3A_274 = arith.index_cast %mul3A_273 : i32 to index
        %swap3A_275 = tpu.vector_load %arg8[%swap3A_274] {strides = array<i32>} : memref<16384xf32, #tpu.memory_space<vmem>>, vector<16xf32>,
        tpu.vector_store %arg8[%swap3A_274], %gather3A_267 {strides = array<i32>} : memref<16384xf32, #tpu.memory_space<vmem>>, vector<16xf32>,
        %mul3A_276 = arith.constant 32 : i32
        %mul3A_277 = arith.muli %add3A_264, %mul3A_276 : i32
        %add3A_278 = arith.constant 16 : i32
        %add3A_279 = arith.addi %mul3A_277, %add3A_278 : i32
        %swap3A_280 = arith.index_cast %add3A_279 : i32 to index
        %swap3A_281 = tpu.vector_load %arg8[%swap3A_280] {strides = array<i32>} : memref<16384xf32, #tpu.memory_space<vmem>>, vector<16xf32>,
        tpu.vector_store %arg8[%swap3A_280], %gather3A_271 {strides = array<i32>} : memref<16384xf32, #tpu.memory_space<vmem>>, vector<16xf32>,
        %add3A_282 = arith.constant 6 : i32
        %add3A_283 = arith.addi %mul3A_169, %add3A_282 : i32
        %add3A_284 = vector.broadcast %add3A_283 : i32 to vector<16xi32>
        %add3A_285 = arith.addi %mul3A_3, %add3A_284 : vector<16xi32>
        %gather3A_286 = tpu.vector_load_idx %arg9[%add3A_285] : memref<16416xf32, #tpu.memory_space<vmem>>[vector<16xi32>], vector<16xf32>,
        %add3A_287 = arith.constant 8208 : i32
        %add3A_288 = vector.broadcast %add3A_287 : i32 to vector<16xi32>
        %add3A_289 = arith.addi %add3A_285, %add3A_288 : vector<16xi32>
        %gather3A_290 = tpu.vector_load_idx %arg9[%add3A_289] : memref<16416xf32, #tpu.memory_space<vmem>>[vector<16xi32>], vector<16xf32>,
        %mul3A_291 = arith.constant 32 : i32
        %mul3A_292 = arith.muli %add3A_283, %mul3A_291 : i32
        %swap3A_293 = arith.index_cast %mul3A_292 : i32 to index
        %swap3A_294 = tpu.vector_load %arg8[%swap3A_293] {strides = array<i32>} : memref<16384xf32, #tpu.memory_space<vmem>>, vector<16xf32>,
        tpu.vector_store %arg8[%swap3A_293], %gather3A_286 {strides = array<i32>} : memref<16384xf32, #tpu.memory_space<vmem>>, vector<16xf32>,
        %mul3A_295 = arith.constant 32 : i32
        %mul3A_296 = arith.muli %add3A_283, %mul3A_295 : i32
        %add3A_297 = arith.constant 16 : i32
        %add3A_298 = arith.addi %mul3A_296, %add3A_297 : i32
        %swap3A_299 = arith.index_cast %add3A_298 : i32 to index
        %swap3A_300 = tpu.vector_load %arg8[%swap3A_299] {strides = array<i32>} : memref<16384xf32, #tpu.memory_space<vmem>>, vector<16xf32>,
        tpu.vector_store %arg8[%swap3A_299], %gather3A_290 {strides = array<i32>} : memref<16384xf32, #tpu.memory_space<vmem>>, vector<16xf32>,
        %add3A_301 = arith.constant 7 : i32
        %add3A_302 = arith.addi %mul3A_169, %add3A_301 : i32
        %add3A_303 = vector.broadcast %add3A_302 : i32 to vector<16xi32>
        %add3A_304 = arith.addi %mul3A_3, %add3A_303 : vector<16xi32>
        %gather3A_305 = tpu.vector_load_idx %arg9[%add3A_304] : memref<16416xf32, #tpu.memory_space<vmem>>[vector<16xi32>], vector<16xf32>,
        %add3A_306 = arith.constant 8208 : i32
        %add3A_307 = vector.broadcast %add3A_306 : i32 to vector<16xi32>
        %add3A_308 = arith.addi %add3A_304, %add3A_307 : vector<16xi32>
        %gather3A_309 = tpu.vector_load_idx %arg9[%add3A_308] : memref<16416xf32, #tpu.memory_space<vmem>>[vector<16xi32>], vector<16xf32>,
        %mul3A_310 = arith.constant 32 : i32
        %mul3A_311 = arith.muli %add3A_302, %mul3A_310 : i32
        %swap3A_312 = arith.index_cast %mul3A_311 : i32 to index
        %swap3A_313 = tpu.vector_load %arg8[%swap3A_312] {strides = array<i32>} : memref<16384xf32, #tpu.memory_space<vmem>>, vector<16xf32>,
        tpu.vector_store %arg8[%swap3A_312], %gather3A_305 {strides = array<i32>} : memref<16384xf32, #tpu.memory_space<vmem>>, vector<16xf32>,
        %mul3A_314 = arith.constant 32 : i32
        %mul3A_315 = arith.muli %add3A_302, %mul3A_314 : i32
        %add3A_316 = arith.constant 16 : i32
        %add3A_317 = arith.addi %mul3A_315, %add3A_316 : i32
        %swap3A_318 = arith.index_cast %add3A_317 : i32 to index
        %swap3A_319 = tpu.vector_load %arg8[%swap3A_318] {strides = array<i32>} : memref<16384xf32, #tpu.memory_space<vmem>>, vector<16xf32>,
        tpu.vector_store %arg8[%swap3A_318], %gather3A_309 {strides = array<i32>} : memref<16384xf32, #tpu.memory_space<vmem>>, vector<16xf32>,
      }
      %scan3A_117 = arith.constant 64 : i32
      %mul3A_118 = arith.constant 2 : i32
      %mul3A_119 = arith.muli %scan3A_68, %mul3A_118 : i32
      %add3A_120 = arith.constant 1 : i32
      %add3A_121 = arith.addi %mul3A_119, %add3A_120 : i32
      %mul3A_122 = arith.constant 32 : i32
      %mul3A_123 = arith.muli %add3A_121, %mul3A_122 : i32
      %add3A_124 = arith.addi %add3A, %mul3A_123 : i32
      %mul3A_125 = arith.constant 512 : i32
      %mul3A_126 = arith.muli %add3A_124, %mul3A_125 : i32
      %mul3A_127 = arith.constant 32 : i32
      %mul3A_128 = arith.muli %mul3A_126, %mul3A_127 : i32
      %dma_start3A_129 = tpu.memref_slice %arg4[%mul3A_128] : memref<32000000xf32, #tpu.memory_space<hbm>> -> memref<16384xf32, #tpu.memory_space<hbm>>
      %dma_start3A_130 = tpu.memref_slice %arg4[%mul3A_128] : memref<32000000xf32, #tpu.memory_space<hbm>> -> memref<16384xf32, #tpu.memory_space<hbm>>
      tpu.enqueue_dma source(%arg8 : memref<16384xf32, #tpu.memory_space<vmem>>) target(%dma_start3A_130 : memref<16384xf32, #tpu.memory_space<hbm>>) target_semaphore(%arg15 : memref<!tpu.dma_semaphore, #tpu.memory_space<semaphore_mem>>)
      %add3A_131 = arith.constant 1 : i32
      %add3A_132 = arith.addi %scan3A_68, %add3A_131 : i32
      %mul3A_133 = arith.constant 2 : i32
      %mul3A_134 = arith.muli %add3A_132, %mul3A_133 : i32
      %add3A_135 = arith.constant 0 : i32
      %add3A_136 = arith.addi %mul3A_134, %add3A_135 : i32
      %mul3A_137 = arith.constant 32 : i32
      %mul3A_138 = arith.muli %add3A_136, %mul3A_137 : i32
      %add3A_139 = arith.addi %add3A, %mul3A_138 : i32
      %dma_wait3A_140 = arith.constant 0 : i32
      %dma_wait3A_141 = tpu.memref_slice %arg4[%dma_wait3A_140] : memref<32000000xf32, #tpu.memory_space<hbm>> -> memref<16384xf32, #tpu.memory_space<hbm>>
      %dma_wait3A_142 = arith.constant 0 : i32
      %dma_wait3A_143 = tpu.memref_slice %arg4[%dma_wait3A_142] : memref<32000000xf32, #tpu.memory_space<hbm>> -> memref<16384xf32, #tpu.memory_space<hbm>>
      tpu.wait_dma2 semaphore(%arg14 : memref<!tpu.dma_semaphore, #tpu.memory_space<semaphore_mem>>) src(%arg7 : memref<16384xf32, #tpu.memory_space<vmem>>) dst(%dma_wait3A_143 : memref<16384xf32, #tpu.memory_space<hbm>>)
      %lt3A_144 = arith.constant 1953 : i32
      %lt3A_145 = arith.cmpi slt, %add3A_139, %lt3A_144 : i32
      %convert_element_type3A_146 = arith.extui %lt3A_145 : i1 to i32
      %cond3A_147 = arith.constant 0 : i32
      %cond3A_148 = arith.cmpi ne, %convert_element_type3A_146, %cond3A_147 : i32
      scf.if %cond3A_148 {
        %mul3A_167 = arith.constant 512 : i32
        %mul3A_168 = arith.muli %add3A_139, %mul3A_167 : i32
        %dma_start3A_169 = arith.constant 0 : i32
        %dma_start3A_170 = tpu.memref_slice %arg2[%dma_start3A_169, %mul3A_168] : memref<32x1000000xf32, #tpu.memory_space<hbm>> -> memref<32x512xf32, #tpu.memory_space<hbm>>
        %dma_start3A_171 = arith.constant 0 : i32
        %dma_start3A_172 = tpu.memref_slice %arg2[%dma_start3A_171, %mul3A_168] : memref<32x1000000xf32, #tpu.memory_space<hbm>> -> memref<32x512xf32, #tpu.memory_space<hbm>>
        tpu.enqueue_dma source(%dma_start3A_172 : memref<32x512xf32, #tpu.memory_space<hbm>>) target(%arg5 : memref<32x512xf32, #tpu.memory_space<vmem>>) target_semaphore(%arg12 : memref<!tpu.dma_semaphore, #tpu.memory_space<semaphore_mem>>)
      } else {
      }
      %add3A_149 = arith.constant 1 : i32
      %add3A_150 = arith.addi %scan3A_68, %add3A_149 : i32
      %mul3A_151 = arith.constant 2 : i32
      %mul3A_152 = arith.muli %add3A_150, %mul3A_151 : i32
      %add3A_153 = arith.constant 1 : i32
      %add3A_154 = arith.addi %mul3A_152, %add3A_153 : i32
      %mul3A_155 = arith.constant 32 : i32
      %mul3A_156 = arith.muli %add3A_154, %mul3A_155 : i32
      %add3A_157 = arith.addi %add3A, %mul3A_156 : i32
      %dma_wait3A_158 = arith.constant 0 : i32
      %dma_wait3A_159 = tpu.memref_slice %arg4[%dma_wait3A_158] : memref<32000000xf32, #tpu.memory_space<hbm>> -> memref<16384xf32, #tpu.memory_space<hbm>>
      %dma_wait3A_160 = arith.constant 0 : i32
      %dma_wait3A_161 = tpu.memref_slice %arg4[%dma_wait3A_160] : memref<32000000xf32, #tpu.memory_space<hbm>> -> memref<16384xf32, #tpu.memory_space<hbm>>
      tpu.wait_dma2 semaphore(%arg15 : memref<!tpu.dma_semaphore, #tpu.memory_space<semaphore_mem>>) src(%arg8 : memref<16384xf32, #tpu.memory_space<vmem>>) dst(%dma_wait3A_161 : memref<16384xf32, #tpu.memory_space<hbm>>)
      %lt3A_162 = arith.constant 1953 : i32
      %lt3A_163 = arith.cmpi slt, %add3A_157, %lt3A_162 : i32
      %convert_element_type3A_164 = arith.extui %lt3A_163 : i1 to i32
      %cond3A_165 = arith.constant 0 : i32
      %cond3A_166 = arith.cmpi ne, %convert_element_type3A_164, %cond3A_165 : i32
      scf.if %cond3A_166 {
        %mul3A_167 = arith.constant 512 : i32
        %mul3A_168 = arith.muli %add3A_157, %mul3A_167 : i32
        %dma_start3A_169 = arith.constant 0 : i32
        %dma_start3A_170 = tpu.memref_slice %arg2[%dma_start3A_169, %mul3A_168] : memref<32x1000000xf32, #tpu.memory_space<hbm>> -> memref<32x512xf32, #tpu.memory_space<hbm>>
        %dma_start3A_171 = arith.constant 0 : i32
        %dma_start3A_172 = tpu.memref_slice %arg2[%dma_start3A_171, %mul3A_168] : memref<32x1000000xf32, #tpu.memory_space<hbm>> -> memref<32x512xf32, #tpu.memory_space<hbm>>
        tpu.enqueue_dma source(%dma_start3A_172 : memref<32x512xf32, #tpu.memory_space<hbm>>) target(%arg6 : memref<32x512xf32, #tpu.memory_space<vmem>>) target_semaphore(%arg13 : memref<!tpu.dma_semaphore, #tpu.memory_space<semaphore_mem>>)
      } else {
      }
    }
    %scan3A_23 = arith.constant 30 : i32
    %dma_wait3A = arith.constant 0 : i32
    %dma_wait3A_24 = arith.constant 0 : i32
    %dma_wait3A_25 = tpu.memref_slice %arg2[%dma_wait3A, %dma_wait3A_24] : memref<32x1000000xf32, #tpu.memory_space<hbm>> -> memref<32x512xf32, #tpu.memory_space<hbm>>
    %dma_wait3A_26 = arith.constant 0 : i32
    %dma_wait3A_27 = arith.constant 0 : i32
    %dma_wait3A_28 = tpu.memref_slice %arg2[%dma_wait3A_26, %dma_wait3A_27] : memref<32x1000000xf32, #tpu.memory_space<hbm>> -> memref<32x512xf32, #tpu.memory_space<hbm>>
    tpu.wait_dma2 semaphore(%arg12 : memref<!tpu.dma_semaphore, #tpu.memory_space<semaphore_mem>>) src(%dma_wait3A_28 : memref<32x512xf32, #tpu.memory_space<hbm>>) dst(%arg5 : memref<32x512xf32, #tpu.memory_space<vmem>>)
    %scan3A_29 = arith.constant 0 : i32
    %scan3A_30 = arith.constant 0 : i32
    %scan3A_31 = arith.constant 32 : i32
    %scan3A_32 = arith.addi %scan3A_30, %scan3A_31 : i32
    %scan3A_33 = arith.constant 1 : i32
    scf.for %scan3A_68 = %scan3A_30 to %scan3A_32 step %scan3A_33  : i32 {
      %mul3A_69 = arith.constant 16 : i32
      %mul3A_70 = arith.muli %scan3A_68, %mul3A_69 : i32
      %get3A = arith.constant 0 : i32
      %get3A_71 = arith.index_cast %get3A : i32 to index
      %get3A_72 = arith.index_cast %mul3A_70 : i32 to index
      %get3A_73 = tpu.vector_load %arg5[%get3A_71, %get3A_72] {strides = array<i32>} : memref<32x512xf32, #tpu.memory_space<vmem>>, vector<16xf32>,
      %add3A_74 = arith.constant 0 : i32
      %add3A_75 = arith.addi %add3A_74, %mul3A_70 : i32
      %swap3A = arith.index_cast %add3A_75 : i32 to index
      %swap3A_76 = tpu.vector_load %arg9[%swap3A] {strides = array<i32>} : memref<16416xf32, #tpu.memory_space<vmem>>, vector<16xf32>,
      tpu.vector_store %arg9[%swap3A], %get3A_73 {strides = array<i32>} : memref<16416xf32, #tpu.memory_space<vmem>>, vector<16xf32>,
      %get3A_77 = arith.constant 1 : i32
      %get3A_78 = arith.index_cast %get3A_77 : i32 to index
      %get3A_79 = arith.index_cast %mul3A_70 : i32 to index
      %get3A_80 = tpu.vector_load %arg5[%get3A_78, %get3A_79] {strides = array<i32>} : memref<32x512xf32, #tpu.memory_space<vmem>>, vector<16xf32>,
      %add3A_81 = arith.constant 513 : i32
      %add3A_82 = arith.addi %add3A_81, %mul3A_70 : i32
      %swap3A_83 = arith.index_cast %add3A_82 : i32 to index
      %swap3A_84 = tpu.vector_load %arg9[%swap3A_83] {strides = array<i32>} : memref<16416xf32, #tpu.memory_space<vmem>>, vector<16xf32>,
      tpu.vector_store %arg9[%swap3A_83], %get3A_80 {strides = array<i32>} : memref<16416xf32, #tpu.memory_space<vmem>>, vector<16xf32>,
      %get3A_85 = arith.constant 2 : i32
      %get3A_86 = arith.index_cast %get3A_85 : i32 to index
      %get3A_87 = arith.index_cast %mul3A_70 : i32 to index
      %get3A_88 = tpu.vector_load %arg5[%get3A_86, %get3A_87] {strides = array<i32>} : memref<32x512xf32, #tpu.memory_space<vmem>>, vector<16xf32>,
      %add3A_89 = arith.constant 1026 : i32
      %add3A_90 = arith.addi %add3A_89, %mul3A_70 : i32
      %swap3A_91 = arith.index_cast %add3A_90 : i32 to index
      %swap3A_92 = tpu.vector_load %arg9[%swap3A_91] {strides = array<i32>} : memref<16416xf32, #tpu.memory_space<vmem>>, vector<16xf32>,
      tpu.vector_store %arg9[%swap3A_91], %get3A_88 {strides = array<i32>} : memref<16416xf32, #tpu.memory_space<vmem>>, vector<16xf32>,
      %get3A_93 = arith.constant 3 : i32
      %get3A_94 = arith.index_cast %get3A_93 : i32 to index
      %get3A_95 = arith.index_cast %mul3A_70 : i32 to index
      %get3A_96 = tpu.vector_load %arg5[%get3A_94, %get3A_95] {strides = array<i32>} : memref<32x512xf32, #tpu.memory_space<vmem>>, vector<16xf32>,
      %add3A_97 = arith.constant 1539 : i32
      %add3A_98 = arith.addi %add3A_97, %mul3A_70 : i32
      %swap3A_99 = arith.index_cast %add3A_98 : i32 to index
      %swap3A_100 = tpu.vector_load %arg9[%swap3A_99] {strides = array<i32>} : memref<16416xf32, #tpu.memory_space<vmem>>, vector<16xf32>,
      tpu.vector_store %arg9[%swap3A_99], %get3A_96 {strides = array<i32>} : memref<16416xf32, #tpu.memory_space<vmem>>, vector<16xf32>,
      %get3A_101 = arith.constant 4 : i32
      %get3A_102 = arith.index_cast %get3A_101 : i32 to index
      %get3A_103 = arith.index_cast %mul3A_70 : i32 to index
      %get3A_104 = tpu.vector_load %arg5[%get3A_102, %get3A_103] {strides = array<i32>} : memref<32x512xf32, #tpu.memory_space<vmem>>, vector<16xf32>,
      %add3A_105 = arith.constant 2052 : i32
      %add3A_106 = arith.addi %add3A_105, %mul3A_70 : i32
      %swap3A_107 = arith.index_cast %add3A_106 : i32 to index
      %swap3A_108 = tpu.vector_load %arg9[%swap3A_107] {strides = array<i32>} : memref<16416xf32, #tpu.memory_space<vmem>>, vector<16xf32>,
      tpu.vector_store %arg9[%swap3A_107], %get3A_104 {strides = array<i32>} : memref<16416xf32, #tpu.memory_space<vmem>>, vector<16xf32>,
      %get3A_109 = arith.constant 5 : i32
      %get3A_110 = arith.index_cast %get3A_109 : i32 to index
      %get3A_111 = arith.index_cast %mul3A_70 : i32 to index
      %get3A_112 = tpu.vector_load %arg5[%get3A_110, %get3A_111] {strides = array<i32>} : memref<32x512xf32, #tpu.memory_space<vmem>>, vector<16xf32>,
      %add3A_113 = arith.constant 2565 : i32
      %add3A_114 = arith.addi %add3A_113, %mul3A_70 : i32
      %swap3A_115 = arith.index_cast %add3A_114 : i32 to index
      %swap3A_116 = tpu.vector_load %arg9[%swap3A_115] {strides = array<i32>} : memref<16416xf32, #tpu.memory_space<vmem>>, vector<16xf32>,
      tpu.vector_store %arg9[%swap3A_115], %get3A_112 {strides = array<i32>} : memref<16416xf32, #tpu.memory_space<vmem>>, vector<16xf32>,
      %get3A_117 = arith.constant 6 : i32
      %get3A_118 = arith.index_cast %get3A_117 : i32 to index
      %get3A_119 = arith.index_cast %mul3A_70 : i32 to index
      %get3A_120 = tpu.vector_load %arg5[%get3A_118, %get3A_119] {strides = array<i32>} : memref<32x512xf32, #tpu.memory_space<vmem>>, vector<16xf32>,
      %add3A_121 = arith.constant 3078 : i32
      %add3A_122 = arith.addi %add3A_121, %mul3A_70 : i32
      %swap3A_123 = arith.index_cast %add3A_122 : i32 to index
      %swap3A_124 = tpu.vector_load %arg9[%swap3A_123] {strides = array<i32>} : memref<16416xf32, #tpu.memory_space<vmem>>, vector<16xf32>,
      tpu.vector_store %arg9[%swap3A_123], %get3A_120 {strides = array<i32>} : memref<16416xf32, #tpu.memory_space<vmem>>, vector<16xf32>,
      %get3A_125 = arith.constant 7 : i32
      %get3A_126 = arith.index_cast %get3A_125 : i32 to index
      %get3A_127 = arith.index_cast %mul3A_70 : i32 to index
      %get3A_128 = tpu.vector_load %arg5[%get3A_126, %get3A_127] {strides = array<i32>} : memref<32x512xf32, #tpu.memory_space<vmem>>, vector<16xf32>,
      %add3A_129 = arith.constant 3591 : i32
      %add3A_130 = arith.addi %add3A_129, %mul3A_70 : i32
      %swap3A_131 = arith.index_cast %add3A_130 : i32 to index
      %swap3A_132 = tpu.vector_load %arg9[%swap3A_131] {strides = array<i32>} : memref<16416xf32, #tpu.memory_space<vmem>>, vector<16xf32>,
      tpu.vector_store %arg9[%swap3A_131], %get3A_128 {strides = array<i32>} : memref<16416xf32, #tpu.memory_space<vmem>>, vector<16xf32>,
      %get3A_133 = arith.constant 8 : i32
      %get3A_134 = arith.index_cast %get3A_133 : i32 to index
      %get3A_135 = arith.index_cast %mul3A_70 : i32 to index
      %get3A_136 = tpu.vector_load %arg5[%get3A_134, %get3A_135] {strides = array<i32>} : memref<32x512xf32, #tpu.memory_space<vmem>>, vector<16xf32>,
      %add3A_137 = arith.constant 4104 : i32
      %add3A_138 = arith.addi %add3A_137, %mul3A_70 : i32
      %swap3A_139 = arith.index_cast %add3A_138 : i32 to index
      %swap3A_140 = tpu.vector_load %arg9[%swap3A_139] {strides = array<i32>} : memref<16416xf32, #tpu.memory_space<vmem>>, vector<16xf32>,
      tpu.vector_store %arg9[%swap3A_139], %get3A_136 {strides = array<i32>} : memref<16416xf32, #tpu.memory_space<vmem>>, vector<16xf32>,
      %get3A_141 = arith.constant 9 : i32
      %get3A_142 = arith.index_cast %get3A_141 : i32 to index
      %get3A_143 = arith.index_cast %mul3A_70 : i32 to index
      %get3A_144 = tpu.vector_load %arg5[%get3A_142, %get3A_143] {strides = array<i32>} : memref<32x512xf32, #tpu.memory_space<vmem>>, vector<16xf32>,
      %add3A_145 = arith.constant 4617 : i32
      %add3A_146 = arith.addi %add3A_145, %mul3A_70 : i32
      %swap3A_147 = arith.index_cast %add3A_146 : i32 to index
      %swap3A_148 = tpu.vector_load %arg9[%swap3A_147] {strides = array<i32>} : memref<16416xf32, #tpu.memory_space<vmem>>, vector<16xf32>,
      tpu.vector_store %arg9[%swap3A_147], %get3A_144 {strides = array<i32>} : memref<16416xf32, #tpu.memory_space<vmem>>, vector<16xf32>,
      %get3A_149 = arith.constant 10 : i32
      %get3A_150 = arith.index_cast %get3A_149 : i32 to index
      %get3A_151 = arith.index_cast %mul3A_70 : i32 to index
      %get3A_152 = tpu.vector_load %arg5[%get3A_150, %get3A_151] {strides = array<i32>} : memref<32x512xf32, #tpu.memory_space<vmem>>, vector<16xf32>,
      %add3A_153 = arith.constant 5130 : i32
      %add3A_154 = arith.addi %add3A_153, %mul3A_70 : i32
      %swap3A_155 = arith.index_cast %add3A_154 : i32 to index
      %swap3A_156 = tpu.vector_load %arg9[%swap3A_155] {strides = array<i32>} : memref<16416xf32, #tpu.memory_space<vmem>>, vector<16xf32>,
      tpu.vector_store %arg9[%swap3A_155], %get3A_152 {strides = array<i32>} : memref<16416xf32, #tpu.memory_space<vmem>>, vector<16xf32>,
      %get3A_157 = arith.constant 11 : i32
      %get3A_158 = arith.index_cast %get3A_157 : i32 to index
      %get3A_159 = arith.index_cast %mul3A_70 : i32 to index
      %get3A_160 = tpu.vector_load %arg5[%get3A_158, %get3A_159] {strides = array<i32>} : memref<32x512xf32, #tpu.memory_space<vmem>>, vector<16xf32>,
      %add3A_161 = arith.constant 5643 : i32
      %add3A_162 = arith.addi %add3A_161, %mul3A_70 : i32
      %swap3A_163 = arith.index_cast %add3A_162 : i32 to index
      %swap3A_164 = tpu.vector_load %arg9[%swap3A_163] {strides = array<i32>} : memref<16416xf32, #tpu.memory_space<vmem>>, vector<16xf32>,
      tpu.vector_store %arg9[%swap3A_163], %get3A_160 {strides = array<i32>} : memref<16416xf32, #tpu.memory_space<vmem>>, vector<16xf32>,
      %get3A_165 = arith.constant 12 : i32
      %get3A_166 = arith.index_cast %get3A_165 : i32 to index
      %get3A_167 = arith.index_cast %mul3A_70 : i32 to index
      %get3A_168 = tpu.vector_load %arg5[%get3A_166, %get3A_167] {strides = array<i32>} : memref<32x512xf32, #tpu.memory_space<vmem>>, vector<16xf32>,
      %add3A_169 = arith.constant 6156 : i32
      %add3A_170 = arith.addi %add3A_169, %mul3A_70 : i32
      %swap3A_171 = arith.index_cast %add3A_170 : i32 to index
      %swap3A_172 = tpu.vector_load %arg9[%swap3A_171] {strides = array<i32>} : memref<16416xf32, #tpu.memory_space<vmem>>, vector<16xf32>,
      tpu.vector_store %arg9[%swap3A_171], %get3A_168 {strides = array<i32>} : memref<16416xf32, #tpu.memory_space<vmem>>, vector<16xf32>,
      %get3A_173 = arith.constant 13 : i32
      %get3A_174 = arith.index_cast %get3A_173 : i32 to index
      %get3A_175 = arith.index_cast %mul3A_70 : i32 to index
      %get3A_176 = tpu.vector_load %arg5[%get3A_174, %get3A_175] {strides = array<i32>} : memref<32x512xf32, #tpu.memory_space<vmem>>, vector<16xf32>,
      %add3A_177 = arith.constant 6669 : i32
      %add3A_178 = arith.addi %add3A_177, %mul3A_70 : i32
      %swap3A_179 = arith.index_cast %add3A_178 : i32 to index
      %swap3A_180 = tpu.vector_load %arg9[%swap3A_179] {strides = array<i32>} : memref<16416xf32, #tpu.memory_space<vmem>>, vector<16xf32>,
      tpu.vector_store %arg9[%swap3A_179], %get3A_176 {strides = array<i32>} : memref<16416xf32, #tpu.memory_space<vmem>>, vector<16xf32>,
      %get3A_181 = arith.constant 14 : i32
      %get3A_182 = arith.index_cast %get3A_181 : i32 to index
      %get3A_183 = arith.index_cast %mul3A_70 : i32 to index
      %get3A_184 = tpu.vector_load %arg5[%get3A_182, %get3A_183] {strides = array<i32>} : memref<32x512xf32, #tpu.memory_space<vmem>>, vector<16xf32>,
      %add3A_185 = arith.constant 7182 : i32
      %add3A_186 = arith.addi %add3A_185, %mul3A_70 : i32
      %swap3A_187 = arith.index_cast %add3A_186 : i32 to index
      %swap3A_188 = tpu.vector_load %arg9[%swap3A_187] {strides = array<i32>} : memref<16416xf32, #tpu.memory_space<vmem>>, vector<16xf32>,
      tpu.vector_store %arg9[%swap3A_187], %get3A_184 {strides = array<i32>} : memref<16416xf32, #tpu.memory_space<vmem>>, vector<16xf32>,
      %get3A_189 = arith.constant 15 : i32
      %get3A_190 = arith.index_cast %get3A_189 : i32 to index
      %get3A_191 = arith.index_cast %mul3A_70 : i32 to index
      %get3A_192 = tpu.vector_load %arg5[%get3A_190, %get3A_191] {strides = array<i32>} : memref<32x512xf32, #tpu.memory_space<vmem>>, vector<16xf32>,
      %add3A_193 = arith.constant 7695 : i32
      %add3A_194 = arith.addi %add3A_193, %mul3A_70 : i32
      %swap3A_195 = arith.index_cast %add3A_194 : i32 to index
      %swap3A_196 = tpu.vector_load %arg9[%swap3A_195] {strides = array<i32>} : memref<16416xf32, #tpu.memory_space<vmem>>, vector<16xf32>,
      tpu.vector_store %arg9[%swap3A_195], %get3A_192 {strides = array<i32>} : memref<16416xf32, #tpu.memory_space<vmem>>, vector<16xf32>,
      %get3A_197 = arith.constant 16 : i32
      %get3A_198 = arith.index_cast %get3A_197 : i32 to index
      %get3A_199 = arith.index_cast %mul3A_70 : i32 to index
      %get3A_200 = tpu.vector_load %arg5[%get3A_198, %get3A_199] {strides = array<i32>} : memref<32x512xf32, #tpu.memory_space<vmem>>, vector<16xf32>,
      %add3A_201 = arith.constant 8208 : i32
      %add3A_202 = arith.addi %add3A_201, %mul3A_70 : i32
      %swap3A_203 = arith.index_cast %add3A_202 : i32 to index
      %swap3A_204 = tpu.vector_load %arg9[%swap3A_203] {strides = array<i32>} : memref<16416xf32, #tpu.memory_space<vmem>>, vector<16xf32>,
      tpu.vector_store %arg9[%swap3A_203], %get3A_200 {strides = array<i32>} : memref<16416xf32, #tpu.memory_space<vmem>>, vector<16xf32>,
      %get3A_205 = arith.constant 17 : i32
      %get3A_206 = arith.index_cast %get3A_205 : i32 to index
      %get3A_207 = arith.index_cast %mul3A_70 : i32 to index
      %get3A_208 = tpu.vector_load %arg5[%get3A_206, %get3A_207] {strides = array<i32>} : memref<32x512xf32, #tpu.memory_space<vmem>>, vector<16xf32>,
      %add3A_209 = arith.constant 8721 : i32
      %add3A_210 = arith.addi %add3A_209, %mul3A_70 : i32
      %swap3A_211 = arith.index_cast %add3A_210 : i32 to index
      %swap3A_212 = tpu.vector_load %arg9[%swap3A_211] {strides = array<i32>} : memref<16416xf32, #tpu.memory_space<vmem>>, vector<16xf32>,
      tpu.vector_store %arg9[%swap3A_211], %get3A_208 {strides = array<i32>} : memref<16416xf32, #tpu.memory_space<vmem>>, vector<16xf32>,
      %get3A_213 = arith.constant 18 : i32
      %get3A_214 = arith.index_cast %get3A_213 : i32 to index
      %get3A_215 = arith.index_cast %mul3A_70 : i32 to index
      %get3A_216 = tpu.vector_load %arg5[%get3A_214, %get3A_215] {strides = array<i32>} : memref<32x512xf32, #tpu.memory_space<vmem>>, vector<16xf32>,
      %add3A_217 = arith.constant 9234 : i32
      %add3A_218 = arith.addi %add3A_217, %mul3A_70 : i32
      %swap3A_219 = arith.index_cast %add3A_218 : i32 to index
      %swap3A_220 = tpu.vector_load %arg9[%swap3A_219] {strides = array<i32>} : memref<16416xf32, #tpu.memory_space<vmem>>, vector<16xf32>,
      tpu.vector_store %arg9[%swap3A_219], %get3A_216 {strides = array<i32>} : memref<16416xf32, #tpu.memory_space<vmem>>, vector<16xf32>,
      %get3A_221 = arith.constant 19 : i32
      %get3A_222 = arith.index_cast %get3A_221 : i32 to index
      %get3A_223 = arith.index_cast %mul3A_70 : i32 to index
      %get3A_224 = tpu.vector_load %arg5[%get3A_222, %get3A_223] {strides = array<i32>} : memref<32x512xf32, #tpu.memory_space<vmem>>, vector<16xf32>,
      %add3A_225 = arith.constant 9747 : i32
      %add3A_226 = arith.addi %add3A_225, %mul3A_70 : i32
      %swap3A_227 = arith.index_cast %add3A_226 : i32 to index
      %swap3A_228 = tpu.vector_load %arg9[%swap3A_227] {strides = array<i32>} : memref<16416xf32, #tpu.memory_space<vmem>>, vector<16xf32>,
      tpu.vector_store %arg9[%swap3A_227], %get3A_224 {strides = array<i32>} : memref<16416xf32, #tpu.memory_space<vmem>>, vector<16xf32>,
      %get3A_229 = arith.constant 20 : i32
      %get3A_230 = arith.index_cast %get3A_229 : i32 to index
      %get3A_231 = arith.index_cast %mul3A_70 : i32 to index
      %get3A_232 = tpu.vector_load %arg5[%get3A_230, %get3A_231] {strides = array<i32>} : memref<32x512xf32, #tpu.memory_space<vmem>>, vector<16xf32>,
      %add3A_233 = arith.constant 10260 : i32
      %add3A_234 = arith.addi %add3A_233, %mul3A_70 : i32
      %swap3A_235 = arith.index_cast %add3A_234 : i32 to index
      %swap3A_236 = tpu.vector_load %arg9[%swap3A_235] {strides = array<i32>} : memref<16416xf32, #tpu.memory_space<vmem>>, vector<16xf32>,
      tpu.vector_store %arg9[%swap3A_235], %get3A_232 {strides = array<i32>} : memref<16416xf32, #tpu.memory_space<vmem>>, vector<16xf32>,
      %get3A_237 = arith.constant 21 : i32
      %get3A_238 = arith.index_cast %get3A_237 : i32 to index
      %get3A_239 = arith.index_cast %mul3A_70 : i32 to index
      %get3A_240 = tpu.vector_load %arg5[%get3A_238, %get3A_239] {strides = array<i32>} : memref<32x512xf32, #tpu.memory_space<vmem>>, vector<16xf32>,
      %add3A_241 = arith.constant 10773 : i32
      %add3A_242 = arith.addi %add3A_241, %mul3A_70 : i32
      %swap3A_243 = arith.index_cast %add3A_242 : i32 to index
      %swap3A_244 = tpu.vector_load %arg9[%swap3A_243] {strides = array<i32>} : memref<16416xf32, #tpu.memory_space<vmem>>, vector<16xf32>,
      tpu.vector_store %arg9[%swap3A_243], %get3A_240 {strides = array<i32>} : memref<16416xf32, #tpu.memory_space<vmem>>, vector<16xf32>,
      %get3A_245 = arith.constant 22 : i32
      %get3A_246 = arith.index_cast %get3A_245 : i32 to index
      %get3A_247 = arith.index_cast %mul3A_70 : i32 to index
      %get3A_248 = tpu.vector_load %arg5[%get3A_246, %get3A_247] {strides = array<i32>} : memref<32x512xf32, #tpu.memory_space<vmem>>, vector<16xf32>,
      %add3A_249 = arith.constant 11286 : i32
      %add3A_250 = arith.addi %add3A_249, %mul3A_70 : i32
      %swap3A_251 = arith.index_cast %add3A_250 : i32 to index
      %swap3A_252 = tpu.vector_load %arg9[%swap3A_251] {strides = array<i32>} : memref<16416xf32, #tpu.memory_space<vmem>>, vector<16xf32>,
      tpu.vector_store %arg9[%swap3A_251], %get3A_248 {strides = array<i32>} : memref<16416xf32, #tpu.memory_space<vmem>>, vector<16xf32>,
      %get3A_253 = arith.constant 23 : i32
      %get3A_254 = arith.index_cast %get3A_253 : i32 to index
      %get3A_255 = arith.index_cast %mul3A_70 : i32 to index
      %get3A_256 = tpu.vector_load %arg5[%get3A_254, %get3A_255] {strides = array<i32>} : memref<32x512xf32, #tpu.memory_space<vmem>>, vector<16xf32>,
      %add3A_257 = arith.constant 11799 : i32
      %add3A_258 = arith.addi %add3A_257, %mul3A_70 : i32
      %swap3A_259 = arith.index_cast %add3A_258 : i32 to index
      %swap3A_260 = tpu.vector_load %arg9[%swap3A_259] {strides = array<i32>} : memref<16416xf32, #tpu.memory_space<vmem>>, vector<16xf32>,
      tpu.vector_store %arg9[%swap3A_259], %get3A_256 {strides = array<i32>} : memref<16416xf32, #tpu.memory_space<vmem>>, vector<16xf32>,
      %get3A_261 = arith.constant 24 : i32
      %get3A_262 = arith.index_cast %get3A_261 : i32 to index
      %get3A_263 = arith.index_cast %mul3A_70 : i32 to index
      %get3A_264 = tpu.vector_load %arg5[%get3A_262, %get3A_263] {strides = array<i32>} : memref<32x512xf32, #tpu.memory_space<vmem>>, vector<16xf32>,
      %add3A_265 = arith.constant 12312 : i32
      %add3A_266 = arith.addi %add3A_265, %mul3A_70 : i32
      %swap3A_267 = arith.index_cast %add3A_266 : i32 to index
      %swap3A_268 = tpu.vector_load %arg9[%swap3A_267] {strides = array<i32>} : memref<16416xf32, #tpu.memory_space<vmem>>, vector<16xf32>,
      tpu.vector_store %arg9[%swap3A_267], %get3A_264 {strides = array<i32>} : memref<16416xf32, #tpu.memory_space<vmem>>, vector<16xf32>,
      %get3A_269 = arith.constant 25 : i32
      %get3A_270 = arith.index_cast %get3A_269 : i32 to index
      %get3A_271 = arith.index_cast %mul3A_70 : i32 to index
      %get3A_272 = tpu.vector_load %arg5[%get3A_270, %get3A_271] {strides = array<i32>} : memref<32x512xf32, #tpu.memory_space<vmem>>, vector<16xf32>,
      %add3A_273 = arith.constant 12825 : i32
      %add3A_274 = arith.addi %add3A_273, %mul3A_70 : i32
      %swap3A_275 = arith.index_cast %add3A_274 : i32 to index
      %swap3A_276 = tpu.vector_load %arg9[%swap3A_275] {strides = array<i32>} : memref<16416xf32, #tpu.memory_space<vmem>>, vector<16xf32>,
      tpu.vector_store %arg9[%swap3A_275], %get3A_272 {strides = array<i32>} : memref<16416xf32, #tpu.memory_space<vmem>>, vector<16xf32>,
      %get3A_277 = arith.constant 26 : i32
      %get3A_278 = arith.index_cast %get3A_277 : i32 to index
      %get3A_279 = arith.index_cast %mul3A_70 : i32 to index
      %get3A_280 = tpu.vector_load %arg5[%get3A_278, %get3A_279] {strides = array<i32>} : memref<32x512xf32, #tpu.memory_space<vmem>>, vector<16xf32>,
      %add3A_281 = arith.constant 13338 : i32
      %add3A_282 = arith.addi %add3A_281, %mul3A_70 : i32
      %swap3A_283 = arith.index_cast %add3A_282 : i32 to index
      %swap3A_284 = tpu.vector_load %arg9[%swap3A_283] {strides = array<i32>} : memref<16416xf32, #tpu.memory_space<vmem>>, vector<16xf32>,
      tpu.vector_store %arg9[%swap3A_283], %get3A_280 {strides = array<i32>} : memref<16416xf32, #tpu.memory_space<vmem>>, vector<16xf32>,
      %get3A_285 = arith.constant 27 : i32
      %get3A_286 = arith.index_cast %get3A_285 : i32 to index
      %get3A_287 = arith.index_cast %mul3A_70 : i32 to index
      %get3A_288 = tpu.vector_load %arg5[%get3A_286, %get3A_287] {strides = array<i32>} : memref<32x512xf32, #tpu.memory_space<vmem>>, vector<16xf32>,
      %add3A_289 = arith.constant 13851 : i32
      %add3A_290 = arith.addi %add3A_289, %mul3A_70 : i32
      %swap3A_291 = arith.index_cast %add3A_290 : i32 to index
      %swap3A_292 = tpu.vector_load %arg9[%swap3A_291] {strides = array<i32>} : memref<16416xf32, #tpu.memory_space<vmem>>, vector<16xf32>,
      tpu.vector_store %arg9[%swap3A_291], %get3A_288 {strides = array<i32>} : memref<16416xf32, #tpu.memory_space<vmem>>, vector<16xf32>,
      %get3A_293 = arith.constant 28 : i32
      %get3A_294 = arith.index_cast %get3A_293 : i32 to index
      %get3A_295 = arith.index_cast %mul3A_70 : i32 to index
      %get3A_296 = tpu.vector_load %arg5[%get3A_294, %get3A_295] {strides = array<i32>} : memref<32x512xf32, #tpu.memory_space<vmem>>, vector<16xf32>,
      %add3A_297 = arith.constant 14364 : i32
      %add3A_298 = arith.addi %add3A_297, %mul3A_70 : i32
      %swap3A_299 = arith.index_cast %add3A_298 : i32 to index
      %swap3A_300 = tpu.vector_load %arg9[%swap3A_299] {strides = array<i32>} : memref<16416xf32, #tpu.memory_space<vmem>>, vector<16xf32>,
      tpu.vector_store %arg9[%swap3A_299], %get3A_296 {strides = array<i32>} : memref<16416xf32, #tpu.memory_space<vmem>>, vector<16xf32>,
      %get3A_301 = arith.constant 29 : i32
      %get3A_302 = arith.index_cast %get3A_301 : i32 to index
      %get3A_303 = arith.index_cast %mul3A_70 : i32 to index
      %get3A_304 = tpu.vector_load %arg5[%get3A_302, %get3A_303] {strides = array<i32>} : memref<32x512xf32, #tpu.memory_space<vmem>>, vector<16xf32>,
      %add3A_305 = arith.constant 14877 : i32
      %add3A_306 = arith.addi %add3A_305, %mul3A_70 : i32
      %swap3A_307 = arith.index_cast %add3A_306 : i32 to index
      %swap3A_308 = tpu.vector_load %arg9[%swap3A_307] {strides = array<i32>} : memref<16416xf32, #tpu.memory_space<vmem>>, vector<16xf32>,
      tpu.vector_store %arg9[%swap3A_307], %get3A_304 {strides = array<i32>} : memref<16416xf32, #tpu.memory_space<vmem>>, vector<16xf32>,
      %get3A_309 = arith.constant 30 : i32
      %get3A_310 = arith.index_cast %get3A_309 : i32 to index
      %get3A_311 = arith.index_cast %mul3A_70 : i32 to index
      %get3A_312 = tpu.vector_load %arg5[%get3A_310, %get3A_311] {strides = array<i32>} : memref<32x512xf32, #tpu.memory_space<vmem>>, vector<16xf32>,
      %add3A_313 = arith.constant 15390 : i32
      %add3A_314 = arith.addi %add3A_313, %mul3A_70 : i32
      %swap3A_315 = arith.index_cast %add3A_314 : i32 to index
      %swap3A_316 = tpu.vector_load %arg9[%swap3A_315] {strides = array<i32>} : memref<16416xf32, #tpu.memory_space<vmem>>, vector<16xf32>,
      tpu.vector_store %arg9[%swap3A_315], %get3A_312 {strides = array<i32>} : memref<16416xf32, #tpu.memory_space<vmem>>, vector<16xf32>,
      %get3A_317 = arith.constant 31 : i32
      %get3A_318 = arith.index_cast %get3A_317 : i32 to index
      %get3A_319 = arith.index_cast %mul3A_70 : i32 to index
      %get3A_320 = tpu.vector_load %arg5[%get3A_318, %get3A_319] {strides = array<i32>} : memref<32x512xf32, #tpu.memory_space<vmem>>, vector<16xf32>,
      %add3A_321 = arith.constant 15903 : i32
      %add3A_322 = arith.addi %add3A_321, %mul3A_70 : i32
      %swap3A_323 = arith.index_cast %add3A_322 : i32 to index
      %swap3A_324 = tpu.vector_load %arg9[%swap3A_323] {strides = array<i32>} : memref<16416xf32, #tpu.memory_space<vmem>>, vector<16xf32>,
      tpu.vector_store %arg9[%swap3A_323], %get3A_320 {strides = array<i32>} : memref<16416xf32, #tpu.memory_space<vmem>>, vector<16xf32>,
    }
    %scan3A_34 = arith.constant 32 : i32
    %scan3A_35 = arith.constant 0 : i32
    %scan3A_36 = arith.constant 0 : i32
    %scan3A_37 = arith.constant 64 : i32
    %scan3A_38 = arith.addi %scan3A_36, %scan3A_37 : i32
    %scan3A_39 = arith.constant 1 : i32
    scf.for %scan3A_68 = %scan3A_36 to %scan3A_38 step %scan3A_39  : i32 {
      %mul3A_69 = arith.constant 8 : i32
      %mul3A_70 = arith.muli %scan3A_68, %mul3A_69 : i32
      %add3A_71 = arith.constant 0 : i32
      %add3A_72 = arith.addi %mul3A_70, %add3A_71 : i32
      %add3A_73 = vector.broadcast %add3A_72 : i32 to vector<16xi32>
      %add3A_74 = arith.addi %mul3A_3, %add3A_73 : vector<16xi32>
      %gather3A = tpu.vector_load_idx %arg9[%add3A_74] : memref<16416xf32, #tpu.memory_space<vmem>>[vector<16xi32>], vector<16xf32>,
      %add3A_75 = arith.constant 8208 : i32
      %add3A_76 = vector.broadcast %add3A_75 : i32 to vector<16xi32>
      %add3A_77 = arith.addi %add3A_74, %add3A_76 : vector<16xi32>
      %gather3A_78 = tpu.vector_load_idx %arg9[%add3A_77] : memref<16416xf32, #tpu.memory_space<vmem>>[vector<16xi32>], vector<16xf32>,
      %mul3A_79 = arith.constant 32 : i32
      %mul3A_80 = arith.muli %add3A_72, %mul3A_79 : i32
      %swap3A = arith.index_cast %mul3A_80 : i32 to index
      %swap3A_81 = tpu.vector_load %arg7[%swap3A] {strides = array<i32>} : memref<16384xf32, #tpu.memory_space<vmem>>, vector<16xf32>,
      tpu.vector_store %arg7[%swap3A], %gather3A {strides = array<i32>} : memref<16384xf32, #tpu.memory_space<vmem>>, vector<16xf32>,
      %mul3A_82 = arith.constant 32 : i32
      %mul3A_83 = arith.muli %add3A_72, %mul3A_82 : i32
      %add3A_84 = arith.constant 16 : i32
      %add3A_85 = arith.addi %mul3A_83, %add3A_84 : i32
      %swap3A_86 = arith.index_cast %add3A_85 : i32 to index
      %swap3A_87 = tpu.vector_load %arg7[%swap3A_86] {strides = array<i32>} : memref<16384xf32, #tpu.memory_space<vmem>>, vector<16xf32>,
      tpu.vector_store %arg7[%swap3A_86], %gather3A_78 {strides = array<i32>} : memref<16384xf32, #tpu.memory_space<vmem>>, vector<16xf32>,
      %add3A_88 = arith.constant 1 : i32
      %add3A_89 = arith.addi %mul3A_70, %add3A_88 : i32
      %add3A_90 = vector.broadcast %add3A_89 : i32 to vector<16xi32>
      %add3A_91 = arith.addi %mul3A_3, %add3A_90 : vector<16xi32>
      %gather3A_92 = tpu.vector_load_idx %arg9[%add3A_91] : memref<16416xf32, #tpu.memory_space<vmem>>[vector<16xi32>], vector<16xf32>,
      %add3A_93 = arith.constant 8208 : i32
      %add3A_94 = vector.broadcast %add3A_93 : i32 to vector<16xi32>
      %add3A_95 = arith.addi %add3A_91, %add3A_94 : vector<16xi32>
      %gather3A_96 = tpu.vector_load_idx %arg9[%add3A_95] : memref<16416xf32, #tpu.memory_space<vmem>>[vector<16xi32>], vector<16xf32>,
      %mul3A_97 = arith.constant 32 : i32
      %mul3A_98 = arith.muli %add3A_89, %mul3A_97 : i32
      %swap3A_99 = arith.index_cast %mul3A_98 : i32 to index
      %swap3A_100 = tpu.vector_load %arg7[%swap3A_99] {strides = array<i32>} : memref<16384xf32, #tpu.memory_space<vmem>>, vector<16xf32>,
      tpu.vector_store %arg7[%swap3A_99], %gather3A_92 {strides = array<i32>} : memref<16384xf32, #tpu.memory_space<vmem>>, vector<16xf32>,
      %mul3A_101 = arith.constant 32 : i32
      %mul3A_102 = arith.muli %add3A_89, %mul3A_101 : i32
      %add3A_103 = arith.constant 16 : i32
      %add3A_104 = arith.addi %mul3A_102, %add3A_103 : i32
      %swap3A_105 = arith.index_cast %add3A_104 : i32 to index
      %swap3A_106 = tpu.vector_load %arg7[%swap3A_105] {strides = array<i32>} : memref<16384xf32, #tpu.memory_space<vmem>>, vector<16xf32>,
      tpu.vector_store %arg7[%swap3A_105], %gather3A_96 {strides = array<i32>} : memref<16384xf32, #tpu.memory_space<vmem>>, vector<16xf32>,
      %add3A_107 = arith.constant 2 : i32
      %add3A_108 = arith.addi %mul3A_70, %add3A_107 : i32
      %add3A_109 = vector.broadcast %add3A_108 : i32 to vector<16xi32>
      %add3A_110 = arith.addi %mul3A_3, %add3A_109 : vector<16xi32>
      %gather3A_111 = tpu.vector_load_idx %arg9[%add3A_110] : memref<16416xf32, #tpu.memory_space<vmem>>[vector<16xi32>], vector<16xf32>,
      %add3A_112 = arith.constant 8208 : i32
      %add3A_113 = vector.broadcast %add3A_112 : i32 to vector<16xi32>
      %add3A_114 = arith.addi %add3A_110, %add3A_113 : vector<16xi32>
      %gather3A_115 = tpu.vector_load_idx %arg9[%add3A_114] : memref<16416xf32, #tpu.memory_space<vmem>>[vector<16xi32>], vector<16xf32>,
      %mul3A_116 = arith.constant 32 : i32
      %mul3A_117 = arith.muli %add3A_108, %mul3A_116 : i32
      %swap3A_118 = arith.index_cast %mul3A_117 : i32 to index
      %swap3A_119 = tpu.vector_load %arg7[%swap3A_118] {strides = array<i32>} : memref<16384xf32, #tpu.memory_space<vmem>>, vector<16xf32>,
      tpu.vector_store %arg7[%swap3A_118], %gather3A_111 {strides = array<i32>} : memref<16384xf32, #tpu.memory_space<vmem>>, vector<16xf32>,
      %mul3A_120 = arith.constant 32 : i32
      %mul3A_121 = arith.muli %add3A_108, %mul3A_120 : i32
      %add3A_122 = arith.constant 16 : i32
      %add3A_123 = arith.addi %mul3A_121, %add3A_122 : i32
      %swap3A_124 = arith.index_cast %add3A_123 : i32 to index
      %swap3A_125 = tpu.vector_load %arg7[%swap3A_124] {strides = array<i32>} : memref<16384xf32, #tpu.memory_space<vmem>>, vector<16xf32>,
      tpu.vector_store %arg7[%swap3A_124], %gather3A_115 {strides = array<i32>} : memref<16384xf32, #tpu.memory_space<vmem>>, vector<16xf32>,
      %add3A_126 = arith.constant 3 : i32
      %add3A_127 = arith.addi %mul3A_70, %add3A_126 : i32
      %add3A_128 = vector.broadcast %add3A_127 : i32 to vector<16xi32>
      %add3A_129 = arith.addi %mul3A_3, %add3A_128 : vector<16xi32>
      %gather3A_130 = tpu.vector_load_idx %arg9[%add3A_129] : memref<16416xf32, #tpu.memory_space<vmem>>[vector<16xi32>], vector<16xf32>,
      %add3A_131 = arith.constant 8208 : i32
      %add3A_132 = vector.broadcast %add3A_131 : i32 to vector<16xi32>
      %add3A_133 = arith.addi %add3A_129, %add3A_132 : vector<16xi32>
      %gather3A_134 = tpu.vector_load_idx %arg9[%add3A_133] : memref<16416xf32, #tpu.memory_space<vmem>>[vector<16xi32>], vector<16xf32>,
      %mul3A_135 = arith.constant 32 : i32
      %mul3A_136 = arith.muli %add3A_127, %mul3A_135 : i32
      %swap3A_137 = arith.index_cast %mul3A_136 : i32 to index
      %swap3A_138 = tpu.vector_load %arg7[%swap3A_137] {strides = array<i32>} : memref<16384xf32, #tpu.memory_space<vmem>>, vector<16xf32>,
      tpu.vector_store %arg7[%swap3A_137], %gather3A_130 {strides = array<i32>} : memref<16384xf32, #tpu.memory_space<vmem>>, vector<16xf32>,
      %mul3A_139 = arith.constant 32 : i32
      %mul3A_140 = arith.muli %add3A_127, %mul3A_139 : i32
      %add3A_141 = arith.constant 16 : i32
      %add3A_142 = arith.addi %mul3A_140, %add3A_141 : i32
      %swap3A_143 = arith.index_cast %add3A_142 : i32 to index
      %swap3A_144 = tpu.vector_load %arg7[%swap3A_143] {strides = array<i32>} : memref<16384xf32, #tpu.memory_space<vmem>>, vector<16xf32>,
      tpu.vector_store %arg7[%swap3A_143], %gather3A_134 {strides = array<i32>} : memref<16384xf32, #tpu.memory_space<vmem>>, vector<16xf32>,
      %add3A_145 = arith.constant 4 : i32
      %add3A_146 = arith.addi %mul3A_70, %add3A_145 : i32
      %add3A_147 = vector.broadcast %add3A_146 : i32 to vector<16xi32>
      %add3A_148 = arith.addi %mul3A_3, %add3A_147 : vector<16xi32>
      %gather3A_149 = tpu.vector_load_idx %arg9[%add3A_148] : memref<16416xf32, #tpu.memory_space<vmem>>[vector<16xi32>], vector<16xf32>,
      %add3A_150 = arith.constant 8208 : i32
      %add3A_151 = vector.broadcast %add3A_150 : i32 to vector<16xi32>
      %add3A_152 = arith.addi %add3A_148, %add3A_151 : vector<16xi32>
      %gather3A_153 = tpu.vector_load_idx %arg9[%add3A_152] : memref<16416xf32, #tpu.memory_space<vmem>>[vector<16xi32>], vector<16xf32>,
      %mul3A_154 = arith.constant 32 : i32
      %mul3A_155 = arith.muli %add3A_146, %mul3A_154 : i32
      %swap3A_156 = arith.index_cast %mul3A_155 : i32 to index
      %swap3A_157 = tpu.vector_load %arg7[%swap3A_156] {strides = array<i32>} : memref<16384xf32, #tpu.memory_space<vmem>>, vector<16xf32>,
      tpu.vector_store %arg7[%swap3A_156], %gather3A_149 {strides = array<i32>} : memref<16384xf32, #tpu.memory_space<vmem>>, vector<16xf32>,
      %mul3A_158 = arith.constant 32 : i32
      %mul3A_159 = arith.muli %add3A_146, %mul3A_158 : i32
      %add3A_160 = arith.constant 16 : i32
      %add3A_161 = arith.addi %mul3A_159, %add3A_160 : i32
      %swap3A_162 = arith.index_cast %add3A_161 : i32 to index
      %swap3A_163 = tpu.vector_load %arg7[%swap3A_162] {strides = array<i32>} : memref<16384xf32, #tpu.memory_space<vmem>>, vector<16xf32>,
      tpu.vector_store %arg7[%swap3A_162], %gather3A_153 {strides = array<i32>} : memref<16384xf32, #tpu.memory_space<vmem>>, vector<16xf32>,
      %add3A_164 = arith.constant 5 : i32
      %add3A_165 = arith.addi %mul3A_70, %add3A_164 : i32
      %add3A_166 = vector.broadcast %add3A_165 : i32 to vector<16xi32>
      %add3A_167 = arith.addi %mul3A_3, %add3A_166 : vector<16xi32>
      %gather3A_168 = tpu.vector_load_idx %arg9[%add3A_167] : memref<16416xf32, #tpu.memory_space<vmem>>[vector<16xi32>], vector<16xf32>,
      %add3A_169 = arith.constant 8208 : i32
      %add3A_170 = vector.broadcast %add3A_169 : i32 to vector<16xi32>
      %add3A_171 = arith.addi %add3A_167, %add3A_170 : vector<16xi32>
      %gather3A_172 = tpu.vector_load_idx %arg9[%add3A_171] : memref<16416xf32, #tpu.memory_space<vmem>>[vector<16xi32>], vector<16xf32>,
      %mul3A_173 = arith.constant 32 : i32
      %mul3A_174 = arith.muli %add3A_165, %mul3A_173 : i32
      %swap3A_175 = arith.index_cast %mul3A_174 : i32 to index
      %swap3A_176 = tpu.vector_load %arg7[%swap3A_175] {strides = array<i32>} : memref<16384xf32, #tpu.memory_space<vmem>>, vector<16xf32>,
      tpu.vector_store %arg7[%swap3A_175], %gather3A_168 {strides = array<i32>} : memref<16384xf32, #tpu.memory_space<vmem>>, vector<16xf32>,
      %mul3A_177 = arith.constant 32 : i32
      %mul3A_178 = arith.muli %add3A_165, %mul3A_177 : i32
      %add3A_179 = arith.constant 16 : i32
      %add3A_180 = arith.addi %mul3A_178, %add3A_179 : i32
      %swap3A_181 = arith.index_cast %add3A_180 : i32 to index
      %swap3A_182 = tpu.vector_load %arg7[%swap3A_181] {strides = array<i32>} : memref<16384xf32, #tpu.memory_space<vmem>>, vector<16xf32>,
      tpu.vector_store %arg7[%swap3A_181], %gather3A_172 {strides = array<i32>} : memref<16384xf32, #tpu.memory_space<vmem>>, vector<16xf32>,
      %add3A_183 = arith.constant 6 : i32
      %add3A_184 = arith.addi %mul3A_70, %add3A_183 : i32
      %add3A_185 = vector.broadcast %add3A_184 : i32 to vector<16xi32>
      %add3A_186 = arith.addi %mul3A_3, %add3A_185 : vector<16xi32>
      %gather3A_187 = tpu.vector_load_idx %arg9[%add3A_186] : memref<16416xf32, #tpu.memory_space<vmem>>[vector<16xi32>], vector<16xf32>,
      %add3A_188 = arith.constant 8208 : i32
      %add3A_189 = vector.broadcast %add3A_188 : i32 to vector<16xi32>
      %add3A_190 = arith.addi %add3A_186, %add3A_189 : vector<16xi32>
      %gather3A_191 = tpu.vector_load_idx %arg9[%add3A_190] : memref<16416xf32, #tpu.memory_space<vmem>>[vector<16xi32>], vector<16xf32>,
      %mul3A_192 = arith.constant 32 : i32
      %mul3A_193 = arith.muli %add3A_184, %mul3A_192 : i32
      %swap3A_194 = arith.index_cast %mul3A_193 : i32 to index
      %swap3A_195 = tpu.vector_load %arg7[%swap3A_194] {strides = array<i32>} : memref<16384xf32, #tpu.memory_space<vmem>>, vector<16xf32>,
      tpu.vector_store %arg7[%swap3A_194], %gather3A_187 {strides = array<i32>} : memref<16384xf32, #tpu.memory_space<vmem>>, vector<16xf32>,
      %mul3A_196 = arith.constant 32 : i32
      %mul3A_197 = arith.muli %add3A_184, %mul3A_196 : i32
      %add3A_198 = arith.constant 16 : i32
      %add3A_199 = arith.addi %mul3A_197, %add3A_198 : i32
      %swap3A_200 = arith.index_cast %add3A_199 : i32 to index
      %swap3A_201 = tpu.vector_load %arg7[%swap3A_200] {strides = array<i32>} : memref<16384xf32, #tpu.memory_space<vmem>>, vector<16xf32>,
      tpu.vector_store %arg7[%swap3A_200], %gather3A_191 {strides = array<i32>} : memref<16384xf32, #tpu.memory_space<vmem>>, vector<16xf32>,
      %add3A_202 = arith.constant 7 : i32
      %add3A_203 = arith.addi %mul3A_70, %add3A_202 : i32
      %add3A_204 = vector.broadcast %add3A_203 : i32 to vector<16xi32>
      %add3A_205 = arith.addi %mul3A_3, %add3A_204 : vector<16xi32>
      %gather3A_206 = tpu.vector_load_idx %arg9[%add3A_205] : memref<16416xf32, #tpu.memory_space<vmem>>[vector<16xi32>], vector<16xf32>,
      %add3A_207 = arith.constant 8208 : i32
      %add3A_208 = vector.broadcast %add3A_207 : i32 to vector<16xi32>
      %add3A_209 = arith.addi %add3A_205, %add3A_208 : vector<16xi32>
      %gather3A_210 = tpu.vector_load_idx %arg9[%add3A_209] : memref<16416xf32, #tpu.memory_space<vmem>>[vector<16xi32>], vector<16xf32>,
      %mul3A_211 = arith.constant 32 : i32
      %mul3A_212 = arith.muli %add3A_203, %mul3A_211 : i32
      %swap3A_213 = arith.index_cast %mul3A_212 : i32 to index
      %swap3A_214 = tpu.vector_load %arg7[%swap3A_213] {strides = array<i32>} : memref<16384xf32, #tpu.memory_space<vmem>>, vector<16xf32>,
      tpu.vector_store %arg7[%swap3A_213], %gather3A_206 {strides = array<i32>} : memref<16384xf32, #tpu.memory_space<vmem>>, vector<16xf32>,
      %mul3A_215 = arith.constant 32 : i32
      %mul3A_216 = arith.muli %add3A_203, %mul3A_215 : i32
      %add3A_217 = arith.constant 16 : i32
      %add3A_218 = arith.addi %mul3A_216, %add3A_217 : i32
      %swap3A_219 = arith.index_cast %add3A_218 : i32 to index
      %swap3A_220 = tpu.vector_load %arg7[%swap3A_219] {strides = array<i32>} : memref<16384xf32, #tpu.memory_space<vmem>>, vector<16xf32>,
      tpu.vector_store %arg7[%swap3A_219], %gather3A_210 {strides = array<i32>} : memref<16384xf32, #tpu.memory_space<vmem>>, vector<16xf32>,
    }
    %scan3A_40 = arith.constant 64 : i32
    %add3A_41 = arith.constant 1920 : i32
    %add3A_42 = arith.addi %add3A, %add3A_41 : i32
    %mul3A_43 = arith.constant 512 : i32
    %mul3A_44 = arith.muli %add3A_42, %mul3A_43 : i32
    %mul3A_45 = arith.constant 32 : i32
    %mul3A_46 = arith.muli %mul3A_44, %mul3A_45 : i32
    %dma_start3A_47 = tpu.memref_slice %arg4[%mul3A_46] : memref<32000000xf32, #tpu.memory_space<hbm>> -> memref<16384xf32, #tpu.memory_space<hbm>>
    %dma_start3A_48 = tpu.memref_slice %arg4[%mul3A_46] : memref<32000000xf32, #tpu.memory_space<hbm>> -> memref<16384xf32, #tpu.memory_space<hbm>>
    tpu.enqueue_dma source(%arg7 : memref<16384xf32, #tpu.memory_space<vmem>>) target(%dma_start3A_48 : memref<16384xf32, #tpu.memory_space<hbm>>) target_semaphore(%arg14 : memref<!tpu.dma_semaphore, #tpu.memory_space<semaphore_mem>>)
    %add3A_49 = arith.constant 1952 : i32
    %add3A_50 = arith.addi %add3A, %add3A_49 : i32
    %lt3A = arith.constant 1953 : i32
    %lt3A_51 = arith.cmpi slt, %add3A_50, %lt3A : i32
    %convert_element_type3A = arith.extui %lt3A_51 : i1 to i32
    %cond3A = arith.constant 0 : i32
    %cond3A_52 = arith.cmpi ne, %convert_element_type3A, %cond3A : i32
    scf.if %cond3A_52 {
      %dma_wait3A_68 = arith.constant 0 : i32
      %dma_wait3A_69 = arith.constant 0 : i32
      %dma_wait3A_70 = tpu.memref_slice %arg2[%dma_wait3A_68, %dma_wait3A_69] : memref<32x1000000xf32, #tpu.memory_space<hbm>> -> memref<32x512xf32, #tpu.memory_space<hbm>>
      %dma_wait3A_71 = arith.constant 0 : i32
      %dma_wait3A_72 = arith.constant 0 : i32
      %dma_wait3A_73 = tpu.memref_slice %arg2[%dma_wait3A_71, %dma_wait3A_72] : memref<32x1000000xf32, #tpu.memory_space<hbm>> -> memref<32x512xf32, #tpu.memory_space<hbm>>
      tpu.wait_dma2 semaphore(%arg13 : memref<!tpu.dma_semaphore, #tpu.memory_space<semaphore_mem>>) src(%dma_wait3A_73 : memref<32x512xf32, #tpu.memory_space<hbm>>) dst(%arg6 : memref<32x512xf32, #tpu.memory_space<vmem>>)
      %scan3A_74 = arith.constant 0 : i32
      %scan3A_75 = arith.constant 0 : i32
      %scan3A_76 = arith.constant 32 : i32
      %scan3A_77 = arith.addi %scan3A_75, %scan3A_76 : i32
      %scan3A_78 = arith.constant 1 : i32
      scf.for %scan3A_94 = %scan3A_75 to %scan3A_77 step %scan3A_78  : i32 {
        %mul3A_95 = arith.constant 16 : i32
        %mul3A_96 = arith.muli %scan3A_94, %mul3A_95 : i32
        %get3A = arith.constant 0 : i32
        %get3A_97 = arith.index_cast %get3A : i32 to index
        %get3A_98 = arith.index_cast %mul3A_96 : i32 to index
        %get3A_99 = tpu.vector_load %arg6[%get3A_97, %get3A_98] {strides = array<i32>} : memref<32x512xf32, #tpu.memory_space<vmem>>, vector<16xf32>,
        %add3A_100 = arith.constant 0 : i32
        %add3A_101 = arith.addi %add3A_100, %mul3A_96 : i32
        %swap3A = arith.index_cast %add3A_101 : i32 to index
        %swap3A_102 = tpu.vector_load %arg9[%swap3A] {strides = array<i32>} : memref<16416xf32, #tpu.memory_space<vmem>>, vector<16xf32>,
        tpu.vector_store %arg9[%swap3A], %get3A_99 {strides = array<i32>} : memref<16416xf32, #tpu.memory_space<vmem>>, vector<16xf32>,
        %get3A_103 = arith.constant 1 : i32
        %get3A_104 = arith.index_cast %get3A_103 : i32 to index
        %get3A_105 = arith.index_cast %mul3A_96 : i32 to index
        %get3A_106 = tpu.vector_load %arg6[%get3A_104, %get3A_105] {strides = array<i32>} : memref<32x512xf32, #tpu.memory_space<vmem>>, vector<16xf32>,
        %add3A_107 = arith.constant 513 : i32
        %add3A_108 = arith.addi %add3A_107, %mul3A_96 : i32
        %swap3A_109 = arith.index_cast %add3A_108 : i32 to index
        %swap3A_110 = tpu.vector_load %arg9[%swap3A_109] {strides = array<i32>} : memref<16416xf32, #tpu.memory_space<vmem>>, vector<16xf32>,
        tpu.vector_store %arg9[%swap3A_109], %get3A_106 {strides = array<i32>} : memref<16416xf32, #tpu.memory_space<vmem>>, vector<16xf32>,
        %get3A_111 = arith.constant 2 : i32
        %get3A_112 = arith.index_cast %get3A_111 : i32 to index
        %get3A_113 = arith.index_cast %mul3A_96 : i32 to index
        %get3A_114 = tpu.vector_load %arg6[%get3A_112, %get3A_113] {strides = array<i32>} : memref<32x512xf32, #tpu.memory_space<vmem>>, vector<16xf32>,
        %add3A_115 = arith.constant 1026 : i32
        %add3A_116 = arith.addi %add3A_115, %mul3A_96 : i32
        %swap3A_117 = arith.index_cast %add3A_116 : i32 to index
        %swap3A_118 = tpu.vector_load %arg9[%swap3A_117] {strides = array<i32>} : memref<16416xf32, #tpu.memory_space<vmem>>, vector<16xf32>,
        tpu.vector_store %arg9[%swap3A_117], %get3A_114 {strides = array<i32>} : memref<16416xf32, #tpu.memory_space<vmem>>, vector<16xf32>,
        %get3A_119 = arith.constant 3 : i32
        %get3A_120 = arith.index_cast %get3A_119 : i32 to index
        %get3A_121 = arith.index_cast %mul3A_96 : i32 to index
        %get3A_122 = tpu.vector_load %arg6[%get3A_120, %get3A_121] {strides = array<i32>} : memref<32x512xf32, #tpu.memory_space<vmem>>, vector<16xf32>,
        %add3A_123 = arith.constant 1539 : i32
        %add3A_124 = arith.addi %add3A_123, %mul3A_96 : i32
        %swap3A_125 = arith.index_cast %add3A_124 : i32 to index
        %swap3A_126 = tpu.vector_load %arg9[%swap3A_125] {strides = array<i32>} : memref<16416xf32, #tpu.memory_space<vmem>>, vector<16xf32>,
        tpu.vector_store %arg9[%swap3A_125], %get3A_122 {strides = array<i32>} : memref<16416xf32, #tpu.memory_space<vmem>>, vector<16xf32>,
        %get3A_127 = arith.constant 4 : i32
        %get3A_128 = arith.index_cast %get3A_127 : i32 to index
        %get3A_129 = arith.index_cast %mul3A_96 : i32 to index
        %get3A_130 = tpu.vector_load %arg6[%get3A_128, %get3A_129] {strides = array<i32>} : memref<32x512xf32, #tpu.memory_space<vmem>>, vector<16xf32>,
        %add3A_131 = arith.constant 2052 : i32
        %add3A_132 = arith.addi %add3A_131, %mul3A_96 : i32
        %swap3A_133 = arith.index_cast %add3A_132 : i32 to index
        %swap3A_134 = tpu.vector_load %arg9[%swap3A_133] {strides = array<i32>} : memref<16416xf32, #tpu.memory_space<vmem>>, vector<16xf32>,
        tpu.vector_store %arg9[%swap3A_133], %get3A_130 {strides = array<i32>} : memref<16416xf32, #tpu.memory_space<vmem>>, vector<16xf32>,
        %get3A_135 = arith.constant 5 : i32
        %get3A_136 = arith.index_cast %get3A_135 : i32 to index
        %get3A_137 = arith.index_cast %mul3A_96 : i32 to index
        %get3A_138 = tpu.vector_load %arg6[%get3A_136, %get3A_137] {strides = array<i32>} : memref<32x512xf32, #tpu.memory_space<vmem>>, vector<16xf32>,
        %add3A_139 = arith.constant 2565 : i32
        %add3A_140 = arith.addi %add3A_139, %mul3A_96 : i32
        %swap3A_141 = arith.index_cast %add3A_140 : i32 to index
        %swap3A_142 = tpu.vector_load %arg9[%swap3A_141] {strides = array<i32>} : memref<16416xf32, #tpu.memory_space<vmem>>, vector<16xf32>,
        tpu.vector_store %arg9[%swap3A_141], %get3A_138 {strides = array<i32>} : memref<16416xf32, #tpu.memory_space<vmem>>, vector<16xf32>,
        %get3A_143 = arith.constant 6 : i32
        %get3A_144 = arith.index_cast %get3A_143 : i32 to index
        %get3A_145 = arith.index_cast %mul3A_96 : i32 to index
        %get3A_146 = tpu.vector_load %arg6[%get3A_144, %get3A_145] {strides = array<i32>} : memref<32x512xf32, #tpu.memory_space<vmem>>, vector<16xf32>,
        %add3A_147 = arith.constant 3078 : i32
        %add3A_148 = arith.addi %add3A_147, %mul3A_96 : i32
        %swap3A_149 = arith.index_cast %add3A_148 : i32 to index
        %swap3A_150 = tpu.vector_load %arg9[%swap3A_149] {strides = array<i32>} : memref<16416xf32, #tpu.memory_space<vmem>>, vector<16xf32>,
        tpu.vector_store %arg9[%swap3A_149], %get3A_146 {strides = array<i32>} : memref<16416xf32, #tpu.memory_space<vmem>>, vector<16xf32>,
        %get3A_151 = arith.constant 7 : i32
        %get3A_152 = arith.index_cast %get3A_151 : i32 to index
        %get3A_153 = arith.index_cast %mul3A_96 : i32 to index
        %get3A_154 = tpu.vector_load %arg6[%get3A_152, %get3A_153] {strides = array<i32>} : memref<32x512xf32, #tpu.memory_space<vmem>>, vector<16xf32>,
        %add3A_155 = arith.constant 3591 : i32
        %add3A_156 = arith.addi %add3A_155, %mul3A_96 : i32
        %swap3A_157 = arith.index_cast %add3A_156 : i32 to index
        %swap3A_158 = tpu.vector_load %arg9[%swap3A_157] {strides = array<i32>} : memref<16416xf32, #tpu.memory_space<vmem>>, vector<16xf32>,
        tpu.vector_store %arg9[%swap3A_157], %get3A_154 {strides = array<i32>} : memref<16416xf32, #tpu.memory_space<vmem>>, vector<16xf32>,
        %get3A_159 = arith.constant 8 : i32
        %get3A_160 = arith.index_cast %get3A_159 : i32 to index
        %get3A_161 = arith.index_cast %mul3A_96 : i32 to index
        %get3A_162 = tpu.vector_load %arg6[%get3A_160, %get3A_161] {strides = array<i32>} : memref<32x512xf32, #tpu.memory_space<vmem>>, vector<16xf32>,
        %add3A_163 = arith.constant 4104 : i32
        %add3A_164 = arith.addi %add3A_163, %mul3A_96 : i32
        %swap3A_165 = arith.index_cast %add3A_164 : i32 to index
        %swap3A_166 = tpu.vector_load %arg9[%swap3A_165] {strides = array<i32>} : memref<16416xf32, #tpu.memory_space<vmem>>, vector<16xf32>,
        tpu.vector_store %arg9[%swap3A_165], %get3A_162 {strides = array<i32>} : memref<16416xf32, #tpu.memory_space<vmem>>, vector<16xf32>,
        %get3A_167 = arith.constant 9 : i32
        %get3A_168 = arith.index_cast %get3A_167 : i32 to index
        %get3A_169 = arith.index_cast %mul3A_96 : i32 to index
        %get3A_170 = tpu.vector_load %arg6[%get3A_168, %get3A_169] {strides = array<i32>} : memref<32x512xf32, #tpu.memory_space<vmem>>, vector<16xf32>,
        %add3A_171 = arith.constant 4617 : i32
        %add3A_172 = arith.addi %add3A_171, %mul3A_96 : i32
        %swap3A_173 = arith.index_cast %add3A_172 : i32 to index
        %swap3A_174 = tpu.vector_load %arg9[%swap3A_173] {strides = array<i32>} : memref<16416xf32, #tpu.memory_space<vmem>>, vector<16xf32>,
        tpu.vector_store %arg9[%swap3A_173], %get3A_170 {strides = array<i32>} : memref<16416xf32, #tpu.memory_space<vmem>>, vector<16xf32>,
        %get3A_175 = arith.constant 10 : i32
        %get3A_176 = arith.index_cast %get3A_175 : i32 to index
        %get3A_177 = arith.index_cast %mul3A_96 : i32 to index
        %get3A_178 = tpu.vector_load %arg6[%get3A_176, %get3A_177] {strides = array<i32>} : memref<32x512xf32, #tpu.memory_space<vmem>>, vector<16xf32>,
        %add3A_179 = arith.constant 5130 : i32
        %add3A_180 = arith.addi %add3A_179, %mul3A_96 : i32
        %swap3A_181 = arith.index_cast %add3A_180 : i32 to index
        %swap3A_182 = tpu.vector_load %arg9[%swap3A_181] {strides = array<i32>} : memref<16416xf32, #tpu.memory_space<vmem>>, vector<16xf32>,
        tpu.vector_store %arg9[%swap3A_181], %get3A_178 {strides = array<i32>} : memref<16416xf32, #tpu.memory_space<vmem>>, vector<16xf32>,
        %get3A_183 = arith.constant 11 : i32
        %get3A_184 = arith.index_cast %get3A_183 : i32 to index
        %get3A_185 = arith.index_cast %mul3A_96 : i32 to index
        %get3A_186 = tpu.vector_load %arg6[%get3A_184, %get3A_185] {strides = array<i32>} : memref<32x512xf32, #tpu.memory_space<vmem>>, vector<16xf32>,
        %add3A_187 = arith.constant 5643 : i32
        %add3A_188 = arith.addi %add3A_187, %mul3A_96 : i32
        %swap3A_189 = arith.index_cast %add3A_188 : i32 to index
        %swap3A_190 = tpu.vector_load %arg9[%swap3A_189] {strides = array<i32>} : memref<16416xf32, #tpu.memory_space<vmem>>, vector<16xf32>,
        tpu.vector_store %arg9[%swap3A_189], %get3A_186 {strides = array<i32>} : memref<16416xf32, #tpu.memory_space<vmem>>, vector<16xf32>,
        %get3A_191 = arith.constant 12 : i32
        %get3A_192 = arith.index_cast %get3A_191 : i32 to index
        %get3A_193 = arith.index_cast %mul3A_96 : i32 to index
        %get3A_194 = tpu.vector_load %arg6[%get3A_192, %get3A_193] {strides = array<i32>} : memref<32x512xf32, #tpu.memory_space<vmem>>, vector<16xf32>,
        %add3A_195 = arith.constant 6156 : i32
        %add3A_196 = arith.addi %add3A_195, %mul3A_96 : i32
        %swap3A_197 = arith.index_cast %add3A_196 : i32 to index
        %swap3A_198 = tpu.vector_load %arg9[%swap3A_197] {strides = array<i32>} : memref<16416xf32, #tpu.memory_space<vmem>>, vector<16xf32>,
        tpu.vector_store %arg9[%swap3A_197], %get3A_194 {strides = array<i32>} : memref<16416xf32, #tpu.memory_space<vmem>>, vector<16xf32>,
        %get3A_199 = arith.constant 13 : i32
        %get3A_200 = arith.index_cast %get3A_199 : i32 to index
        %get3A_201 = arith.index_cast %mul3A_96 : i32 to index
        %get3A_202 = tpu.vector_load %arg6[%get3A_200, %get3A_201] {strides = array<i32>} : memref<32x512xf32, #tpu.memory_space<vmem>>, vector<16xf32>,
        %add3A_203 = arith.constant 6669 : i32
        %add3A_204 = arith.addi %add3A_203, %mul3A_96 : i32
        %swap3A_205 = arith.index_cast %add3A_204 : i32 to index
        %swap3A_206 = tpu.vector_load %arg9[%swap3A_205] {strides = array<i32>} : memref<16416xf32, #tpu.memory_space<vmem>>, vector<16xf32>,
        tpu.vector_store %arg9[%swap3A_205], %get3A_202 {strides = array<i32>} : memref<16416xf32, #tpu.memory_space<vmem>>, vector<16xf32>,
        %get3A_207 = arith.constant 14 : i32
        %get3A_208 = arith.index_cast %get3A_207 : i32 to index
        %get3A_209 = arith.index_cast %mul3A_96 : i32 to index
        %get3A_210 = tpu.vector_load %arg6[%get3A_208, %get3A_209] {strides = array<i32>} : memref<32x512xf32, #tpu.memory_space<vmem>>, vector<16xf32>,
        %add3A_211 = arith.constant 7182 : i32
        %add3A_212 = arith.addi %add3A_211, %mul3A_96 : i32
        %swap3A_213 = arith.index_cast %add3A_212 : i32 to index
        %swap3A_214 = tpu.vector_load %arg9[%swap3A_213] {strides = array<i32>} : memref<16416xf32, #tpu.memory_space<vmem>>, vector<16xf32>,
        tpu.vector_store %arg9[%swap3A_213], %get3A_210 {strides = array<i32>} : memref<16416xf32, #tpu.memory_space<vmem>>, vector<16xf32>,
        %get3A_215 = arith.constant 15 : i32
        %get3A_216 = arith.index_cast %get3A_215 : i32 to index
        %get3A_217 = arith.index_cast %mul3A_96 : i32 to index
        %get3A_218 = tpu.vector_load %arg6[%get3A_216, %get3A_217] {strides = array<i32>} : memref<32x512xf32, #tpu.memory_space<vmem>>, vector<16xf32>,
        %add3A_219 = arith.constant 7695 : i32
        %add3A_220 = arith.addi %add3A_219, %mul3A_96 : i32
        %swap3A_221 = arith.index_cast %add3A_220 : i32 to index
        %swap3A_222 = tpu.vector_load %arg9[%swap3A_221] {strides = array<i32>} : memref<16416xf32, #tpu.memory_space<vmem>>, vector<16xf32>,
        tpu.vector_store %arg9[%swap3A_221], %get3A_218 {strides = array<i32>} : memref<16416xf32, #tpu.memory_space<vmem>>, vector<16xf32>,
        %get3A_223 = arith.constant 16 : i32
        %get3A_224 = arith.index_cast %get3A_223 : i32 to index
        %get3A_225 = arith.index_cast %mul3A_96 : i32 to index
        %get3A_226 = tpu.vector_load %arg6[%get3A_224, %get3A_225] {strides = array<i32>} : memref<32x512xf32, #tpu.memory_space<vmem>>, vector<16xf32>,
        %add3A_227 = arith.constant 8208 : i32
        %add3A_228 = arith.addi %add3A_227, %mul3A_96 : i32
        %swap3A_229 = arith.index_cast %add3A_228 : i32 to index
        %swap3A_230 = tpu.vector_load %arg9[%swap3A_229] {strides = array<i32>} : memref<16416xf32, #tpu.memory_space<vmem>>, vector<16xf32>,
        tpu.vector_store %arg9[%swap3A_229], %get3A_226 {strides = array<i32>} : memref<16416xf32, #tpu.memory_space<vmem>>, vector<16xf32>,
        %get3A_231 = arith.constant 17 : i32
        %get3A_232 = arith.index_cast %get3A_231 : i32 to index
        %get3A_233 = arith.index_cast %mul3A_96 : i32 to index
        %get3A_234 = tpu.vector_load %arg6[%get3A_232, %get3A_233] {strides = array<i32>} : memref<32x512xf32, #tpu.memory_space<vmem>>, vector<16xf32>,
        %add3A_235 = arith.constant 8721 : i32
        %add3A_236 = arith.addi %add3A_235, %mul3A_96 : i32
        %swap3A_237 = arith.index_cast %add3A_236 : i32 to index
        %swap3A_238 = tpu.vector_load %arg9[%swap3A_237] {strides = array<i32>} : memref<16416xf32, #tpu.memory_space<vmem>>, vector<16xf32>,
        tpu.vector_store %arg9[%swap3A_237], %get3A_234 {strides = array<i32>} : memref<16416xf32, #tpu.memory_space<vmem>>, vector<16xf32>,
        %get3A_239 = arith.constant 18 : i32
        %get3A_240 = arith.index_cast %get3A_239 : i32 to index
        %get3A_241 = arith.index_cast %mul3A_96 : i32 to index
        %get3A_242 = tpu.vector_load %arg6[%get3A_240, %get3A_241] {strides = array<i32>} : memref<32x512xf32, #tpu.memory_space<vmem>>, vector<16xf32>,
        %add3A_243 = arith.constant 9234 : i32
        %add3A_244 = arith.addi %add3A_243, %mul3A_96 : i32
        %swap3A_245 = arith.index_cast %add3A_244 : i32 to index
        %swap3A_246 = tpu.vector_load %arg9[%swap3A_245] {strides = array<i32>} : memref<16416xf32, #tpu.memory_space<vmem>>, vector<16xf32>,
        tpu.vector_store %arg9[%swap3A_245], %get3A_242 {strides = array<i32>} : memref<16416xf32, #tpu.memory_space<vmem>>, vector<16xf32>,
        %get3A_247 = arith.constant 19 : i32
        %get3A_248 = arith.index_cast %get3A_247 : i32 to index
        %get3A_249 = arith.index_cast %mul3A_96 : i32 to index
        %get3A_250 = tpu.vector_load %arg6[%get3A_248, %get3A_249] {strides = array<i32>} : memref<32x512xf32, #tpu.memory_space<vmem>>, vector<16xf32>,
        %add3A_251 = arith.constant 9747 : i32
        %add3A_252 = arith.addi %add3A_251, %mul3A_96 : i32
        %swap3A_253 = arith.index_cast %add3A_252 : i32 to index
        %swap3A_254 = tpu.vector_load %arg9[%swap3A_253] {strides = array<i32>} : memref<16416xf32, #tpu.memory_space<vmem>>, vector<16xf32>,
        tpu.vector_store %arg9[%swap3A_253], %get3A_250 {strides = array<i32>} : memref<16416xf32, #tpu.memory_space<vmem>>, vector<16xf32>,
        %get3A_255 = arith.constant 20 : i32
        %get3A_256 = arith.index_cast %get3A_255 : i32 to index
        %get3A_257 = arith.index_cast %mul3A_96 : i32 to index
        %get3A_258 = tpu.vector_load %arg6[%get3A_256, %get3A_257] {strides = array<i32>} : memref<32x512xf32, #tpu.memory_space<vmem>>, vector<16xf32>,
        %add3A_259 = arith.constant 10260 : i32
        %add3A_260 = arith.addi %add3A_259, %mul3A_96 : i32
        %swap3A_261 = arith.index_cast %add3A_260 : i32 to index
        %swap3A_262 = tpu.vector_load %arg9[%swap3A_261] {strides = array<i32>} : memref<16416xf32, #tpu.memory_space<vmem>>, vector<16xf32>,
        tpu.vector_store %arg9[%swap3A_261], %get3A_258 {strides = array<i32>} : memref<16416xf32, #tpu.memory_space<vmem>>, vector<16xf32>,
        %get3A_263 = arith.constant 21 : i32
        %get3A_264 = arith.index_cast %get3A_263 : i32 to index
        %get3A_265 = arith.index_cast %mul3A_96 : i32 to index
        %get3A_266 = tpu.vector_load %arg6[%get3A_264, %get3A_265] {strides = array<i32>} : memref<32x512xf32, #tpu.memory_space<vmem>>, vector<16xf32>,
        %add3A_267 = arith.constant 10773 : i32
        %add3A_268 = arith.addi %add3A_267, %mul3A_96 : i32
        %swap3A_269 = arith.index_cast %add3A_268 : i32 to index
        %swap3A_270 = tpu.vector_load %arg9[%swap3A_269] {strides = array<i32>} : memref<16416xf32, #tpu.memory_space<vmem>>, vector<16xf32>,
        tpu.vector_store %arg9[%swap3A_269], %get3A_266 {strides = array<i32>} : memref<16416xf32, #tpu.memory_space<vmem>>, vector<16xf32>,
        %get3A_271 = arith.constant 22 : i32
        %get3A_272 = arith.index_cast %get3A_271 : i32 to index
        %get3A_273 = arith.index_cast %mul3A_96 : i32 to index
        %get3A_274 = tpu.vector_load %arg6[%get3A_272, %get3A_273] {strides = array<i32>} : memref<32x512xf32, #tpu.memory_space<vmem>>, vector<16xf32>,
        %add3A_275 = arith.constant 11286 : i32
        %add3A_276 = arith.addi %add3A_275, %mul3A_96 : i32
        %swap3A_277 = arith.index_cast %add3A_276 : i32 to index
        %swap3A_278 = tpu.vector_load %arg9[%swap3A_277] {strides = array<i32>} : memref<16416xf32, #tpu.memory_space<vmem>>, vector<16xf32>,
        tpu.vector_store %arg9[%swap3A_277], %get3A_274 {strides = array<i32>} : memref<16416xf32, #tpu.memory_space<vmem>>, vector<16xf32>,
        %get3A_279 = arith.constant 23 : i32
        %get3A_280 = arith.index_cast %get3A_279 : i32 to index
        %get3A_281 = arith.index_cast %mul3A_96 : i32 to index
        %get3A_282 = tpu.vector_load %arg6[%get3A_280, %get3A_281] {strides = array<i32>} : memref<32x512xf32, #tpu.memory_space<vmem>>, vector<16xf32>,
        %add3A_283 = arith.constant 11799 : i32
        %add3A_284 = arith.addi %add3A_283, %mul3A_96 : i32
        %swap3A_285 = arith.index_cast %add3A_284 : i32 to index
        %swap3A_286 = tpu.vector_load %arg9[%swap3A_285] {strides = array<i32>} : memref<16416xf32, #tpu.memory_space<vmem>>, vector<16xf32>,
        tpu.vector_store %arg9[%swap3A_285], %get3A_282 {strides = array<i32>} : memref<16416xf32, #tpu.memory_space<vmem>>, vector<16xf32>,
        %get3A_287 = arith.constant 24 : i32
        %get3A_288 = arith.index_cast %get3A_287 : i32 to index
        %get3A_289 = arith.index_cast %mul3A_96 : i32 to index
        %get3A_290 = tpu.vector_load %arg6[%get3A_288, %get3A_289] {strides = array<i32>} : memref<32x512xf32, #tpu.memory_space<vmem>>, vector<16xf32>,
        %add3A_291 = arith.constant 12312 : i32
        %add3A_292 = arith.addi %add3A_291, %mul3A_96 : i32
        %swap3A_293 = arith.index_cast %add3A_292 : i32 to index
        %swap3A_294 = tpu.vector_load %arg9[%swap3A_293] {strides = array<i32>} : memref<16416xf32, #tpu.memory_space<vmem>>, vector<16xf32>,
        tpu.vector_store %arg9[%swap3A_293], %get3A_290 {strides = array<i32>} : memref<16416xf32, #tpu.memory_space<vmem>>, vector<16xf32>,
        %get3A_295 = arith.constant 25 : i32
        %get3A_296 = arith.index_cast %get3A_295 : i32 to index
        %get3A_297 = arith.index_cast %mul3A_96 : i32 to index
        %get3A_298 = tpu.vector_load %arg6[%get3A_296, %get3A_297] {strides = array<i32>} : memref<32x512xf32, #tpu.memory_space<vmem>>, vector<16xf32>,
        %add3A_299 = arith.constant 12825 : i32
        %add3A_300 = arith.addi %add3A_299, %mul3A_96 : i32
        %swap3A_301 = arith.index_cast %add3A_300 : i32 to index
        %swap3A_302 = tpu.vector_load %arg9[%swap3A_301] {strides = array<i32>} : memref<16416xf32, #tpu.memory_space<vmem>>, vector<16xf32>,
        tpu.vector_store %arg9[%swap3A_301], %get3A_298 {strides = array<i32>} : memref<16416xf32, #tpu.memory_space<vmem>>, vector<16xf32>,
        %get3A_303 = arith.constant 26 : i32
        %get3A_304 = arith.index_cast %get3A_303 : i32 to index
        %get3A_305 = arith.index_cast %mul3A_96 : i32 to index
        %get3A_306 = tpu.vector_load %arg6[%get3A_304, %get3A_305] {strides = array<i32>} : memref<32x512xf32, #tpu.memory_space<vmem>>, vector<16xf32>,
        %add3A_307 = arith.constant 13338 : i32
        %add3A_308 = arith.addi %add3A_307, %mul3A_96 : i32
        %swap3A_309 = arith.index_cast %add3A_308 : i32 to index
        %swap3A_310 = tpu.vector_load %arg9[%swap3A_309] {strides = array<i32>} : memref<16416xf32, #tpu.memory_space<vmem>>, vector<16xf32>,
        tpu.vector_store %arg9[%swap3A_309], %get3A_306 {strides = array<i32>} : memref<16416xf32, #tpu.memory_space<vmem>>, vector<16xf32>,
        %get3A_311 = arith.constant 27 : i32
        %get3A_312 = arith.index_cast %get3A_311 : i32 to index
        %get3A_313 = arith.index_cast %mul3A_96 : i32 to index
        %get3A_314 = tpu.vector_load %arg6[%get3A_312, %get3A_313] {strides = array<i32>} : memref<32x512xf32, #tpu.memory_space<vmem>>, vector<16xf32>,
        %add3A_315 = arith.constant 13851 : i32
        %add3A_316 = arith.addi %add3A_315, %mul3A_96 : i32
        %swap3A_317 = arith.index_cast %add3A_316 : i32 to index
        %swap3A_318 = tpu.vector_load %arg9[%swap3A_317] {strides = array<i32>} : memref<16416xf32, #tpu.memory_space<vmem>>, vector<16xf32>,
        tpu.vector_store %arg9[%swap3A_317], %get3A_314 {strides = array<i32>} : memref<16416xf32, #tpu.memory_space<vmem>>, vector<16xf32>,
        %get3A_319 = arith.constant 28 : i32
        %get3A_320 = arith.index_cast %get3A_319 : i32 to index
        %get3A_321 = arith.index_cast %mul3A_96 : i32 to index
        %get3A_322 = tpu.vector_load %arg6[%get3A_320, %get3A_321] {strides = array<i32>} : memref<32x512xf32, #tpu.memory_space<vmem>>, vector<16xf32>,
        %add3A_323 = arith.constant 14364 : i32
        %add3A_324 = arith.addi %add3A_323, %mul3A_96 : i32
        %swap3A_325 = arith.index_cast %add3A_324 : i32 to index
        %swap3A_326 = tpu.vector_load %arg9[%swap3A_325] {strides = array<i32>} : memref<16416xf32, #tpu.memory_space<vmem>>, vector<16xf32>,
        tpu.vector_store %arg9[%swap3A_325], %get3A_322 {strides = array<i32>} : memref<16416xf32, #tpu.memory_space<vmem>>, vector<16xf32>,
        %get3A_327 = arith.constant 29 : i32
        %get3A_328 = arith.index_cast %get3A_327 : i32 to index
        %get3A_329 = arith.index_cast %mul3A_96 : i32 to index
        %get3A_330 = tpu.vector_load %arg6[%get3A_328, %get3A_329] {strides = array<i32>} : memref<32x512xf32, #tpu.memory_space<vmem>>, vector<16xf32>,
        %add3A_331 = arith.constant 14877 : i32
        %add3A_332 = arith.addi %add3A_331, %mul3A_96 : i32
        %swap3A_333 = arith.index_cast %add3A_332 : i32 to index
        %swap3A_334 = tpu.vector_load %arg9[%swap3A_333] {strides = array<i32>} : memref<16416xf32, #tpu.memory_space<vmem>>, vector<16xf32>,
        tpu.vector_store %arg9[%swap3A_333], %get3A_330 {strides = array<i32>} : memref<16416xf32, #tpu.memory_space<vmem>>, vector<16xf32>,
        %get3A_335 = arith.constant 30 : i32
        %get3A_336 = arith.index_cast %get3A_335 : i32 to index
        %get3A_337 = arith.index_cast %mul3A_96 : i32 to index
        %get3A_338 = tpu.vector_load %arg6[%get3A_336, %get3A_337] {strides = array<i32>} : memref<32x512xf32, #tpu.memory_space<vmem>>, vector<16xf32>,
        %add3A_339 = arith.constant 15390 : i32
        %add3A_340 = arith.addi %add3A_339, %mul3A_96 : i32
        %swap3A_341 = arith.index_cast %add3A_340 : i32 to index
        %swap3A_342 = tpu.vector_load %arg9[%swap3A_341] {strides = array<i32>} : memref<16416xf32, #tpu.memory_space<vmem>>, vector<16xf32>,
        tpu.vector_store %arg9[%swap3A_341], %get3A_338 {strides = array<i32>} : memref<16416xf32, #tpu.memory_space<vmem>>, vector<16xf32>,
        %get3A_343 = arith.constant 31 : i32
        %get3A_344 = arith.index_cast %get3A_343 : i32 to index
        %get3A_345 = arith.index_cast %mul3A_96 : i32 to index
        %get3A_346 = tpu.vector_load %arg6[%get3A_344, %get3A_345] {strides = array<i32>} : memref<32x512xf32, #tpu.memory_space<vmem>>, vector<16xf32>,
        %add3A_347 = arith.constant 15903 : i32
        %add3A_348 = arith.addi %add3A_347, %mul3A_96 : i32
        %swap3A_349 = arith.index_cast %add3A_348 : i32 to index
        %swap3A_350 = tpu.vector_load %arg9[%swap3A_349] {strides = array<i32>} : memref<16416xf32, #tpu.memory_space<vmem>>, vector<16xf32>,
        tpu.vector_store %arg9[%swap3A_349], %get3A_346 {strides = array<i32>} : memref<16416xf32, #tpu.memory_space<vmem>>, vector<16xf32>,
      }
      %scan3A_79 = arith.constant 32 : i32
      %scan3A_80 = arith.constant 0 : i32
      %scan3A_81 = arith.constant 0 : i32
      %scan3A_82 = arith.constant 64 : i32
      %scan3A_83 = arith.addi %scan3A_81, %scan3A_82 : i32
      %scan3A_84 = arith.constant 1 : i32
      scf.for %scan3A_94 = %scan3A_81 to %scan3A_83 step %scan3A_84  : i32 {
        %mul3A_95 = arith.constant 8 : i32
        %mul3A_96 = arith.muli %scan3A_94, %mul3A_95 : i32
        %add3A_97 = arith.constant 0 : i32
        %add3A_98 = arith.addi %mul3A_96, %add3A_97 : i32
        %add3A_99 = vector.broadcast %add3A_98 : i32 to vector<16xi32>
        %add3A_100 = arith.addi %mul3A_3, %add3A_99 : vector<16xi32>
        %gather3A = tpu.vector_load_idx %arg9[%add3A_100] : memref<16416xf32, #tpu.memory_space<vmem>>[vector<16xi32>], vector<16xf32>,
        %add3A_101 = arith.constant 8208 : i32
        %add3A_102 = vector.broadcast %add3A_101 : i32 to vector<16xi32>
        %add3A_103 = arith.addi %add3A_100, %add3A_102 : vector<16xi32>
        %gather3A_104 = tpu.vector_load_idx %arg9[%add3A_103] : memref<16416xf32, #tpu.memory_space<vmem>>[vector<16xi32>], vector<16xf32>,
        %mul3A_105 = arith.constant 32 : i32
        %mul3A_106 = arith.muli %add3A_98, %mul3A_105 : i32
        %swap3A = arith.index_cast %mul3A_106 : i32 to index
        %swap3A_107 = tpu.vector_load %arg8[%swap3A] {strides = array<i32>} : memref<16384xf32, #tpu.memory_space<vmem>>, vector<16xf32>,
        tpu.vector_store %arg8[%swap3A], %gather3A {strides = array<i32>} : memref<16384xf32, #tpu.memory_space<vmem>>, vector<16xf32>,
        %mul3A_108 = arith.constant 32 : i32
        %mul3A_109 = arith.muli %add3A_98, %mul3A_108 : i32
        %add3A_110 = arith.constant 16 : i32
        %add3A_111 = arith.addi %mul3A_109, %add3A_110 : i32
        %swap3A_112 = arith.index_cast %add3A_111 : i32 to index
        %swap3A_113 = tpu.vector_load %arg8[%swap3A_112] {strides = array<i32>} : memref<16384xf32, #tpu.memory_space<vmem>>, vector<16xf32>,
        tpu.vector_store %arg8[%swap3A_112], %gather3A_104 {strides = array<i32>} : memref<16384xf32, #tpu.memory_space<vmem>>, vector<16xf32>,
        %add3A_114 = arith.constant 1 : i32
        %add3A_115 = arith.addi %mul3A_96, %add3A_114 : i32
        %add3A_116 = vector.broadcast %add3A_115 : i32 to vector<16xi32>
        %add3A_117 = arith.addi %mul3A_3, %add3A_116 : vector<16xi32>
        %gather3A_118 = tpu.vector_load_idx %arg9[%add3A_117] : memref<16416xf32, #tpu.memory_space<vmem>>[vector<16xi32>], vector<16xf32>,
        %add3A_119 = arith.constant 8208 : i32
        %add3A_120 = vector.broadcast %add3A_119 : i32 to vector<16xi32>
        %add3A_121 = arith.addi %add3A_117, %add3A_120 : vector<16xi32>
        %gather3A_122 = tpu.vector_load_idx %arg9[%add3A_121] : memref<16416xf32, #tpu.memory_space<vmem>>[vector<16xi32>], vector<16xf32>,
        %mul3A_123 = arith.constant 32 : i32
        %mul3A_124 = arith.muli %add3A_115, %mul3A_123 : i32
        %swap3A_125 = arith.index_cast %mul3A_124 : i32 to index
        %swap3A_126 = tpu.vector_load %arg8[%swap3A_125] {strides = array<i32>} : memref<16384xf32, #tpu.memory_space<vmem>>, vector<16xf32>,
        tpu.vector_store %arg8[%swap3A_125], %gather3A_118 {strides = array<i32>} : memref<16384xf32, #tpu.memory_space<vmem>>, vector<16xf32>,
        %mul3A_127 = arith.constant 32 : i32
        %mul3A_128 = arith.muli %add3A_115, %mul3A_127 : i32
        %add3A_129 = arith.constant 16 : i32
        %add3A_130 = arith.addi %mul3A_128, %add3A_129 : i32
        %swap3A_131 = arith.index_cast %add3A_130 : i32 to index
        %swap3A_132 = tpu.vector_load %arg8[%swap3A_131] {strides = array<i32>} : memref<16384xf32, #tpu.memory_space<vmem>>, vector<16xf32>,
        tpu.vector_store %arg8[%swap3A_131], %gather3A_122 {strides = array<i32>} : memref<16384xf32, #tpu.memory_space<vmem>>, vector<16xf32>,
        %add3A_133 = arith.constant 2 : i32
        %add3A_134 = arith.addi %mul3A_96, %add3A_133 : i32
        %add3A_135 = vector.broadcast %add3A_134 : i32 to vector<16xi32>
        %add3A_136 = arith.addi %mul3A_3, %add3A_135 : vector<16xi32>
        %gather3A_137 = tpu.vector_load_idx %arg9[%add3A_136] : memref<16416xf32, #tpu.memory_space<vmem>>[vector<16xi32>], vector<16xf32>,
        %add3A_138 = arith.constant 8208 : i32
        %add3A_139 = vector.broadcast %add3A_138 : i32 to vector<16xi32>
        %add3A_140 = arith.addi %add3A_136, %add3A_139 : vector<16xi32>
        %gather3A_141 = tpu.vector_load_idx %arg9[%add3A_140] : memref<16416xf32, #tpu.memory_space<vmem>>[vector<16xi32>], vector<16xf32>,
        %mul3A_142 = arith.constant 32 : i32
        %mul3A_143 = arith.muli %add3A_134, %mul3A_142 : i32
        %swap3A_144 = arith.index_cast %mul3A_143 : i32 to index
        %swap3A_145 = tpu.vector_load %arg8[%swap3A_144] {strides = array<i32>} : memref<16384xf32, #tpu.memory_space<vmem>>, vector<16xf32>,
        tpu.vector_store %arg8[%swap3A_144], %gather3A_137 {strides = array<i32>} : memref<16384xf32, #tpu.memory_space<vmem>>, vector<16xf32>,
        %mul3A_146 = arith.constant 32 : i32
        %mul3A_147 = arith.muli %add3A_134, %mul3A_146 : i32
        %add3A_148 = arith.constant 16 : i32
        %add3A_149 = arith.addi %mul3A_147, %add3A_148 : i32
        %swap3A_150 = arith.index_cast %add3A_149 : i32 to index
        %swap3A_151 = tpu.vector_load %arg8[%swap3A_150] {strides = array<i32>} : memref<16384xf32, #tpu.memory_space<vmem>>, vector<16xf32>,
        tpu.vector_store %arg8[%swap3A_150], %gather3A_141 {strides = array<i32>} : memref<16384xf32, #tpu.memory_space<vmem>>, vector<16xf32>,
        %add3A_152 = arith.constant 3 : i32
        %add3A_153 = arith.addi %mul3A_96, %add3A_152 : i32
        %add3A_154 = vector.broadcast %add3A_153 : i32 to vector<16xi32>
        %add3A_155 = arith.addi %mul3A_3, %add3A_154 : vector<16xi32>
        %gather3A_156 = tpu.vector_load_idx %arg9[%add3A_155] : memref<16416xf32, #tpu.memory_space<vmem>>[vector<16xi32>], vector<16xf32>,
        %add3A_157 = arith.constant 8208 : i32
        %add3A_158 = vector.broadcast %add3A_157 : i32 to vector<16xi32>
        %add3A_159 = arith.addi %add3A_155, %add3A_158 : vector<16xi32>
        %gather3A_160 = tpu.vector_load_idx %arg9[%add3A_159] : memref<16416xf32, #tpu.memory_space<vmem>>[vector<16xi32>], vector<16xf32>,
        %mul3A_161 = arith.constant 32 : i32
        %mul3A_162 = arith.muli %add3A_153, %mul3A_161 : i32
        %swap3A_163 = arith.index_cast %mul3A_162 : i32 to index
        %swap3A_164 = tpu.vector_load %arg8[%swap3A_163] {strides = array<i32>} : memref<16384xf32, #tpu.memory_space<vmem>>, vector<16xf32>,
        tpu.vector_store %arg8[%swap3A_163], %gather3A_156 {strides = array<i32>} : memref<16384xf32, #tpu.memory_space<vmem>>, vector<16xf32>,
        %mul3A_165 = arith.constant 32 : i32
        %mul3A_166 = arith.muli %add3A_153, %mul3A_165 : i32
        %add3A_167 = arith.constant 16 : i32
        %add3A_168 = arith.addi %mul3A_166, %add3A_167 : i32
        %swap3A_169 = arith.index_cast %add3A_168 : i32 to index
        %swap3A_170 = tpu.vector_load %arg8[%swap3A_169] {strides = array<i32>} : memref<16384xf32, #tpu.memory_space<vmem>>, vector<16xf32>,
        tpu.vector_store %arg8[%swap3A_169], %gather3A_160 {strides = array<i32>} : memref<16384xf32, #tpu.memory_space<vmem>>, vector<16xf32>,
        %add3A_171 = arith.constant 4 : i32
        %add3A_172 = arith.addi %mul3A_96, %add3A_171 : i32
        %add3A_173 = vector.broadcast %add3A_172 : i32 to vector<16xi32>
        %add3A_174 = arith.addi %mul3A_3, %add3A_173 : vector<16xi32>
        %gather3A_175 = tpu.vector_load_idx %arg9[%add3A_174] : memref<16416xf32, #tpu.memory_space<vmem>>[vector<16xi32>], vector<16xf32>,
        %add3A_176 = arith.constant 8208 : i32
        %add3A_177 = vector.broadcast %add3A_176 : i32 to vector<16xi32>
        %add3A_178 = arith.addi %add3A_174, %add3A_177 : vector<16xi32>
        %gather3A_179 = tpu.vector_load_idx %arg9[%add3A_178] : memref<16416xf32, #tpu.memory_space<vmem>>[vector<16xi32>], vector<16xf32>,
        %mul3A_180 = arith.constant 32 : i32
        %mul3A_181 = arith.muli %add3A_172, %mul3A_180 : i32
        %swap3A_182 = arith.index_cast %mul3A_181 : i32 to index
        %swap3A_183 = tpu.vector_load %arg8[%swap3A_182] {strides = array<i32>} : memref<16384xf32, #tpu.memory_space<vmem>>, vector<16xf32>,
        tpu.vector_store %arg8[%swap3A_182], %gather3A_175 {strides = array<i32>} : memref<16384xf32, #tpu.memory_space<vmem>>, vector<16xf32>,
        %mul3A_184 = arith.constant 32 : i32
        %mul3A_185 = arith.muli %add3A_172, %mul3A_184 : i32
        %add3A_186 = arith.constant 16 : i32
        %add3A_187 = arith.addi %mul3A_185, %add3A_186 : i32
        %swap3A_188 = arith.index_cast %add3A_187 : i32 to index
        %swap3A_189 = tpu.vector_load %arg8[%swap3A_188] {strides = array<i32>} : memref<16384xf32, #tpu.memory_space<vmem>>, vector<16xf32>,
        tpu.vector_store %arg8[%swap3A_188], %gather3A_179 {strides = array<i32>} : memref<16384xf32, #tpu.memory_space<vmem>>, vector<16xf32>,
        %add3A_190 = arith.constant 5 : i32
        %add3A_191 = arith.addi %mul3A_96, %add3A_190 : i32
        %add3A_192 = vector.broadcast %add3A_191 : i32 to vector<16xi32>
        %add3A_193 = arith.addi %mul3A_3, %add3A_192 : vector<16xi32>
        %gather3A_194 = tpu.vector_load_idx %arg9[%add3A_193] : memref<16416xf32, #tpu.memory_space<vmem>>[vector<16xi32>], vector<16xf32>,
        %add3A_195 = arith.constant 8208 : i32
        %add3A_196 = vector.broadcast %add3A_195 : i32 to vector<16xi32>
        %add3A_197 = arith.addi %add3A_193, %add3A_196 : vector<16xi32>
        %gather3A_198 = tpu.vector_load_idx %arg9[%add3A_197] : memref<16416xf32, #tpu.memory_space<vmem>>[vector<16xi32>], vector<16xf32>,
        %mul3A_199 = arith.constant 32 : i32
        %mul3A_200 = arith.muli %add3A_191, %mul3A_199 : i32
        %swap3A_201 = arith.index_cast %mul3A_200 : i32 to index
        %swap3A_202 = tpu.vector_load %arg8[%swap3A_201] {strides = array<i32>} : memref<16384xf32, #tpu.memory_space<vmem>>, vector<16xf32>,
        tpu.vector_store %arg8[%swap3A_201], %gather3A_194 {strides = array<i32>} : memref<16384xf32, #tpu.memory_space<vmem>>, vector<16xf32>,
        %mul3A_203 = arith.constant 32 : i32
        %mul3A_204 = arith.muli %add3A_191, %mul3A_203 : i32
        %add3A_205 = arith.constant 16 : i32
        %add3A_206 = arith.addi %mul3A_204, %add3A_205 : i32
        %swap3A_207 = arith.index_cast %add3A_206 : i32 to index
        %swap3A_208 = tpu.vector_load %arg8[%swap3A_207] {strides = array<i32>} : memref<16384xf32, #tpu.memory_space<vmem>>, vector<16xf32>,
        tpu.vector_store %arg8[%swap3A_207], %gather3A_198 {strides = array<i32>} : memref<16384xf32, #tpu.memory_space<vmem>>, vector<16xf32>,
        %add3A_209 = arith.constant 6 : i32
        %add3A_210 = arith.addi %mul3A_96, %add3A_209 : i32
        %add3A_211 = vector.broadcast %add3A_210 : i32 to vector<16xi32>
        %add3A_212 = arith.addi %mul3A_3, %add3A_211 : vector<16xi32>
        %gather3A_213 = tpu.vector_load_idx %arg9[%add3A_212] : memref<16416xf32, #tpu.memory_space<vmem>>[vector<16xi32>], vector<16xf32>,
        %add3A_214 = arith.constant 8208 : i32
        %add3A_215 = vector.broadcast %add3A_214 : i32 to vector<16xi32>
        %add3A_216 = arith.addi %add3A_212, %add3A_215 : vector<16xi32>
        %gather3A_217 = tpu.vector_load_idx %arg9[%add3A_216] : memref<16416xf32, #tpu.memory_space<vmem>>[vector<16xi32>], vector<16xf32>,
        %mul3A_218 = arith.constant 32 : i32
        %mul3A_219 = arith.muli %add3A_210, %mul3A_218 : i32
        %swap3A_220 = arith.index_cast %mul3A_219 : i32 to index
        %swap3A_221 = tpu.vector_load %arg8[%swap3A_220] {strides = array<i32>} : memref<16384xf32, #tpu.memory_space<vmem>>, vector<16xf32>,
        tpu.vector_store %arg8[%swap3A_220], %gather3A_213 {strides = array<i32>} : memref<16384xf32, #tpu.memory_space<vmem>>, vector<16xf32>,
        %mul3A_222 = arith.constant 32 : i32
        %mul3A_223 = arith.muli %add3A_210, %mul3A_222 : i32
        %add3A_224 = arith.constant 16 : i32
        %add3A_225 = arith.addi %mul3A_223, %add3A_224 : i32
        %swap3A_226 = arith.index_cast %add3A_225 : i32 to index
        %swap3A_227 = tpu.vector_load %arg8[%swap3A_226] {strides = array<i32>} : memref<16384xf32, #tpu.memory_space<vmem>>, vector<16xf32>,
        tpu.vector_store %arg8[%swap3A_226], %gather3A_217 {strides = array<i32>} : memref<16384xf32, #tpu.memory_space<vmem>>, vector<16xf32>,
        %add3A_228 = arith.constant 7 : i32
        %add3A_229 = arith.addi %mul3A_96, %add3A_228 : i32
        %add3A_230 = vector.broadcast %add3A_229 : i32 to vector<16xi32>
        %add3A_231 = arith.addi %mul3A_3, %add3A_230 : vector<16xi32>
        %gather3A_232 = tpu.vector_load_idx %arg9[%add3A_231] : memref<16416xf32, #tpu.memory_space<vmem>>[vector<16xi32>], vector<16xf32>,
        %add3A_233 = arith.constant 8208 : i32
        %add3A_234 = vector.broadcast %add3A_233 : i32 to vector<16xi32>
        %add3A_235 = arith.addi %add3A_231, %add3A_234 : vector<16xi32>
        %gather3A_236 = tpu.vector_load_idx %arg9[%add3A_235] : memref<16416xf32, #tpu.memory_space<vmem>>[vector<16xi32>], vector<16xf32>,
        %mul3A_237 = arith.constant 32 : i32
        %mul3A_238 = arith.muli %add3A_229, %mul3A_237 : i32
        %swap3A_239 = arith.index_cast %mul3A_238 : i32 to index
        %swap3A_240 = tpu.vector_load %arg8[%swap3A_239] {strides = array<i32>} : memref<16384xf32, #tpu.memory_space<vmem>>, vector<16xf32>,
        tpu.vector_store %arg8[%swap3A_239], %gather3A_232 {strides = array<i32>} : memref<16384xf32, #tpu.memory_space<vmem>>, vector<16xf32>,
        %mul3A_241 = arith.constant 32 : i32
        %mul3A_242 = arith.muli %add3A_229, %mul3A_241 : i32
        %add3A_243 = arith.constant 16 : i32
        %add3A_244 = arith.addi %mul3A_242, %add3A_243 : i32
        %swap3A_245 = arith.index_cast %add3A_244 : i32 to index
        %swap3A_246 = tpu.vector_load %arg8[%swap3A_245] {strides = array<i32>} : memref<16384xf32, #tpu.memory_space<vmem>>, vector<16xf32>,
        tpu.vector_store %arg8[%swap3A_245], %gather3A_236 {strides = array<i32>} : memref<16384xf32, #tpu.memory_space<vmem>>, vector<16xf32>,
      }
      %scan3A_85 = arith.constant 64 : i32
      %add3A_86 = arith.constant 1952 : i32
      %add3A_87 = arith.addi %add3A, %add3A_86 : i32
      %mul3A_88 = arith.constant 512 : i32
      %mul3A_89 = arith.muli %add3A_87, %mul3A_88 : i32
      %mul3A_90 = arith.constant 32 : i32
      %mul3A_91 = arith.muli %mul3A_89, %mul3A_90 : i32
      %dma_start3A_92 = tpu.memref_slice %arg4[%mul3A_91] : memref<32000000xf32, #tpu.memory_space<hbm>> -> memref<16384xf32, #tpu.memory_space<hbm>>
      %dma_start3A_93 = tpu.memref_slice %arg4[%mul3A_91] : memref<32000000xf32, #tpu.memory_space<hbm>> -> memref<16384xf32, #tpu.memory_space<hbm>>
      tpu.enqueue_dma source(%arg8 : memref<16384xf32, #tpu.memory_space<vmem>>) target(%dma_start3A_93 : memref<16384xf32, #tpu.memory_space<hbm>>) target_semaphore(%arg15 : memref<!tpu.dma_semaphore, #tpu.memory_space<semaphore_mem>>)
    } else {
    }
    %dma_wait3A_53 = arith.constant 0 : i32
    %dma_wait3A_54 = tpu.memref_slice %arg4[%dma_wait3A_53] : memref<32000000xf32, #tpu.memory_space<hbm>> -> memref<16384xf32, #tpu.memory_space<hbm>>
    %dma_wait3A_55 = arith.constant 0 : i32
    %dma_wait3A_56 = tpu.memref_slice %arg4[%dma_wait3A_55] : memref<32000000xf32, #tpu.memory_space<hbm>> -> memref<16384xf32, #tpu.memory_space<hbm>>
    tpu.wait_dma2 semaphore(%arg14 : memref<!tpu.dma_semaphore, #tpu.memory_space<semaphore_mem>>) src(%arg7 : memref<16384xf32, #tpu.memory_space<vmem>>) dst(%dma_wait3A_56 : memref<16384xf32, #tpu.memory_space<hbm>>)
    %add3A_57 = arith.constant 1952 : i32
    %add3A_58 = arith.addi %add3A, %add3A_57 : i32
    %lt3A_59 = arith.constant 1953 : i32
    %lt3A_60 = arith.cmpi slt, %add3A_58, %lt3A_59 : i32
    %convert_element_type3A_61 = arith.extui %lt3A_60 : i1 to i32
    %cond3A_62 = arith.constant 0 : i32
    %cond3A_63 = arith.cmpi ne, %convert_element_type3A_61, %cond3A_62 : i32
    scf.if %cond3A_63 {
      %dma_wait3A_68 = arith.constant 0 : i32
      %dma_wait3A_69 = tpu.memref_slice %arg4[%dma_wait3A_68] : memref<32000000xf32, #tpu.memory_space<hbm>> -> memref<16384xf32, #tpu.memory_space<hbm>>
      %dma_wait3A_70 = arith.constant 0 : i32
      %dma_wait3A_71 = tpu.memref_slice %arg4[%dma_wait3A_70] : memref<32000000xf32, #tpu.memory_space<hbm>> -> memref<16384xf32, #tpu.memory_space<hbm>>
      tpu.wait_dma2 semaphore(%arg15 : memref<!tpu.dma_semaphore, #tpu.memory_space<semaphore_mem>>) src(%arg8 : memref<16384xf32, #tpu.memory_space<vmem>>) dst(%dma_wait3A_71 : memref<16384xf32, #tpu.memory_space<hbm>>)
    } else {
    }
    %eq3A = arith.constant 0 : i32
    %eq3A_64 = arith.cmpi eq, %add3A, %eq3A : i32
    %convert_element_type3A_65 = arith.extui %eq3A_64 : i1 to i32
    %cond3A_66 = arith.constant 0 : i32
    %cond3A_67 = arith.cmpi ne, %convert_element_type3A_65, %cond3A_66 : i32
    scf.if %cond3A_67 {
      tpu.enqueue_dma source(%arg3 : memref<64x32xf32, #tpu.memory_space<hbm>>) target(%arg10 : memref<64x32xf32, #tpu.memory_space<vmem>>) target_semaphore(%arg12 : memref<!tpu.dma_semaphore, #tpu.memory_space<semaphore_mem>>)
      tpu.wait_dma2 semaphore(%arg12 : memref<!tpu.dma_semaphore, #tpu.memory_space<semaphore_mem>>) src(%arg3 : memref<64x32xf32, #tpu.memory_space<hbm>>) dst(%arg10 : memref<64x32xf32, #tpu.memory_space<vmem>>)
      %get3A = arith.constant 0 : i32
      %get3A_68 = arith.index_cast %get3A : i32 to index
      %get3A_69 = arith.constant 0 : index
      %get3A_70 = tpu.vector_load %arg10[%get3A_68, %get3A_69] {strides = array<i32>} : memref<64x32xf32, #tpu.memory_space<vmem>>, vector<16xf32>,
      %add3A_71 = arith.constant 0 : i32
      %add3A_72 = vector.broadcast %add3A_71 : i32 to vector<16xi32>
      %add3A_73 = arith.addi %iota3A, %add3A_72 : vector<16xi32>
      tpu.vector_store_idx %arg11[%add3A_73], %get3A_70 : memref<2048xf32, #tpu.memory_space<vmem>>[vector<16xi32>], vector<16xf32>,
      %get3A_74 = arith.constant 0 : i32
      %get3A_75 = arith.index_cast %get3A_74 : i32 to index
      %get3A_76 = arith.constant 16 : index
      %get3A_77 = tpu.vector_load %arg10[%get3A_75, %get3A_76] {strides = array<i32>} : memref<64x32xf32, #tpu.memory_space<vmem>>, vector<16xf32>,
      %add3A_78 = arith.constant 16 : i32
      %add3A_79 = vector.broadcast %add3A_78 : i32 to vector<16xi32>
      %add3A_80 = arith.addi %iota3A, %add3A_79 : vector<16xi32>
      tpu.vector_store_idx %arg11[%add3A_80], %get3A_77 : memref<2048xf32, #tpu.memory_space<vmem>>[vector<16xi32>], vector<16xf32>,
      %get3A_81 = arith.constant 1 : i32
      %get3A_82 = arith.index_cast %get3A_81 : i32 to index
      %get3A_83 = arith.constant 0 : index
      %get3A_84 = tpu.vector_load %arg10[%get3A_82, %get3A_83] {strides = array<i32>} : memref<64x32xf32, #tpu.memory_space<vmem>>, vector<16xf32>,
      %add3A_85 = arith.constant 32 : i32
      %add3A_86 = vector.broadcast %add3A_85 : i32 to vector<16xi32>
      %add3A_87 = arith.addi %iota3A, %add3A_86 : vector<16xi32>
      tpu.vector_store_idx %arg11[%add3A_87], %get3A_84 : memref<2048xf32, #tpu.memory_space<vmem>>[vector<16xi32>], vector<16xf32>,
      %get3A_88 = arith.constant 1 : i32
      %get3A_89 = arith.index_cast %get3A_88 : i32 to index
      %get3A_90 = arith.constant 16 : index
      %get3A_91 = tpu.vector_load %arg10[%get3A_89, %get3A_90] {strides = array<i32>} : memref<64x32xf32, #tpu.memory_space<vmem>>, vector<16xf32>,
      %add3A_92 = arith.constant 48 : i32
      %add3A_93 = vector.broadcast %add3A_92 : i32 to vector<16xi32>
      %add3A_94 = arith.addi %iota3A, %add3A_93 : vector<16xi32>
      tpu.vector_store_idx %arg11[%add3A_94], %get3A_91 : memref<2048xf32, #tpu.memory_space<vmem>>[vector<16xi32>], vector<16xf32>,
      %get3A_95 = arith.constant 2 : i32
      %get3A_96 = arith.index_cast %get3A_95 : i32 to index
      %get3A_97 = arith.constant 0 : index
      %get3A_98 = tpu.vector_load %arg10[%get3A_96, %get3A_97] {strides = array<i32>} : memref<64x32xf32, #tpu.memory_space<vmem>>, vector<16xf32>,
      %add3A_99 = arith.constant 64 : i32
      %add3A_100 = vector.broadcast %add3A_99 : i32 to vector<16xi32>
      %add3A_101 = arith.addi %iota3A, %add3A_100 : vector<16xi32>
      tpu.vector_store_idx %arg11[%add3A_101], %get3A_98 : memref<2048xf32, #tpu.memory_space<vmem>>[vector<16xi32>], vector<16xf32>,
      %get3A_102 = arith.constant 2 : i32
      %get3A_103 = arith.index_cast %get3A_102 : i32 to index
      %get3A_104 = arith.constant 16 : index
      %get3A_105 = tpu.vector_load %arg10[%get3A_103, %get3A_104] {strides = array<i32>} : memref<64x32xf32, #tpu.memory_space<vmem>>, vector<16xf32>,
      %add3A_106 = arith.constant 80 : i32
      %add3A_107 = vector.broadcast %add3A_106 : i32 to vector<16xi32>
      %add3A_108 = arith.addi %iota3A, %add3A_107 : vector<16xi32>
      tpu.vector_store_idx %arg11[%add3A_108], %get3A_105 : memref<2048xf32, #tpu.memory_space<vmem>>[vector<16xi32>], vector<16xf32>,
      %get3A_109 = arith.constant 3 : i32
      %get3A_110 = arith.index_cast %get3A_109 : i32 to index
      %get3A_111 = arith.constant 0 : index
      %get3A_112 = tpu.vector_load %arg10[%get3A_110, %get3A_111] {strides = array<i32>} : memref<64x32xf32, #tpu.memory_space<vmem>>, vector<16xf32>,
      %add3A_113 = arith.constant 96 : i32
      %add3A_114 = vector.broadcast %add3A_113 : i32 to vector<16xi32>
      %add3A_115 = arith.addi %iota3A, %add3A_114 : vector<16xi32>
      tpu.vector_store_idx %arg11[%add3A_115], %get3A_112 : memref<2048xf32, #tpu.memory_space<vmem>>[vector<16xi32>], vector<16xf32>,
      %get3A_116 = arith.constant 3 : i32
      %get3A_117 = arith.index_cast %get3A_116 : i32 to index
      %get3A_118 = arith.constant 16 : index
      %get3A_119 = tpu.vector_load %arg10[%get3A_117, %get3A_118] {strides = array<i32>} : memref<64x32xf32, #tpu.memory_space<vmem>>, vector<16xf32>,
      %add3A_120 = arith.constant 112 : i32
      %add3A_121 = vector.broadcast %add3A_120 : i32 to vector<16xi32>
      %add3A_122 = arith.addi %iota3A, %add3A_121 : vector<16xi32>
      tpu.vector_store_idx %arg11[%add3A_122], %get3A_119 : memref<2048xf32, #tpu.memory_space<vmem>>[vector<16xi32>], vector<16xf32>,
      %get3A_123 = arith.constant 4 : i32
      %get3A_124 = arith.index_cast %get3A_123 : i32 to index
      %get3A_125 = arith.constant 0 : index
      %get3A_126 = tpu.vector_load %arg10[%get3A_124, %get3A_125] {strides = array<i32>} : memref<64x32xf32, #tpu.memory_space<vmem>>, vector<16xf32>,
      %add3A_127 = arith.constant 128 : i32
      %add3A_128 = vector.broadcast %add3A_127 : i32 to vector<16xi32>
      %add3A_129 = arith.addi %iota3A, %add3A_128 : vector<16xi32>
      tpu.vector_store_idx %arg11[%add3A_129], %get3A_126 : memref<2048xf32, #tpu.memory_space<vmem>>[vector<16xi32>], vector<16xf32>,
      %get3A_130 = arith.constant 4 : i32
      %get3A_131 = arith.index_cast %get3A_130 : i32 to index
      %get3A_132 = arith.constant 16 : index
      %get3A_133 = tpu.vector_load %arg10[%get3A_131, %get3A_132] {strides = array<i32>} : memref<64x32xf32, #tpu.memory_space<vmem>>, vector<16xf32>,
      %add3A_134 = arith.constant 144 : i32
      %add3A_135 = vector.broadcast %add3A_134 : i32 to vector<16xi32>
      %add3A_136 = arith.addi %iota3A, %add3A_135 : vector<16xi32>
      tpu.vector_store_idx %arg11[%add3A_136], %get3A_133 : memref<2048xf32, #tpu.memory_space<vmem>>[vector<16xi32>], vector<16xf32>,
      %get3A_137 = arith.constant 5 : i32
      %get3A_138 = arith.index_cast %get3A_137 : i32 to index
      %get3A_139 = arith.constant 0 : index
      %get3A_140 = tpu.vector_load %arg10[%get3A_138, %get3A_139] {strides = array<i32>} : memref<64x32xf32, #tpu.memory_space<vmem>>, vector<16xf32>,
      %add3A_141 = arith.constant 160 : i32
      %add3A_142 = vector.broadcast %add3A_141 : i32 to vector<16xi32>
      %add3A_143 = arith.addi %iota3A, %add3A_142 : vector<16xi32>
      tpu.vector_store_idx %arg11[%add3A_143], %get3A_140 : memref<2048xf32, #tpu.memory_space<vmem>>[vector<16xi32>], vector<16xf32>,
      %get3A_144 = arith.constant 5 : i32
      %get3A_145 = arith.index_cast %get3A_144 : i32 to index
      %get3A_146 = arith.constant 16 : index
      %get3A_147 = tpu.vector_load %arg10[%get3A_145, %get3A_146] {strides = array<i32>} : memref<64x32xf32, #tpu.memory_space<vmem>>, vector<16xf32>,
      %add3A_148 = arith.constant 176 : i32
      %add3A_149 = vector.broadcast %add3A_148 : i32 to vector<16xi32>
      %add3A_150 = arith.addi %iota3A, %add3A_149 : vector<16xi32>
      tpu.vector_store_idx %arg11[%add3A_150], %get3A_147 : memref<2048xf32, #tpu.memory_space<vmem>>[vector<16xi32>], vector<16xf32>,
      %get3A_151 = arith.constant 6 : i32
      %get3A_152 = arith.index_cast %get3A_151 : i32 to index
      %get3A_153 = arith.constant 0 : index
      %get3A_154 = tpu.vector_load %arg10[%get3A_152, %get3A_153] {strides = array<i32>} : memref<64x32xf32, #tpu.memory_space<vmem>>, vector<16xf32>,
      %add3A_155 = arith.constant 192 : i32
      %add3A_156 = vector.broadcast %add3A_155 : i32 to vector<16xi32>
      %add3A_157 = arith.addi %iota3A, %add3A_156 : vector<16xi32>
      tpu.vector_store_idx %arg11[%add3A_157], %get3A_154 : memref<2048xf32, #tpu.memory_space<vmem>>[vector<16xi32>], vector<16xf32>,
      %get3A_158 = arith.constant 6 : i32
      %get3A_159 = arith.index_cast %get3A_158 : i32 to index
      %get3A_160 = arith.constant 16 : index
      %get3A_161 = tpu.vector_load %arg10[%get3A_159, %get3A_160] {strides = array<i32>} : memref<64x32xf32, #tpu.memory_space<vmem>>, vector<16xf32>,
      %add3A_162 = arith.constant 208 : i32
      %add3A_163 = vector.broadcast %add3A_162 : i32 to vector<16xi32>
      %add3A_164 = arith.addi %iota3A, %add3A_163 : vector<16xi32>
      tpu.vector_store_idx %arg11[%add3A_164], %get3A_161 : memref<2048xf32, #tpu.memory_space<vmem>>[vector<16xi32>], vector<16xf32>,
      %get3A_165 = arith.constant 7 : i32
      %get3A_166 = arith.index_cast %get3A_165 : i32 to index
      %get3A_167 = arith.constant 0 : index
      %get3A_168 = tpu.vector_load %arg10[%get3A_166, %get3A_167] {strides = array<i32>} : memref<64x32xf32, #tpu.memory_space<vmem>>, vector<16xf32>,
      %add3A_169 = arith.constant 224 : i32
      %add3A_170 = vector.broadcast %add3A_169 : i32 to vector<16xi32>
      %add3A_171 = arith.addi %iota3A, %add3A_170 : vector<16xi32>
      tpu.vector_store_idx %arg11[%add3A_171], %get3A_168 : memref<2048xf32, #tpu.memory_space<vmem>>[vector<16xi32>], vector<16xf32>,
      %get3A_172 = arith.constant 7 : i32
      %get3A_173 = arith.index_cast %get3A_172 : i32 to index
      %get3A_174 = arith.constant 16 : index
      %get3A_175 = tpu.vector_load %arg10[%get3A_173, %get3A_174] {strides = array<i32>} : memref<64x32xf32, #tpu.memory_space<vmem>>, vector<16xf32>,
      %add3A_176 = arith.constant 240 : i32
      %add3A_177 = vector.broadcast %add3A_176 : i32 to vector<16xi32>
      %add3A_178 = arith.addi %iota3A, %add3A_177 : vector<16xi32>
      tpu.vector_store_idx %arg11[%add3A_178], %get3A_175 : memref<2048xf32, #tpu.memory_space<vmem>>[vector<16xi32>], vector<16xf32>,
      %get3A_179 = arith.constant 8 : i32
      %get3A_180 = arith.index_cast %get3A_179 : i32 to index
      %get3A_181 = arith.constant 0 : index
      %get3A_182 = tpu.vector_load %arg10[%get3A_180, %get3A_181] {strides = array<i32>} : memref<64x32xf32, #tpu.memory_space<vmem>>, vector<16xf32>,
      %add3A_183 = arith.constant 256 : i32
      %add3A_184 = vector.broadcast %add3A_183 : i32 to vector<16xi32>
      %add3A_185 = arith.addi %iota3A, %add3A_184 : vector<16xi32>
      tpu.vector_store_idx %arg11[%add3A_185], %get3A_182 : memref<2048xf32, #tpu.memory_space<vmem>>[vector<16xi32>], vector<16xf32>,
      %get3A_186 = arith.constant 8 : i32
      %get3A_187 = arith.index_cast %get3A_186 : i32 to index
      %get3A_188 = arith.constant 16 : index
      %get3A_189 = tpu.vector_load %arg10[%get3A_187, %get3A_188] {strides = array<i32>} : memref<64x32xf32, #tpu.memory_space<vmem>>, vector<16xf32>,
      %add3A_190 = arith.constant 272 : i32
      %add3A_191 = vector.broadcast %add3A_190 : i32 to vector<16xi32>
      %add3A_192 = arith.addi %iota3A, %add3A_191 : vector<16xi32>
      tpu.vector_store_idx %arg11[%add3A_192], %get3A_189 : memref<2048xf32, #tpu.memory_space<vmem>>[vector<16xi32>], vector<16xf32>,
      %get3A_193 = arith.constant 9 : i32
      %get3A_194 = arith.index_cast %get3A_193 : i32 to index
      %get3A_195 = arith.constant 0 : index
      %get3A_196 = tpu.vector_load %arg10[%get3A_194, %get3A_195] {strides = array<i32>} : memref<64x32xf32, #tpu.memory_space<vmem>>, vector<16xf32>,
      %add3A_197 = arith.constant 288 : i32
      %add3A_198 = vector.broadcast %add3A_197 : i32 to vector<16xi32>
      %add3A_199 = arith.addi %iota3A, %add3A_198 : vector<16xi32>
      tpu.vector_store_idx %arg11[%add3A_199], %get3A_196 : memref<2048xf32, #tpu.memory_space<vmem>>[vector<16xi32>], vector<16xf32>,
      %get3A_200 = arith.constant 9 : i32
      %get3A_201 = arith.index_cast %get3A_200 : i32 to index
      %get3A_202 = arith.constant 16 : index
      %get3A_203 = tpu.vector_load %arg10[%get3A_201, %get3A_202] {strides = array<i32>} : memref<64x32xf32, #tpu.memory_space<vmem>>, vector<16xf32>,
      %add3A_204 = arith.constant 304 : i32
      %add3A_205 = vector.broadcast %add3A_204 : i32 to vector<16xi32>
      %add3A_206 = arith.addi %iota3A, %add3A_205 : vector<16xi32>
      tpu.vector_store_idx %arg11[%add3A_206], %get3A_203 : memref<2048xf32, #tpu.memory_space<vmem>>[vector<16xi32>], vector<16xf32>,
      %get3A_207 = arith.constant 10 : i32
      %get3A_208 = arith.index_cast %get3A_207 : i32 to index
      %get3A_209 = arith.constant 0 : index
      %get3A_210 = tpu.vector_load %arg10[%get3A_208, %get3A_209] {strides = array<i32>} : memref<64x32xf32, #tpu.memory_space<vmem>>, vector<16xf32>,
      %add3A_211 = arith.constant 320 : i32
      %add3A_212 = vector.broadcast %add3A_211 : i32 to vector<16xi32>
      %add3A_213 = arith.addi %iota3A, %add3A_212 : vector<16xi32>
      tpu.vector_store_idx %arg11[%add3A_213], %get3A_210 : memref<2048xf32, #tpu.memory_space<vmem>>[vector<16xi32>], vector<16xf32>,
      %get3A_214 = arith.constant 10 : i32
      %get3A_215 = arith.index_cast %get3A_214 : i32 to index
      %get3A_216 = arith.constant 16 : index
      %get3A_217 = tpu.vector_load %arg10[%get3A_215, %get3A_216] {strides = array<i32>} : memref<64x32xf32, #tpu.memory_space<vmem>>, vector<16xf32>,
      %add3A_218 = arith.constant 336 : i32
      %add3A_219 = vector.broadcast %add3A_218 : i32 to vector<16xi32>
      %add3A_220 = arith.addi %iota3A, %add3A_219 : vector<16xi32>
      tpu.vector_store_idx %arg11[%add3A_220], %get3A_217 : memref<2048xf32, #tpu.memory_space<vmem>>[vector<16xi32>], vector<16xf32>,
      %get3A_221 = arith.constant 11 : i32
      %get3A_222 = arith.index_cast %get3A_221 : i32 to index
      %get3A_223 = arith.constant 0 : index
      %get3A_224 = tpu.vector_load %arg10[%get3A_222, %get3A_223] {strides = array<i32>} : memref<64x32xf32, #tpu.memory_space<vmem>>, vector<16xf32>,
      %add3A_225 = arith.constant 352 : i32
      %add3A_226 = vector.broadcast %add3A_225 : i32 to vector<16xi32>
      %add3A_227 = arith.addi %iota3A, %add3A_226 : vector<16xi32>
      tpu.vector_store_idx %arg11[%add3A_227], %get3A_224 : memref<2048xf32, #tpu.memory_space<vmem>>[vector<16xi32>], vector<16xf32>,
      %get3A_228 = arith.constant 11 : i32
      %get3A_229 = arith.index_cast %get3A_228 : i32 to index
      %get3A_230 = arith.constant 16 : index
      %get3A_231 = tpu.vector_load %arg10[%get3A_229, %get3A_230] {strides = array<i32>} : memref<64x32xf32, #tpu.memory_space<vmem>>, vector<16xf32>,
      %add3A_232 = arith.constant 368 : i32
      %add3A_233 = vector.broadcast %add3A_232 : i32 to vector<16xi32>
      %add3A_234 = arith.addi %iota3A, %add3A_233 : vector<16xi32>
      tpu.vector_store_idx %arg11[%add3A_234], %get3A_231 : memref<2048xf32, #tpu.memory_space<vmem>>[vector<16xi32>], vector<16xf32>,
      %get3A_235 = arith.constant 12 : i32
      %get3A_236 = arith.index_cast %get3A_235 : i32 to index
      %get3A_237 = arith.constant 0 : index
      %get3A_238 = tpu.vector_load %arg10[%get3A_236, %get3A_237] {strides = array<i32>} : memref<64x32xf32, #tpu.memory_space<vmem>>, vector<16xf32>,
      %add3A_239 = arith.constant 384 : i32
      %add3A_240 = vector.broadcast %add3A_239 : i32 to vector<16xi32>
      %add3A_241 = arith.addi %iota3A, %add3A_240 : vector<16xi32>
      tpu.vector_store_idx %arg11[%add3A_241], %get3A_238 : memref<2048xf32, #tpu.memory_space<vmem>>[vector<16xi32>], vector<16xf32>,
      %get3A_242 = arith.constant 12 : i32
      %get3A_243 = arith.index_cast %get3A_242 : i32 to index
      %get3A_244 = arith.constant 16 : index
      %get3A_245 = tpu.vector_load %arg10[%get3A_243, %get3A_244] {strides = array<i32>} : memref<64x32xf32, #tpu.memory_space<vmem>>, vector<16xf32>,
      %add3A_246 = arith.constant 400 : i32
      %add3A_247 = vector.broadcast %add3A_246 : i32 to vector<16xi32>
      %add3A_248 = arith.addi %iota3A, %add3A_247 : vector<16xi32>
      tpu.vector_store_idx %arg11[%add3A_248], %get3A_245 : memref<2048xf32, #tpu.memory_space<vmem>>[vector<16xi32>], vector<16xf32>,
      %get3A_249 = arith.constant 13 : i32
      %get3A_250 = arith.index_cast %get3A_249 : i32 to index
      %get3A_251 = arith.constant 0 : index
      %get3A_252 = tpu.vector_load %arg10[%get3A_250, %get3A_251] {strides = array<i32>} : memref<64x32xf32, #tpu.memory_space<vmem>>, vector<16xf32>,
      %add3A_253 = arith.constant 416 : i32
      %add3A_254 = vector.broadcast %add3A_253 : i32 to vector<16xi32>
      %add3A_255 = arith.addi %iota3A, %add3A_254 : vector<16xi32>
      tpu.vector_store_idx %arg11[%add3A_255], %get3A_252 : memref<2048xf32, #tpu.memory_space<vmem>>[vector<16xi32>], vector<16xf32>,
      %get3A_256 = arith.constant 13 : i32
      %get3A_257 = arith.index_cast %get3A_256 : i32 to index
      %get3A_258 = arith.constant 16 : index
      %get3A_259 = tpu.vector_load %arg10[%get3A_257, %get3A_258] {strides = array<i32>} : memref<64x32xf32, #tpu.memory_space<vmem>>, vector<16xf32>,
      %add3A_260 = arith.constant 432 : i32
      %add3A_261 = vector.broadcast %add3A_260 : i32 to vector<16xi32>
      %add3A_262 = arith.addi %iota3A, %add3A_261 : vector<16xi32>
      tpu.vector_store_idx %arg11[%add3A_262], %get3A_259 : memref<2048xf32, #tpu.memory_space<vmem>>[vector<16xi32>], vector<16xf32>,
      %get3A_263 = arith.constant 14 : i32
      %get3A_264 = arith.index_cast %get3A_263 : i32 to index
      %get3A_265 = arith.constant 0 : index
      %get3A_266 = tpu.vector_load %arg10[%get3A_264, %get3A_265] {strides = array<i32>} : memref<64x32xf32, #tpu.memory_space<vmem>>, vector<16xf32>,
      %add3A_267 = arith.constant 448 : i32
      %add3A_268 = vector.broadcast %add3A_267 : i32 to vector<16xi32>
      %add3A_269 = arith.addi %iota3A, %add3A_268 : vector<16xi32>
      tpu.vector_store_idx %arg11[%add3A_269], %get3A_266 : memref<2048xf32, #tpu.memory_space<vmem>>[vector<16xi32>], vector<16xf32>,
      %get3A_270 = arith.constant 14 : i32
      %get3A_271 = arith.index_cast %get3A_270 : i32 to index
      %get3A_272 = arith.constant 16 : index
      %get3A_273 = tpu.vector_load %arg10[%get3A_271, %get3A_272] {strides = array<i32>} : memref<64x32xf32, #tpu.memory_space<vmem>>, vector<16xf32>,
      %add3A_274 = arith.constant 464 : i32
      %add3A_275 = vector.broadcast %add3A_274 : i32 to vector<16xi32>
      %add3A_276 = arith.addi %iota3A, %add3A_275 : vector<16xi32>
      tpu.vector_store_idx %arg11[%add3A_276], %get3A_273 : memref<2048xf32, #tpu.memory_space<vmem>>[vector<16xi32>], vector<16xf32>,
      %get3A_277 = arith.constant 15 : i32
      %get3A_278 = arith.index_cast %get3A_277 : i32 to index
      %get3A_279 = arith.constant 0 : index
      %get3A_280 = tpu.vector_load %arg10[%get3A_278, %get3A_279] {strides = array<i32>} : memref<64x32xf32, #tpu.memory_space<vmem>>, vector<16xf32>,
      %add3A_281 = arith.constant 480 : i32
      %add3A_282 = vector.broadcast %add3A_281 : i32 to vector<16xi32>
      %add3A_283 = arith.addi %iota3A, %add3A_282 : vector<16xi32>
      tpu.vector_store_idx %arg11[%add3A_283], %get3A_280 : memref<2048xf32, #tpu.memory_space<vmem>>[vector<16xi32>], vector<16xf32>,
      %get3A_284 = arith.constant 15 : i32
      %get3A_285 = arith.index_cast %get3A_284 : i32 to index
      %get3A_286 = arith.constant 16 : index
      %get3A_287 = tpu.vector_load %arg10[%get3A_285, %get3A_286] {strides = array<i32>} : memref<64x32xf32, #tpu.memory_space<vmem>>, vector<16xf32>,
      %add3A_288 = arith.constant 496 : i32
      %add3A_289 = vector.broadcast %add3A_288 : i32 to vector<16xi32>
      %add3A_290 = arith.addi %iota3A, %add3A_289 : vector<16xi32>
      tpu.vector_store_idx %arg11[%add3A_290], %get3A_287 : memref<2048xf32, #tpu.memory_space<vmem>>[vector<16xi32>], vector<16xf32>,
      %get3A_291 = arith.constant 16 : i32
      %get3A_292 = arith.index_cast %get3A_291 : i32 to index
      %get3A_293 = arith.constant 0 : index
      %get3A_294 = tpu.vector_load %arg10[%get3A_292, %get3A_293] {strides = array<i32>} : memref<64x32xf32, #tpu.memory_space<vmem>>, vector<16xf32>,
      %add3A_295 = arith.constant 512 : i32
      %add3A_296 = vector.broadcast %add3A_295 : i32 to vector<16xi32>
      %add3A_297 = arith.addi %iota3A, %add3A_296 : vector<16xi32>
      tpu.vector_store_idx %arg11[%add3A_297], %get3A_294 : memref<2048xf32, #tpu.memory_space<vmem>>[vector<16xi32>], vector<16xf32>,
      %get3A_298 = arith.constant 16 : i32
      %get3A_299 = arith.index_cast %get3A_298 : i32 to index
      %get3A_300 = arith.constant 16 : index
      %get3A_301 = tpu.vector_load %arg10[%get3A_299, %get3A_300] {strides = array<i32>} : memref<64x32xf32, #tpu.memory_space<vmem>>, vector<16xf32>,
      %add3A_302 = arith.constant 528 : i32
      %add3A_303 = vector.broadcast %add3A_302 : i32 to vector<16xi32>
      %add3A_304 = arith.addi %iota3A, %add3A_303 : vector<16xi32>
      tpu.vector_store_idx %arg11[%add3A_304], %get3A_301 : memref<2048xf32, #tpu.memory_space<vmem>>[vector<16xi32>], vector<16xf32>,
      %get3A_305 = arith.constant 17 : i32
      %get3A_306 = arith.index_cast %get3A_305 : i32 to index
      %get3A_307 = arith.constant 0 : index
      %get3A_308 = tpu.vector_load %arg10[%get3A_306, %get3A_307] {strides = array<i32>} : memref<64x32xf32, #tpu.memory_space<vmem>>, vector<16xf32>,
      %add3A_309 = arith.constant 544 : i32
      %add3A_310 = vector.broadcast %add3A_309 : i32 to vector<16xi32>
      %add3A_311 = arith.addi %iota3A, %add3A_310 : vector<16xi32>
      tpu.vector_store_idx %arg11[%add3A_311], %get3A_308 : memref<2048xf32, #tpu.memory_space<vmem>>[vector<16xi32>], vector<16xf32>,
      %get3A_312 = arith.constant 17 : i32
      %get3A_313 = arith.index_cast %get3A_312 : i32 to index
      %get3A_314 = arith.constant 16 : index
      %get3A_315 = tpu.vector_load %arg10[%get3A_313, %get3A_314] {strides = array<i32>} : memref<64x32xf32, #tpu.memory_space<vmem>>, vector<16xf32>,
      %add3A_316 = arith.constant 560 : i32
      %add3A_317 = vector.broadcast %add3A_316 : i32 to vector<16xi32>
      %add3A_318 = arith.addi %iota3A, %add3A_317 : vector<16xi32>
      tpu.vector_store_idx %arg11[%add3A_318], %get3A_315 : memref<2048xf32, #tpu.memory_space<vmem>>[vector<16xi32>], vector<16xf32>,
      %get3A_319 = arith.constant 18 : i32
      %get3A_320 = arith.index_cast %get3A_319 : i32 to index
      %get3A_321 = arith.constant 0 : index
      %get3A_322 = tpu.vector_load %arg10[%get3A_320, %get3A_321] {strides = array<i32>} : memref<64x32xf32, #tpu.memory_space<vmem>>, vector<16xf32>,
      %add3A_323 = arith.constant 576 : i32
      %add3A_324 = vector.broadcast %add3A_323 : i32 to vector<16xi32>
      %add3A_325 = arith.addi %iota3A, %add3A_324 : vector<16xi32>
      tpu.vector_store_idx %arg11[%add3A_325], %get3A_322 : memref<2048xf32, #tpu.memory_space<vmem>>[vector<16xi32>], vector<16xf32>,
      %get3A_326 = arith.constant 18 : i32
      %get3A_327 = arith.index_cast %get3A_326 : i32 to index
      %get3A_328 = arith.constant 16 : index
      %get3A_329 = tpu.vector_load %arg10[%get3A_327, %get3A_328] {strides = array<i32>} : memref<64x32xf32, #tpu.memory_space<vmem>>, vector<16xf32>,
      %add3A_330 = arith.constant 592 : i32
      %add3A_331 = vector.broadcast %add3A_330 : i32 to vector<16xi32>
      %add3A_332 = arith.addi %iota3A, %add3A_331 : vector<16xi32>
      tpu.vector_store_idx %arg11[%add3A_332], %get3A_329 : memref<2048xf32, #tpu.memory_space<vmem>>[vector<16xi32>], vector<16xf32>,
      %get3A_333 = arith.constant 19 : i32
      %get3A_334 = arith.index_cast %get3A_333 : i32 to index
      %get3A_335 = arith.constant 0 : index
      %get3A_336 = tpu.vector_load %arg10[%get3A_334, %get3A_335] {strides = array<i32>} : memref<64x32xf32, #tpu.memory_space<vmem>>, vector<16xf32>,
      %add3A_337 = arith.constant 608 : i32
      %add3A_338 = vector.broadcast %add3A_337 : i32 to vector<16xi32>
      %add3A_339 = arith.addi %iota3A, %add3A_338 : vector<16xi32>
      tpu.vector_store_idx %arg11[%add3A_339], %get3A_336 : memref<2048xf32, #tpu.memory_space<vmem>>[vector<16xi32>], vector<16xf32>,
      %get3A_340 = arith.constant 19 : i32
      %get3A_341 = arith.index_cast %get3A_340 : i32 to index
      %get3A_342 = arith.constant 16 : index
      %get3A_343 = tpu.vector_load %arg10[%get3A_341, %get3A_342] {strides = array<i32>} : memref<64x32xf32, #tpu.memory_space<vmem>>, vector<16xf32>,
      %add3A_344 = arith.constant 624 : i32
      %add3A_345 = vector.broadcast %add3A_344 : i32 to vector<16xi32>
      %add3A_346 = arith.addi %iota3A, %add3A_345 : vector<16xi32>
      tpu.vector_store_idx %arg11[%add3A_346], %get3A_343 : memref<2048xf32, #tpu.memory_space<vmem>>[vector<16xi32>], vector<16xf32>,
      %get3A_347 = arith.constant 20 : i32
      %get3A_348 = arith.index_cast %get3A_347 : i32 to index
      %get3A_349 = arith.constant 0 : index
      %get3A_350 = tpu.vector_load %arg10[%get3A_348, %get3A_349] {strides = array<i32>} : memref<64x32xf32, #tpu.memory_space<vmem>>, vector<16xf32>,
      %add3A_351 = arith.constant 640 : i32
      %add3A_352 = vector.broadcast %add3A_351 : i32 to vector<16xi32>
      %add3A_353 = arith.addi %iota3A, %add3A_352 : vector<16xi32>
      tpu.vector_store_idx %arg11[%add3A_353], %get3A_350 : memref<2048xf32, #tpu.memory_space<vmem>>[vector<16xi32>], vector<16xf32>,
      %get3A_354 = arith.constant 20 : i32
      %get3A_355 = arith.index_cast %get3A_354 : i32 to index
      %get3A_356 = arith.constant 16 : index
      %get3A_357 = tpu.vector_load %arg10[%get3A_355, %get3A_356] {strides = array<i32>} : memref<64x32xf32, #tpu.memory_space<vmem>>, vector<16xf32>,
      %add3A_358 = arith.constant 656 : i32
      %add3A_359 = vector.broadcast %add3A_358 : i32 to vector<16xi32>
      %add3A_360 = arith.addi %iota3A, %add3A_359 : vector<16xi32>
      tpu.vector_store_idx %arg11[%add3A_360], %get3A_357 : memref<2048xf32, #tpu.memory_space<vmem>>[vector<16xi32>], vector<16xf32>,
      %get3A_361 = arith.constant 21 : i32
      %get3A_362 = arith.index_cast %get3A_361 : i32 to index
      %get3A_363 = arith.constant 0 : index
      %get3A_364 = tpu.vector_load %arg10[%get3A_362, %get3A_363] {strides = array<i32>} : memref<64x32xf32, #tpu.memory_space<vmem>>, vector<16xf32>,
      %add3A_365 = arith.constant 672 : i32
      %add3A_366 = vector.broadcast %add3A_365 : i32 to vector<16xi32>
      %add3A_367 = arith.addi %iota3A, %add3A_366 : vector<16xi32>
      tpu.vector_store_idx %arg11[%add3A_367], %get3A_364 : memref<2048xf32, #tpu.memory_space<vmem>>[vector<16xi32>], vector<16xf32>,
      %get3A_368 = arith.constant 21 : i32
      %get3A_369 = arith.index_cast %get3A_368 : i32 to index
      %get3A_370 = arith.constant 16 : index
      %get3A_371 = tpu.vector_load %arg10[%get3A_369, %get3A_370] {strides = array<i32>} : memref<64x32xf32, #tpu.memory_space<vmem>>, vector<16xf32>,
      %add3A_372 = arith.constant 688 : i32
      %add3A_373 = vector.broadcast %add3A_372 : i32 to vector<16xi32>
      %add3A_374 = arith.addi %iota3A, %add3A_373 : vector<16xi32>
      tpu.vector_store_idx %arg11[%add3A_374], %get3A_371 : memref<2048xf32, #tpu.memory_space<vmem>>[vector<16xi32>], vector<16xf32>,
      %get3A_375 = arith.constant 22 : i32
      %get3A_376 = arith.index_cast %get3A_375 : i32 to index
      %get3A_377 = arith.constant 0 : index
      %get3A_378 = tpu.vector_load %arg10[%get3A_376, %get3A_377] {strides = array<i32>} : memref<64x32xf32, #tpu.memory_space<vmem>>, vector<16xf32>,
      %add3A_379 = arith.constant 704 : i32
      %add3A_380 = vector.broadcast %add3A_379 : i32 to vector<16xi32>
      %add3A_381 = arith.addi %iota3A, %add3A_380 : vector<16xi32>
      tpu.vector_store_idx %arg11[%add3A_381], %get3A_378 : memref<2048xf32, #tpu.memory_space<vmem>>[vector<16xi32>], vector<16xf32>,
      %get3A_382 = arith.constant 22 : i32
      %get3A_383 = arith.index_cast %get3A_382 : i32 to index
      %get3A_384 = arith.constant 16 : index
      %get3A_385 = tpu.vector_load %arg10[%get3A_383, %get3A_384] {strides = array<i32>} : memref<64x32xf32, #tpu.memory_space<vmem>>, vector<16xf32>,
      %add3A_386 = arith.constant 720 : i32
      %add3A_387 = vector.broadcast %add3A_386 : i32 to vector<16xi32>
      %add3A_388 = arith.addi %iota3A, %add3A_387 : vector<16xi32>
      tpu.vector_store_idx %arg11[%add3A_388], %get3A_385 : memref<2048xf32, #tpu.memory_space<vmem>>[vector<16xi32>], vector<16xf32>,
      %get3A_389 = arith.constant 23 : i32
      %get3A_390 = arith.index_cast %get3A_389 : i32 to index
      %get3A_391 = arith.constant 0 : index
      %get3A_392 = tpu.vector_load %arg10[%get3A_390, %get3A_391] {strides = array<i32>} : memref<64x32xf32, #tpu.memory_space<vmem>>, vector<16xf32>,
      %add3A_393 = arith.constant 736 : i32
      %add3A_394 = vector.broadcast %add3A_393 : i32 to vector<16xi32>
      %add3A_395 = arith.addi %iota3A, %add3A_394 : vector<16xi32>
      tpu.vector_store_idx %arg11[%add3A_395], %get3A_392 : memref<2048xf32, #tpu.memory_space<vmem>>[vector<16xi32>], vector<16xf32>,
      %get3A_396 = arith.constant 23 : i32
      %get3A_397 = arith.index_cast %get3A_396 : i32 to index
      %get3A_398 = arith.constant 16 : index
      %get3A_399 = tpu.vector_load %arg10[%get3A_397, %get3A_398] {strides = array<i32>} : memref<64x32xf32, #tpu.memory_space<vmem>>, vector<16xf32>,
      %add3A_400 = arith.constant 752 : i32
      %add3A_401 = vector.broadcast %add3A_400 : i32 to vector<16xi32>
      %add3A_402 = arith.addi %iota3A, %add3A_401 : vector<16xi32>
      tpu.vector_store_idx %arg11[%add3A_402], %get3A_399 : memref<2048xf32, #tpu.memory_space<vmem>>[vector<16xi32>], vector<16xf32>,
      %get3A_403 = arith.constant 24 : i32
      %get3A_404 = arith.index_cast %get3A_403 : i32 to index
      %get3A_405 = arith.constant 0 : index
      %get3A_406 = tpu.vector_load %arg10[%get3A_404, %get3A_405] {strides = array<i32>} : memref<64x32xf32, #tpu.memory_space<vmem>>, vector<16xf32>,
      %add3A_407 = arith.constant 768 : i32
      %add3A_408 = vector.broadcast %add3A_407 : i32 to vector<16xi32>
      %add3A_409 = arith.addi %iota3A, %add3A_408 : vector<16xi32>
      tpu.vector_store_idx %arg11[%add3A_409], %get3A_406 : memref<2048xf32, #tpu.memory_space<vmem>>[vector<16xi32>], vector<16xf32>,
      %get3A_410 = arith.constant 24 : i32
      %get3A_411 = arith.index_cast %get3A_410 : i32 to index
      %get3A_412 = arith.constant 16 : index
      %get3A_413 = tpu.vector_load %arg10[%get3A_411, %get3A_412] {strides = array<i32>} : memref<64x32xf32, #tpu.memory_space<vmem>>, vector<16xf32>,
      %add3A_414 = arith.constant 784 : i32
      %add3A_415 = vector.broadcast %add3A_414 : i32 to vector<16xi32>
      %add3A_416 = arith.addi %iota3A, %add3A_415 : vector<16xi32>
      tpu.vector_store_idx %arg11[%add3A_416], %get3A_413 : memref<2048xf32, #tpu.memory_space<vmem>>[vector<16xi32>], vector<16xf32>,
      %get3A_417 = arith.constant 25 : i32
      %get3A_418 = arith.index_cast %get3A_417 : i32 to index
      %get3A_419 = arith.constant 0 : index
      %get3A_420 = tpu.vector_load %arg10[%get3A_418, %get3A_419] {strides = array<i32>} : memref<64x32xf32, #tpu.memory_space<vmem>>, vector<16xf32>,
      %add3A_421 = arith.constant 800 : i32
      %add3A_422 = vector.broadcast %add3A_421 : i32 to vector<16xi32>
      %add3A_423 = arith.addi %iota3A, %add3A_422 : vector<16xi32>
      tpu.vector_store_idx %arg11[%add3A_423], %get3A_420 : memref<2048xf32, #tpu.memory_space<vmem>>[vector<16xi32>], vector<16xf32>,
      %get3A_424 = arith.constant 25 : i32
      %get3A_425 = arith.index_cast %get3A_424 : i32 to index
      %get3A_426 = arith.constant 16 : index
      %get3A_427 = tpu.vector_load %arg10[%get3A_425, %get3A_426] {strides = array<i32>} : memref<64x32xf32, #tpu.memory_space<vmem>>, vector<16xf32>,
      %add3A_428 = arith.constant 816 : i32
      %add3A_429 = vector.broadcast %add3A_428 : i32 to vector<16xi32>
      %add3A_430 = arith.addi %iota3A, %add3A_429 : vector<16xi32>
      tpu.vector_store_idx %arg11[%add3A_430], %get3A_427 : memref<2048xf32, #tpu.memory_space<vmem>>[vector<16xi32>], vector<16xf32>,
      %get3A_431 = arith.constant 26 : i32
      %get3A_432 = arith.index_cast %get3A_431 : i32 to index
      %get3A_433 = arith.constant 0 : index
      %get3A_434 = tpu.vector_load %arg10[%get3A_432, %get3A_433] {strides = array<i32>} : memref<64x32xf32, #tpu.memory_space<vmem>>, vector<16xf32>,
      %add3A_435 = arith.constant 832 : i32
      %add3A_436 = vector.broadcast %add3A_435 : i32 to vector<16xi32>
      %add3A_437 = arith.addi %iota3A, %add3A_436 : vector<16xi32>
      tpu.vector_store_idx %arg11[%add3A_437], %get3A_434 : memref<2048xf32, #tpu.memory_space<vmem>>[vector<16xi32>], vector<16xf32>,
      %get3A_438 = arith.constant 26 : i32
      %get3A_439 = arith.index_cast %get3A_438 : i32 to index
      %get3A_440 = arith.constant 16 : index
      %get3A_441 = tpu.vector_load %arg10[%get3A_439, %get3A_440] {strides = array<i32>} : memref<64x32xf32, #tpu.memory_space<vmem>>, vector<16xf32>,
      %add3A_442 = arith.constant 848 : i32
      %add3A_443 = vector.broadcast %add3A_442 : i32 to vector<16xi32>
      %add3A_444 = arith.addi %iota3A, %add3A_443 : vector<16xi32>
      tpu.vector_store_idx %arg11[%add3A_444], %get3A_441 : memref<2048xf32, #tpu.memory_space<vmem>>[vector<16xi32>], vector<16xf32>,
      %get3A_445 = arith.constant 27 : i32
      %get3A_446 = arith.index_cast %get3A_445 : i32 to index
      %get3A_447 = arith.constant 0 : index
      %get3A_448 = tpu.vector_load %arg10[%get3A_446, %get3A_447] {strides = array<i32>} : memref<64x32xf32, #tpu.memory_space<vmem>>, vector<16xf32>,
      %add3A_449 = arith.constant 864 : i32
      %add3A_450 = vector.broadcast %add3A_449 : i32 to vector<16xi32>
      %add3A_451 = arith.addi %iota3A, %add3A_450 : vector<16xi32>
      tpu.vector_store_idx %arg11[%add3A_451], %get3A_448 : memref<2048xf32, #tpu.memory_space<vmem>>[vector<16xi32>], vector<16xf32>,
      %get3A_452 = arith.constant 27 : i32
      %get3A_453 = arith.index_cast %get3A_452 : i32 to index
      %get3A_454 = arith.constant 16 : index
      %get3A_455 = tpu.vector_load %arg10[%get3A_453, %get3A_454] {strides = array<i32>} : memref<64x32xf32, #tpu.memory_space<vmem>>, vector<16xf32>,
      %add3A_456 = arith.constant 880 : i32
      %add3A_457 = vector.broadcast %add3A_456 : i32 to vector<16xi32>
      %add3A_458 = arith.addi %iota3A, %add3A_457 : vector<16xi32>
      tpu.vector_store_idx %arg11[%add3A_458], %get3A_455 : memref<2048xf32, #tpu.memory_space<vmem>>[vector<16xi32>], vector<16xf32>,
      %get3A_459 = arith.constant 28 : i32
      %get3A_460 = arith.index_cast %get3A_459 : i32 to index
      %get3A_461 = arith.constant 0 : index
      %get3A_462 = tpu.vector_load %arg10[%get3A_460, %get3A_461] {strides = array<i32>} : memref<64x32xf32, #tpu.memory_space<vmem>>, vector<16xf32>,
      %add3A_463 = arith.constant 896 : i32
      %add3A_464 = vector.broadcast %add3A_463 : i32 to vector<16xi32>
      %add3A_465 = arith.addi %iota3A, %add3A_464 : vector<16xi32>
      tpu.vector_store_idx %arg11[%add3A_465], %get3A_462 : memref<2048xf32, #tpu.memory_space<vmem>>[vector<16xi32>], vector<16xf32>,
      %get3A_466 = arith.constant 28 : i32
      %get3A_467 = arith.index_cast %get3A_466 : i32 to index
      %get3A_468 = arith.constant 16 : index
      %get3A_469 = tpu.vector_load %arg10[%get3A_467, %get3A_468] {strides = array<i32>} : memref<64x32xf32, #tpu.memory_space<vmem>>, vector<16xf32>,
      %add3A_470 = arith.constant 912 : i32
      %add3A_471 = vector.broadcast %add3A_470 : i32 to vector<16xi32>
      %add3A_472 = arith.addi %iota3A, %add3A_471 : vector<16xi32>
      tpu.vector_store_idx %arg11[%add3A_472], %get3A_469 : memref<2048xf32, #tpu.memory_space<vmem>>[vector<16xi32>], vector<16xf32>,
      %get3A_473 = arith.constant 29 : i32
      %get3A_474 = arith.index_cast %get3A_473 : i32 to index
      %get3A_475 = arith.constant 0 : index
      %get3A_476 = tpu.vector_load %arg10[%get3A_474, %get3A_475] {strides = array<i32>} : memref<64x32xf32, #tpu.memory_space<vmem>>, vector<16xf32>,
      %add3A_477 = arith.constant 928 : i32
      %add3A_478 = vector.broadcast %add3A_477 : i32 to vector<16xi32>
      %add3A_479 = arith.addi %iota3A, %add3A_478 : vector<16xi32>
      tpu.vector_store_idx %arg11[%add3A_479], %get3A_476 : memref<2048xf32, #tpu.memory_space<vmem>>[vector<16xi32>], vector<16xf32>,
      %get3A_480 = arith.constant 29 : i32
      %get3A_481 = arith.index_cast %get3A_480 : i32 to index
      %get3A_482 = arith.constant 16 : index
      %get3A_483 = tpu.vector_load %arg10[%get3A_481, %get3A_482] {strides = array<i32>} : memref<64x32xf32, #tpu.memory_space<vmem>>, vector<16xf32>,
      %add3A_484 = arith.constant 944 : i32
      %add3A_485 = vector.broadcast %add3A_484 : i32 to vector<16xi32>
      %add3A_486 = arith.addi %iota3A, %add3A_485 : vector<16xi32>
      tpu.vector_store_idx %arg11[%add3A_486], %get3A_483 : memref<2048xf32, #tpu.memory_space<vmem>>[vector<16xi32>], vector<16xf32>,
      %get3A_487 = arith.constant 30 : i32
      %get3A_488 = arith.index_cast %get3A_487 : i32 to index
      %get3A_489 = arith.constant 0 : index
      %get3A_490 = tpu.vector_load %arg10[%get3A_488, %get3A_489] {strides = array<i32>} : memref<64x32xf32, #tpu.memory_space<vmem>>, vector<16xf32>,
      %add3A_491 = arith.constant 960 : i32
      %add3A_492 = vector.broadcast %add3A_491 : i32 to vector<16xi32>
      %add3A_493 = arith.addi %iota3A, %add3A_492 : vector<16xi32>
      tpu.vector_store_idx %arg11[%add3A_493], %get3A_490 : memref<2048xf32, #tpu.memory_space<vmem>>[vector<16xi32>], vector<16xf32>,
      %get3A_494 = arith.constant 30 : i32
      %get3A_495 = arith.index_cast %get3A_494 : i32 to index
      %get3A_496 = arith.constant 16 : index
      %get3A_497 = tpu.vector_load %arg10[%get3A_495, %get3A_496] {strides = array<i32>} : memref<64x32xf32, #tpu.memory_space<vmem>>, vector<16xf32>,
      %add3A_498 = arith.constant 976 : i32
      %add3A_499 = vector.broadcast %add3A_498 : i32 to vector<16xi32>
      %add3A_500 = arith.addi %iota3A, %add3A_499 : vector<16xi32>
      tpu.vector_store_idx %arg11[%add3A_500], %get3A_497 : memref<2048xf32, #tpu.memory_space<vmem>>[vector<16xi32>], vector<16xf32>,
      %get3A_501 = arith.constant 31 : i32
      %get3A_502 = arith.index_cast %get3A_501 : i32 to index
      %get3A_503 = arith.constant 0 : index
      %get3A_504 = tpu.vector_load %arg10[%get3A_502, %get3A_503] {strides = array<i32>} : memref<64x32xf32, #tpu.memory_space<vmem>>, vector<16xf32>,
      %add3A_505 = arith.constant 992 : i32
      %add3A_506 = vector.broadcast %add3A_505 : i32 to vector<16xi32>
      %add3A_507 = arith.addi %iota3A, %add3A_506 : vector<16xi32>
      tpu.vector_store_idx %arg11[%add3A_507], %get3A_504 : memref<2048xf32, #tpu.memory_space<vmem>>[vector<16xi32>], vector<16xf32>,
      %get3A_508 = arith.constant 31 : i32
      %get3A_509 = arith.index_cast %get3A_508 : i32 to index
      %get3A_510 = arith.constant 16 : index
      %get3A_511 = tpu.vector_load %arg10[%get3A_509, %get3A_510] {strides = array<i32>} : memref<64x32xf32, #tpu.memory_space<vmem>>, vector<16xf32>,
      %add3A_512 = arith.constant 1008 : i32
      %add3A_513 = vector.broadcast %add3A_512 : i32 to vector<16xi32>
      %add3A_514 = arith.addi %iota3A, %add3A_513 : vector<16xi32>
      tpu.vector_store_idx %arg11[%add3A_514], %get3A_511 : memref<2048xf32, #tpu.memory_space<vmem>>[vector<16xi32>], vector<16xf32>,
      %get3A_515 = arith.constant 32 : i32
      %get3A_516 = arith.index_cast %get3A_515 : i32 to index
      %get3A_517 = arith.constant 0 : index
      %get3A_518 = tpu.vector_load %arg10[%get3A_516, %get3A_517] {strides = array<i32>} : memref<64x32xf32, #tpu.memory_space<vmem>>, vector<16xf32>,
      %add3A_519 = arith.constant 1024 : i32
      %add3A_520 = vector.broadcast %add3A_519 : i32 to vector<16xi32>
      %add3A_521 = arith.addi %iota3A, %add3A_520 : vector<16xi32>
      tpu.vector_store_idx %arg11[%add3A_521], %get3A_518 : memref<2048xf32, #tpu.memory_space<vmem>>[vector<16xi32>], vector<16xf32>,
      %get3A_522 = arith.constant 32 : i32
      %get3A_523 = arith.index_cast %get3A_522 : i32 to index
      %get3A_524 = arith.constant 16 : index
      %get3A_525 = tpu.vector_load %arg10[%get3A_523, %get3A_524] {strides = array<i32>} : memref<64x32xf32, #tpu.memory_space<vmem>>, vector<16xf32>,
      %add3A_526 = arith.constant 1040 : i32
      %add3A_527 = vector.broadcast %add3A_526 : i32 to vector<16xi32>
      %add3A_528 = arith.addi %iota3A, %add3A_527 : vector<16xi32>
      tpu.vector_store_idx %arg11[%add3A_528], %get3A_525 : memref<2048xf32, #tpu.memory_space<vmem>>[vector<16xi32>], vector<16xf32>,
      %get3A_529 = arith.constant 33 : i32
      %get3A_530 = arith.index_cast %get3A_529 : i32 to index
      %get3A_531 = arith.constant 0 : index
      %get3A_532 = tpu.vector_load %arg10[%get3A_530, %get3A_531] {strides = array<i32>} : memref<64x32xf32, #tpu.memory_space<vmem>>, vector<16xf32>,
      %add3A_533 = arith.constant 1056 : i32
      %add3A_534 = vector.broadcast %add3A_533 : i32 to vector<16xi32>
      %add3A_535 = arith.addi %iota3A, %add3A_534 : vector<16xi32>
      tpu.vector_store_idx %arg11[%add3A_535], %get3A_532 : memref<2048xf32, #tpu.memory_space<vmem>>[vector<16xi32>], vector<16xf32>,
      %get3A_536 = arith.constant 33 : i32
      %get3A_537 = arith.index_cast %get3A_536 : i32 to index
      %get3A_538 = arith.constant 16 : index
      %get3A_539 = tpu.vector_load %arg10[%get3A_537, %get3A_538] {strides = array<i32>} : memref<64x32xf32, #tpu.memory_space<vmem>>, vector<16xf32>,
      %add3A_540 = arith.constant 1072 : i32
      %add3A_541 = vector.broadcast %add3A_540 : i32 to vector<16xi32>
      %add3A_542 = arith.addi %iota3A, %add3A_541 : vector<16xi32>
      tpu.vector_store_idx %arg11[%add3A_542], %get3A_539 : memref<2048xf32, #tpu.memory_space<vmem>>[vector<16xi32>], vector<16xf32>,
      %get3A_543 = arith.constant 34 : i32
      %get3A_544 = arith.index_cast %get3A_543 : i32 to index
      %get3A_545 = arith.constant 0 : index
      %get3A_546 = tpu.vector_load %arg10[%get3A_544, %get3A_545] {strides = array<i32>} : memref<64x32xf32, #tpu.memory_space<vmem>>, vector<16xf32>,
      %add3A_547 = arith.constant 1088 : i32
      %add3A_548 = vector.broadcast %add3A_547 : i32 to vector<16xi32>
      %add3A_549 = arith.addi %iota3A, %add3A_548 : vector<16xi32>
      tpu.vector_store_idx %arg11[%add3A_549], %get3A_546 : memref<2048xf32, #tpu.memory_space<vmem>>[vector<16xi32>], vector<16xf32>,
      %get3A_550 = arith.constant 34 : i32
      %get3A_551 = arith.index_cast %get3A_550 : i32 to index
      %get3A_552 = arith.constant 16 : index
      %get3A_553 = tpu.vector_load %arg10[%get3A_551, %get3A_552] {strides = array<i32>} : memref<64x32xf32, #tpu.memory_space<vmem>>, vector<16xf32>,
      %add3A_554 = arith.constant 1104 : i32
      %add3A_555 = vector.broadcast %add3A_554 : i32 to vector<16xi32>
      %add3A_556 = arith.addi %iota3A, %add3A_555 : vector<16xi32>
      tpu.vector_store_idx %arg11[%add3A_556], %get3A_553 : memref<2048xf32, #tpu.memory_space<vmem>>[vector<16xi32>], vector<16xf32>,
      %get3A_557 = arith.constant 35 : i32
      %get3A_558 = arith.index_cast %get3A_557 : i32 to index
      %get3A_559 = arith.constant 0 : index
      %get3A_560 = tpu.vector_load %arg10[%get3A_558, %get3A_559] {strides = array<i32>} : memref<64x32xf32, #tpu.memory_space<vmem>>, vector<16xf32>,
      %add3A_561 = arith.constant 1120 : i32
      %add3A_562 = vector.broadcast %add3A_561 : i32 to vector<16xi32>
      %add3A_563 = arith.addi %iota3A, %add3A_562 : vector<16xi32>
      tpu.vector_store_idx %arg11[%add3A_563], %get3A_560 : memref<2048xf32, #tpu.memory_space<vmem>>[vector<16xi32>], vector<16xf32>,
      %get3A_564 = arith.constant 35 : i32
      %get3A_565 = arith.index_cast %get3A_564 : i32 to index
      %get3A_566 = arith.constant 16 : index
      %get3A_567 = tpu.vector_load %arg10[%get3A_565, %get3A_566] {strides = array<i32>} : memref<64x32xf32, #tpu.memory_space<vmem>>, vector<16xf32>,
      %add3A_568 = arith.constant 1136 : i32
      %add3A_569 = vector.broadcast %add3A_568 : i32 to vector<16xi32>
      %add3A_570 = arith.addi %iota3A, %add3A_569 : vector<16xi32>
      tpu.vector_store_idx %arg11[%add3A_570], %get3A_567 : memref<2048xf32, #tpu.memory_space<vmem>>[vector<16xi32>], vector<16xf32>,
      %get3A_571 = arith.constant 36 : i32
      %get3A_572 = arith.index_cast %get3A_571 : i32 to index
      %get3A_573 = arith.constant 0 : index
      %get3A_574 = tpu.vector_load %arg10[%get3A_572, %get3A_573] {strides = array<i32>} : memref<64x32xf32, #tpu.memory_space<vmem>>, vector<16xf32>,
      %add3A_575 = arith.constant 1152 : i32
      %add3A_576 = vector.broadcast %add3A_575 : i32 to vector<16xi32>
      %add3A_577 = arith.addi %iota3A, %add3A_576 : vector<16xi32>
      tpu.vector_store_idx %arg11[%add3A_577], %get3A_574 : memref<2048xf32, #tpu.memory_space<vmem>>[vector<16xi32>], vector<16xf32>,
      %get3A_578 = arith.constant 36 : i32
      %get3A_579 = arith.index_cast %get3A_578 : i32 to index
      %get3A_580 = arith.constant 16 : index
      %get3A_581 = tpu.vector_load %arg10[%get3A_579, %get3A_580] {strides = array<i32>} : memref<64x32xf32, #tpu.memory_space<vmem>>, vector<16xf32>,
      %add3A_582 = arith.constant 1168 : i32
      %add3A_583 = vector.broadcast %add3A_582 : i32 to vector<16xi32>
      %add3A_584 = arith.addi %iota3A, %add3A_583 : vector<16xi32>
      tpu.vector_store_idx %arg11[%add3A_584], %get3A_581 : memref<2048xf32, #tpu.memory_space<vmem>>[vector<16xi32>], vector<16xf32>,
      %get3A_585 = arith.constant 37 : i32
      %get3A_586 = arith.index_cast %get3A_585 : i32 to index
      %get3A_587 = arith.constant 0 : index
      %get3A_588 = tpu.vector_load %arg10[%get3A_586, %get3A_587] {strides = array<i32>} : memref<64x32xf32, #tpu.memory_space<vmem>>, vector<16xf32>,
      %add3A_589 = arith.constant 1184 : i32
      %add3A_590 = vector.broadcast %add3A_589 : i32 to vector<16xi32>
      %add3A_591 = arith.addi %iota3A, %add3A_590 : vector<16xi32>
      tpu.vector_store_idx %arg11[%add3A_591], %get3A_588 : memref<2048xf32, #tpu.memory_space<vmem>>[vector<16xi32>], vector<16xf32>,
      %get3A_592 = arith.constant 37 : i32
      %get3A_593 = arith.index_cast %get3A_592 : i32 to index
      %get3A_594 = arith.constant 16 : index
      %get3A_595 = tpu.vector_load %arg10[%get3A_593, %get3A_594] {strides = array<i32>} : memref<64x32xf32, #tpu.memory_space<vmem>>, vector<16xf32>,
      %add3A_596 = arith.constant 1200 : i32
      %add3A_597 = vector.broadcast %add3A_596 : i32 to vector<16xi32>
      %add3A_598 = arith.addi %iota3A, %add3A_597 : vector<16xi32>
      tpu.vector_store_idx %arg11[%add3A_598], %get3A_595 : memref<2048xf32, #tpu.memory_space<vmem>>[vector<16xi32>], vector<16xf32>,
      %get3A_599 = arith.constant 38 : i32
      %get3A_600 = arith.index_cast %get3A_599 : i32 to index
      %get3A_601 = arith.constant 0 : index
      %get3A_602 = tpu.vector_load %arg10[%get3A_600, %get3A_601] {strides = array<i32>} : memref<64x32xf32, #tpu.memory_space<vmem>>, vector<16xf32>,
      %add3A_603 = arith.constant 1216 : i32
      %add3A_604 = vector.broadcast %add3A_603 : i32 to vector<16xi32>
      %add3A_605 = arith.addi %iota3A, %add3A_604 : vector<16xi32>
      tpu.vector_store_idx %arg11[%add3A_605], %get3A_602 : memref<2048xf32, #tpu.memory_space<vmem>>[vector<16xi32>], vector<16xf32>,
      %get3A_606 = arith.constant 38 : i32
      %get3A_607 = arith.index_cast %get3A_606 : i32 to index
      %get3A_608 = arith.constant 16 : index
      %get3A_609 = tpu.vector_load %arg10[%get3A_607, %get3A_608] {strides = array<i32>} : memref<64x32xf32, #tpu.memory_space<vmem>>, vector<16xf32>,
      %add3A_610 = arith.constant 1232 : i32
      %add3A_611 = vector.broadcast %add3A_610 : i32 to vector<16xi32>
      %add3A_612 = arith.addi %iota3A, %add3A_611 : vector<16xi32>
      tpu.vector_store_idx %arg11[%add3A_612], %get3A_609 : memref<2048xf32, #tpu.memory_space<vmem>>[vector<16xi32>], vector<16xf32>,
      %get3A_613 = arith.constant 39 : i32
      %get3A_614 = arith.index_cast %get3A_613 : i32 to index
      %get3A_615 = arith.constant 0 : index
      %get3A_616 = tpu.vector_load %arg10[%get3A_614, %get3A_615] {strides = array<i32>} : memref<64x32xf32, #tpu.memory_space<vmem>>, vector<16xf32>,
      %add3A_617 = arith.constant 1248 : i32
      %add3A_618 = vector.broadcast %add3A_617 : i32 to vector<16xi32>
      %add3A_619 = arith.addi %iota3A, %add3A_618 : vector<16xi32>
      tpu.vector_store_idx %arg11[%add3A_619], %get3A_616 : memref<2048xf32, #tpu.memory_space<vmem>>[vector<16xi32>], vector<16xf32>,
      %get3A_620 = arith.constant 39 : i32
      %get3A_621 = arith.index_cast %get3A_620 : i32 to index
      %get3A_622 = arith.constant 16 : index
      %get3A_623 = tpu.vector_load %arg10[%get3A_621, %get3A_622] {strides = array<i32>} : memref<64x32xf32, #tpu.memory_space<vmem>>, vector<16xf32>,
      %add3A_624 = arith.constant 1264 : i32
      %add3A_625 = vector.broadcast %add3A_624 : i32 to vector<16xi32>
      %add3A_626 = arith.addi %iota3A, %add3A_625 : vector<16xi32>
      tpu.vector_store_idx %arg11[%add3A_626], %get3A_623 : memref<2048xf32, #tpu.memory_space<vmem>>[vector<16xi32>], vector<16xf32>,
      %get3A_627 = arith.constant 40 : i32
      %get3A_628 = arith.index_cast %get3A_627 : i32 to index
      %get3A_629 = arith.constant 0 : index
      %get3A_630 = tpu.vector_load %arg10[%get3A_628, %get3A_629] {strides = array<i32>} : memref<64x32xf32, #tpu.memory_space<vmem>>, vector<16xf32>,
      %add3A_631 = arith.constant 1280 : i32
      %add3A_632 = vector.broadcast %add3A_631 : i32 to vector<16xi32>
      %add3A_633 = arith.addi %iota3A, %add3A_632 : vector<16xi32>
      tpu.vector_store_idx %arg11[%add3A_633], %get3A_630 : memref<2048xf32, #tpu.memory_space<vmem>>[vector<16xi32>], vector<16xf32>,
      %get3A_634 = arith.constant 40 : i32
      %get3A_635 = arith.index_cast %get3A_634 : i32 to index
      %get3A_636 = arith.constant 16 : index
      %get3A_637 = tpu.vector_load %arg10[%get3A_635, %get3A_636] {strides = array<i32>} : memref<64x32xf32, #tpu.memory_space<vmem>>, vector<16xf32>,
      %add3A_638 = arith.constant 1296 : i32
      %add3A_639 = vector.broadcast %add3A_638 : i32 to vector<16xi32>
      %add3A_640 = arith.addi %iota3A, %add3A_639 : vector<16xi32>
      tpu.vector_store_idx %arg11[%add3A_640], %get3A_637 : memref<2048xf32, #tpu.memory_space<vmem>>[vector<16xi32>], vector<16xf32>,
      %get3A_641 = arith.constant 41 : i32
      %get3A_642 = arith.index_cast %get3A_641 : i32 to index
      %get3A_643 = arith.constant 0 : index
      %get3A_644 = tpu.vector_load %arg10[%get3A_642, %get3A_643] {strides = array<i32>} : memref<64x32xf32, #tpu.memory_space<vmem>>, vector<16xf32>,
      %add3A_645 = arith.constant 1312 : i32
      %add3A_646 = vector.broadcast %add3A_645 : i32 to vector<16xi32>
      %add3A_647 = arith.addi %iota3A, %add3A_646 : vector<16xi32>
      tpu.vector_store_idx %arg11[%add3A_647], %get3A_644 : memref<2048xf32, #tpu.memory_space<vmem>>[vector<16xi32>], vector<16xf32>,
      %get3A_648 = arith.constant 41 : i32
      %get3A_649 = arith.index_cast %get3A_648 : i32 to index
      %get3A_650 = arith.constant 16 : index
      %get3A_651 = tpu.vector_load %arg10[%get3A_649, %get3A_650] {strides = array<i32>} : memref<64x32xf32, #tpu.memory_space<vmem>>, vector<16xf32>,
      %add3A_652 = arith.constant 1328 : i32
      %add3A_653 = vector.broadcast %add3A_652 : i32 to vector<16xi32>
      %add3A_654 = arith.addi %iota3A, %add3A_653 : vector<16xi32>
      tpu.vector_store_idx %arg11[%add3A_654], %get3A_651 : memref<2048xf32, #tpu.memory_space<vmem>>[vector<16xi32>], vector<16xf32>,
      %get3A_655 = arith.constant 42 : i32
      %get3A_656 = arith.index_cast %get3A_655 : i32 to index
      %get3A_657 = arith.constant 0 : index
      %get3A_658 = tpu.vector_load %arg10[%get3A_656, %get3A_657] {strides = array<i32>} : memref<64x32xf32, #tpu.memory_space<vmem>>, vector<16xf32>,
      %add3A_659 = arith.constant 1344 : i32
      %add3A_660 = vector.broadcast %add3A_659 : i32 to vector<16xi32>
      %add3A_661 = arith.addi %iota3A, %add3A_660 : vector<16xi32>
      tpu.vector_store_idx %arg11[%add3A_661], %get3A_658 : memref<2048xf32, #tpu.memory_space<vmem>>[vector<16xi32>], vector<16xf32>,
      %get3A_662 = arith.constant 42 : i32
      %get3A_663 = arith.index_cast %get3A_662 : i32 to index
      %get3A_664 = arith.constant 16 : index
      %get3A_665 = tpu.vector_load %arg10[%get3A_663, %get3A_664] {strides = array<i32>} : memref<64x32xf32, #tpu.memory_space<vmem>>, vector<16xf32>,
      %add3A_666 = arith.constant 1360 : i32
      %add3A_667 = vector.broadcast %add3A_666 : i32 to vector<16xi32>
      %add3A_668 = arith.addi %iota3A, %add3A_667 : vector<16xi32>
      tpu.vector_store_idx %arg11[%add3A_668], %get3A_665 : memref<2048xf32, #tpu.memory_space<vmem>>[vector<16xi32>], vector<16xf32>,
      %get3A_669 = arith.constant 43 : i32
      %get3A_670 = arith.index_cast %get3A_669 : i32 to index
      %get3A_671 = arith.constant 0 : index
      %get3A_672 = tpu.vector_load %arg10[%get3A_670, %get3A_671] {strides = array<i32>} : memref<64x32xf32, #tpu.memory_space<vmem>>, vector<16xf32>,
      %add3A_673 = arith.constant 1376 : i32
      %add3A_674 = vector.broadcast %add3A_673 : i32 to vector<16xi32>
      %add3A_675 = arith.addi %iota3A, %add3A_674 : vector<16xi32>
      tpu.vector_store_idx %arg11[%add3A_675], %get3A_672 : memref<2048xf32, #tpu.memory_space<vmem>>[vector<16xi32>], vector<16xf32>,
      %get3A_676 = arith.constant 43 : i32
      %get3A_677 = arith.index_cast %get3A_676 : i32 to index
      %get3A_678 = arith.constant 16 : index
      %get3A_679 = tpu.vector_load %arg10[%get3A_677, %get3A_678] {strides = array<i32>} : memref<64x32xf32, #tpu.memory_space<vmem>>, vector<16xf32>,
      %add3A_680 = arith.constant 1392 : i32
      %add3A_681 = vector.broadcast %add3A_680 : i32 to vector<16xi32>
      %add3A_682 = arith.addi %iota3A, %add3A_681 : vector<16xi32>
      tpu.vector_store_idx %arg11[%add3A_682], %get3A_679 : memref<2048xf32, #tpu.memory_space<vmem>>[vector<16xi32>], vector<16xf32>,
      %get3A_683 = arith.constant 44 : i32
      %get3A_684 = arith.index_cast %get3A_683 : i32 to index
      %get3A_685 = arith.constant 0 : index
      %get3A_686 = tpu.vector_load %arg10[%get3A_684, %get3A_685] {strides = array<i32>} : memref<64x32xf32, #tpu.memory_space<vmem>>, vector<16xf32>,
      %add3A_687 = arith.constant 1408 : i32
      %add3A_688 = vector.broadcast %add3A_687 : i32 to vector<16xi32>
      %add3A_689 = arith.addi %iota3A, %add3A_688 : vector<16xi32>
      tpu.vector_store_idx %arg11[%add3A_689], %get3A_686 : memref<2048xf32, #tpu.memory_space<vmem>>[vector<16xi32>], vector<16xf32>,
      %get3A_690 = arith.constant 44 : i32
      %get3A_691 = arith.index_cast %get3A_690 : i32 to index
      %get3A_692 = arith.constant 16 : index
      %get3A_693 = tpu.vector_load %arg10[%get3A_691, %get3A_692] {strides = array<i32>} : memref<64x32xf32, #tpu.memory_space<vmem>>, vector<16xf32>,
      %add3A_694 = arith.constant 1424 : i32
      %add3A_695 = vector.broadcast %add3A_694 : i32 to vector<16xi32>
      %add3A_696 = arith.addi %iota3A, %add3A_695 : vector<16xi32>
      tpu.vector_store_idx %arg11[%add3A_696], %get3A_693 : memref<2048xf32, #tpu.memory_space<vmem>>[vector<16xi32>], vector<16xf32>,
      %get3A_697 = arith.constant 45 : i32
      %get3A_698 = arith.index_cast %get3A_697 : i32 to index
      %get3A_699 = arith.constant 0 : index
      %get3A_700 = tpu.vector_load %arg10[%get3A_698, %get3A_699] {strides = array<i32>} : memref<64x32xf32, #tpu.memory_space<vmem>>, vector<16xf32>,
      %add3A_701 = arith.constant 1440 : i32
      %add3A_702 = vector.broadcast %add3A_701 : i32 to vector<16xi32>
      %add3A_703 = arith.addi %iota3A, %add3A_702 : vector<16xi32>
      tpu.vector_store_idx %arg11[%add3A_703], %get3A_700 : memref<2048xf32, #tpu.memory_space<vmem>>[vector<16xi32>], vector<16xf32>,
      %get3A_704 = arith.constant 45 : i32
      %get3A_705 = arith.index_cast %get3A_704 : i32 to index
      %get3A_706 = arith.constant 16 : index
      %get3A_707 = tpu.vector_load %arg10[%get3A_705, %get3A_706] {strides = array<i32>} : memref<64x32xf32, #tpu.memory_space<vmem>>, vector<16xf32>,
      %add3A_708 = arith.constant 1456 : i32
      %add3A_709 = vector.broadcast %add3A_708 : i32 to vector<16xi32>
      %add3A_710 = arith.addi %iota3A, %add3A_709 : vector<16xi32>
      tpu.vector_store_idx %arg11[%add3A_710], %get3A_707 : memref<2048xf32, #tpu.memory_space<vmem>>[vector<16xi32>], vector<16xf32>,
      %get3A_711 = arith.constant 46 : i32
      %get3A_712 = arith.index_cast %get3A_711 : i32 to index
      %get3A_713 = arith.constant 0 : index
      %get3A_714 = tpu.vector_load %arg10[%get3A_712, %get3A_713] {strides = array<i32>} : memref<64x32xf32, #tpu.memory_space<vmem>>, vector<16xf32>,
      %add3A_715 = arith.constant 1472 : i32
      %add3A_716 = vector.broadcast %add3A_715 : i32 to vector<16xi32>
      %add3A_717 = arith.addi %iota3A, %add3A_716 : vector<16xi32>
      tpu.vector_store_idx %arg11[%add3A_717], %get3A_714 : memref<2048xf32, #tpu.memory_space<vmem>>[vector<16xi32>], vector<16xf32>,
      %get3A_718 = arith.constant 46 : i32
      %get3A_719 = arith.index_cast %get3A_718 : i32 to index
      %get3A_720 = arith.constant 16 : index
      %get3A_721 = tpu.vector_load %arg10[%get3A_719, %get3A_720] {strides = array<i32>} : memref<64x32xf32, #tpu.memory_space<vmem>>, vector<16xf32>,
      %add3A_722 = arith.constant 1488 : i32
      %add3A_723 = vector.broadcast %add3A_722 : i32 to vector<16xi32>
      %add3A_724 = arith.addi %iota3A, %add3A_723 : vector<16xi32>
      tpu.vector_store_idx %arg11[%add3A_724], %get3A_721 : memref<2048xf32, #tpu.memory_space<vmem>>[vector<16xi32>], vector<16xf32>,
      %get3A_725 = arith.constant 47 : i32
      %get3A_726 = arith.index_cast %get3A_725 : i32 to index
      %get3A_727 = arith.constant 0 : index
      %get3A_728 = tpu.vector_load %arg10[%get3A_726, %get3A_727] {strides = array<i32>} : memref<64x32xf32, #tpu.memory_space<vmem>>, vector<16xf32>,
      %add3A_729 = arith.constant 1504 : i32
      %add3A_730 = vector.broadcast %add3A_729 : i32 to vector<16xi32>
      %add3A_731 = arith.addi %iota3A, %add3A_730 : vector<16xi32>
      tpu.vector_store_idx %arg11[%add3A_731], %get3A_728 : memref<2048xf32, #tpu.memory_space<vmem>>[vector<16xi32>], vector<16xf32>,
      %get3A_732 = arith.constant 47 : i32
      %get3A_733 = arith.index_cast %get3A_732 : i32 to index
      %get3A_734 = arith.constant 16 : index
      %get3A_735 = tpu.vector_load %arg10[%get3A_733, %get3A_734] {strides = array<i32>} : memref<64x32xf32, #tpu.memory_space<vmem>>, vector<16xf32>,
      %add3A_736 = arith.constant 1520 : i32
      %add3A_737 = vector.broadcast %add3A_736 : i32 to vector<16xi32>
      %add3A_738 = arith.addi %iota3A, %add3A_737 : vector<16xi32>
      tpu.vector_store_idx %arg11[%add3A_738], %get3A_735 : memref<2048xf32, #tpu.memory_space<vmem>>[vector<16xi32>], vector<16xf32>,
      %get3A_739 = arith.constant 48 : i32
      %get3A_740 = arith.index_cast %get3A_739 : i32 to index
      %get3A_741 = arith.constant 0 : index
      %get3A_742 = tpu.vector_load %arg10[%get3A_740, %get3A_741] {strides = array<i32>} : memref<64x32xf32, #tpu.memory_space<vmem>>, vector<16xf32>,
      %add3A_743 = arith.constant 1536 : i32
      %add3A_744 = vector.broadcast %add3A_743 : i32 to vector<16xi32>
      %add3A_745 = arith.addi %iota3A, %add3A_744 : vector<16xi32>
      tpu.vector_store_idx %arg11[%add3A_745], %get3A_742 : memref<2048xf32, #tpu.memory_space<vmem>>[vector<16xi32>], vector<16xf32>,
      %get3A_746 = arith.constant 48 : i32
      %get3A_747 = arith.index_cast %get3A_746 : i32 to index
      %get3A_748 = arith.constant 16 : index
      %get3A_749 = tpu.vector_load %arg10[%get3A_747, %get3A_748] {strides = array<i32>} : memref<64x32xf32, #tpu.memory_space<vmem>>, vector<16xf32>,
      %add3A_750 = arith.constant 1552 : i32
      %add3A_751 = vector.broadcast %add3A_750 : i32 to vector<16xi32>
      %add3A_752 = arith.addi %iota3A, %add3A_751 : vector<16xi32>
      tpu.vector_store_idx %arg11[%add3A_752], %get3A_749 : memref<2048xf32, #tpu.memory_space<vmem>>[vector<16xi32>], vector<16xf32>,
      %get3A_753 = arith.constant 49 : i32
      %get3A_754 = arith.index_cast %get3A_753 : i32 to index
      %get3A_755 = arith.constant 0 : index
      %get3A_756 = tpu.vector_load %arg10[%get3A_754, %get3A_755] {strides = array<i32>} : memref<64x32xf32, #tpu.memory_space<vmem>>, vector<16xf32>,
      %add3A_757 = arith.constant 1568 : i32
      %add3A_758 = vector.broadcast %add3A_757 : i32 to vector<16xi32>
      %add3A_759 = arith.addi %iota3A, %add3A_758 : vector<16xi32>
      tpu.vector_store_idx %arg11[%add3A_759], %get3A_756 : memref<2048xf32, #tpu.memory_space<vmem>>[vector<16xi32>], vector<16xf32>,
      %get3A_760 = arith.constant 49 : i32
      %get3A_761 = arith.index_cast %get3A_760 : i32 to index
      %get3A_762 = arith.constant 16 : index
      %get3A_763 = tpu.vector_load %arg10[%get3A_761, %get3A_762] {strides = array<i32>} : memref<64x32xf32, #tpu.memory_space<vmem>>, vector<16xf32>,
      %add3A_764 = arith.constant 1584 : i32
      %add3A_765 = vector.broadcast %add3A_764 : i32 to vector<16xi32>
      %add3A_766 = arith.addi %iota3A, %add3A_765 : vector<16xi32>
      tpu.vector_store_idx %arg11[%add3A_766], %get3A_763 : memref<2048xf32, #tpu.memory_space<vmem>>[vector<16xi32>], vector<16xf32>,
      %get3A_767 = arith.constant 50 : i32
      %get3A_768 = arith.index_cast %get3A_767 : i32 to index
      %get3A_769 = arith.constant 0 : index
      %get3A_770 = tpu.vector_load %arg10[%get3A_768, %get3A_769] {strides = array<i32>} : memref<64x32xf32, #tpu.memory_space<vmem>>, vector<16xf32>,
      %add3A_771 = arith.constant 1600 : i32
      %add3A_772 = vector.broadcast %add3A_771 : i32 to vector<16xi32>
      %add3A_773 = arith.addi %iota3A, %add3A_772 : vector<16xi32>
      tpu.vector_store_idx %arg11[%add3A_773], %get3A_770 : memref<2048xf32, #tpu.memory_space<vmem>>[vector<16xi32>], vector<16xf32>,
      %get3A_774 = arith.constant 50 : i32
      %get3A_775 = arith.index_cast %get3A_774 : i32 to index
      %get3A_776 = arith.constant 16 : index
      %get3A_777 = tpu.vector_load %arg10[%get3A_775, %get3A_776] {strides = array<i32>} : memref<64x32xf32, #tpu.memory_space<vmem>>, vector<16xf32>,
      %add3A_778 = arith.constant 1616 : i32
      %add3A_779 = vector.broadcast %add3A_778 : i32 to vector<16xi32>
      %add3A_780 = arith.addi %iota3A, %add3A_779 : vector<16xi32>
      tpu.vector_store_idx %arg11[%add3A_780], %get3A_777 : memref<2048xf32, #tpu.memory_space<vmem>>[vector<16xi32>], vector<16xf32>,
      %get3A_781 = arith.constant 51 : i32
      %get3A_782 = arith.index_cast %get3A_781 : i32 to index
      %get3A_783 = arith.constant 0 : index
      %get3A_784 = tpu.vector_load %arg10[%get3A_782, %get3A_783] {strides = array<i32>} : memref<64x32xf32, #tpu.memory_space<vmem>>, vector<16xf32>,
      %add3A_785 = arith.constant 1632 : i32
      %add3A_786 = vector.broadcast %add3A_785 : i32 to vector<16xi32>
      %add3A_787 = arith.addi %iota3A, %add3A_786 : vector<16xi32>
      tpu.vector_store_idx %arg11[%add3A_787], %get3A_784 : memref<2048xf32, #tpu.memory_space<vmem>>[vector<16xi32>], vector<16xf32>,
      %get3A_788 = arith.constant 51 : i32
      %get3A_789 = arith.index_cast %get3A_788 : i32 to index
      %get3A_790 = arith.constant 16 : index
      %get3A_791 = tpu.vector_load %arg10[%get3A_789, %get3A_790] {strides = array<i32>} : memref<64x32xf32, #tpu.memory_space<vmem>>, vector<16xf32>,
      %add3A_792 = arith.constant 1648 : i32
      %add3A_793 = vector.broadcast %add3A_792 : i32 to vector<16xi32>
      %add3A_794 = arith.addi %iota3A, %add3A_793 : vector<16xi32>
      tpu.vector_store_idx %arg11[%add3A_794], %get3A_791 : memref<2048xf32, #tpu.memory_space<vmem>>[vector<16xi32>], vector<16xf32>,
      %get3A_795 = arith.constant 52 : i32
      %get3A_796 = arith.index_cast %get3A_795 : i32 to index
      %get3A_797 = arith.constant 0 : index
      %get3A_798 = tpu.vector_load %arg10[%get3A_796, %get3A_797] {strides = array<i32>} : memref<64x32xf32, #tpu.memory_space<vmem>>, vector<16xf32>,
      %add3A_799 = arith.constant 1664 : i32
      %add3A_800 = vector.broadcast %add3A_799 : i32 to vector<16xi32>
      %add3A_801 = arith.addi %iota3A, %add3A_800 : vector<16xi32>
      tpu.vector_store_idx %arg11[%add3A_801], %get3A_798 : memref<2048xf32, #tpu.memory_space<vmem>>[vector<16xi32>], vector<16xf32>,
      %get3A_802 = arith.constant 52 : i32
      %get3A_803 = arith.index_cast %get3A_802 : i32 to index
      %get3A_804 = arith.constant 16 : index
      %get3A_805 = tpu.vector_load %arg10[%get3A_803, %get3A_804] {strides = array<i32>} : memref<64x32xf32, #tpu.memory_space<vmem>>, vector<16xf32>,
      %add3A_806 = arith.constant 1680 : i32
      %add3A_807 = vector.broadcast %add3A_806 : i32 to vector<16xi32>
      %add3A_808 = arith.addi %iota3A, %add3A_807 : vector<16xi32>
      tpu.vector_store_idx %arg11[%add3A_808], %get3A_805 : memref<2048xf32, #tpu.memory_space<vmem>>[vector<16xi32>], vector<16xf32>,
      %get3A_809 = arith.constant 53 : i32
      %get3A_810 = arith.index_cast %get3A_809 : i32 to index
      %get3A_811 = arith.constant 0 : index
      %get3A_812 = tpu.vector_load %arg10[%get3A_810, %get3A_811] {strides = array<i32>} : memref<64x32xf32, #tpu.memory_space<vmem>>, vector<16xf32>,
      %add3A_813 = arith.constant 1696 : i32
      %add3A_814 = vector.broadcast %add3A_813 : i32 to vector<16xi32>
      %add3A_815 = arith.addi %iota3A, %add3A_814 : vector<16xi32>
      tpu.vector_store_idx %arg11[%add3A_815], %get3A_812 : memref<2048xf32, #tpu.memory_space<vmem>>[vector<16xi32>], vector<16xf32>,
      %get3A_816 = arith.constant 53 : i32
      %get3A_817 = arith.index_cast %get3A_816 : i32 to index
      %get3A_818 = arith.constant 16 : index
      %get3A_819 = tpu.vector_load %arg10[%get3A_817, %get3A_818] {strides = array<i32>} : memref<64x32xf32, #tpu.memory_space<vmem>>, vector<16xf32>,
      %add3A_820 = arith.constant 1712 : i32
      %add3A_821 = vector.broadcast %add3A_820 : i32 to vector<16xi32>
      %add3A_822 = arith.addi %iota3A, %add3A_821 : vector<16xi32>
      tpu.vector_store_idx %arg11[%add3A_822], %get3A_819 : memref<2048xf32, #tpu.memory_space<vmem>>[vector<16xi32>], vector<16xf32>,
      %get3A_823 = arith.constant 54 : i32
      %get3A_824 = arith.index_cast %get3A_823 : i32 to index
      %get3A_825 = arith.constant 0 : index
      %get3A_826 = tpu.vector_load %arg10[%get3A_824, %get3A_825] {strides = array<i32>} : memref<64x32xf32, #tpu.memory_space<vmem>>, vector<16xf32>,
      %add3A_827 = arith.constant 1728 : i32
      %add3A_828 = vector.broadcast %add3A_827 : i32 to vector<16xi32>
      %add3A_829 = arith.addi %iota3A, %add3A_828 : vector<16xi32>
      tpu.vector_store_idx %arg11[%add3A_829], %get3A_826 : memref<2048xf32, #tpu.memory_space<vmem>>[vector<16xi32>], vector<16xf32>,
      %get3A_830 = arith.constant 54 : i32
      %get3A_831 = arith.index_cast %get3A_830 : i32 to index
      %get3A_832 = arith.constant 16 : index
      %get3A_833 = tpu.vector_load %arg10[%get3A_831, %get3A_832] {strides = array<i32>} : memref<64x32xf32, #tpu.memory_space<vmem>>, vector<16xf32>,
      %add3A_834 = arith.constant 1744 : i32
      %add3A_835 = vector.broadcast %add3A_834 : i32 to vector<16xi32>
      %add3A_836 = arith.addi %iota3A, %add3A_835 : vector<16xi32>
      tpu.vector_store_idx %arg11[%add3A_836], %get3A_833 : memref<2048xf32, #tpu.memory_space<vmem>>[vector<16xi32>], vector<16xf32>,
      %get3A_837 = arith.constant 55 : i32
      %get3A_838 = arith.index_cast %get3A_837 : i32 to index
      %get3A_839 = arith.constant 0 : index
      %get3A_840 = tpu.vector_load %arg10[%get3A_838, %get3A_839] {strides = array<i32>} : memref<64x32xf32, #tpu.memory_space<vmem>>, vector<16xf32>,
      %add3A_841 = arith.constant 1760 : i32
      %add3A_842 = vector.broadcast %add3A_841 : i32 to vector<16xi32>
      %add3A_843 = arith.addi %iota3A, %add3A_842 : vector<16xi32>
      tpu.vector_store_idx %arg11[%add3A_843], %get3A_840 : memref<2048xf32, #tpu.memory_space<vmem>>[vector<16xi32>], vector<16xf32>,
      %get3A_844 = arith.constant 55 : i32
      %get3A_845 = arith.index_cast %get3A_844 : i32 to index
      %get3A_846 = arith.constant 16 : index
      %get3A_847 = tpu.vector_load %arg10[%get3A_845, %get3A_846] {strides = array<i32>} : memref<64x32xf32, #tpu.memory_space<vmem>>, vector<16xf32>,
      %add3A_848 = arith.constant 1776 : i32
      %add3A_849 = vector.broadcast %add3A_848 : i32 to vector<16xi32>
      %add3A_850 = arith.addi %iota3A, %add3A_849 : vector<16xi32>
      tpu.vector_store_idx %arg11[%add3A_850], %get3A_847 : memref<2048xf32, #tpu.memory_space<vmem>>[vector<16xi32>], vector<16xf32>,
      %get3A_851 = arith.constant 56 : i32
      %get3A_852 = arith.index_cast %get3A_851 : i32 to index
      %get3A_853 = arith.constant 0 : index
      %get3A_854 = tpu.vector_load %arg10[%get3A_852, %get3A_853] {strides = array<i32>} : memref<64x32xf32, #tpu.memory_space<vmem>>, vector<16xf32>,
      %add3A_855 = arith.constant 1792 : i32
      %add3A_856 = vector.broadcast %add3A_855 : i32 to vector<16xi32>
      %add3A_857 = arith.addi %iota3A, %add3A_856 : vector<16xi32>
      tpu.vector_store_idx %arg11[%add3A_857], %get3A_854 : memref<2048xf32, #tpu.memory_space<vmem>>[vector<16xi32>], vector<16xf32>,
      %get3A_858 = arith.constant 56 : i32
      %get3A_859 = arith.index_cast %get3A_858 : i32 to index
      %get3A_860 = arith.constant 16 : index
      %get3A_861 = tpu.vector_load %arg10[%get3A_859, %get3A_860] {strides = array<i32>} : memref<64x32xf32, #tpu.memory_space<vmem>>, vector<16xf32>,
      %add3A_862 = arith.constant 1808 : i32
      %add3A_863 = vector.broadcast %add3A_862 : i32 to vector<16xi32>
      %add3A_864 = arith.addi %iota3A, %add3A_863 : vector<16xi32>
      tpu.vector_store_idx %arg11[%add3A_864], %get3A_861 : memref<2048xf32, #tpu.memory_space<vmem>>[vector<16xi32>], vector<16xf32>,
      %get3A_865 = arith.constant 57 : i32
      %get3A_866 = arith.index_cast %get3A_865 : i32 to index
      %get3A_867 = arith.constant 0 : index
      %get3A_868 = tpu.vector_load %arg10[%get3A_866, %get3A_867] {strides = array<i32>} : memref<64x32xf32, #tpu.memory_space<vmem>>, vector<16xf32>,
      %add3A_869 = arith.constant 1824 : i32
      %add3A_870 = vector.broadcast %add3A_869 : i32 to vector<16xi32>
      %add3A_871 = arith.addi %iota3A, %add3A_870 : vector<16xi32>
      tpu.vector_store_idx %arg11[%add3A_871], %get3A_868 : memref<2048xf32, #tpu.memory_space<vmem>>[vector<16xi32>], vector<16xf32>,
      %get3A_872 = arith.constant 57 : i32
      %get3A_873 = arith.index_cast %get3A_872 : i32 to index
      %get3A_874 = arith.constant 16 : index
      %get3A_875 = tpu.vector_load %arg10[%get3A_873, %get3A_874] {strides = array<i32>} : memref<64x32xf32, #tpu.memory_space<vmem>>, vector<16xf32>,
      %add3A_876 = arith.constant 1840 : i32
      %add3A_877 = vector.broadcast %add3A_876 : i32 to vector<16xi32>
      %add3A_878 = arith.addi %iota3A, %add3A_877 : vector<16xi32>
      tpu.vector_store_idx %arg11[%add3A_878], %get3A_875 : memref<2048xf32, #tpu.memory_space<vmem>>[vector<16xi32>], vector<16xf32>,
      %get3A_879 = arith.constant 58 : i32
      %get3A_880 = arith.index_cast %get3A_879 : i32 to index
      %get3A_881 = arith.constant 0 : index
      %get3A_882 = tpu.vector_load %arg10[%get3A_880, %get3A_881] {strides = array<i32>} : memref<64x32xf32, #tpu.memory_space<vmem>>, vector<16xf32>,
      %add3A_883 = arith.constant 1856 : i32
      %add3A_884 = vector.broadcast %add3A_883 : i32 to vector<16xi32>
      %add3A_885 = arith.addi %iota3A, %add3A_884 : vector<16xi32>
      tpu.vector_store_idx %arg11[%add3A_885], %get3A_882 : memref<2048xf32, #tpu.memory_space<vmem>>[vector<16xi32>], vector<16xf32>,
      %get3A_886 = arith.constant 58 : i32
      %get3A_887 = arith.index_cast %get3A_886 : i32 to index
      %get3A_888 = arith.constant 16 : index
      %get3A_889 = tpu.vector_load %arg10[%get3A_887, %get3A_888] {strides = array<i32>} : memref<64x32xf32, #tpu.memory_space<vmem>>, vector<16xf32>,
      %add3A_890 = arith.constant 1872 : i32
      %add3A_891 = vector.broadcast %add3A_890 : i32 to vector<16xi32>
      %add3A_892 = arith.addi %iota3A, %add3A_891 : vector<16xi32>
      tpu.vector_store_idx %arg11[%add3A_892], %get3A_889 : memref<2048xf32, #tpu.memory_space<vmem>>[vector<16xi32>], vector<16xf32>,
      %get3A_893 = arith.constant 59 : i32
      %get3A_894 = arith.index_cast %get3A_893 : i32 to index
      %get3A_895 = arith.constant 0 : index
      %get3A_896 = tpu.vector_load %arg10[%get3A_894, %get3A_895] {strides = array<i32>} : memref<64x32xf32, #tpu.memory_space<vmem>>, vector<16xf32>,
      %add3A_897 = arith.constant 1888 : i32
      %add3A_898 = vector.broadcast %add3A_897 : i32 to vector<16xi32>
      %add3A_899 = arith.addi %iota3A, %add3A_898 : vector<16xi32>
      tpu.vector_store_idx %arg11[%add3A_899], %get3A_896 : memref<2048xf32, #tpu.memory_space<vmem>>[vector<16xi32>], vector<16xf32>,
      %get3A_900 = arith.constant 59 : i32
      %get3A_901 = arith.index_cast %get3A_900 : i32 to index
      %get3A_902 = arith.constant 16 : index
      %get3A_903 = tpu.vector_load %arg10[%get3A_901, %get3A_902] {strides = array<i32>} : memref<64x32xf32, #tpu.memory_space<vmem>>, vector<16xf32>,
      %add3A_904 = arith.constant 1904 : i32
      %add3A_905 = vector.broadcast %add3A_904 : i32 to vector<16xi32>
      %add3A_906 = arith.addi %iota3A, %add3A_905 : vector<16xi32>
      tpu.vector_store_idx %arg11[%add3A_906], %get3A_903 : memref<2048xf32, #tpu.memory_space<vmem>>[vector<16xi32>], vector<16xf32>,
      %get3A_907 = arith.constant 60 : i32
      %get3A_908 = arith.index_cast %get3A_907 : i32 to index
      %get3A_909 = arith.constant 0 : index
      %get3A_910 = tpu.vector_load %arg10[%get3A_908, %get3A_909] {strides = array<i32>} : memref<64x32xf32, #tpu.memory_space<vmem>>, vector<16xf32>,
      %add3A_911 = arith.constant 1920 : i32
      %add3A_912 = vector.broadcast %add3A_911 : i32 to vector<16xi32>
      %add3A_913 = arith.addi %iota3A, %add3A_912 : vector<16xi32>
      tpu.vector_store_idx %arg11[%add3A_913], %get3A_910 : memref<2048xf32, #tpu.memory_space<vmem>>[vector<16xi32>], vector<16xf32>,
      %get3A_914 = arith.constant 60 : i32
      %get3A_915 = arith.index_cast %get3A_914 : i32 to index
      %get3A_916 = arith.constant 16 : index
      %get3A_917 = tpu.vector_load %arg10[%get3A_915, %get3A_916] {strides = array<i32>} : memref<64x32xf32, #tpu.memory_space<vmem>>, vector<16xf32>,
      %add3A_918 = arith.constant 1936 : i32
      %add3A_919 = vector.broadcast %add3A_918 : i32 to vector<16xi32>
      %add3A_920 = arith.addi %iota3A, %add3A_919 : vector<16xi32>
      tpu.vector_store_idx %arg11[%add3A_920], %get3A_917 : memref<2048xf32, #tpu.memory_space<vmem>>[vector<16xi32>], vector<16xf32>,
      %get3A_921 = arith.constant 61 : i32
      %get3A_922 = arith.index_cast %get3A_921 : i32 to index
      %get3A_923 = arith.constant 0 : index
      %get3A_924 = tpu.vector_load %arg10[%get3A_922, %get3A_923] {strides = array<i32>} : memref<64x32xf32, #tpu.memory_space<vmem>>, vector<16xf32>,
      %add3A_925 = arith.constant 1952 : i32
      %add3A_926 = vector.broadcast %add3A_925 : i32 to vector<16xi32>
      %add3A_927 = arith.addi %iota3A, %add3A_926 : vector<16xi32>
      tpu.vector_store_idx %arg11[%add3A_927], %get3A_924 : memref<2048xf32, #tpu.memory_space<vmem>>[vector<16xi32>], vector<16xf32>,
      %get3A_928 = arith.constant 61 : i32
      %get3A_929 = arith.index_cast %get3A_928 : i32 to index
      %get3A_930 = arith.constant 16 : index
      %get3A_931 = tpu.vector_load %arg10[%get3A_929, %get3A_930] {strides = array<i32>} : memref<64x32xf32, #tpu.memory_space<vmem>>, vector<16xf32>,
      %add3A_932 = arith.constant 1968 : i32
      %add3A_933 = vector.broadcast %add3A_932 : i32 to vector<16xi32>
      %add3A_934 = arith.addi %iota3A, %add3A_933 : vector<16xi32>
      tpu.vector_store_idx %arg11[%add3A_934], %get3A_931 : memref<2048xf32, #tpu.memory_space<vmem>>[vector<16xi32>], vector<16xf32>,
      %get3A_935 = arith.constant 62 : i32
      %get3A_936 = arith.index_cast %get3A_935 : i32 to index
      %get3A_937 = arith.constant 0 : index
      %get3A_938 = tpu.vector_load %arg10[%get3A_936, %get3A_937] {strides = array<i32>} : memref<64x32xf32, #tpu.memory_space<vmem>>, vector<16xf32>,
      %add3A_939 = arith.constant 1984 : i32
      %add3A_940 = vector.broadcast %add3A_939 : i32 to vector<16xi32>
      %add3A_941 = arith.addi %iota3A, %add3A_940 : vector<16xi32>
      tpu.vector_store_idx %arg11[%add3A_941], %get3A_938 : memref<2048xf32, #tpu.memory_space<vmem>>[vector<16xi32>], vector<16xf32>,
      %get3A_942 = arith.constant 62 : i32
      %get3A_943 = arith.index_cast %get3A_942 : i32 to index
      %get3A_944 = arith.constant 16 : index
      %get3A_945 = tpu.vector_load %arg10[%get3A_943, %get3A_944] {strides = array<i32>} : memref<64x32xf32, #tpu.memory_space<vmem>>, vector<16xf32>,
      %add3A_946 = arith.constant 2000 : i32
      %add3A_947 = vector.broadcast %add3A_946 : i32 to vector<16xi32>
      %add3A_948 = arith.addi %iota3A, %add3A_947 : vector<16xi32>
      tpu.vector_store_idx %arg11[%add3A_948], %get3A_945 : memref<2048xf32, #tpu.memory_space<vmem>>[vector<16xi32>], vector<16xf32>,
      %get3A_949 = arith.constant 63 : i32
      %get3A_950 = arith.index_cast %get3A_949 : i32 to index
      %get3A_951 = arith.constant 0 : index
      %get3A_952 = tpu.vector_load %arg10[%get3A_950, %get3A_951] {strides = array<i32>} : memref<64x32xf32, #tpu.memory_space<vmem>>, vector<16xf32>,
      %add3A_953 = arith.constant 2016 : i32
      %add3A_954 = vector.broadcast %add3A_953 : i32 to vector<16xi32>
      %add3A_955 = arith.addi %iota3A, %add3A_954 : vector<16xi32>
      tpu.vector_store_idx %arg11[%add3A_955], %get3A_952 : memref<2048xf32, #tpu.memory_space<vmem>>[vector<16xi32>], vector<16xf32>,
      %get3A_956 = arith.constant 63 : i32
      %get3A_957 = arith.index_cast %get3A_956 : i32 to index
      %get3A_958 = arith.constant 16 : index
      %get3A_959 = tpu.vector_load %arg10[%get3A_957, %get3A_958] {strides = array<i32>} : memref<64x32xf32, #tpu.memory_space<vmem>>, vector<16xf32>,
      %add3A_960 = arith.constant 2032 : i32
      %add3A_961 = vector.broadcast %add3A_960 : i32 to vector<16xi32>
      %add3A_962 = arith.addi %iota3A, %add3A_961 : vector<16xi32>
      tpu.vector_store_idx %arg11[%add3A_962], %get3A_959 : memref<2048xf32, #tpu.memory_space<vmem>>[vector<16xi32>], vector<16xf32>,
      %dma_start3A_963 = arith.constant 31997952 : i32
      %dma_start3A_964 = tpu.memref_slice %arg4[%dma_start3A_963] : memref<32000000xf32, #tpu.memory_space<hbm>> -> memref<2048xf32, #tpu.memory_space<hbm>>
      %dma_start3A_965 = arith.constant 31997952 : i32
      %dma_start3A_966 = tpu.memref_slice %arg4[%dma_start3A_965] : memref<32000000xf32, #tpu.memory_space<hbm>> -> memref<2048xf32, #tpu.memory_space<hbm>>
      tpu.enqueue_dma source(%arg11 : memref<2048xf32, #tpu.memory_space<vmem>>) target(%dma_start3A_966 : memref<2048xf32, #tpu.memory_space<hbm>>) target_semaphore(%arg12 : memref<!tpu.dma_semaphore, #tpu.memory_space<semaphore_mem>>)
      %dma_wait3A_967 = arith.constant 31997952 : i32
      %dma_wait3A_968 = tpu.memref_slice %arg4[%dma_wait3A_967] : memref<32000000xf32, #tpu.memory_space<hbm>> -> memref<2048xf32, #tpu.memory_space<hbm>>
      %dma_wait3A_969 = arith.constant 31997952 : i32
      %dma_wait3A_970 = tpu.memref_slice %arg4[%dma_wait3A_969] : memref<32000000xf32, #tpu.memory_space<hbm>> -> memref<2048xf32, #tpu.memory_space<hbm>>
      tpu.wait_dma2 semaphore(%arg12 : memref<!tpu.dma_semaphore, #tpu.memory_space<semaphore_mem>>) src(%arg11 : memref<2048xf32, #tpu.memory_space<vmem>>) dst(%dma_wait3A_970 : memref<2048xf32, #tpu.memory_space<hbm>>)
    } else {
    }
    return
  }
}

#map = affine_map<(d0, d1) -> (0)>
#map1 = affine_map<(d0, d1) -> (0, 0)>
module attributes {stable_mosaic.version = 14 : i64} {
  func.func @_embedding_gather(%arg0: i32, %arg1: i32, %arg2: memref<819200xi32, #tpu.memory_space<hbm>>, %arg3: memref<1000000x32xf32, #tpu.memory_space<hbm>>, %arg4: memref<819200x32xf32, #tpu.memory_space<hbm>>, %arg5: memref<25600xi32, #tpu.memory_space<vmem>>, %arg6: memref<4x640x32xf32, #tpu.memory_space<vmem>>, %arg7: memref<!tpu.dma_semaphore, #tpu.memory_space<semaphore_mem>>, %arg8: memref<!tpu.dma_semaphore, #tpu.memory_space<semaphore_mem>>, %arg9: memref<!tpu.dma_semaphore, #tpu.memory_space<semaphore_mem>>, %arg10: memref<!tpu.dma_semaphore, #tpu.memory_space<semaphore_mem>>, %arg11: memref<!tpu.dma_semaphore, #tpu.memory_space<semaphore_mem>>, %arg12: memref<!tpu.dma_semaphore, #tpu.memory_space<semaphore_mem>>, %arg13: memref<!tpu.dma_semaphore, #tpu.memory_space<semaphore_mem>>, %arg14: memref<!tpu.dma_semaphore, #tpu.memory_space<semaphore_mem>>) attributes {dimension_semantics = [#tpu.dimension_semantics<core_parallel>, #tpu.dimension_semantics<subcore_parallel>], iteration_bounds = array<i64: 2, 16>, scalar_prefetch = 0 : i64, scratch_operands = 10 : i64, tpu.core_type = #tpu.core_type<sc_vector_subcore>, window_params = [{transform_indices = #map}, {transform_indices = #map1}, {transform_indices = #map1}]} {
    %mul3A = arith.constant 2 : i32
    %mul3A_0 = arith.muli %arg1, %mul3A : i32
    %add3A = arith.addi %mul3A_0, %arg0 : i32
    %mul3A_1 = arith.constant 25600 : i32
    %mul3A_2 = arith.muli %add3A, %mul3A_1 : i32
    "tpu.region"() ({
      %run_scoped3A = tpu.sem_alloc : memref<!tpu.dma_semaphore, #tpu.memory_space<semaphore_mem>>
      %dma_start3A_198 = tpu.memref_slice %arg2[%mul3A_2] : memref<819200xi32, #tpu.memory_space<hbm>> -> memref<25600xi32, #tpu.memory_space<hbm>>
      %dma_start3A_199 = tpu.memref_slice %arg2[%mul3A_2] : memref<819200xi32, #tpu.memory_space<hbm>> -> memref<25600xi32, #tpu.memory_space<hbm>>
      tpu.enqueue_dma source(%dma_start3A_199 : memref<25600xi32, #tpu.memory_space<hbm>>) target(%arg5 : memref<25600xi32, #tpu.memory_space<vmem>>) target_semaphore(%run_scoped3A : memref<!tpu.dma_semaphore, #tpu.memory_space<semaphore_mem>>)
      %dma_wait3A_200 = tpu.memref_slice %arg2[%mul3A_2] : memref<819200xi32, #tpu.memory_space<hbm>> -> memref<25600xi32, #tpu.memory_space<hbm>>
      %dma_wait3A_201 = tpu.memref_slice %arg2[%mul3A_2] : memref<819200xi32, #tpu.memory_space<hbm>> -> memref<25600xi32, #tpu.memory_space<hbm>>
      tpu.wait_dma2 semaphore(%run_scoped3A : memref<!tpu.dma_semaphore, #tpu.memory_space<semaphore_mem>>) src(%dma_wait3A_201 : memref<25600xi32, #tpu.memory_space<hbm>>) dst(%arg5 : memref<25600xi32, #tpu.memory_space<vmem>>)
      tpu.yield
    }) : () -> ()
    %dma_start3A = arith.constant 0 : i32
    %dma_start3A_3 = arith.constant 0 : i32
    %dma_start3A_4 = arith.constant 0 : i32
    %dma_start3A_5 = tpu.memref_slice %arg6[%dma_start3A, %dma_start3A_3, %dma_start3A_4] : memref<4x640x32xf32, #tpu.memory_space<vmem>> -> memref<1x640x32xf32, #tpu.memory_space<vmem>>
    %dma_start3A_6 = tpu.memref_squeeze %dma_start3A_5 : memref<1x640x32xf32, #tpu.memory_space<vmem>> -> memref<640x32xf32, #tpu.memory_space<vmem>>
    %dma_start3A_7 = arith.constant 0 : i32
    %dma_start3A_8 = tpu.memref_slice %arg5[%dma_start3A_7] : memref<25600xi32, #tpu.memory_space<vmem>> -> memref<640xi32, #tpu.memory_space<vmem>>
    %dma_start3A_9 = arith.constant 0 : i32
    %dma_start3A_10 = arith.constant 0 : i32
    %dma_start3A_11 = tpu.memref_slice %arg3[%dma_start3A_9, %dma_start3A_10] : memref<1000000x32xf32, #tpu.memory_space<hbm>> -> memref<1000000x32xf32, #tpu.memory_space<hbm>>
    tpu.enqueue_indirect_dma source(%dma_start3A_11 : memref<1000000x32xf32, #tpu.memory_space<hbm>>) target(%dma_start3A_6 : memref<640x32xf32, #tpu.memory_space<vmem>>) offsets(%dma_start3A_8 : memref<640xi32, #tpu.memory_space<vmem>>) semaphore(%arg7 : memref<!tpu.dma_semaphore, #tpu.memory_space<semaphore_mem>>)
    %dma_start3A_12 = arith.constant 1 : i32
    %dma_start3A_13 = arith.constant 0 : i32
    %dma_start3A_14 = arith.constant 0 : i32
    %dma_start3A_15 = tpu.memref_slice %arg6[%dma_start3A_12, %dma_start3A_13, %dma_start3A_14] : memref<4x640x32xf32, #tpu.memory_space<vmem>> -> memref<1x640x32xf32, #tpu.memory_space<vmem>>
    %dma_start3A_16 = tpu.memref_squeeze %dma_start3A_15 : memref<1x640x32xf32, #tpu.memory_space<vmem>> -> memref<640x32xf32, #tpu.memory_space<vmem>>
    %dma_start3A_17 = arith.constant 640 : i32
    %dma_start3A_18 = tpu.memref_slice %arg5[%dma_start3A_17] : memref<25600xi32, #tpu.memory_space<vmem>> -> memref<640xi32, #tpu.memory_space<vmem>>
    %dma_start3A_19 = arith.constant 0 : i32
    %dma_start3A_20 = arith.constant 0 : i32
    %dma_start3A_21 = tpu.memref_slice %arg3[%dma_start3A_19, %dma_start3A_20] : memref<1000000x32xf32, #tpu.memory_space<hbm>> -> memref<1000000x32xf32, #tpu.memory_space<hbm>>
    tpu.enqueue_indirect_dma source(%dma_start3A_21 : memref<1000000x32xf32, #tpu.memory_space<hbm>>) target(%dma_start3A_16 : memref<640x32xf32, #tpu.memory_space<vmem>>) offsets(%dma_start3A_18 : memref<640xi32, #tpu.memory_space<vmem>>) semaphore(%arg8 : memref<!tpu.dma_semaphore, #tpu.memory_space<semaphore_mem>>)
    %dma_start3A_22 = arith.constant 2 : i32
    %dma_start3A_23 = arith.constant 0 : i32
    %dma_start3A_24 = arith.constant 0 : i32
    %dma_start3A_25 = tpu.memref_slice %arg6[%dma_start3A_22, %dma_start3A_23, %dma_start3A_24] : memref<4x640x32xf32, #tpu.memory_space<vmem>> -> memref<1x640x32xf32, #tpu.memory_space<vmem>>
    %dma_start3A_26 = tpu.memref_squeeze %dma_start3A_25 : memref<1x640x32xf32, #tpu.memory_space<vmem>> -> memref<640x32xf32, #tpu.memory_space<vmem>>
    %dma_start3A_27 = arith.constant 1280 : i32
    %dma_start3A_28 = tpu.memref_slice %arg5[%dma_start3A_27] : memref<25600xi32, #tpu.memory_space<vmem>> -> memref<640xi32, #tpu.memory_space<vmem>>
    %dma_start3A_29 = arith.constant 0 : i32
    %dma_start3A_30 = arith.constant 0 : i32
    %dma_start3A_31 = tpu.memref_slice %arg3[%dma_start3A_29, %dma_start3A_30] : memref<1000000x32xf32, #tpu.memory_space<hbm>> -> memref<1000000x32xf32, #tpu.memory_space<hbm>>
    tpu.enqueue_indirect_dma source(%dma_start3A_31 : memref<1000000x32xf32, #tpu.memory_space<hbm>>) target(%dma_start3A_26 : memref<640x32xf32, #tpu.memory_space<vmem>>) offsets(%dma_start3A_28 : memref<640xi32, #tpu.memory_space<vmem>>) semaphore(%arg9 : memref<!tpu.dma_semaphore, #tpu.memory_space<semaphore_mem>>)
    %dma_start3A_32 = arith.constant 3 : i32
    %dma_start3A_33 = arith.constant 0 : i32
    %dma_start3A_34 = arith.constant 0 : i32
    %dma_start3A_35 = tpu.memref_slice %arg6[%dma_start3A_32, %dma_start3A_33, %dma_start3A_34] : memref<4x640x32xf32, #tpu.memory_space<vmem>> -> memref<1x640x32xf32, #tpu.memory_space<vmem>>
    %dma_start3A_36 = tpu.memref_squeeze %dma_start3A_35 : memref<1x640x32xf32, #tpu.memory_space<vmem>> -> memref<640x32xf32, #tpu.memory_space<vmem>>
    %dma_start3A_37 = arith.constant 1920 : i32
    %dma_start3A_38 = tpu.memref_slice %arg5[%dma_start3A_37] : memref<25600xi32, #tpu.memory_space<vmem>> -> memref<640xi32, #tpu.memory_space<vmem>>
    %dma_start3A_39 = arith.constant 0 : i32
    %dma_start3A_40 = arith.constant 0 : i32
    %dma_start3A_41 = tpu.memref_slice %arg3[%dma_start3A_39, %dma_start3A_40] : memref<1000000x32xf32, #tpu.memory_space<hbm>> -> memref<1000000x32xf32, #tpu.memory_space<hbm>>
    tpu.enqueue_indirect_dma source(%dma_start3A_41 : memref<1000000x32xf32, #tpu.memory_space<hbm>>) target(%dma_start3A_36 : memref<640x32xf32, #tpu.memory_space<vmem>>) offsets(%dma_start3A_38 : memref<640xi32, #tpu.memory_space<vmem>>) semaphore(%arg10 : memref<!tpu.dma_semaphore, #tpu.memory_space<semaphore_mem>>)
    %scan3A = arith.constant 0 : i32
    %scan3A_42 = arith.constant 0 : i32
    %scan3A_43 = arith.constant 9 : i32
    %scan3A_44 = arith.addi %scan3A_42, %scan3A_43 : i32
    %scan3A_45 = arith.constant 1 : i32
    scf.for %scan3A_198 = %scan3A_42 to %scan3A_44 step %scan3A_45  : i32 {
      %dma_wait3A_199 = arith.constant 0 : i32
      %dma_wait3A_200 = arith.constant 0 : i32
      %dma_wait3A_201 = arith.constant 0 : i32
      %dma_wait3A_202 = tpu.memref_slice %arg6[%dma_wait3A_199, %dma_wait3A_200, %dma_wait3A_201] : memref<4x640x32xf32, #tpu.memory_space<vmem>> -> memref<1x640x32xf32, #tpu.memory_space<vmem>>
      %dma_wait3A_203 = tpu.memref_squeeze %dma_wait3A_202 : memref<1x640x32xf32, #tpu.memory_space<vmem>> -> memref<640x32xf32, #tpu.memory_space<vmem>>
      %dma_wait3A_204 = arith.constant 0 : i32
      %dma_wait3A_205 = tpu.memref_slice %arg5[%dma_wait3A_204] : memref<25600xi32, #tpu.memory_space<vmem>> -> memref<640xi32, #tpu.memory_space<vmem>>
      %dma_wait3A_206 = arith.constant 0 : i32
      %dma_wait3A_207 = arith.constant 0 : i32
      %dma_wait3A_208 = tpu.memref_slice %arg3[%dma_wait3A_206, %dma_wait3A_207] : memref<1000000x32xf32, #tpu.memory_space<hbm>> -> memref<1000000x32xf32, #tpu.memory_space<hbm>>
      tpu.wait_indirect_dma semaphore(%arg7 : memref<!tpu.dma_semaphore, #tpu.memory_space<semaphore_mem>>) src(%dma_wait3A_208 : memref<1000000x32xf32, #tpu.memory_space<hbm>>) dst(%dma_wait3A_203 : memref<640x32xf32, #tpu.memory_space<vmem>>)
      %mul3A_209 = arith.constant 4 : i32
      %mul3A_210 = arith.muli %scan3A_198, %mul3A_209 : i32
      %add3A_211 = arith.constant 0 : i32
      %add3A_212 = arith.addi %mul3A_210, %add3A_211 : i32
      %mul3A_213 = arith.constant 640 : i32
      %mul3A_214 = arith.muli %add3A_212, %mul3A_213 : i32
      %add3A_215 = arith.addi %mul3A_2, %mul3A_214 : i32
      %dma_start3A_216 = arith.constant 0 : i32
      %dma_start3A_217 = arith.constant 0 : i32
      %dma_start3A_218 = arith.constant 0 : i32
      %dma_start3A_219 = tpu.memref_slice %arg6[%dma_start3A_216, %dma_start3A_217, %dma_start3A_218] : memref<4x640x32xf32, #tpu.memory_space<vmem>> -> memref<1x640x32xf32, #tpu.memory_space<vmem>>
      %dma_start3A_220 = tpu.memref_squeeze %dma_start3A_219 : memref<1x640x32xf32, #tpu.memory_space<vmem>> -> memref<640x32xf32, #tpu.memory_space<vmem>>
      %dma_start3A_221 = arith.constant 0 : i32
      %dma_start3A_222 = tpu.memref_slice %arg4[%add3A_215, %dma_start3A_221] : memref<819200x32xf32, #tpu.memory_space<hbm>> -> memref<640x32xf32, #tpu.memory_space<hbm>>
      %dma_start3A_223 = arith.constant 0 : i32
      %dma_start3A_224 = tpu.memref_slice %arg4[%add3A_215, %dma_start3A_223] : memref<819200x32xf32, #tpu.memory_space<hbm>> -> memref<640x32xf32, #tpu.memory_space<hbm>>
      %dma_start3A_225 = arith.constant 0 : i32
      %dma_start3A_226 = arith.constant 0 : i32
      %dma_start3A_227 = tpu.memref_slice %arg6[%dma_start3A_216, %dma_start3A_225, %dma_start3A_226] : memref<4x640x32xf32, #tpu.memory_space<vmem>> -> memref<1x640x32xf32, #tpu.memory_space<vmem>>
      %dma_start3A_228 = tpu.memref_squeeze %dma_start3A_227 : memref<1x640x32xf32, #tpu.memory_space<vmem>> -> memref<640x32xf32, #tpu.memory_space<vmem>>
      tpu.enqueue_dma source(%dma_start3A_228 : memref<640x32xf32, #tpu.memory_space<vmem>>) target(%dma_start3A_224 : memref<640x32xf32, #tpu.memory_space<hbm>>) target_semaphore(%arg11 : memref<!tpu.dma_semaphore, #tpu.memory_space<semaphore_mem>>)
      %dma_wait3A_229 = arith.constant 1 : i32
      %dma_wait3A_230 = arith.constant 0 : i32
      %dma_wait3A_231 = arith.constant 0 : i32
      %dma_wait3A_232 = tpu.memref_slice %arg6[%dma_wait3A_229, %dma_wait3A_230, %dma_wait3A_231] : memref<4x640x32xf32, #tpu.memory_space<vmem>> -> memref<1x640x32xf32, #tpu.memory_space<vmem>>
      %dma_wait3A_233 = tpu.memref_squeeze %dma_wait3A_232 : memref<1x640x32xf32, #tpu.memory_space<vmem>> -> memref<640x32xf32, #tpu.memory_space<vmem>>
      %dma_wait3A_234 = arith.constant 0 : i32
      %dma_wait3A_235 = tpu.memref_slice %arg5[%dma_wait3A_234] : memref<25600xi32, #tpu.memory_space<vmem>> -> memref<640xi32, #tpu.memory_space<vmem>>
      %dma_wait3A_236 = arith.constant 0 : i32
      %dma_wait3A_237 = arith.constant 0 : i32
      %dma_wait3A_238 = tpu.memref_slice %arg3[%dma_wait3A_236, %dma_wait3A_237] : memref<1000000x32xf32, #tpu.memory_space<hbm>> -> memref<1000000x32xf32, #tpu.memory_space<hbm>>
      tpu.wait_indirect_dma semaphore(%arg8 : memref<!tpu.dma_semaphore, #tpu.memory_space<semaphore_mem>>) src(%dma_wait3A_238 : memref<1000000x32xf32, #tpu.memory_space<hbm>>) dst(%dma_wait3A_233 : memref<640x32xf32, #tpu.memory_space<vmem>>)
      %mul3A_239 = arith.constant 4 : i32
      %mul3A_240 = arith.muli %scan3A_198, %mul3A_239 : i32
      %add3A_241 = arith.constant 1 : i32
      %add3A_242 = arith.addi %mul3A_240, %add3A_241 : i32
      %mul3A_243 = arith.constant 640 : i32
      %mul3A_244 = arith.muli %add3A_242, %mul3A_243 : i32
      %add3A_245 = arith.addi %mul3A_2, %mul3A_244 : i32
      %dma_start3A_246 = arith.constant 1 : i32
      %dma_start3A_247 = arith.constant 0 : i32
      %dma_start3A_248 = arith.constant 0 : i32
      %dma_start3A_249 = tpu.memref_slice %arg6[%dma_start3A_246, %dma_start3A_247, %dma_start3A_248] : memref<4x640x32xf32, #tpu.memory_space<vmem>> -> memref<1x640x32xf32, #tpu.memory_space<vmem>>
      %dma_start3A_250 = tpu.memref_squeeze %dma_start3A_249 : memref<1x640x32xf32, #tpu.memory_space<vmem>> -> memref<640x32xf32, #tpu.memory_space<vmem>>
      %dma_start3A_251 = arith.constant 0 : i32
      %dma_start3A_252 = tpu.memref_slice %arg4[%add3A_245, %dma_start3A_251] : memref<819200x32xf32, #tpu.memory_space<hbm>> -> memref<640x32xf32, #tpu.memory_space<hbm>>
      %dma_start3A_253 = arith.constant 0 : i32
      %dma_start3A_254 = tpu.memref_slice %arg4[%add3A_245, %dma_start3A_253] : memref<819200x32xf32, #tpu.memory_space<hbm>> -> memref<640x32xf32, #tpu.memory_space<hbm>>
      %dma_start3A_255 = arith.constant 0 : i32
      %dma_start3A_256 = arith.constant 0 : i32
      %dma_start3A_257 = tpu.memref_slice %arg6[%dma_start3A_246, %dma_start3A_255, %dma_start3A_256] : memref<4x640x32xf32, #tpu.memory_space<vmem>> -> memref<1x640x32xf32, #tpu.memory_space<vmem>>
      %dma_start3A_258 = tpu.memref_squeeze %dma_start3A_257 : memref<1x640x32xf32, #tpu.memory_space<vmem>> -> memref<640x32xf32, #tpu.memory_space<vmem>>
      tpu.enqueue_dma source(%dma_start3A_258 : memref<640x32xf32, #tpu.memory_space<vmem>>) target(%dma_start3A_254 : memref<640x32xf32, #tpu.memory_space<hbm>>) target_semaphore(%arg12 : memref<!tpu.dma_semaphore, #tpu.memory_space<semaphore_mem>>)
      %dma_wait3A_259 = arith.constant 2 : i32
      %dma_wait3A_260 = arith.constant 0 : i32
      %dma_wait3A_261 = arith.constant 0 : i32
      %dma_wait3A_262 = tpu.memref_slice %arg6[%dma_wait3A_259, %dma_wait3A_260, %dma_wait3A_261] : memref<4x640x32xf32, #tpu.memory_space<vmem>> -> memref<1x640x32xf32, #tpu.memory_space<vmem>>
      %dma_wait3A_263 = tpu.memref_squeeze %dma_wait3A_262 : memref<1x640x32xf32, #tpu.memory_space<vmem>> -> memref<640x32xf32, #tpu.memory_space<vmem>>
      %dma_wait3A_264 = arith.constant 0 : i32
      %dma_wait3A_265 = tpu.memref_slice %arg5[%dma_wait3A_264] : memref<25600xi32, #tpu.memory_space<vmem>> -> memref<640xi32, #tpu.memory_space<vmem>>
      %dma_wait3A_266 = arith.constant 0 : i32
      %dma_wait3A_267 = arith.constant 0 : i32
      %dma_wait3A_268 = tpu.memref_slice %arg3[%dma_wait3A_266, %dma_wait3A_267] : memref<1000000x32xf32, #tpu.memory_space<hbm>> -> memref<1000000x32xf32, #tpu.memory_space<hbm>>
      tpu.wait_indirect_dma semaphore(%arg9 : memref<!tpu.dma_semaphore, #tpu.memory_space<semaphore_mem>>) src(%dma_wait3A_268 : memref<1000000x32xf32, #tpu.memory_space<hbm>>) dst(%dma_wait3A_263 : memref<640x32xf32, #tpu.memory_space<vmem>>)
      %mul3A_269 = arith.constant 4 : i32
      %mul3A_270 = arith.muli %scan3A_198, %mul3A_269 : i32
      %add3A_271 = arith.constant 2 : i32
      %add3A_272 = arith.addi %mul3A_270, %add3A_271 : i32
      %mul3A_273 = arith.constant 640 : i32
      %mul3A_274 = arith.muli %add3A_272, %mul3A_273 : i32
      %add3A_275 = arith.addi %mul3A_2, %mul3A_274 : i32
      %dma_start3A_276 = arith.constant 2 : i32
      %dma_start3A_277 = arith.constant 0 : i32
      %dma_start3A_278 = arith.constant 0 : i32
      %dma_start3A_279 = tpu.memref_slice %arg6[%dma_start3A_276, %dma_start3A_277, %dma_start3A_278] : memref<4x640x32xf32, #tpu.memory_space<vmem>> -> memref<1x640x32xf32, #tpu.memory_space<vmem>>
      %dma_start3A_280 = tpu.memref_squeeze %dma_start3A_279 : memref<1x640x32xf32, #tpu.memory_space<vmem>> -> memref<640x32xf32, #tpu.memory_space<vmem>>
      %dma_start3A_281 = arith.constant 0 : i32
      %dma_start3A_282 = tpu.memref_slice %arg4[%add3A_275, %dma_start3A_281] : memref<819200x32xf32, #tpu.memory_space<hbm>> -> memref<640x32xf32, #tpu.memory_space<hbm>>
      %dma_start3A_283 = arith.constant 0 : i32
      %dma_start3A_284 = tpu.memref_slice %arg4[%add3A_275, %dma_start3A_283] : memref<819200x32xf32, #tpu.memory_space<hbm>> -> memref<640x32xf32, #tpu.memory_space<hbm>>
      %dma_start3A_285 = arith.constant 0 : i32
      %dma_start3A_286 = arith.constant 0 : i32
      %dma_start3A_287 = tpu.memref_slice %arg6[%dma_start3A_276, %dma_start3A_285, %dma_start3A_286] : memref<4x640x32xf32, #tpu.memory_space<vmem>> -> memref<1x640x32xf32, #tpu.memory_space<vmem>>
      %dma_start3A_288 = tpu.memref_squeeze %dma_start3A_287 : memref<1x640x32xf32, #tpu.memory_space<vmem>> -> memref<640x32xf32, #tpu.memory_space<vmem>>
      tpu.enqueue_dma source(%dma_start3A_288 : memref<640x32xf32, #tpu.memory_space<vmem>>) target(%dma_start3A_284 : memref<640x32xf32, #tpu.memory_space<hbm>>) target_semaphore(%arg13 : memref<!tpu.dma_semaphore, #tpu.memory_space<semaphore_mem>>)
      %dma_wait3A_289 = arith.constant 3 : i32
      %dma_wait3A_290 = arith.constant 0 : i32
      %dma_wait3A_291 = arith.constant 0 : i32
      %dma_wait3A_292 = tpu.memref_slice %arg6[%dma_wait3A_289, %dma_wait3A_290, %dma_wait3A_291] : memref<4x640x32xf32, #tpu.memory_space<vmem>> -> memref<1x640x32xf32, #tpu.memory_space<vmem>>
      %dma_wait3A_293 = tpu.memref_squeeze %dma_wait3A_292 : memref<1x640x32xf32, #tpu.memory_space<vmem>> -> memref<640x32xf32, #tpu.memory_space<vmem>>
      %dma_wait3A_294 = arith.constant 0 : i32
      %dma_wait3A_295 = tpu.memref_slice %arg5[%dma_wait3A_294] : memref<25600xi32, #tpu.memory_space<vmem>> -> memref<640xi32, #tpu.memory_space<vmem>>
      %dma_wait3A_296 = arith.constant 0 : i32
      %dma_wait3A_297 = arith.constant 0 : i32
      %dma_wait3A_298 = tpu.memref_slice %arg3[%dma_wait3A_296, %dma_wait3A_297] : memref<1000000x32xf32, #tpu.memory_space<hbm>> -> memref<1000000x32xf32, #tpu.memory_space<hbm>>
      tpu.wait_indirect_dma semaphore(%arg10 : memref<!tpu.dma_semaphore, #tpu.memory_space<semaphore_mem>>) src(%dma_wait3A_298 : memref<1000000x32xf32, #tpu.memory_space<hbm>>) dst(%dma_wait3A_293 : memref<640x32xf32, #tpu.memory_space<vmem>>)
      %mul3A_299 = arith.constant 4 : i32
      %mul3A_300 = arith.muli %scan3A_198, %mul3A_299 : i32
      %add3A_301 = arith.constant 3 : i32
      %add3A_302 = arith.addi %mul3A_300, %add3A_301 : i32
      %mul3A_303 = arith.constant 640 : i32
      %mul3A_304 = arith.muli %add3A_302, %mul3A_303 : i32
      %add3A_305 = arith.addi %mul3A_2, %mul3A_304 : i32
      %dma_start3A_306 = arith.constant 3 : i32
      %dma_start3A_307 = arith.constant 0 : i32
      %dma_start3A_308 = arith.constant 0 : i32
      %dma_start3A_309 = tpu.memref_slice %arg6[%dma_start3A_306, %dma_start3A_307, %dma_start3A_308] : memref<4x640x32xf32, #tpu.memory_space<vmem>> -> memref<1x640x32xf32, #tpu.memory_space<vmem>>
      %dma_start3A_310 = tpu.memref_squeeze %dma_start3A_309 : memref<1x640x32xf32, #tpu.memory_space<vmem>> -> memref<640x32xf32, #tpu.memory_space<vmem>>
      %dma_start3A_311 = arith.constant 0 : i32
      %dma_start3A_312 = tpu.memref_slice %arg4[%add3A_305, %dma_start3A_311] : memref<819200x32xf32, #tpu.memory_space<hbm>> -> memref<640x32xf32, #tpu.memory_space<hbm>>
      %dma_start3A_313 = arith.constant 0 : i32
      %dma_start3A_314 = tpu.memref_slice %arg4[%add3A_305, %dma_start3A_313] : memref<819200x32xf32, #tpu.memory_space<hbm>> -> memref<640x32xf32, #tpu.memory_space<hbm>>
      %dma_start3A_315 = arith.constant 0 : i32
      %dma_start3A_316 = arith.constant 0 : i32
      %dma_start3A_317 = tpu.memref_slice %arg6[%dma_start3A_306, %dma_start3A_315, %dma_start3A_316] : memref<4x640x32xf32, #tpu.memory_space<vmem>> -> memref<1x640x32xf32, #tpu.memory_space<vmem>>
      %dma_start3A_318 = tpu.memref_squeeze %dma_start3A_317 : memref<1x640x32xf32, #tpu.memory_space<vmem>> -> memref<640x32xf32, #tpu.memory_space<vmem>>
      tpu.enqueue_dma source(%dma_start3A_318 : memref<640x32xf32, #tpu.memory_space<vmem>>) target(%dma_start3A_314 : memref<640x32xf32, #tpu.memory_space<hbm>>) target_semaphore(%arg14 : memref<!tpu.dma_semaphore, #tpu.memory_space<semaphore_mem>>)
      %dma_wait3A_319 = arith.constant 0 : i32
      %dma_wait3A_320 = arith.constant 0 : i32
      %dma_wait3A_321 = arith.constant 0 : i32
      %dma_wait3A_322 = tpu.memref_slice %arg6[%dma_wait3A_319, %dma_wait3A_320, %dma_wait3A_321] : memref<4x640x32xf32, #tpu.memory_space<vmem>> -> memref<1x640x32xf32, #tpu.memory_space<vmem>>
      %dma_wait3A_323 = tpu.memref_squeeze %dma_wait3A_322 : memref<1x640x32xf32, #tpu.memory_space<vmem>> -> memref<640x32xf32, #tpu.memory_space<vmem>>
      %dma_wait3A_324 = arith.constant 0 : i32
      %dma_wait3A_325 = tpu.memref_slice %arg4[%mul3A_2, %dma_wait3A_324] : memref<819200x32xf32, #tpu.memory_space<hbm>> -> memref<640x32xf32, #tpu.memory_space<hbm>>
      %dma_wait3A_326 = arith.constant 0 : i32
      %dma_wait3A_327 = tpu.memref_slice %arg4[%mul3A_2, %dma_wait3A_326] : memref<819200x32xf32, #tpu.memory_space<hbm>> -> memref<640x32xf32, #tpu.memory_space<hbm>>
      %dma_wait3A_328 = arith.constant 0 : i32
      %dma_wait3A_329 = arith.constant 0 : i32
      %dma_wait3A_330 = tpu.memref_slice %arg6[%dma_wait3A_319, %dma_wait3A_328, %dma_wait3A_329] : memref<4x640x32xf32, #tpu.memory_space<vmem>> -> memref<1x640x32xf32, #tpu.memory_space<vmem>>
      %dma_wait3A_331 = tpu.memref_squeeze %dma_wait3A_330 : memref<1x640x32xf32, #tpu.memory_space<vmem>> -> memref<640x32xf32, #tpu.memory_space<vmem>>
      tpu.wait_dma2 semaphore(%arg11 : memref<!tpu.dma_semaphore, #tpu.memory_space<semaphore_mem>>) src(%dma_wait3A_331 : memref<640x32xf32, #tpu.memory_space<vmem>>) dst(%dma_wait3A_327 : memref<640x32xf32, #tpu.memory_space<hbm>>)
      %add3A_332 = arith.constant 1 : i32
      %add3A_333 = arith.addi %scan3A_198, %add3A_332 : i32
      %mul3A_334 = arith.constant 4 : i32
      %mul3A_335 = arith.muli %add3A_333, %mul3A_334 : i32
      %add3A_336 = arith.constant 0 : i32
      %add3A_337 = arith.addi %mul3A_335, %add3A_336 : i32
      %mul3A_338 = arith.constant 640 : i32
      %mul3A_339 = arith.muli %add3A_337, %mul3A_338 : i32
      %dma_start3A_340 = arith.constant 0 : i32
      %dma_start3A_341 = arith.constant 0 : i32
      %dma_start3A_342 = arith.constant 0 : i32
      %dma_start3A_343 = tpu.memref_slice %arg6[%dma_start3A_340, %dma_start3A_341, %dma_start3A_342] : memref<4x640x32xf32, #tpu.memory_space<vmem>> -> memref<1x640x32xf32, #tpu.memory_space<vmem>>
      %dma_start3A_344 = tpu.memref_squeeze %dma_start3A_343 : memref<1x640x32xf32, #tpu.memory_space<vmem>> -> memref<640x32xf32, #tpu.memory_space<vmem>>
      %dma_start3A_345 = tpu.memref_slice %arg5[%mul3A_339] : memref<25600xi32, #tpu.memory_space<vmem>> -> memref<640xi32, #tpu.memory_space<vmem>>
      %dma_start3A_346 = arith.constant 0 : i32
      %dma_start3A_347 = arith.constant 0 : i32
      %dma_start3A_348 = tpu.memref_slice %arg3[%dma_start3A_346, %dma_start3A_347] : memref<1000000x32xf32, #tpu.memory_space<hbm>> -> memref<1000000x32xf32, #tpu.memory_space<hbm>>
      tpu.enqueue_indirect_dma source(%dma_start3A_348 : memref<1000000x32xf32, #tpu.memory_space<hbm>>) target(%dma_start3A_344 : memref<640x32xf32, #tpu.memory_space<vmem>>) offsets(%dma_start3A_345 : memref<640xi32, #tpu.memory_space<vmem>>) semaphore(%arg7 : memref<!tpu.dma_semaphore, #tpu.memory_space<semaphore_mem>>)
      %dma_wait3A_349 = arith.constant 1 : i32
      %dma_wait3A_350 = arith.constant 0 : i32
      %dma_wait3A_351 = arith.constant 0 : i32
      %dma_wait3A_352 = tpu.memref_slice %arg6[%dma_wait3A_349, %dma_wait3A_350, %dma_wait3A_351] : memref<4x640x32xf32, #tpu.memory_space<vmem>> -> memref<1x640x32xf32, #tpu.memory_space<vmem>>
      %dma_wait3A_353 = tpu.memref_squeeze %dma_wait3A_352 : memref<1x640x32xf32, #tpu.memory_space<vmem>> -> memref<640x32xf32, #tpu.memory_space<vmem>>
      %dma_wait3A_354 = arith.constant 0 : i32
      %dma_wait3A_355 = tpu.memref_slice %arg4[%mul3A_2, %dma_wait3A_354] : memref<819200x32xf32, #tpu.memory_space<hbm>> -> memref<640x32xf32, #tpu.memory_space<hbm>>
      %dma_wait3A_356 = arith.constant 0 : i32
      %dma_wait3A_357 = tpu.memref_slice %arg4[%mul3A_2, %dma_wait3A_356] : memref<819200x32xf32, #tpu.memory_space<hbm>> -> memref<640x32xf32, #tpu.memory_space<hbm>>
      %dma_wait3A_358 = arith.constant 0 : i32
      %dma_wait3A_359 = arith.constant 0 : i32
      %dma_wait3A_360 = tpu.memref_slice %arg6[%dma_wait3A_349, %dma_wait3A_358, %dma_wait3A_359] : memref<4x640x32xf32, #tpu.memory_space<vmem>> -> memref<1x640x32xf32, #tpu.memory_space<vmem>>
      %dma_wait3A_361 = tpu.memref_squeeze %dma_wait3A_360 : memref<1x640x32xf32, #tpu.memory_space<vmem>> -> memref<640x32xf32, #tpu.memory_space<vmem>>
      tpu.wait_dma2 semaphore(%arg12 : memref<!tpu.dma_semaphore, #tpu.memory_space<semaphore_mem>>) src(%dma_wait3A_361 : memref<640x32xf32, #tpu.memory_space<vmem>>) dst(%dma_wait3A_357 : memref<640x32xf32, #tpu.memory_space<hbm>>)
      %add3A_362 = arith.constant 1 : i32
      %add3A_363 = arith.addi %scan3A_198, %add3A_362 : i32
      %mul3A_364 = arith.constant 4 : i32
      %mul3A_365 = arith.muli %add3A_363, %mul3A_364 : i32
      %add3A_366 = arith.constant 1 : i32
      %add3A_367 = arith.addi %mul3A_365, %add3A_366 : i32
      %mul3A_368 = arith.constant 640 : i32
      %mul3A_369 = arith.muli %add3A_367, %mul3A_368 : i32
      %dma_start3A_370 = arith.constant 1 : i32
      %dma_start3A_371 = arith.constant 0 : i32
      %dma_start3A_372 = arith.constant 0 : i32
      %dma_start3A_373 = tpu.memref_slice %arg6[%dma_start3A_370, %dma_start3A_371, %dma_start3A_372] : memref<4x640x32xf32, #tpu.memory_space<vmem>> -> memref<1x640x32xf32, #tpu.memory_space<vmem>>
      %dma_start3A_374 = tpu.memref_squeeze %dma_start3A_373 : memref<1x640x32xf32, #tpu.memory_space<vmem>> -> memref<640x32xf32, #tpu.memory_space<vmem>>
      %dma_start3A_375 = tpu.memref_slice %arg5[%mul3A_369] : memref<25600xi32, #tpu.memory_space<vmem>> -> memref<640xi32, #tpu.memory_space<vmem>>
      %dma_start3A_376 = arith.constant 0 : i32
      %dma_start3A_377 = arith.constant 0 : i32
      %dma_start3A_378 = tpu.memref_slice %arg3[%dma_start3A_376, %dma_start3A_377] : memref<1000000x32xf32, #tpu.memory_space<hbm>> -> memref<1000000x32xf32, #tpu.memory_space<hbm>>
      tpu.enqueue_indirect_dma source(%dma_start3A_378 : memref<1000000x32xf32, #tpu.memory_space<hbm>>) target(%dma_start3A_374 : memref<640x32xf32, #tpu.memory_space<vmem>>) offsets(%dma_start3A_375 : memref<640xi32, #tpu.memory_space<vmem>>) semaphore(%arg8 : memref<!tpu.dma_semaphore, #tpu.memory_space<semaphore_mem>>)
      %dma_wait3A_379 = arith.constant 2 : i32
      %dma_wait3A_380 = arith.constant 0 : i32
      %dma_wait3A_381 = arith.constant 0 : i32
      %dma_wait3A_382 = tpu.memref_slice %arg6[%dma_wait3A_379, %dma_wait3A_380, %dma_wait3A_381] : memref<4x640x32xf32, #tpu.memory_space<vmem>> -> memref<1x640x32xf32, #tpu.memory_space<vmem>>
      %dma_wait3A_383 = tpu.memref_squeeze %dma_wait3A_382 : memref<1x640x32xf32, #tpu.memory_space<vmem>> -> memref<640x32xf32, #tpu.memory_space<vmem>>
      %dma_wait3A_384 = arith.constant 0 : i32
      %dma_wait3A_385 = tpu.memref_slice %arg4[%mul3A_2, %dma_wait3A_384] : memref<819200x32xf32, #tpu.memory_space<hbm>> -> memref<640x32xf32, #tpu.memory_space<hbm>>
      %dma_wait3A_386 = arith.constant 0 : i32
      %dma_wait3A_387 = tpu.memref_slice %arg4[%mul3A_2, %dma_wait3A_386] : memref<819200x32xf32, #tpu.memory_space<hbm>> -> memref<640x32xf32, #tpu.memory_space<hbm>>
      %dma_wait3A_388 = arith.constant 0 : i32
      %dma_wait3A_389 = arith.constant 0 : i32
      %dma_wait3A_390 = tpu.memref_slice %arg6[%dma_wait3A_379, %dma_wait3A_388, %dma_wait3A_389] : memref<4x640x32xf32, #tpu.memory_space<vmem>> -> memref<1x640x32xf32, #tpu.memory_space<vmem>>
      %dma_wait3A_391 = tpu.memref_squeeze %dma_wait3A_390 : memref<1x640x32xf32, #tpu.memory_space<vmem>> -> memref<640x32xf32, #tpu.memory_space<vmem>>
      tpu.wait_dma2 semaphore(%arg13 : memref<!tpu.dma_semaphore, #tpu.memory_space<semaphore_mem>>) src(%dma_wait3A_391 : memref<640x32xf32, #tpu.memory_space<vmem>>) dst(%dma_wait3A_387 : memref<640x32xf32, #tpu.memory_space<hbm>>)
      %add3A_392 = arith.constant 1 : i32
      %add3A_393 = arith.addi %scan3A_198, %add3A_392 : i32
      %mul3A_394 = arith.constant 4 : i32
      %mul3A_395 = arith.muli %add3A_393, %mul3A_394 : i32
      %add3A_396 = arith.constant 2 : i32
      %add3A_397 = arith.addi %mul3A_395, %add3A_396 : i32
      %mul3A_398 = arith.constant 640 : i32
      %mul3A_399 = arith.muli %add3A_397, %mul3A_398 : i32
      %dma_start3A_400 = arith.constant 2 : i32
      %dma_start3A_401 = arith.constant 0 : i32
      %dma_start3A_402 = arith.constant 0 : i32
      %dma_start3A_403 = tpu.memref_slice %arg6[%dma_start3A_400, %dma_start3A_401, %dma_start3A_402] : memref<4x640x32xf32, #tpu.memory_space<vmem>> -> memref<1x640x32xf32, #tpu.memory_space<vmem>>
      %dma_start3A_404 = tpu.memref_squeeze %dma_start3A_403 : memref<1x640x32xf32, #tpu.memory_space<vmem>> -> memref<640x32xf32, #tpu.memory_space<vmem>>
      %dma_start3A_405 = tpu.memref_slice %arg5[%mul3A_399] : memref<25600xi32, #tpu.memory_space<vmem>> -> memref<640xi32, #tpu.memory_space<vmem>>
      %dma_start3A_406 = arith.constant 0 : i32
      %dma_start3A_407 = arith.constant 0 : i32
      %dma_start3A_408 = tpu.memref_slice %arg3[%dma_start3A_406, %dma_start3A_407] : memref<1000000x32xf32, #tpu.memory_space<hbm>> -> memref<1000000x32xf32, #tpu.memory_space<hbm>>
      tpu.enqueue_indirect_dma source(%dma_start3A_408 : memref<1000000x32xf32, #tpu.memory_space<hbm>>) target(%dma_start3A_404 : memref<640x32xf32, #tpu.memory_space<vmem>>) offsets(%dma_start3A_405 : memref<640xi32, #tpu.memory_space<vmem>>) semaphore(%arg9 : memref<!tpu.dma_semaphore, #tpu.memory_space<semaphore_mem>>)
      %dma_wait3A_409 = arith.constant 3 : i32
      %dma_wait3A_410 = arith.constant 0 : i32
      %dma_wait3A_411 = arith.constant 0 : i32
      %dma_wait3A_412 = tpu.memref_slice %arg6[%dma_wait3A_409, %dma_wait3A_410, %dma_wait3A_411] : memref<4x640x32xf32, #tpu.memory_space<vmem>> -> memref<1x640x32xf32, #tpu.memory_space<vmem>>
      %dma_wait3A_413 = tpu.memref_squeeze %dma_wait3A_412 : memref<1x640x32xf32, #tpu.memory_space<vmem>> -> memref<640x32xf32, #tpu.memory_space<vmem>>
      %dma_wait3A_414 = arith.constant 0 : i32
      %dma_wait3A_415 = tpu.memref_slice %arg4[%mul3A_2, %dma_wait3A_414] : memref<819200x32xf32, #tpu.memory_space<hbm>> -> memref<640x32xf32, #tpu.memory_space<hbm>>
      %dma_wait3A_416 = arith.constant 0 : i32
      %dma_wait3A_417 = tpu.memref_slice %arg4[%mul3A_2, %dma_wait3A_416] : memref<819200x32xf32, #tpu.memory_space<hbm>> -> memref<640x32xf32, #tpu.memory_space<hbm>>
      %dma_wait3A_418 = arith.constant 0 : i32
      %dma_wait3A_419 = arith.constant 0 : i32
      %dma_wait3A_420 = tpu.memref_slice %arg6[%dma_wait3A_409, %dma_wait3A_418, %dma_wait3A_419] : memref<4x640x32xf32, #tpu.memory_space<vmem>> -> memref<1x640x32xf32, #tpu.memory_space<vmem>>
      %dma_wait3A_421 = tpu.memref_squeeze %dma_wait3A_420 : memref<1x640x32xf32, #tpu.memory_space<vmem>> -> memref<640x32xf32, #tpu.memory_space<vmem>>
      tpu.wait_dma2 semaphore(%arg14 : memref<!tpu.dma_semaphore, #tpu.memory_space<semaphore_mem>>) src(%dma_wait3A_421 : memref<640x32xf32, #tpu.memory_space<vmem>>) dst(%dma_wait3A_417 : memref<640x32xf32, #tpu.memory_space<hbm>>)
      %add3A_422 = arith.constant 1 : i32
      %add3A_423 = arith.addi %scan3A_198, %add3A_422 : i32
      %mul3A_424 = arith.constant 4 : i32
      %mul3A_425 = arith.muli %add3A_423, %mul3A_424 : i32
      %add3A_426 = arith.constant 3 : i32
      %add3A_427 = arith.addi %mul3A_425, %add3A_426 : i32
      %mul3A_428 = arith.constant 640 : i32
      %mul3A_429 = arith.muli %add3A_427, %mul3A_428 : i32
      %dma_start3A_430 = arith.constant 3 : i32
      %dma_start3A_431 = arith.constant 0 : i32
      %dma_start3A_432 = arith.constant 0 : i32
      %dma_start3A_433 = tpu.memref_slice %arg6[%dma_start3A_430, %dma_start3A_431, %dma_start3A_432] : memref<4x640x32xf32, #tpu.memory_space<vmem>> -> memref<1x640x32xf32, #tpu.memory_space<vmem>>
      %dma_start3A_434 = tpu.memref_squeeze %dma_start3A_433 : memref<1x640x32xf32, #tpu.memory_space<vmem>> -> memref<640x32xf32, #tpu.memory_space<vmem>>
      %dma_start3A_435 = tpu.memref_slice %arg5[%mul3A_429] : memref<25600xi32, #tpu.memory_space<vmem>> -> memref<640xi32, #tpu.memory_space<vmem>>
      %dma_start3A_436 = arith.constant 0 : i32
      %dma_start3A_437 = arith.constant 0 : i32
      %dma_start3A_438 = tpu.memref_slice %arg3[%dma_start3A_436, %dma_start3A_437] : memref<1000000x32xf32, #tpu.memory_space<hbm>> -> memref<1000000x32xf32, #tpu.memory_space<hbm>>
      tpu.enqueue_indirect_dma source(%dma_start3A_438 : memref<1000000x32xf32, #tpu.memory_space<hbm>>) target(%dma_start3A_434 : memref<640x32xf32, #tpu.memory_space<vmem>>) offsets(%dma_start3A_435 : memref<640xi32, #tpu.memory_space<vmem>>) semaphore(%arg10 : memref<!tpu.dma_semaphore, #tpu.memory_space<semaphore_mem>>)
    }
    %scan3A_46 = arith.constant 9 : i32
    %dma_wait3A = arith.constant 0 : i32
    %dma_wait3A_47 = arith.constant 0 : i32
    %dma_wait3A_48 = arith.constant 0 : i32
    %dma_wait3A_49 = tpu.memref_slice %arg6[%dma_wait3A, %dma_wait3A_47, %dma_wait3A_48] : memref<4x640x32xf32, #tpu.memory_space<vmem>> -> memref<1x640x32xf32, #tpu.memory_space<vmem>>
    %dma_wait3A_50 = tpu.memref_squeeze %dma_wait3A_49 : memref<1x640x32xf32, #tpu.memory_space<vmem>> -> memref<640x32xf32, #tpu.memory_space<vmem>>
    %dma_wait3A_51 = arith.constant 0 : i32
    %dma_wait3A_52 = tpu.memref_slice %arg5[%dma_wait3A_51] : memref<25600xi32, #tpu.memory_space<vmem>> -> memref<640xi32, #tpu.memory_space<vmem>>
    %dma_wait3A_53 = arith.constant 0 : i32
    %dma_wait3A_54 = arith.constant 0 : i32
    %dma_wait3A_55 = tpu.memref_slice %arg3[%dma_wait3A_53, %dma_wait3A_54] : memref<1000000x32xf32, #tpu.memory_space<hbm>> -> memref<1000000x32xf32, #tpu.memory_space<hbm>>
    tpu.wait_indirect_dma semaphore(%arg7 : memref<!tpu.dma_semaphore, #tpu.memory_space<semaphore_mem>>) src(%dma_wait3A_55 : memref<1000000x32xf32, #tpu.memory_space<hbm>>) dst(%dma_wait3A_50 : memref<640x32xf32, #tpu.memory_space<vmem>>)
    %add3A_56 = arith.constant 23040 : i32
    %add3A_57 = arith.addi %mul3A_2, %add3A_56 : i32
    %dma_start3A_58 = arith.constant 0 : i32
    %dma_start3A_59 = arith.constant 0 : i32
    %dma_start3A_60 = arith.constant 0 : i32
    %dma_start3A_61 = tpu.memref_slice %arg6[%dma_start3A_58, %dma_start3A_59, %dma_start3A_60] : memref<4x640x32xf32, #tpu.memory_space<vmem>> -> memref<1x640x32xf32, #tpu.memory_space<vmem>>
    %dma_start3A_62 = tpu.memref_squeeze %dma_start3A_61 : memref<1x640x32xf32, #tpu.memory_space<vmem>> -> memref<640x32xf32, #tpu.memory_space<vmem>>
    %dma_start3A_63 = arith.constant 0 : i32
    %dma_start3A_64 = tpu.memref_slice %arg4[%add3A_57, %dma_start3A_63] : memref<819200x32xf32, #tpu.memory_space<hbm>> -> memref<640x32xf32, #tpu.memory_space<hbm>>
    %dma_start3A_65 = arith.constant 0 : i32
    %dma_start3A_66 = tpu.memref_slice %arg4[%add3A_57, %dma_start3A_65] : memref<819200x32xf32, #tpu.memory_space<hbm>> -> memref<640x32xf32, #tpu.memory_space<hbm>>
    %dma_start3A_67 = arith.constant 0 : i32
    %dma_start3A_68 = arith.constant 0 : i32
    %dma_start3A_69 = tpu.memref_slice %arg6[%dma_start3A_58, %dma_start3A_67, %dma_start3A_68] : memref<4x640x32xf32, #tpu.memory_space<vmem>> -> memref<1x640x32xf32, #tpu.memory_space<vmem>>
    %dma_start3A_70 = tpu.memref_squeeze %dma_start3A_69 : memref<1x640x32xf32, #tpu.memory_space<vmem>> -> memref<640x32xf32, #tpu.memory_space<vmem>>
    tpu.enqueue_dma source(%dma_start3A_70 : memref<640x32xf32, #tpu.memory_space<vmem>>) target(%dma_start3A_66 : memref<640x32xf32, #tpu.memory_space<hbm>>) target_semaphore(%arg11 : memref<!tpu.dma_semaphore, #tpu.memory_space<semaphore_mem>>)
    %dma_wait3A_71 = arith.constant 1 : i32
    %dma_wait3A_72 = arith.constant 0 : i32
    %dma_wait3A_73 = arith.constant 0 : i32
    %dma_wait3A_74 = tpu.memref_slice %arg6[%dma_wait3A_71, %dma_wait3A_72, %dma_wait3A_73] : memref<4x640x32xf32, #tpu.memory_space<vmem>> -> memref<1x640x32xf32, #tpu.memory_space<vmem>>
    %dma_wait3A_75 = tpu.memref_squeeze %dma_wait3A_74 : memref<1x640x32xf32, #tpu.memory_space<vmem>> -> memref<640x32xf32, #tpu.memory_space<vmem>>
    %dma_wait3A_76 = arith.constant 0 : i32
    %dma_wait3A_77 = tpu.memref_slice %arg5[%dma_wait3A_76] : memref<25600xi32, #tpu.memory_space<vmem>> -> memref<640xi32, #tpu.memory_space<vmem>>
    %dma_wait3A_78 = arith.constant 0 : i32
    %dma_wait3A_79 = arith.constant 0 : i32
    %dma_wait3A_80 = tpu.memref_slice %arg3[%dma_wait3A_78, %dma_wait3A_79] : memref<1000000x32xf32, #tpu.memory_space<hbm>> -> memref<1000000x32xf32, #tpu.memory_space<hbm>>
    tpu.wait_indirect_dma semaphore(%arg8 : memref<!tpu.dma_semaphore, #tpu.memory_space<semaphore_mem>>) src(%dma_wait3A_80 : memref<1000000x32xf32, #tpu.memory_space<hbm>>) dst(%dma_wait3A_75 : memref<640x32xf32, #tpu.memory_space<vmem>>)
    %add3A_81 = arith.constant 23680 : i32
    %add3A_82 = arith.addi %mul3A_2, %add3A_81 : i32
    %dma_start3A_83 = arith.constant 1 : i32
    %dma_start3A_84 = arith.constant 0 : i32
    %dma_start3A_85 = arith.constant 0 : i32
    %dma_start3A_86 = tpu.memref_slice %arg6[%dma_start3A_83, %dma_start3A_84, %dma_start3A_85] : memref<4x640x32xf32, #tpu.memory_space<vmem>> -> memref<1x640x32xf32, #tpu.memory_space<vmem>>
    %dma_start3A_87 = tpu.memref_squeeze %dma_start3A_86 : memref<1x640x32xf32, #tpu.memory_space<vmem>> -> memref<640x32xf32, #tpu.memory_space<vmem>>
    %dma_start3A_88 = arith.constant 0 : i32
    %dma_start3A_89 = tpu.memref_slice %arg4[%add3A_82, %dma_start3A_88] : memref<819200x32xf32, #tpu.memory_space<hbm>> -> memref<640x32xf32, #tpu.memory_space<hbm>>
    %dma_start3A_90 = arith.constant 0 : i32
    %dma_start3A_91 = tpu.memref_slice %arg4[%add3A_82, %dma_start3A_90] : memref<819200x32xf32, #tpu.memory_space<hbm>> -> memref<640x32xf32, #tpu.memory_space<hbm>>
    %dma_start3A_92 = arith.constant 0 : i32
    %dma_start3A_93 = arith.constant 0 : i32
    %dma_start3A_94 = tpu.memref_slice %arg6[%dma_start3A_83, %dma_start3A_92, %dma_start3A_93] : memref<4x640x32xf32, #tpu.memory_space<vmem>> -> memref<1x640x32xf32, #tpu.memory_space<vmem>>
    %dma_start3A_95 = tpu.memref_squeeze %dma_start3A_94 : memref<1x640x32xf32, #tpu.memory_space<vmem>> -> memref<640x32xf32, #tpu.memory_space<vmem>>
    tpu.enqueue_dma source(%dma_start3A_95 : memref<640x32xf32, #tpu.memory_space<vmem>>) target(%dma_start3A_91 : memref<640x32xf32, #tpu.memory_space<hbm>>) target_semaphore(%arg12 : memref<!tpu.dma_semaphore, #tpu.memory_space<semaphore_mem>>)
    %dma_wait3A_96 = arith.constant 2 : i32
    %dma_wait3A_97 = arith.constant 0 : i32
    %dma_wait3A_98 = arith.constant 0 : i32
    %dma_wait3A_99 = tpu.memref_slice %arg6[%dma_wait3A_96, %dma_wait3A_97, %dma_wait3A_98] : memref<4x640x32xf32, #tpu.memory_space<vmem>> -> memref<1x640x32xf32, #tpu.memory_space<vmem>>
    %dma_wait3A_100 = tpu.memref_squeeze %dma_wait3A_99 : memref<1x640x32xf32, #tpu.memory_space<vmem>> -> memref<640x32xf32, #tpu.memory_space<vmem>>
    %dma_wait3A_101 = arith.constant 0 : i32
    %dma_wait3A_102 = tpu.memref_slice %arg5[%dma_wait3A_101] : memref<25600xi32, #tpu.memory_space<vmem>> -> memref<640xi32, #tpu.memory_space<vmem>>
    %dma_wait3A_103 = arith.constant 0 : i32
    %dma_wait3A_104 = arith.constant 0 : i32
    %dma_wait3A_105 = tpu.memref_slice %arg3[%dma_wait3A_103, %dma_wait3A_104] : memref<1000000x32xf32, #tpu.memory_space<hbm>> -> memref<1000000x32xf32, #tpu.memory_space<hbm>>
    tpu.wait_indirect_dma semaphore(%arg9 : memref<!tpu.dma_semaphore, #tpu.memory_space<semaphore_mem>>) src(%dma_wait3A_105 : memref<1000000x32xf32, #tpu.memory_space<hbm>>) dst(%dma_wait3A_100 : memref<640x32xf32, #tpu.memory_space<vmem>>)
    %add3A_106 = arith.constant 24320 : i32
    %add3A_107 = arith.addi %mul3A_2, %add3A_106 : i32
    %dma_start3A_108 = arith.constant 2 : i32
    %dma_start3A_109 = arith.constant 0 : i32
    %dma_start3A_110 = arith.constant 0 : i32
    %dma_start3A_111 = tpu.memref_slice %arg6[%dma_start3A_108, %dma_start3A_109, %dma_start3A_110] : memref<4x640x32xf32, #tpu.memory_space<vmem>> -> memref<1x640x32xf32, #tpu.memory_space<vmem>>
    %dma_start3A_112 = tpu.memref_squeeze %dma_start3A_111 : memref<1x640x32xf32, #tpu.memory_space<vmem>> -> memref<640x32xf32, #tpu.memory_space<vmem>>
    %dma_start3A_113 = arith.constant 0 : i32
    %dma_start3A_114 = tpu.memref_slice %arg4[%add3A_107, %dma_start3A_113] : memref<819200x32xf32, #tpu.memory_space<hbm>> -> memref<640x32xf32, #tpu.memory_space<hbm>>
    %dma_start3A_115 = arith.constant 0 : i32
    %dma_start3A_116 = tpu.memref_slice %arg4[%add3A_107, %dma_start3A_115] : memref<819200x32xf32, #tpu.memory_space<hbm>> -> memref<640x32xf32, #tpu.memory_space<hbm>>
    %dma_start3A_117 = arith.constant 0 : i32
    %dma_start3A_118 = arith.constant 0 : i32
    %dma_start3A_119 = tpu.memref_slice %arg6[%dma_start3A_108, %dma_start3A_117, %dma_start3A_118] : memref<4x640x32xf32, #tpu.memory_space<vmem>> -> memref<1x640x32xf32, #tpu.memory_space<vmem>>
    %dma_start3A_120 = tpu.memref_squeeze %dma_start3A_119 : memref<1x640x32xf32, #tpu.memory_space<vmem>> -> memref<640x32xf32, #tpu.memory_space<vmem>>
    tpu.enqueue_dma source(%dma_start3A_120 : memref<640x32xf32, #tpu.memory_space<vmem>>) target(%dma_start3A_116 : memref<640x32xf32, #tpu.memory_space<hbm>>) target_semaphore(%arg13 : memref<!tpu.dma_semaphore, #tpu.memory_space<semaphore_mem>>)
    %dma_wait3A_121 = arith.constant 3 : i32
    %dma_wait3A_122 = arith.constant 0 : i32
    %dma_wait3A_123 = arith.constant 0 : i32
    %dma_wait3A_124 = tpu.memref_slice %arg6[%dma_wait3A_121, %dma_wait3A_122, %dma_wait3A_123] : memref<4x640x32xf32, #tpu.memory_space<vmem>> -> memref<1x640x32xf32, #tpu.memory_space<vmem>>
    %dma_wait3A_125 = tpu.memref_squeeze %dma_wait3A_124 : memref<1x640x32xf32, #tpu.memory_space<vmem>> -> memref<640x32xf32, #tpu.memory_space<vmem>>
    %dma_wait3A_126 = arith.constant 0 : i32
    %dma_wait3A_127 = tpu.memref_slice %arg5[%dma_wait3A_126] : memref<25600xi32, #tpu.memory_space<vmem>> -> memref<640xi32, #tpu.memory_space<vmem>>
    %dma_wait3A_128 = arith.constant 0 : i32
    %dma_wait3A_129 = arith.constant 0 : i32
    %dma_wait3A_130 = tpu.memref_slice %arg3[%dma_wait3A_128, %dma_wait3A_129] : memref<1000000x32xf32, #tpu.memory_space<hbm>> -> memref<1000000x32xf32, #tpu.memory_space<hbm>>
    tpu.wait_indirect_dma semaphore(%arg10 : memref<!tpu.dma_semaphore, #tpu.memory_space<semaphore_mem>>) src(%dma_wait3A_130 : memref<1000000x32xf32, #tpu.memory_space<hbm>>) dst(%dma_wait3A_125 : memref<640x32xf32, #tpu.memory_space<vmem>>)
    %add3A_131 = arith.constant 24960 : i32
    %add3A_132 = arith.addi %mul3A_2, %add3A_131 : i32
    %dma_start3A_133 = arith.constant 3 : i32
    %dma_start3A_134 = arith.constant 0 : i32
    %dma_start3A_135 = arith.constant 0 : i32
    %dma_start3A_136 = tpu.memref_slice %arg6[%dma_start3A_133, %dma_start3A_134, %dma_start3A_135] : memref<4x640x32xf32, #tpu.memory_space<vmem>> -> memref<1x640x32xf32, #tpu.memory_space<vmem>>
    %dma_start3A_137 = tpu.memref_squeeze %dma_start3A_136 : memref<1x640x32xf32, #tpu.memory_space<vmem>> -> memref<640x32xf32, #tpu.memory_space<vmem>>
    %dma_start3A_138 = arith.constant 0 : i32
    %dma_start3A_139 = tpu.memref_slice %arg4[%add3A_132, %dma_start3A_138] : memref<819200x32xf32, #tpu.memory_space<hbm>> -> memref<640x32xf32, #tpu.memory_space<hbm>>
    %dma_start3A_140 = arith.constant 0 : i32
    %dma_start3A_141 = tpu.memref_slice %arg4[%add3A_132, %dma_start3A_140] : memref<819200x32xf32, #tpu.memory_space<hbm>> -> memref<640x32xf32, #tpu.memory_space<hbm>>
    %dma_start3A_142 = arith.constant 0 : i32
    %dma_start3A_143 = arith.constant 0 : i32
    %dma_start3A_144 = tpu.memref_slice %arg6[%dma_start3A_133, %dma_start3A_142, %dma_start3A_143] : memref<4x640x32xf32, #tpu.memory_space<vmem>> -> memref<1x640x32xf32, #tpu.memory_space<vmem>>
    %dma_start3A_145 = tpu.memref_squeeze %dma_start3A_144 : memref<1x640x32xf32, #tpu.memory_space<vmem>> -> memref<640x32xf32, #tpu.memory_space<vmem>>
    tpu.enqueue_dma source(%dma_start3A_145 : memref<640x32xf32, #tpu.memory_space<vmem>>) target(%dma_start3A_141 : memref<640x32xf32, #tpu.memory_space<hbm>>) target_semaphore(%arg14 : memref<!tpu.dma_semaphore, #tpu.memory_space<semaphore_mem>>)
    %dma_wait3A_146 = arith.constant 0 : i32
    %dma_wait3A_147 = arith.constant 0 : i32
    %dma_wait3A_148 = arith.constant 0 : i32
    %dma_wait3A_149 = tpu.memref_slice %arg6[%dma_wait3A_146, %dma_wait3A_147, %dma_wait3A_148] : memref<4x640x32xf32, #tpu.memory_space<vmem>> -> memref<1x640x32xf32, #tpu.memory_space<vmem>>
    %dma_wait3A_150 = tpu.memref_squeeze %dma_wait3A_149 : memref<1x640x32xf32, #tpu.memory_space<vmem>> -> memref<640x32xf32, #tpu.memory_space<vmem>>
    %dma_wait3A_151 = arith.constant 0 : i32
    %dma_wait3A_152 = tpu.memref_slice %arg4[%mul3A_2, %dma_wait3A_151] : memref<819200x32xf32, #tpu.memory_space<hbm>> -> memref<640x32xf32, #tpu.memory_space<hbm>>
    %dma_wait3A_153 = arith.constant 0 : i32
    %dma_wait3A_154 = tpu.memref_slice %arg4[%mul3A_2, %dma_wait3A_153] : memref<819200x32xf32, #tpu.memory_space<hbm>> -> memref<640x32xf32, #tpu.memory_space<hbm>>
    %dma_wait3A_155 = arith.constant 0 : i32
    %dma_wait3A_156 = arith.constant 0 : i32
    %dma_wait3A_157 = tpu.memref_slice %arg6[%dma_wait3A_146, %dma_wait3A_155, %dma_wait3A_156] : memref<4x640x32xf32, #tpu.memory_space<vmem>> -> memref<1x640x32xf32, #tpu.memory_space<vmem>>
    %dma_wait3A_158 = tpu.memref_squeeze %dma_wait3A_157 : memref<1x640x32xf32, #tpu.memory_space<vmem>> -> memref<640x32xf32, #tpu.memory_space<vmem>>
    tpu.wait_dma2 semaphore(%arg11 : memref<!tpu.dma_semaphore, #tpu.memory_space<semaphore_mem>>) src(%dma_wait3A_158 : memref<640x32xf32, #tpu.memory_space<vmem>>) dst(%dma_wait3A_154 : memref<640x32xf32, #tpu.memory_space<hbm>>)
    %dma_wait3A_159 = arith.constant 1 : i32
    %dma_wait3A_160 = arith.constant 0 : i32
    %dma_wait3A_161 = arith.constant 0 : i32
    %dma_wait3A_162 = tpu.memref_slice %arg6[%dma_wait3A_159, %dma_wait3A_160, %dma_wait3A_161] : memref<4x640x32xf32, #tpu.memory_space<vmem>> -> memref<1x640x32xf32, #tpu.memory_space<vmem>>
    %dma_wait3A_163 = tpu.memref_squeeze %dma_wait3A_162 : memref<1x640x32xf32, #tpu.memory_space<vmem>> -> memref<640x32xf32, #tpu.memory_space<vmem>>
    %dma_wait3A_164 = arith.constant 0 : i32
    %dma_wait3A_165 = tpu.memref_slice %arg4[%mul3A_2, %dma_wait3A_164] : memref<819200x32xf32, #tpu.memory_space<hbm>> -> memref<640x32xf32, #tpu.memory_space<hbm>>
    %dma_wait3A_166 = arith.constant 0 : i32
    %dma_wait3A_167 = tpu.memref_slice %arg4[%mul3A_2, %dma_wait3A_166] : memref<819200x32xf32, #tpu.memory_space<hbm>> -> memref<640x32xf32, #tpu.memory_space<hbm>>
    %dma_wait3A_168 = arith.constant 0 : i32
    %dma_wait3A_169 = arith.constant 0 : i32
    %dma_wait3A_170 = tpu.memref_slice %arg6[%dma_wait3A_159, %dma_wait3A_168, %dma_wait3A_169] : memref<4x640x32xf32, #tpu.memory_space<vmem>> -> memref<1x640x32xf32, #tpu.memory_space<vmem>>
    %dma_wait3A_171 = tpu.memref_squeeze %dma_wait3A_170 : memref<1x640x32xf32, #tpu.memory_space<vmem>> -> memref<640x32xf32, #tpu.memory_space<vmem>>
    tpu.wait_dma2 semaphore(%arg12 : memref<!tpu.dma_semaphore, #tpu.memory_space<semaphore_mem>>) src(%dma_wait3A_171 : memref<640x32xf32, #tpu.memory_space<vmem>>) dst(%dma_wait3A_167 : memref<640x32xf32, #tpu.memory_space<hbm>>)
    %dma_wait3A_172 = arith.constant 2 : i32
    %dma_wait3A_173 = arith.constant 0 : i32
    %dma_wait3A_174 = arith.constant 0 : i32
    %dma_wait3A_175 = tpu.memref_slice %arg6[%dma_wait3A_172, %dma_wait3A_173, %dma_wait3A_174] : memref<4x640x32xf32, #tpu.memory_space<vmem>> -> memref<1x640x32xf32, #tpu.memory_space<vmem>>
    %dma_wait3A_176 = tpu.memref_squeeze %dma_wait3A_175 : memref<1x640x32xf32, #tpu.memory_space<vmem>> -> memref<640x32xf32, #tpu.memory_space<vmem>>
    %dma_wait3A_177 = arith.constant 0 : i32
    %dma_wait3A_178 = tpu.memref_slice %arg4[%mul3A_2, %dma_wait3A_177] : memref<819200x32xf32, #tpu.memory_space<hbm>> -> memref<640x32xf32, #tpu.memory_space<hbm>>
    %dma_wait3A_179 = arith.constant 0 : i32
    %dma_wait3A_180 = tpu.memref_slice %arg4[%mul3A_2, %dma_wait3A_179] : memref<819200x32xf32, #tpu.memory_space<hbm>> -> memref<640x32xf32, #tpu.memory_space<hbm>>
    %dma_wait3A_181 = arith.constant 0 : i32
    %dma_wait3A_182 = arith.constant 0 : i32
    %dma_wait3A_183 = tpu.memref_slice %arg6[%dma_wait3A_172, %dma_wait3A_181, %dma_wait3A_182] : memref<4x640x32xf32, #tpu.memory_space<vmem>> -> memref<1x640x32xf32, #tpu.memory_space<vmem>>
    %dma_wait3A_184 = tpu.memref_squeeze %dma_wait3A_183 : memref<1x640x32xf32, #tpu.memory_space<vmem>> -> memref<640x32xf32, #tpu.memory_space<vmem>>
    tpu.wait_dma2 semaphore(%arg13 : memref<!tpu.dma_semaphore, #tpu.memory_space<semaphore_mem>>) src(%dma_wait3A_184 : memref<640x32xf32, #tpu.memory_space<vmem>>) dst(%dma_wait3A_180 : memref<640x32xf32, #tpu.memory_space<hbm>>)
    %dma_wait3A_185 = arith.constant 3 : i32
    %dma_wait3A_186 = arith.constant 0 : i32
    %dma_wait3A_187 = arith.constant 0 : i32
    %dma_wait3A_188 = tpu.memref_slice %arg6[%dma_wait3A_185, %dma_wait3A_186, %dma_wait3A_187] : memref<4x640x32xf32, #tpu.memory_space<vmem>> -> memref<1x640x32xf32, #tpu.memory_space<vmem>>
    %dma_wait3A_189 = tpu.memref_squeeze %dma_wait3A_188 : memref<1x640x32xf32, #tpu.memory_space<vmem>> -> memref<640x32xf32, #tpu.memory_space<vmem>>
    %dma_wait3A_190 = arith.constant 0 : i32
    %dma_wait3A_191 = tpu.memref_slice %arg4[%mul3A_2, %dma_wait3A_190] : memref<819200x32xf32, #tpu.memory_space<hbm>> -> memref<640x32xf32, #tpu.memory_space<hbm>>
    %dma_wait3A_192 = arith.constant 0 : i32
    %dma_wait3A_193 = tpu.memref_slice %arg4[%mul3A_2, %dma_wait3A_192] : memref<819200x32xf32, #tpu.memory_space<hbm>> -> memref<640x32xf32, #tpu.memory_space<hbm>>
    %dma_wait3A_194 = arith.constant 0 : i32
    %dma_wait3A_195 = arith.constant 0 : i32
    %dma_wait3A_196 = tpu.memref_slice %arg6[%dma_wait3A_185, %dma_wait3A_194, %dma_wait3A_195] : memref<4x640x32xf32, #tpu.memory_space<vmem>> -> memref<1x640x32xf32, #tpu.memory_space<vmem>>
    %dma_wait3A_197 = tpu.memref_squeeze %dma_wait3A_196 : memref<1x640x32xf32, #tpu.memory_space<vmem>> -> memref<640x32xf32, #tpu.memory_space<vmem>>
    tpu.wait_dma2 semaphore(%arg14 : memref<!tpu.dma_semaphore, #tpu.memory_space<semaphore_mem>>) src(%dma_wait3A_197 : memref<640x32xf32, #tpu.memory_space<vmem>>) dst(%dma_wait3A_193 : memref<640x32xf32, #tpu.memory_space<hbm>>)
    return
  }
}

</mosaic_0001>

<sc_bundles>
// kernel: kernel.4.cloned.1.call-start
scs
__scs_entry_jumppad:
0x0: {  	(pc) =	sbr.rel $0x88, $3  }
0x1: {  	(tag) =	ssettag $0x0;
	lr =	simm.s32 $0x1  }
0x2: {  	[smem:$0x3F9F] =	sst lr;
	_ =	strace $0xD0000000  }
0x3: {  	_ = 	snop  }
0x4: {  	_ = 	snop  }
0x5: {  	_ = 	snop  }
0x6: {  	_ = 	snop  }
0x7: {  	_ = 	snop  }
__scs_overlays_trampoline_lowered:
0x8: {  	[smem:$0x3FAE] =	sst s0  }
0x9: {  	[smem:$0x3FAF] =	sst s1  }
0xa: {  	[smem:$0x3FB0] =	sst s2  }
0xb: {  	[smem:$0x3FB1] =	sst s3  }
0xc: {  	[smem:$0x3FB2] =	sst s4  }
0xd: {  	[smem:$0x3FB3] =	sst s5  }
0xe: {  	[smem:$0x3FB4] =	sst s6  }
0xf: {  	[smem:$0x3FB5] =	sst s7  }
0x10: {  	[smem:$0x3FB6] =	sst s8  }
0x11: {  	[smem:$0x3FB7] =	sst s9;
	s0 =	simm.s32 @!p0 $0x0  }
0x12: {  	s1 =	sld [smem:$0x3F9D];
	s0 =	simm.s32 @p0 $0x1  }
0x13: {  	[smem:$0x3FB8] =	sst s0;
	s0 =	simm.s32 @!p1 $0x0  }
0x14: {  	s2 =	sld [smem:$0x3F9C];
	s0 =	simm.s32 @p1 $0x1  }
0x15: {  	[smem:$0x3FB9] =	sst s0;
	s0 =	simm.s32 @!p2 $0x0  }
0x16: {  	s3 =	sld [smem:$0x3FDB];
	s0 =	simm.s32 @p2 $0x1  }
0x17: {  	s4 =	simm.s32 $0x1BF5;
	[smem:$0x3FBB] =	sst s0  }
0x18: {  	s0 =	sld [smem:$0x3F9E];
	_ =	swait.ge [sflag:s4], $0x0  }
0x19: {  	s7 =	sld [smem:$0x3F9F]  }
0x1a: {  	s8 =	sadd.s32 $0xFFFFE003, lr  }
0x1b: {  	s9 =	sadd.s32 $0xFFFFFEF7, lr;
	s5 =	simm.s32 $0xFFFFFFFF;
	p2 =	slt.u32 s8, $0xFFFFF086  }
0x1c: {  	p1 =	slt.u32 s9, $0xF7A;
	s5 =	simm.s32 @!p2 $0x0  }
0x1d: {  	s5 =	simm.s32 @p1 $0x1;
	p0 =	seq.s32 s7, s2  }
0x1e: {  	s7 =	smul.u32 @!p0 $0xF7A, s2;
	p2 =	seq.s32 @!p0 s5, $0x0  }
0x1f: {  	s9 =	smul.u32 $0xF7A, s1;
	s8 =	simm.s32 @!p0 $0x1BF5;
	p2 =	por !p2, p0  }
0x20: {  	[sflag:s8] =	ssyncset.s32 @!p0 $0xFFFFF086;
	s6 =	sadd.s32 @!p0 s3, s7;
	s7 =	simm.s32 @!p0 $0x108  }
0x21: {  	s3 =	sadd.s32 s3, s9;
	s6 =	sadd.s32 @!p0 $0x88, s6;
	s7 =	simm.s32 @p2 $0x1082  }
0x22: {  	[simem:s7], [sflag:s8] =	dma.local @!p0 [hbm:s6], $0xF7A  }
0x23: {  	s9 =	sor.u32 $0xD0000000, s2;
	s6 =	simm.s32 $0x108;
	_ =	swait.ge @!p0 [sflag:s8], $0x0  }
0x24: {  	s3 =	sadd.s32 $0x88, s3;
	s6 =	simm.s32 @!p1 $0x1082;
	[sflag:s4] =	ssyncset.s32 $0xFFFFF086  }
0x25: {  	[simem:s6], [sflag:s4] =	dma.local [hbm:s3], $0xF7A  }
0x26: {  	[smem:$0x3F9F] =	sst s1;
	(tag) =	ssettag s2;
	_ =	strace s9  }
0x27: {  	s1 =	sld [smem:$0x3FAF]  }
0x28: {  	s2 =	sld [smem:$0x3FB0]  }
0x29: {  	s4 =	sld [smem:$0x3FB2]  }
0x2a: {  	p0 =	seq.s32 s5, $0x0;
	s5 =	sld [smem:$0x3FB3]  }
0x2b: {  	s6 =	sld [smem:$0x3FB4]  }
0x2c: {  	s7 =	sld [smem:$0x3FB5]  }
0x2d: {  	s3 =	simm.s32 $0x108;
	s8 =	sld [smem:$0x3FB6]  }
0x2e: {  	s3 =	simm.s32 @!p0 $0x1082;
	s9 =	sld [smem:$0x3FB7]  }
0x2f: {  	lr =	sadd.s32 s0, s3;
	s0 =	sld [smem:$0x3FAE]  }
0x30: {  	s3 =	sld [smem:$0x3FB1]  }
0x31: {  	[smem:$0x3FBA] =	sst s10  }
0x32: {  	s10 =	sld [smem:$0x3FB8];
	_ =	sdelay $0x3  }
0x33: {  	p0 =	seq.s32 s10, $0x1;
	s10 =	sld [smem:$0x3FBA];
	_ =	sdelay $0x3  }
0x34: {  	[smem:$0x3FBA] =	sst s10  }
0x35: {  	s10 =	sld [smem:$0x3FB9];
	_ =	sdelay $0x3  }
0x36: {  	p1 =	seq.s32 s10, $0x1;
	s10 =	sld [smem:$0x3FBA];
	_ =	sdelay $0x3  }
0x37: {  	[smem:$0x3FBA] =	sst s10  }
0x38: {  	s10 =	sld [smem:$0x3FBB]  }
0x39: {  	_ = 	snop;
	(pc) =	sbr.ind lr, $3  }
0x3a: {  	_ = 	snop  }
0x3b: {  	_ = 	snop  }
0x3c: {  	p2 =	seq.s32 s10, $0x1;
	s10 =	sld [smem:$0x3FBA]  }
0x3d: {  	_ =	shalt  }
0x3e: {  	_ =	shalt  }
0x3f: {  	_ =	shalt  }
0x40: {  	_ =	shalt  }
0x41: {  	_ =	shalt  }
0x42: {  	_ =	shalt  }
0x43: {  	_ =	shalt  }
0x44: {  	_ =	shalt  }
0x45: {  	_ =	shalt  }
0x46: {  	_ =	shalt  }
0x47: {  	_ =	shalt  }
0x48: {  	_ =	shalt  }
0x49: {  	_ =	shalt  }
0x4a: {  	_ =	shalt  }
0x4b: {  	_ =	shalt  }
0x4c: {  	_ =	shalt  }
0x4d: {  	_ =	shalt  }
0x4e: {  	_ =	shalt  }
0x4f: {  	_ =	shalt  }
0x50: {  	_ =	shalt  }
0x51: {  	_ =	shalt  }
0x52: {  	_ =	shalt  }
0x53: {  	_ =	shalt  }
0x54: {  	_ =	shalt  }
0x55: {  	_ =	shalt  }
0x56: {  	_ =	shalt  }
0x57: {  	_ =	shalt  }
0x58: {  	_ =	shalt  }
0x59: {  	_ =	shalt  }
0x5a: {  	_ =	shalt  }
0x5b: {  	_ =	shalt  }
0x5c: {  	_ =	shalt  }
0x5d: {  	_ =	shalt  }
0x5e: {  	_ =	shalt  }
0x5f: {  	_ =	shalt  }
0x60: {  	_ =	shalt  }
0x61: {  	_ =	shalt  }
0x62: {  	_ =	shalt  }
0x63: {  	_ =	shalt  }
0x64: {  	_ =	shalt  }
0x65: {  	_ =	shalt  }
0x66: {  	_ =	shalt  }
0x67: {  	_ =	shalt  }
0x68: {  	_ =	shalt  }
0x69: {  	_ =	shalt  }
0x6a: {  	_ =	shalt  }
0x6b: {  	_ =	shalt  }
0x6c: {  	_ =	shalt  }
0x6d: {  	_ =	shalt  }
0x6e: {  	_ =	shalt  }
0x6f: {  	_ =	shalt  }
0x70: {  	_ =	shalt  }
0x71: {  	_ =	shalt  }
0x72: {  	_ =	shalt  }
0x73: {  	_ =	shalt  }
0x74: {  	_ =	shalt  }
0x75: {  	_ =	shalt  }
0x76: {  	_ =	shalt  }
0x77: {  	_ =	shalt  }
0x78: {  	_ =	shalt  }
0x79: {  	_ =	shalt  }
0x7a: {  	_ =	shalt  }
0x7b: {  	_ =	shalt  }
0x7c: {  	_ =	shalt  }
0x7d: {  	_ =	shalt  }
0x7e: {  	_ =	shalt  }
0x7f: {  	_ =	shalt  }
0x80: {  	_ =	shalt  }
0x81: {  	_ =	shalt  }
0x82: {  	_ =	shalt  }
0x83: {  	_ =	shalt  }
0x84: {  	_ =	shalt  }
0x85: {  	_ =	shalt  }
0x86: {  	_ =	shalt  }
0x87: {  	_ =	shalt  }
.Lfunc_end0:
.L_simem_size_0:
called_computation.1_lowered:
.L_overlay_start_0:
0x88: {  	s2 =	sld [smem:$0x3FD9]  }
0x89: {  	s3 =	sld [smem:$0x3FFE];
	_ =	sdelay $0x1  }
0x8a: {  	s1 =	srdreg.scid  }
0x8b: {  	s0 =	sand.u32 $0x1, s1  }
0x8c: {  	s17 =	sshll.u32 s0, $0xA;
	s2 =	sadd.s32 s3, s2  }
0x8d: {  	s2 =	sadd.s32 s2, s17  }
0x8e: {  	[smem:$0x3FC6] =	sst s2  }
0x8f: {  	_ = 	snop  }
0x90: {  	s2 =	sld [smem:$0x3FC8]  }
0x91: {  	s18 =	sld [smem:$0x3FD0];
	(tm) =	ssettm $0x1  }
0x92: {  	s4 =	sld [smem:$0x3FFB];
	_ =	sdelay $0x3  }
0x93: {  	_ =	strace s4  }
0x94: {  	s4 =	sld [smem:$0x3FFC];
	_ =	sdelay $0x3  }
0x95: {  	_ =	strace s4  }
0x96: {  	s4 =	sld [smem:$0x3FFD];
	_ =	sdelay $0x3  }
0x97: {  	_ =	strace s4  }
0x98: {  	_ =	strace $0x8FFFFFFF  }
0x99: {  	s19 =	sld [smem:$0x3FDB];
	_ =	sdelay $0x1  }
0x9a: {  	s5 =	simm.s32 $_scs_section_size  }
0x9b: {  	s6 =	simm.s32 $_size__tile_overlayer_lowered;
	s7 =	simm.s32 $_tile_overlayer_lowered  }
0x9c: {  	s22 =	simm.s32 $0x1BFF;
	s21 =	sshll.u32 s7, $0x1;
	s4 =	sadd.s32 s5, s19  }
0x9d: {  	s8 =	simm.s32 $0x0;
	s20 =	sshll.u32 s6, $0x1;
	s6 =	sadd.s32 s21, s4  }
0x9e: {  	[timem:s8], [sflag:s22] =	dma.local [hbm:s6], s20  }
0x9f: {  	_ =	swait.ge [sflag:s22], s20  }
0xa0: {  	s5 =	ssub.s32 $0x0, s20;
	[sflag:s22] =	ssyncset.done $0x0  }
0xa1: {  	[sflag:s22] =	ssyncadd.s32 s5;
	_ =	sdelay $0x1  }
0xa2: {  	s23 =	simm.s32 $0x1B8B  }
0xa3: {  	_ =	swait.ge [sflag:s23], $0x1  }
0xa4: {  	[sflag:s23] =	ssyncset.done $0x0  }
0xa5: {  	s25 =	simm.s32 $0x1B8E;
	s24 =	sld [smem:$0x3FFE];
	[sflag:s23] =	ssyncadd.s32 $0xFFFFFFFF  }
0xa6: {  	s26 =	simm.s32 $execute0_lowered;
	[smem:$0x3FD2] =	sst s25  }
0xa7: {  	s6 =	sshll.u32 s26, $0x1;
	_ =	strace $0x80000046;
	[dreg:$0x1] =	wrdreg $0xFFFFFFFF  }
0xa8: {  	s28 =	simm.s32 $_size_execute0_lowered;
	s4 =	sadd.s32 s4, s6;
	[dreg:$0x0] =	wrdreg $0x0  }
0xa9: {  	s6 =	sshll.u32 s28, $0x1;
	[dreg:$0x2] =	wrdreg s4  }
0xaa: {  	[dreg:$0x3] =	wrdreg s6  }
0xab: {  	[dreg:$0x4] =	wrdreg $0xC0  }
0xac: {  	_ =	task [dreg:s8], $0x5FFFF  }
0xad: {  	[dreg:$0x1] =	wrdreg $0xFFFFFFFF  }
0xae: {  	[dreg:$0x0] =	wrdreg $0x60  }
0xaf: {  	[dreg:$0x2] =	wrdreg s2  }
0xb0: {  	[dreg:$0x3] =	wrdreg s18  }
0xb1: {  	[dreg:$0x4] =	wrdreg s24  }
0xb2: {  	[dreg:$0x5] =	wrdreg $0x9  }
0xb3: {  	_ =	task.clear_ibuf [dreg:s8], $0x6FFFF;
	_ =	strace $0x90000046  }
0xb4: {  	s29 =	simm.s32 $0x9;
	_ =	strace $0x80000048  }
0xb5: {  	_ =	swait.ge [sflag:s29], $0x1  }
0xb6: {  	[sflag:s29] =	ssyncadd.s32 $0xFFFFFFFF  }
0xb7: {  	_ =	strace $0x90000048  }
0xb8: {  	_ =	sfence  }
0xb9: {  	s30 =	sld [smem:$0x0];
	_ =	sdelay $0x2  }
0xba: {  	s31 =	sshll.u32 s1, $0xD;
	s1 =	sshrl.u32 s1, $0x2  }
0xbb: {  	s3 =	sand.u32 $0x4000, s31;
	s1 =	sadd.s32 s1, s30  }
0xbc: {  	s0 =	sor.u32 s3, s0;
	s1 =	sshll.u32 s1, $0x11  }
0xbd: {  	s0 =	sor.u32 s1, s0  }
0xbe: {  	s0 =	sadd.s32 $0x8F2B, s0  }
0xbf: {  	[sflag:s0] =	ssyncadd.remote.s32 $0x1  }
0xc0: {  	_ =	sfence.sel $0xFFFF  }
0xc1: {  	[dreg:$0x0] =	wrdreg $0xFFFFFFFF;
	(pc) =	sbr.abs _section_cstart, $3  }
0xc2: {  	[dreg:$0x1] =	wrdreg $0xFFFFFFFF  }
0xc3: {  	_ =	task.clear_ibuf [dreg:s8], $0x2FFFF;
	_ =	strace $0x9FFFFFFF  }
0xc4: {  	(tm) =	ssettm $0x7FFFFFFF  }
0xc5: {  	_ =	shalt  }
tec
execute0_lowered:
.L_overlay_start_1:
0x0: {  	(tag) =	ssettag $0x1  }
0x1: {  	v0 =	vlaneseq.u32  }
0x2: {  	v1 =	vmul.u32 $0x201, v0;
	v3 =	vor.u32 $0x10, v0  }
0x3: {  	v8 =	vor.u32 $0x60, v0;
	v9 =	vor.u32 $0x70, v0;
	v10 =	vor.u32 $0x80, v0  }
0x4: {  	v11 =	vor.u32 $0x90, v0;
	v12 =	vor.u32 $0xA0, v0;
	v13 =	vor.u32 $0xB0, v0  }
0x5: {  	v14 =	vor.u32 $0xC0, v0;
	v15 =	vor.u32 $0xD0, v0;
	v16 =	vor.u32 $0xE0, v0  }
0x6: {  	v17 =	vor.u32 $0xF0, v0;
	v18 =	vor.u32 $0x100, v0;
	v19 =	vor.u32 $0x110, v0  }
0x7: {  	v20 =	vor.u32 $0x120, v0;
	v21 =	vor.u32 $0x130, v0;
	v22 =	vor.u32 $0x140, v0  }
0x8: {  	v23 =	vor.u32 $0x150, v0;
	v24 =	vor.u32 $0x160, v0;
	v25 =	vor.u32 $0x170, v0  }
0x9: {  	v26 =	vor.u32 $0x180, v0;
	v27 =	vor.u32 $0x190, v0;
	v28 =	vor.u32 $0x1A0, v0  }
0xa: {  	s0 =	rddreg [dreg:$0x0];
	v29 =	vor.u32 $0x1B0, v0;
	v30 =	vor.u32 $0x1C0, v0;
	v31 =	vor.u32 $0x1D0, v0  }
0xb: {  	s1 =	rddreg [dreg:$0x2];
	s2 =	srdreg.scid;
	v32 =	vor.u32 $0x1E0, v0;
	v33 =	vor.u32 $0x1F0, v0;
	v34 =	vor.u32 $0x200, v0  }
0xc: {  	s3 =	stileid.u32;
	s4 =	simm.s32 $0x0;
	s15 =	simm.s32 $0x1000;
	v35 =	vor.u32 $0x210, v0;
	v36 =	vor.u32 $0x220, v0;
	v37 =	vor.u32 $0x230, v0  }
0xd: {  	s16 =	simm.s32 $0x7A1400;
	s18 =	simm.s32 $0x1;
	s19 =	simm.s32 $0x10000;
	v38 =	vor.u32 $0x240, v0;
	v39 =	vor.u32 $0x250, v0;
	v40 =	vor.u32 $0x260, v0  }
0xe: {  	s20 =	simm.s32 $0x8000;
	s21 =	simm.s32 $0x2;
	s22 =	simm.s32 $0xC000;
	v41 =	vor.u32 $0x270, v0;
	v42 =	vor.u32 $0x280, v0;
	v43 =	vor.u32 $0x290, v0  }
0xf: {  	s23 =	simm.s32 $0x3;
	s24 =	simm.s32 $0x4;
	s26 =	simm.s32 $0x16080;
	v44 =	vor.u32 $0x2A0, v0;
	v45 =	vor.u32 $0x2B0, v0;
	v46 =	vor.u32 $0x2C0, v0  }
0x10: {  	s28 =	simm.s32 $0x0;
	s2 =	sand.u32 $0x1, s2;
	[smem:$0x7FF] =	sst s4;
	v47 =	vor.u32 $0x2D0, v0;
	v48 =	vor.u32 $0x2E0, v0;
	v49 =	vor.u32 $0x2F0, v0  }
0x11: {  	s3 =	sshll.u32 s3, $0x1;
	s6 =	sadd.s32 $0xE00, s1;
	s12 =	sadd.s32 $0x3D0E00, s1;
	v50 =	vor.u32 $0x300, v0;
	v51 =	vor.u32 $0x310, v0;
	[tilespmem:$0x1FFB0] =	vst v3;
	v3 =	vor.u32 $0x20, v0  }
0x12: {  	s1 =	sadd.s32 $0x3D1600, s1;
	v52 =	vor.u32 $0x320, v0;
	v53 =	vor.u32 $0x330, v0;
	s5 =	sor.u32 s2, s3;
	s2 =	ssub.s32 $0x2, s2;
	[tilespmem:$0x1FFC0] =	vst v3;
	v3 =	vor.u32 $0x30, v0  }
.Ltmp0:
0x13: {  	v54 =	vor.u32 $0x340, v0;
	s3 =	sshll.u32 s5, $0x9;
	s31 =	sshll.u32 s5, $0xB;
	[tilespmem:$0x1FFD0] =	vst v3;
	v3 =	vor.u32 $0x40, v0;
	(pc) =	sbr.rel .LBB2_1-.Ltmp0, $4  }
0x14: {  	v55 =	vor.u32 $0x350, v0;
	v56 =	vor.u32 $0x360, v0;
	s11 =	sshrl.u32 s2, $0x1;
	p0 =	sne.s32 s5, $0x0;
	s7 =	sadd.s32 s0, s3;
	[tilespmem:$0x1FFE0] =	vst v3;
	v3 =	vor.u32 $0x50, v0  }
0x15: {  	v57 =	vor.u32 $0x370, v0;
	v58 =	vor.u32 $0x380, v0;
	v59 =	vor.u32 $0x390, v0;
	s9 =	sadd.s32 s6, s31;
	s2 =	ssub.s32 s2, s11;
	s13 =	sor.u32 $0x10000, s31;
	[tilespmem:$0x1FFF0] =	vst v3  }
0x16: {  	v60 =	vor.u32 $0x3A0, v0;
	v61 =	vor.u32 $0x3B0, v0;
	v62 =	vor.u32 $0x3C0, v0;
	s8 =	sadd.s32 $0x4000, s7;
	_ =	strace $0x80000047;
	[dreg:$0x4] =	wrdreg s12  }
0x17: {  	v63 =	vor.u32 $0x3D0, v0;
	v2 =	vadd.s32 $0x2010, v1;
	s10 =	sadd.s32 $0x3C0000, s9;
	s14 =	smax.u32 s2, $0x1;
	v3 =	vor.u32 $0x3E0, v0;
	[dreg:$0x5] =	wrdreg s1  }
.LBB2_23:
0x18: {  	_ =	swait.ge [sflag:s23], $0x4000  }
0x19: {  	[sflag:s23] =	ssyncset.done $0x0  }
0x1a: {  	[sflag:s23] =	ssyncadd.s32 $0xFFFFC000  }
.LBB2_21:
0x1b: {  	s28 =	sadd.s32 $0x1, s28  }
0x1c: {  	p1 =	sne.s32 s28, s14  }
.Ltmp1:
0x1d: {  	_ = 	snop;
	(pc) =	sbr.rel @!p1 .LBB2_22-.Ltmp1, $1  }
0x1e: {  	_ =	sdelay $0x3  }
.LBB2_1:
0x1f: {  	[tilespmem:s4], [sflag:$0x1] =	stream.strided.gather [hbm4b:s7+s15], $0x4000, s16, s15, $0x38;
	[tilespmem:$0x16880] =	vst v63  }
0x20: {  	s1 =	simm.s32 $0x4000;
	s29 =	simm.s32 $0x0  }
0x21: {  	[tilespmem:s1], [sflag:$0x2] =	stream.strided.gather [hbm4b:s8+s15], $0x4000, s16, s15, $0x38;
	[tilespmem:$0x16880] =	vst v63  }
.LBB2_2:
0x22: {  	_ =	swait.ge [sflag:s18], $0x4000;
	s2 =	simm.s32 $0x0  }
0x23: {  	[sflag:s18] =	ssyncset.done $0x0;
	s1 =	sand.u32 $0x70, s2;
	s3 =	sand.u32 $0xC00, s2  }
0x24: {  	[sflag:s18] =	ssyncadd.s32 $0xFFFFC000;
	s1 =	sor.u32 s1, s3  }
0x25: {  	v4 =	vld [tilespmem:s1+$0x0];
	_ =	sdelay $0x3  }
0x26: {  	s30 =	simm.s32 $0x12010  }
0x27: {  	[tilespmem:s30+$0xFFFFDFF0] =	vst v4  }
0x28: {  	v4 =	vld [tilespmem:s1+$0x80];
	_ =	sdelay $0x4  }
0x29: {  	[tilespmem:s30+$0xFFFFE1F1] =	vst v4  }
0x2a: {  	v4 =	vld [tilespmem:s1+$0x100];
	_ =	sdelay $0x4  }
0x2b: {  	[tilespmem:s30+$0xFFFFE3F2] =	vst v4  }
0x2c: {  	v4 =	vld [tilespmem:s1+$0x180];
	_ =	sdelay $0x4  }
0x2d: {  	[tilespmem:s30+$0xFFFFE5F3] =	vst v4  }
0x2e: {  	v4 =	vld [tilespmem:s1+$0x200];
	_ =	sdelay $0x4  }
0x2f: {  	[tilespmem:s30+$0xFFFFE7F4] =	vst v4  }
0x30: {  	v4 =	vld [tilespmem:s1+$0x280];
	_ =	sdelay $0x4  }
0x31: {  	[tilespmem:s30+$0xFFFFE9F5] =	vst v4  }
0x32: {  	v4 =	vld [tilespmem:s1+$0x300];
	_ =	sdelay $0x3  }
0x33: {  	s2 =	sor.u32 s2, s2  }
0x34: {  	s2 =	sor.u32 $0x380, s2;
	[tilespmem:s30+$0xFFFFEBF6] =	vst v4  }
0x35: {  	v4 =	vld [tilespmem:s2+$0x0];
	_ =	sdelay $0x4  }
0x36: {  	[tilespmem:s30+$0xFFFFEDF7] =	vst v4  }
0x37: {  	v4 =	vld [tilespmem:s1+$0x1000];
	_ =	sdelay $0x4  }
0x38: {  	[tilespmem:s30+$0xFFFFEFF8] =	vst v4  }
0x39: {  	v4 =	vld [tilespmem:s1+$0x1080];
	_ =	sdelay $0x4  }
0x3a: {  	[tilespmem:s30+$0xFFFFF1F9] =	vst v4  }
0x3b: {  	v4 =	vld [tilespmem:s1+$0x1100];
	_ =	sdelay $0x4  }
0x3c: {  	[tilespmem:s30+$0xFFFFF3FA] =	vst v4  }
0x3d: {  	v4 =	vld [tilespmem:s1+$0x1180];
	_ =	sdelay $0x4  }
0x3e: {  	[tilespmem:s30+$0xFFFFF5FB] =	vst v4  }
0x3f: {  	v4 =	vld [tilespmem:s1+$0x1200];
	_ =	sdelay $0x4  }
0x40: {  	[tilespmem:s30+$0xFFFFF7FC] =	vst v4  }
0x41: {  	v4 =	vld [tilespmem:s1+$0x1280];
	_ =	sdelay $0x4  }
0x42: {  	[tilespmem:s30+$0xFFFFF9FD] =	vst v4  }
0x43: {  	v4 =	vld [tilespmem:s1+$0x1300];
	_ =	sdelay $0x4  }
0x44: {  	[tilespmem:s30+$0xFFFFFBFE] =	vst v4  }
0x45: {  	v4 =	vld [tilespmem:s1+$0x1380];
	_ =	sdelay $0x4  }
0x46: {  	[tilespmem:s30+$0xFFFFFDFF] =	vst v4  }
0x47: {  	v4 =	vld [tilespmem:s1+$0x2000];
	_ =	sdelay $0x4  }
0x48: {  	[tilespmem:s30+$0x0] =	vst v4  }
0x49: {  	v4 =	vld [tilespmem:s1+$0x2080];
	_ =	sdelay $0x4  }
0x4a: {  	[tilespmem:s30+$0x201] =	vst v4  }
0x4b: {  	v4 =	vld [tilespmem:s1+$0x2100];
	_ =	sdelay $0x4  }
0x4c: {  	[tilespmem:s30+$0x402] =	vst v4  }
0x4d: {  	v4 =	vld [tilespmem:s1+$0x2180];
	_ =	sdelay $0x4  }
0x4e: {  	[tilespmem:s30+$0x603] =	vst v4  }
0x4f: {  	v4 =	vld [tilespmem:s1+$0x2200];
	_ =	sdelay $0x4  }
0x50: {  	[tilespmem:s30+$0x804] =	vst v4  }
0x51: {  	v4 =	vld [tilespmem:s1+$0x2280];
	_ =	sdelay $0x4  }
0x52: {  	[tilespmem:s30+$0xA05] =	vst v4  }
0x53: {  	v4 =	vld [tilespmem:s1+$0x2300];
	_ =	sdelay $0x4  }
0x54: {  	[tilespmem:s30+$0xC06] =	vst v4  }
0x55: {  	v4 =	vld [tilespmem:s1+$0x2380];
	_ =	sdelay $0x4  }
0x56: {  	[tilespmem:s30+$0xE07] =	vst v4  }
0x57: {  	v4 =	vld [tilespmem:s1+$0x3000];
	_ =	sdelay $0x4  }
0x58: {  	[tilespmem:s30+$0x1008] =	vst v4  }
0x59: {  	v4 =	vld [tilespmem:s1+$0x3080];
	_ =	sdelay $0x4  }
0x5a: {  	[tilespmem:s30+$0x1209] =	vst v4  }
0x5b: {  	v4 =	vld [tilespmem:s1+$0x3100];
	_ =	sdelay $0x4  }
0x5c: {  	[tilespmem:s30+$0x140A] =	vst v4  }
0x5d: {  	v4 =	vld [tilespmem:s1+$0x3180];
	_ =	sdelay $0x4  }
0x5e: {  	[tilespmem:s30+$0x160B] =	vst v4  }
0x5f: {  	v4 =	vld [tilespmem:s1+$0x3200];
	_ =	sdelay $0x4  }
0x60: {  	[tilespmem:s30+$0x180C] =	vst v4  }
0x61: {  	v4 =	vld [tilespmem:s1+$0x3280];
	_ =	sdelay $0x4  }
0x62: {  	[tilespmem:s30+$0x1A0D] =	vst v4  }
0x63: {  	v4 =	vld [tilespmem:s1+$0x3300];
	_ =	sdelay $0x4  }
0x64: {  	[tilespmem:s30+$0x1C0E] =	vst v4  }
0x65: {  	v4 =	vld [tilespmem:s1+$0x3380];
	_ =	sdelay $0x2  }
0x66: {  	s31 =	simm.s32 $0x10;
	s2 =	simm.s32 $0x80  }
0x67: {  	s3 =	simm.s32 $0x20;
	s11 =	sand.u32 $0xC00, s2;
	s1 =	sand.u32 $0x70, s31  }
.LBB2_3:
0x68: {  	p1 =	sne.s32 s3, $0x1F0;
	s1 =	sor.u32 s1, s11;
	[tilespmem:s30+$0x1E0F] =	vst v4  }
0x69: {  	v4 =	vld [tilespmem:s1+$0x0];
	_ =	sdelay $0x3  }
0x6a: {  	s30 =	sadd.s32 $0x10, s30  }
0x6b: {  	[tilespmem:s30+$0xFFFFDFF0] =	vst v4  }
0x6c: {  	v4 =	vld [tilespmem:s1+$0x80];
	_ =	sdelay $0x4  }
0x6d: {  	[tilespmem:s30+$0xFFFFE1F1] =	vst v4  }
0x6e: {  	v4 =	vld [tilespmem:s1+$0x100];
	_ =	sdelay $0x4  }
0x6f: {  	[tilespmem:s30+$0xFFFFE3F2] =	vst v4  }
0x70: {  	v4 =	vld [tilespmem:s1+$0x180];
	_ =	sdelay $0x4  }
0x71: {  	[tilespmem:s30+$0xFFFFE5F3] =	vst v4  }
0x72: {  	v4 =	vld [tilespmem:s1+$0x200];
	_ =	sdelay $0x4  }
0x73: {  	[tilespmem:s30+$0xFFFFE7F4] =	vst v4  }
0x74: {  	v4 =	vld [tilespmem:s1+$0x280];
	_ =	sdelay $0x4  }
0x75: {  	[tilespmem:s30+$0xFFFFE9F5] =	vst v4  }
0x76: {  	v4 =	vld [tilespmem:s1+$0x300];
	_ =	sdelay $0x3  }
0x77: {  	s11 =	sor.u32 s2, s31;
	s31 =	smov.u32 s3  }
0x78: {  	s11 =	sor.u32 $0x380, s11;
	[tilespmem:s30+$0xFFFFEBF6] =	vst v4  }
0x79: {  	v4 =	vld [tilespmem:s11+$0x0];
	_ =	sdelay $0x4  }
0x7a: {  	[tilespmem:s30+$0xFFFFEDF7] =	vst v4  }
0x7b: {  	v4 =	vld [tilespmem:s1+$0x1000];
	_ =	sdelay $0x4  }
0x7c: {  	[tilespmem:s30+$0xFFFFEFF8] =	vst v4  }
0x7d: {  	v4 =	vld [tilespmem:s1+$0x1080];
	_ =	sdelay $0x4  }
0x7e: {  	[tilespmem:s30+$0xFFFFF1F9] =	vst v4  }
0x7f: {  	v4 =	vld [tilespmem:s1+$0x1100];
	_ =	sdelay $0x4  }
0x80: {  	[tilespmem:s30+$0xFFFFF3FA] =	vst v4  }
0x81: {  	v4 =	vld [tilespmem:s1+$0x1180];
	_ =	sdelay $0x4  }
0x82: {  	[tilespmem:s30+$0xFFFFF5FB] =	vst v4  }
0x83: {  	v4 =	vld [tilespmem:s1+$0x1200];
	_ =	sdelay $0x4  }
0x84: {  	[tilespmem:s30+$0xFFFFF7FC] =	vst v4  }
0x85: {  	v4 =	vld [tilespmem:s1+$0x1280];
	_ =	sdelay $0x4  }
0x86: {  	[tilespmem:s30+$0xFFFFF9FD] =	vst v4  }
0x87: {  	v4 =	vld [tilespmem:s1+$0x1300];
	_ =	sdelay $0x4  }
0x88: {  	[tilespmem:s30+$0xFFFFFBFE] =	vst v4  }
0x89: {  	v4 =	vld [tilespmem:s1+$0x1380];
	_ =	sdelay $0x4  }
0x8a: {  	[tilespmem:s30+$0xFFFFFDFF] =	vst v4  }
0x8b: {  	v4 =	vld [tilespmem:s1+$0x2000];
	_ =	sdelay $0x4  }
0x8c: {  	[tilespmem:s30+$0x0] =	vst v4  }
0x8d: {  	v4 =	vld [tilespmem:s1+$0x2080];
	_ =	sdelay $0x4  }
0x8e: {  	[tilespmem:s30+$0x201] =	vst v4  }
0x8f: {  	v4 =	vld [tilespmem:s1+$0x2100];
	_ =	sdelay $0x4  }
0x90: {  	[tilespmem:s30+$0x402] =	vst v4  }
0x91: {  	v4 =	vld [tilespmem:s1+$0x2180];
	_ =	sdelay $0x4  }
0x92: {  	[tilespmem:s30+$0x603] =	vst v4  }
0x93: {  	v4 =	vld [tilespmem:s1+$0x2200];
	_ =	sdelay $0x4  }
0x94: {  	[tilespmem:s30+$0x804] =	vst v4  }
0x95: {  	v4 =	vld [tilespmem:s1+$0x2280];
	_ =	sdelay $0x4  }
0x96: {  	[tilespmem:s30+$0xA05] =	vst v4  }
0x97: {  	v4 =	vld [tilespmem:s1+$0x2300];
	_ =	sdelay $0x4  }
0x98: {  	[tilespmem:s30+$0xC06] =	vst v4  }
0x99: {  	v4 =	vld [tilespmem:s1+$0x2380];
	_ =	sdelay $0x4  }
0x9a: {  	[tilespmem:s30+$0xE07] =	vst v4  }
0x9b: {  	v4 =	vld [tilespmem:s1+$0x3000];
	_ =	sdelay $0x4  }
0x9c: {  	[tilespmem:s30+$0x1008] =	vst v4  }
0x9d: {  	v4 =	vld [tilespmem:s1+$0x3080];
	_ =	sdelay $0x4  }
0x9e: {  	[tilespmem:s30+$0x1209] =	vst v4  }
0x9f: {  	v4 =	vld [tilespmem:s1+$0x3100];
	_ =	sdelay $0x4  }
0xa0: {  	[tilespmem:s30+$0x140A] =	vst v4  }
0xa1: {  	v4 =	vld [tilespmem:s1+$0x3180];
	_ =	sdelay $0x4  }
0xa2: {  	[tilespmem:s30+$0x160B] =	vst v4  }
0xa3: {  	v4 =	vld [tilespmem:s1+$0x3200];
	_ =	sdelay $0x4  }
0xa4: {  	[tilespmem:s30+$0x180C] =	vst v4  }
0xa5: {  	v4 =	vld [tilespmem:s1+$0x3280];
	_ =	sdelay $0x4  }
0xa6: {  	[tilespmem:s30+$0x1A0D] =	vst v4  }
0xa7: {  	v4 =	vld [tilespmem:s1+$0x3300];
	_ =	sdelay $0x4  }
0xa8: {  	[tilespmem:s30+$0x1C0E] =	vst v4  }
.Ltmp2:
0xa9: {  	v4 =	vld [tilespmem:s1+$0x3380];
	(pc) =	sbr.rel @p1 .LBB2_3-.Ltmp2, $3  }
0xaa: {  	_ =	sdelay $0x1  }
0xab: {  	s2 =	sadd.s32 $0x80, s2  }
0xac: {  	s3 =	sadd.s32 $0x10, s3;
	s11 =	sand.u32 $0xC00, s2;
	s1 =	sand.u32 $0x70, s31  }
0xad: {  	s3 =	sor.u32 s1, s11;
	[tilespmem:s30+$0x1E0F] =	vst v4  }
0xae: {  	v4 =	vld [tilespmem:s3+$0x0];
	_ =	sdelay $0x3  }
0xaf: {  	s30 =	sadd.s32 $0x10, s30  }
0xb0: {  	[tilespmem:s30+$0xFFFFDFF0] =	vst v4  }
0xb1: {  	v4 =	vld [tilespmem:s3+$0x80];
	_ =	sdelay $0x4  }
0xb2: {  	[tilespmem:s30+$0xFFFFE1F1] =	vst v4  }
0xb3: {  	v4 =	vld [tilespmem:s3+$0x100];
	_ =	sdelay $0x4  }
0xb4: {  	[tilespmem:s30+$0xFFFFE3F2] =	vst v4  }
0xb5: {  	v4 =	vld [tilespmem:s3+$0x180];
	_ =	sdelay $0x4  }
0xb6: {  	[tilespmem:s30+$0xFFFFE5F3] =	vst v4  }
0xb7: {  	v4 =	vld [tilespmem:s3+$0x200];
	_ =	sdelay $0x4  }
0xb8: {  	[tilespmem:s30+$0xFFFFE7F4] =	vst v4  }
0xb9: {  	v4 =	vld [tilespmem:s3+$0x280];
	_ =	sdelay $0x4  }
0xba: {  	[tilespmem:s30+$0xFFFFE9F5] =	vst v4  }
0xbb: {  	v4 =	vld [tilespmem:s3+$0x300];
	_ =	sdelay $0x3  }
0xbc: {  	s2 =	sor.u32 s2, s31  }
0xbd: {  	s2 =	sor.u32 $0x380, s2;
	[tilespmem:s30+$0xFFFFEBF6] =	vst v4  }
0xbe: {  	v4 =	vld [tilespmem:s2+$0x0];
	_ =	sdelay $0x4  }
0xbf: {  	[tilespmem:s30+$0xFFFFEDF7] =	vst v4  }
0xc0: {  	v4 =	vld [tilespmem:s3+$0x1000];
	_ =	sdelay $0x4  }
0xc1: {  	[tilespmem:s30+$0xFFFFEFF8] =	vst v4  }
0xc2: {  	v4 =	vld [tilespmem:s3+$0x1080];
	_ =	sdelay $0x4  }
0xc3: {  	[tilespmem:s30+$0xFFFFF1F9] =	vst v4  }
0xc4: {  	v4 =	vld [tilespmem:s3+$0x1100];
	_ =	sdelay $0x4  }
0xc5: {  	[tilespmem:s30+$0xFFFFF3FA] =	vst v4  }
0xc6: {  	v4 =	vld [tilespmem:s3+$0x1180];
	_ =	sdelay $0x4  }
0xc7: {  	[tilespmem:s30+$0xFFFFF5FB] =	vst v4  }
0xc8: {  	v4 =	vld [tilespmem:s3+$0x1200];
	_ =	sdelay $0x4  }
0xc9: {  	[tilespmem:s30+$0xFFFFF7FC] =	vst v4  }
0xca: {  	v4 =	vld [tilespmem:s3+$0x1280];
	_ =	sdelay $0x4  }
0xcb: {  	[tilespmem:s30+$0xFFFFF9FD] =	vst v4  }
0xcc: {  	v4 =	vld [tilespmem:s3+$0x1300];
	_ =	sdelay $0x4  }
0xcd: {  	[tilespmem:s30+$0xFFFFFBFE] =	vst v4  }
0xce: {  	v4 =	vld [tilespmem:s3+$0x1380];
	_ =	sdelay $0x4  }
0xcf: {  	[tilespmem:s30+$0xFFFFFDFF] =	vst v4  }
0xd0: {  	v4 =	vld [tilespmem:s3+$0x2000];
	_ =	sdelay $0x4  }
0xd1: {  	[tilespmem:s30+$0x0] =	vst v4  }
0xd2: {  	v4 =	vld [tilespmem:s3+$0x2080];
	_ =	sdelay $0x4  }
0xd3: {  	[tilespmem:s30+$0x201] =	vst v4  }
0xd4: {  	v4 =	vld [tilespmem:s3+$0x2100];
	_ =	sdelay $0x4  }
0xd5: {  	[tilespmem:s30+$0x402] =	vst v4  }
0xd6: {  	v4 =	vld [tilespmem:s3+$0x2180];
	_ =	sdelay $0x4  }
0xd7: {  	[tilespmem:s30+$0x603] =	vst v4  }
0xd8: {  	v4 =	vld [tilespmem:s3+$0x2200];
	_ =	sdelay $0x4  }
0xd9: {  	[tilespmem:s30+$0x804] =	vst v4  }
0xda: {  	v4 =	vld [tilespmem:s3+$0x2280];
	_ =	sdelay $0x4  }
0xdb: {  	[tilespmem:s30+$0xA05] =	vst v4  }
0xdc: {  	v4 =	vld [tilespmem:s3+$0x2300];
	_ =	sdelay $0x4  }
0xdd: {  	[tilespmem:s30+$0xC06] =	vst v4  }
0xde: {  	v4 =	vld [tilespmem:s3+$0x2380];
	_ =	sdelay $0x4  }
0xdf: {  	[tilespmem:s30+$0xE07] =	vst v4  }
0xe0: {  	v4 =	vld [tilespmem:s3+$0x3000];
	_ =	sdelay $0x4  }
0xe1: {  	[tilespmem:s30+$0x1008] =	vst v4  }
0xe2: {  	v4 =	vld [tilespmem:s3+$0x3080];
	_ =	sdelay $0x4  }
0xe3: {  	[tilespmem:s30+$0x1209] =	vst v4  }
0xe4: {  	v4 =	vld [tilespmem:s3+$0x3100];
	_ =	sdelay $0x4  }
0xe5: {  	[tilespmem:s30+$0x140A] =	vst v4  }
0xe6: {  	v4 =	vld [tilespmem:s3+$0x3180];
	_ =	sdelay $0x4  }
0xe7: {  	[tilespmem:s30+$0x160B] =	vst v4  }
0xe8: {  	v4 =	vld [tilespmem:s3+$0x3200];
	_ =	sdelay $0x4  }
0xe9: {  	[tilespmem:s30+$0x180C] =	vst v4  }
0xea: {  	v4 =	vld [tilespmem:s3+$0x3280];
	_ =	sdelay $0x4  }
0xeb: {  	[tilespmem:s30+$0x1A0D] =	vst v4  }
0xec: {  	v4 =	vld [tilespmem:s3+$0x3300];
	_ =	sdelay $0x4  }
0xed: {  	[tilespmem:s30+$0x1C0E] =	vst v4  }
0xee: {  	v4 =	vld [tilespmem:s3+$0x3380];
	s3 =	simm.s32 $0x0  }
0xef: {  	v5 =	vadd.s32 s3, v1  }
0xf0: {  	v6 =	vadd.s32 s3, v2;
	_ =	sdelay $0x2  }
0xf1: {  	[tilespmem:s30+$0x1E0F] =	vst v4  }
0xf2: {  	v4 =	vld.idx.msk [tilespmem:v5+s19+$0x0], $0xffff  }
0xf3: {  	s11 =	simm.s32 $0x1;
	v5 =	vld.idx.msk [tilespmem:v6+s19+$0x0], $0xffff  }
0xf4: {  	v6 =	vadd.s32 s11, v1  }
0xf5: {  	v7 =	vadd.s32 s11, v2  }
0xf6: {  	s1 =	simm.s32 $0x8080  }
0xf7: {  	[tilespmem:s1+$0xFFFFFF80] =	vst v4  }
0xf8: {  	[tilespmem:s1+$0xFFFFFF90] =	vst v5  }
0xf9: {  	v4 =	vld.idx.msk [tilespmem:v6+s19+$0x0], $0xffff  }
0xfa: {  	s12 =	simm.s32 $0x2;
	v5 =	vld.idx.msk [tilespmem:v7+s19+$0x0], $0xffff  }
0xfb: {  	v6 =	vadd.s32 s12, v1  }
0xfc: {  	v7 =	vadd.s32 s12, v2  }
0xfd: {  	s17 =	simm.s32 $0x20  }
0xfe: {  	s2 =	sor.u32 $0x30, s17;
	[tilespmem:s1+$0xFFFFFFA0] =	vst v4  }
0xff: {  	[tilespmem:s2+$0x8000] =	vst v5  }
0x100: {  	v4 =	vld.idx.msk [tilespmem:v6+s19+$0x0], $0xffff  }
0x101: {  	s25 =	simm.s32 $0x3;
	v5 =	vld.idx.msk [tilespmem:v7+s19+$0x0], $0xffff  }
0x102: {  	v6 =	vadd.s32 s25, v1  }
0x103: {  	v7 =	vadd.s32 s25, v2  }
0x104: {  	s30 =	simm.s32 $0x40  }
0x105: {  	s2 =	sor.u32 $0x50, s30;
	[tilespmem:s1+$0xFFFFFFC0] =	vst v4  }
0x106: {  	[tilespmem:s2+$0x8000] =	vst v5  }
0x107: {  	v4 =	vld.idx.msk [tilespmem:v6+s19+$0x0], $0xffff  }
0x108: {  	s31 =	simm.s32 $0x4;
	v5 =	vld.idx.msk [tilespmem:v7+s19+$0x0], $0xffff  }
0x109: {  	v6 =	vadd.s32 s31, v1  }
0x10a: {  	v7 =	vadd.s32 s31, v2  }
0x10b: {  	s3 =	simm.s32 $0x60  }
0x10c: {  	s2 =	sor.u32 $0x70, s3;
	[tilespmem:s1+$0xFFFFFFE0] =	vst v4  }
0x10d: {  	[tilespmem:s2+$0x8000] =	vst v5  }
0x10e: {  	v4 =	vld.idx.msk [tilespmem:v6+s19+$0x0], $0xffff  }
0x10f: {  	s11 =	simm.s32 $0x5;
	v5 =	vld.idx.msk [tilespmem:v7+s19+$0x0], $0xffff  }
0x110: {  	v6 =	vadd.s32 s11, v1  }
0x111: {  	v7 =	vadd.s32 s11, v2;
	_ =	sdelay $0x1  }
0x112: {  	[tilespmem:s1+$0x0] =	vst v4  }
0x113: {  	[tilespmem:s1+$0x10] =	vst v5  }
0x114: {  	v4 =	vld.idx.msk [tilespmem:v6+s19+$0x0], $0xffff  }
0x115: {  	s12 =	simm.s32 $0x6;
	v5 =	vld.idx.msk [tilespmem:v7+s19+$0x0], $0xffff  }
0x116: {  	v6 =	vadd.s32 s12, v1  }
0x117: {  	v7 =	vadd.s32 s12, v2  }
0x118: {  	s17 =	simm.s32 $0xA0  }
0x119: {  	s2 =	sor.u32 $0x30, s17;
	[tilespmem:s1+$0x20] =	vst v4  }
0x11a: {  	[tilespmem:s2+$0x8000] =	vst v5  }
0x11b: {  	v4 =	vld.idx.msk [tilespmem:v6+s19+$0x0], $0xffff  }
0x11c: {  	s25 =	simm.s32 $0x7;
	v5 =	vld.idx.msk [tilespmem:v7+s19+$0x0], $0xffff  }
0x11d: {  	v6 =	vadd.s32 s25, v1  }
0x11e: {  	v7 =	vadd.s32 s25, v2  }
0x11f: {  	s30 =	simm.s32 $0xC0  }
0x120: {  	s2 =	sor.u32 $0x50, s30;
	[tilespmem:s1+$0x40] =	vst v4  }
0x121: {  	[tilespmem:s2+$0x8000] =	vst v5  }
0x122: {  	s3 =	simm.s32 $0xE0;
	v4 =	vld.idx.msk [tilespmem:v6+s19+$0x0], $0xffff  }
0x123: {  	s31 =	simm.s32 $0x8;
	s11 =	sor.u32 $0x70, s3;
	v5 =	vld.idx.msk [tilespmem:v7+s19+$0x0], $0xffff  }
0x124: {  	s12 =	simm.s32 $0x17;
	s25 =	simm.s32 $0x8080;
	s2 =	simm.s32 $0xF;
	v7 =	vadd.s32 s31, v1;
	v6 =	vadd.s32 s31, v2  }
.LBB2_5:
0x125: {  	s3 =	sadd.s32 $0x100, s3  }
0x126: {  	s1 =	sadd.s32 $0x100, s1;
	s31 =	smov.u32 s12;
	s30 =	sadd.s32 $0x8, s12  }
0x127: {  	p1 =	sne.s32 s12, $0x1FF;
	[tilespmem:s25+$0x60] =	vst v4;
	s25 =	smov.u32 s1  }
0x128: {  	[tilespmem:s11+$0x8000] =	vst v5  }
0x129: {  	v4 =	vld.idx.msk [tilespmem:v7+s19+$0x0], $0xffff  }
0x12a: {  	v5 =	vld.idx.msk [tilespmem:v6+s19+$0x0], $0xffff  }
0x12b: {  	s11 =	sadd.s32 $0xFFFFFFFA, s2  }
0x12c: {  	v6 =	vadd.s32 s11, v1  }
0x12d: {  	v7 =	vadd.s32 s11, v2;
	_ =	sdelay $0x1  }
0x12e: {  	[tilespmem:s1+$0xFFFFFF80] =	vst v4  }
0x12f: {  	[tilespmem:s1+$0xFFFFFF90] =	vst v5  }
0x130: {  	v4 =	vld.idx.msk [tilespmem:v6+s19+$0x0], $0xffff  }
0x131: {  	v5 =	vld.idx.msk [tilespmem:v7+s19+$0x0], $0xffff  }
0x132: {  	s11 =	sadd.s32 $0xFFFFFFFB, s2  }
0x133: {  	v6 =	vadd.s32 s11, v1  }
0x134: {  	s12 =	sadd.s32 $0xFFFFFF40, s3;
	v7 =	vadd.s32 s11, v2  }
0x135: {  	s11 =	sor.u32 $0x30, s12  }
0x136: {  	[tilespmem:s1+$0xFFFFFFA0] =	vst v4  }
0x137: {  	[tilespmem:s11+$0x8000] =	vst v5  }
0x138: {  	v4 =	vld.idx.msk [tilespmem:v6+s19+$0x0], $0xffff  }
0x139: {  	v5 =	vld.idx.msk [tilespmem:v7+s19+$0x0], $0xffff  }
0x13a: {  	s11 =	sadd.s32 $0xFFFFFFFC, s2  }
0x13b: {  	v6 =	vadd.s32 s11, v1  }
0x13c: {  	s12 =	sadd.s32 $0xFFFFFF60, s3;
	v7 =	vadd.s32 s11, v2  }
0x13d: {  	s11 =	sor.u32 $0x50, s12  }
0x13e: {  	[tilespmem:s1+$0xFFFFFFC0] =	vst v4  }
0x13f: {  	[tilespmem:s11+$0x8000] =	vst v5  }
0x140: {  	v4 =	vld.idx.msk [tilespmem:v6+s19+$0x0], $0xffff  }
0x141: {  	v5 =	vld.idx.msk [tilespmem:v7+s19+$0x0], $0xffff  }
0x142: {  	s11 =	sadd.s32 $0xFFFFFFFD, s2  }
0x143: {  	v6 =	vadd.s32 s11, v1;
	v7 =	vadd.s32 s11, v2  }
0x144: {  	s11 =	sadd.s32 $0xFFFFFF80, s3  }
0x145: {  	s11 =	sor.u32 $0x70, s11  }
0x146: {  	[tilespmem:s1+$0xFFFFFFE0] =	vst v4  }
0x147: {  	[tilespmem:s11+$0x8000] =	vst v5  }
0x148: {  	v4 =	vld.idx.msk [tilespmem:v6+s19+$0x0], $0xffff  }
0x149: {  	v5 =	vld.idx.msk [tilespmem:v7+s19+$0x0], $0xffff  }
0x14a: {  	s11 =	sadd.s32 $0xFFFFFFFE, s2  }
0x14b: {  	v6 =	vadd.s32 s11, v1  }
0x14c: {  	v7 =	vadd.s32 s11, v2;
	_ =	sdelay $0x1  }
0x14d: {  	[tilespmem:s1+$0x0] =	vst v4  }
0x14e: {  	[tilespmem:s1+$0x10] =	vst v5  }
0x14f: {  	v4 =	vld.idx.msk [tilespmem:v6+s19+$0x0], $0xffff  }
0x150: {  	v5 =	vld.idx.msk [tilespmem:v7+s19+$0x0], $0xffff  }
0x151: {  	s11 =	sadd.s32 $0xFFFFFFFF, s2  }
0x152: {  	s12 =	sadd.s32 $0xFFFFFFC0, s3;
	v6 =	vadd.s32 s11, v1  }
0x153: {  	s12 =	sor.u32 $0x30, s12;
	v7 =	vadd.s32 s11, v2;
	_ =	sdelay $0x1  }
0x154: {  	[tilespmem:s1+$0x20] =	vst v4  }
0x155: {  	[tilespmem:s12+$0x8000] =	vst v5  }
0x156: {  	v4 =	vld.idx.msk [tilespmem:v6+s19+$0x0], $0xffff  }
0x157: {  	v5 =	vld.idx.msk [tilespmem:v7+s19+$0x0], $0xffff;
	_ =	sdelay $0x1  }
0x158: {  	s11 =	sadd.s32 $0xFFFFFFE0, s3;
	v6 =	vadd.s32 s2, v1  }
0x159: {  	s11 =	sor.u32 $0x50, s11;
	v7 =	vadd.s32 s2, v2;
	s2 =	smov.u32 s31;
	_ =	sdelay $0x1  }
0x15a: {  	[tilespmem:s1+$0x40] =	vst v4  }
0x15b: {  	[tilespmem:s11+$0x8000] =	vst v5  }
.Ltmp3:
0x15c: {  	v4 =	vld.idx.msk [tilespmem:v6+s19+$0x0], $0xffff;
	(pc) =	sbr.rel @p1 .LBB2_5-.Ltmp3, $4  }
0x15d: {  	v5 =	vld.idx.msk [tilespmem:v7+s19+$0x0], $0xffff  }
0x15e: {  	s11 =	sadd.s32 $0xFFFFFFF9, s2  }
0x15f: {  	v6 =	vadd.s32 s11, v2;
	v7 =	vadd.s32 s11, v1  }
0x160: {  	s12 =	smov.u32 s30;
	s11 =	sor.u32 $0x70, s3  }
0x161: {  	_ =	sdelay $0x1  }
0x162: {  	[tilespmem:s25+$0x60] =	vst v4  }
0x163: {  	[tilespmem:s11+$0x8000] =	vst v5  }
0x164: {  	v4 =	vld.idx.msk [tilespmem:v7+s19+$0x0], $0xffff  }
0x165: {  	s17 =	sadd.s32 $0xFFFFFFFA, s2;
	v5 =	vld.idx.msk [tilespmem:v6+s19+$0x0], $0xffff  }
0x166: {  	v6 =	vadd.s32 s17, v1  }
0x167: {  	v7 =	vadd.s32 s17, v2  }
0x168: {  	s1 =	sadd.s32 $0x100, s1  }
0x169: {  	[tilespmem:s1+$0xFFFFFF80] =	vst v4  }
0x16a: {  	[tilespmem:s1+$0xFFFFFF90] =	vst v5  }
0x16b: {  	v4 =	vld.idx.msk [tilespmem:v6+s19+$0x0], $0xffff  }
0x16c: {  	s25 =	sadd.s32 $0xFFFFFFFB, s2;
	v5 =	vld.idx.msk [tilespmem:v7+s19+$0x0], $0xffff  }
0x16d: {  	v6 =	vadd.s32 s25, v1  }
0x16e: {  	s3 =	sadd.s32 $0x100, s3;
	v7 =	vadd.s32 s25, v2  }
0x16f: {  	s12 =	sadd.s32 $0xFFFFFF40, s3  }
0x170: {  	s11 =	sor.u32 $0x30, s12;
	[tilespmem:s1+$0xFFFFFFA0] =	vst v4  }
0x171: {  	[tilespmem:s11+$0x8000] =	vst v5  }
0x172: {  	v4 =	vld.idx.msk [tilespmem:v6+s19+$0x0], $0xffff  }
0x173: {  	s17 =	sadd.s32 $0xFFFFFFFC, s2;
	v5 =	vld.idx.msk [tilespmem:v7+s19+$0x0], $0xffff  }
0x174: {  	v6 =	vadd.s32 s17, v1  }
0x175: {  	v7 =	vadd.s32 s17, v2  }
0x176: {  	s25 =	sadd.s32 $0xFFFFFF60, s3  }
0x177: {  	s11 =	sor.u32 $0x50, s25;
	[tilespmem:s1+$0xFFFFFFC0] =	vst v4  }
0x178: {  	[tilespmem:s11+$0x8000] =	vst v5  }
0x179: {  	v4 =	vld.idx.msk [tilespmem:v6+s19+$0x0], $0xffff  }
0x17a: {  	s12 =	sadd.s32 $0xFFFFFFFD, s2;
	v5 =	vld.idx.msk [tilespmem:v7+s19+$0x0], $0xffff  }
0x17b: {  	v6 =	vadd.s32 s12, v1  }
0x17c: {  	v7 =	vadd.s32 s12, v2  }
0x17d: {  	s17 =	sadd.s32 $0xFFFFFF80, s3  }
0x17e: {  	s11 =	sor.u32 $0x70, s17;
	[tilespmem:s1+$0xFFFFFFE0] =	vst v4  }
0x17f: {  	[tilespmem:s11+$0x8000] =	vst v5  }
0x180: {  	v4 =	vld.idx.msk [tilespmem:v6+s19+$0x0], $0xffff  }
0x181: {  	s25 =	sadd.s32 $0xFFFFFFFE, s2;
	v5 =	vld.idx.msk [tilespmem:v7+s19+$0x0], $0xffff  }
0x182: {  	v6 =	vadd.s32 s25, v1  }
0x183: {  	v7 =	vadd.s32 s25, v2;
	_ =	sdelay $0x1  }
0x184: {  	[tilespmem:s1+$0x0] =	vst v4  }
0x185: {  	[tilespmem:s1+$0x10] =	vst v5  }
0x186: {  	v4 =	vld.idx.msk [tilespmem:v6+s19+$0x0], $0xffff  }
0x187: {  	s12 =	sadd.s32 $0xFFFFFFFF, s2;
	v5 =	vld.idx.msk [tilespmem:v7+s19+$0x0], $0xffff  }
0x188: {  	v6 =	vadd.s32 s12, v1  }
0x189: {  	v7 =	vadd.s32 s12, v2  }
0x18a: {  	s17 =	sadd.s32 $0xFFFFFFC0, s3  }
0x18b: {  	s11 =	sor.u32 $0x30, s17;
	[tilespmem:s1+$0x20] =	vst v4  }
0x18c: {  	[tilespmem:s11+$0x8000] =	vst v5  }
0x18d: {  	v4 =	vld.idx.msk [tilespmem:v6+s19+$0x0], $0xffff  }
0x18e: {  	v5 =	vld.idx.msk [tilespmem:v7+s19+$0x0], $0xffff  }
0x18f: {  	v6 =	vadd.s32 s2, v1  }
0x190: {  	v7 =	vadd.s32 s2, v2  }
0x191: {  	s25 =	sadd.s32 $0xFFFFFFE0, s3  }
0x192: {  	s2 =	sor.u32 $0x50, s25;
	[tilespmem:s1+$0x40] =	vst v4  }
0x193: {  	[tilespmem:s2+$0x8000] =	vst v5  }
0x194: {  	v4 =	vld.idx.msk [tilespmem:v6+s19+$0x0], $0xffff  }
0x195: {  	v5 =	vld.idx.msk [tilespmem:v7+s19+$0x0], $0xffff;
	_ =	sdelay $0x3  }
0x196: {  	s30 =	sshll.u32 s29, $0x11;
	s3 =	sor.u32 $0x70, s3;
	[tilespmem:s1+$0x60] =	vst v4  }
0x197: {  	s12 =	simm.s32 $0x0;
	s11 =	sadd.s32 s30, s9;
	[tilespmem:s3+$0x8000] =	vst v5  }
0x198: {  	[hbm4b:s11+s12] =	stream.linear.scatter [tilespmem:s20], [sflag:$0x3], $0x4000, $0x38;
	[tilespmem:$0x16880] =	vst v63  }
0x199: {  	_ =	swait.ge [sflag:s21], $0x4000  }
0x19a: {  	s17 =	sand.u32 $0x70, s12;
	s25 =	sand.u32 $0xC00, s12;
	[sflag:s21] =	ssyncset.done $0x0  }
0x19b: {  	s1 =	sor.u32 s17, s25;
	[sflag:s21] =	ssyncadd.s32 $0xFFFFC000  }
0x19c: {  	v4 =	vld [tilespmem:s1+$0x4000];
	_ =	sdelay $0x3  }
0x19d: {  	s31 =	simm.s32 $0x12010  }
0x19e: {  	[tilespmem:s31+$0xFFFFDFF0] =	vst v4  }
0x19f: {  	v4 =	vld [tilespmem:s1+$0x4080];
	_ =	sdelay $0x4  }
0x1a0: {  	[tilespmem:s31+$0xFFFFE1F1] =	vst v4  }
0x1a1: {  	v4 =	vld [tilespmem:s1+$0x4100];
	_ =	sdelay $0x4  }
0x1a2: {  	[tilespmem:s31+$0xFFFFE3F2] =	vst v4  }
0x1a3: {  	v4 =	vld [tilespmem:s1+$0x4180];
	_ =	sdelay $0x4  }
0x1a4: {  	[tilespmem:s31+$0xFFFFE5F3] =	vst v4  }
0x1a5: {  	v4 =	vld [tilespmem:s1+$0x4200];
	_ =	sdelay $0x4  }
0x1a6: {  	[tilespmem:s31+$0xFFFFE7F4] =	vst v4  }
0x1a7: {  	v4 =	vld [tilespmem:s1+$0x4280];
	_ =	sdelay $0x4  }
0x1a8: {  	[tilespmem:s31+$0xFFFFE9F5] =	vst v4  }
0x1a9: {  	v4 =	vld [tilespmem:s1+$0x4300];
	_ =	sdelay $0x3  }
0x1aa: {  	s2 =	sor.u32 s12, s12  }
0x1ab: {  	s2 =	sor.u32 $0x380, s2;
	[tilespmem:s31+$0xFFFFEBF6] =	vst v4  }
0x1ac: {  	v4 =	vld [tilespmem:s2+$0x4000];
	_ =	sdelay $0x4  }
0x1ad: {  	[tilespmem:s31+$0xFFFFEDF7] =	vst v4  }
0x1ae: {  	v4 =	vld [tilespmem:s1+$0x5000];
	_ =	sdelay $0x4  }
0x1af: {  	[tilespmem:s31+$0xFFFFEFF8] =	vst v4  }
0x1b0: {  	v4 =	vld [tilespmem:s1+$0x5080];
	_ =	sdelay $0x4  }
0x1b1: {  	[tilespmem:s31+$0xFFFFF1F9] =	vst v4  }
0x1b2: {  	v4 =	vld [tilespmem:s1+$0x5100];
	_ =	sdelay $0x4  }
0x1b3: {  	[tilespmem:s31+$0xFFFFF3FA] =	vst v4  }
0x1b4: {  	v4 =	vld [tilespmem:s1+$0x5180];
	_ =	sdelay $0x4  }
0x1b5: {  	[tilespmem:s31+$0xFFFFF5FB] =	vst v4  }
0x1b6: {  	v4 =	vld [tilespmem:s1+$0x5200];
	_ =	sdelay $0x4  }
0x1b7: {  	[tilespmem:s31+$0xFFFFF7FC] =	vst v4  }
0x1b8: {  	v4 =	vld [tilespmem:s1+$0x5280];
	_ =	sdelay $0x4  }
0x1b9: {  	[tilespmem:s31+$0xFFFFF9FD] =	vst v4  }
0x1ba: {  	v4 =	vld [tilespmem:s1+$0x5300];
	_ =	sdelay $0x4  }
0x1bb: {  	[tilespmem:s31+$0xFFFFFBFE] =	vst v4  }
0x1bc: {  	v4 =	vld [tilespmem:s1+$0x5380];
	_ =	sdelay $0x4  }
0x1bd: {  	[tilespmem:s31+$0xFFFFFDFF] =	vst v4  }
0x1be: {  	v4 =	vld [tilespmem:s1+$0x6000];
	_ =	sdelay $0x4  }
0x1bf: {  	[tilespmem:s31+$0x0] =	vst v4  }
0x1c0: {  	v4 =	vld [tilespmem:s1+$0x6080];
	_ =	sdelay $0x4  }
0x1c1: {  	[tilespmem:s31+$0x201] =	vst v4  }
0x1c2: {  	v4 =	vld [tilespmem:s1+$0x6100];
	_ =	sdelay $0x4  }
0x1c3: {  	[tilespmem:s31+$0x402] =	vst v4  }
0x1c4: {  	v4 =	vld [tilespmem:s1+$0x6180];
	_ =	sdelay $0x4  }
0x1c5: {  	[tilespmem:s31+$0x603] =	vst v4  }
0x1c6: {  	v4 =	vld [tilespmem:s1+$0x6200];
	_ =	sdelay $0x4  }
0x1c7: {  	[tilespmem:s31+$0x804] =	vst v4  }
0x1c8: {  	v4 =	vld [tilespmem:s1+$0x6280];
	_ =	sdelay $0x4  }
0x1c9: {  	[tilespmem:s31+$0xA05] =	vst v4  }
0x1ca: {  	v4 =	vld [tilespmem:s1+$0x6300];
	_ =	sdelay $0x4  }
0x1cb: {  	[tilespmem:s31+$0xC06] =	vst v4  }
0x1cc: {  	v4 =	vld [tilespmem:s1+$0x6380];
	_ =	sdelay $0x4  }
0x1cd: {  	[tilespmem:s31+$0xE07] =	vst v4  }
0x1ce: {  	v4 =	vld [tilespmem:s1+$0x7000];
	_ =	sdelay $0x4  }
0x1cf: {  	[tilespmem:s31+$0x1008] =	vst v4  }
0x1d0: {  	v4 =	vld [tilespmem:s1+$0x7080];
	_ =	sdelay $0x4  }
0x1d1: {  	[tilespmem:s31+$0x1209] =	vst v4  }
0x1d2: {  	v4 =	vld [tilespmem:s1+$0x7100];
	_ =	sdelay $0x4  }
0x1d3: {  	[tilespmem:s31+$0x140A] =	vst v4  }
0x1d4: {  	v4 =	vld [tilespmem:s1+$0x7180];
	_ =	sdelay $0x4  }
0x1d5: {  	[tilespmem:s31+$0x160B] =	vst v4  }
0x1d6: {  	v4 =	vld [tilespmem:s1+$0x7200];
	_ =	sdelay $0x4  }
0x1d7: {  	[tilespmem:s31+$0x180C] =	vst v4  }
0x1d8: {  	v4 =	vld [tilespmem:s1+$0x7280];
	_ =	sdelay $0x4  }
0x1d9: {  	[tilespmem:s31+$0x1A0D] =	vst v4  }
0x1da: {  	v4 =	vld [tilespmem:s1+$0x7300];
	_ =	sdelay $0x4  }
0x1db: {  	[tilespmem:s31+$0x1C0E] =	vst v4  }
0x1dc: {  	v4 =	vld [tilespmem:s1+$0x7380];
	_ =	sdelay $0x2  }
0x1dd: {  	s3 =	simm.s32 $0x80;
	s2 =	simm.s32 $0x10  }
0x1de: {  	s12 =	sand.u32 $0xC00, s3;
	s11 =	sand.u32 $0x70, s2;
	s1 =	simm.s32 $0x20  }
.LBB2_7:
0x1df: {  	p1 =	sne.s32 s1, $0x1F0;
	s25 =	sor.u32 s11, s12;
	[tilespmem:s31+$0x1E0F] =	vst v4  }
0x1e0: {  	v4 =	vld [tilespmem:s25+$0x4000];
	_ =	sdelay $0x3  }
0x1e1: {  	s31 =	sadd.s32 $0x10, s31  }
0x1e2: {  	[tilespmem:s31+$0xFFFFDFF0] =	vst v4  }
0x1e3: {  	v4 =	vld [tilespmem:s25+$0x4080];
	_ =	sdelay $0x4  }
0x1e4: {  	[tilespmem:s31+$0xFFFFE1F1] =	vst v4  }
0x1e5: {  	v4 =	vld [tilespmem:s25+$0x4100];
	_ =	sdelay $0x4  }
0x1e6: {  	[tilespmem:s31+$0xFFFFE3F2] =	vst v4  }
0x1e7: {  	v4 =	vld [tilespmem:s25+$0x4180];
	_ =	sdelay $0x4  }
0x1e8: {  	[tilespmem:s31+$0xFFFFE5F3] =	vst v4  }
0x1e9: {  	v4 =	vld [tilespmem:s25+$0x4200];
	_ =	sdelay $0x4  }
0x1ea: {  	[tilespmem:s31+$0xFFFFE7F4] =	vst v4  }
0x1eb: {  	v4 =	vld [tilespmem:s25+$0x4280];
	_ =	sdelay $0x4  }
0x1ec: {  	[tilespmem:s31+$0xFFFFE9F5] =	vst v4  }
0x1ed: {  	v4 =	vld [tilespmem:s25+$0x4300];
	_ =	sdelay $0x3  }
0x1ee: {  	s11 =	sor.u32 s3, s2;
	s2 =	smov.u32 s1  }
0x1ef: {  	s11 =	sor.u32 $0x380, s11;
	[tilespmem:s31+$0xFFFFEBF6] =	vst v4  }
0x1f0: {  	v4 =	vld [tilespmem:s11+$0x4000];
	_ =	sdelay $0x4  }
0x1f1: {  	[tilespmem:s31+$0xFFFFEDF7] =	vst v4  }
0x1f2: {  	v4 =	vld [tilespmem:s25+$0x5000];
	_ =	sdelay $0x4  }
0x1f3: {  	[tilespmem:s31+$0xFFFFEFF8] =	vst v4  }
0x1f4: {  	v4 =	vld [tilespmem:s25+$0x5080];
	_ =	sdelay $0x4  }
0x1f5: {  	[tilespmem:s31+$0xFFFFF1F9] =	vst v4  }
0x1f6: {  	v4 =	vld [tilespmem:s25+$0x5100];
	_ =	sdelay $0x4  }
0x1f7: {  	[tilespmem:s31+$0xFFFFF3FA] =	vst v4  }
0x1f8: {  	v4 =	vld [tilespmem:s25+$0x5180];
	_ =	sdelay $0x4  }
0x1f9: {  	[tilespmem:s31+$0xFFFFF5FB] =	vst v4  }
0x1fa: {  	v4 =	vld [tilespmem:s25+$0x5200];
	_ =	sdelay $0x4  }
0x1fb: {  	[tilespmem:s31+$0xFFFFF7FC] =	vst v4  }
0x1fc: {  	v4 =	vld [tilespmem:s25+$0x5280];
	_ =	sdelay $0x4  }
0x1fd: {  	[tilespmem:s31+$0xFFFFF9FD] =	vst v4  }
0x1fe: {  	v4 =	vld [tilespmem:s25+$0x5300];
	_ =	sdelay $0x4  }
0x1ff: {  	[tilespmem:s31+$0xFFFFFBFE] =	vst v4  }
0x200: {  	v4 =	vld [tilespmem:s25+$0x5380];
	_ =	sdelay $0x4  }
0x201: {  	[tilespmem:s31+$0xFFFFFDFF] =	vst v4  }
0x202: {  	v4 =	vld [tilespmem:s25+$0x6000];
	_ =	sdelay $0x4  }
0x203: {  	[tilespmem:s31+$0x0] =	vst v4  }
0x204: {  	v4 =	vld [tilespmem:s25+$0x6080];
	_ =	sdelay $0x4  }
0x205: {  	[tilespmem:s31+$0x201] =	vst v4  }
0x206: {  	v4 =	vld [tilespmem:s25+$0x6100];
	_ =	sdelay $0x4  }
0x207: {  	[tilespmem:s31+$0x402] =	vst v4  }
0x208: {  	v4 =	vld [tilespmem:s25+$0x6180];
	_ =	sdelay $0x4  }
0x209: {  	[tilespmem:s31+$0x603] =	vst v4  }
0x20a: {  	v4 =	vld [tilespmem:s25+$0x6200];
	_ =	sdelay $0x4  }
0x20b: {  	[tilespmem:s31+$0x804] =	vst v4  }
0x20c: {  	v4 =	vld [tilespmem:s25+$0x6280];
	_ =	sdelay $0x4  }
0x20d: {  	[tilespmem:s31+$0xA05] =	vst v4  }
0x20e: {  	v4 =	vld [tilespmem:s25+$0x6300];
	_ =	sdelay $0x4  }
0x20f: {  	[tilespmem:s31+$0xC06] =	vst v4  }
0x210: {  	v4 =	vld [tilespmem:s25+$0x6380];
	_ =	sdelay $0x4  }
0x211: {  	[tilespmem:s31+$0xE07] =	vst v4  }
0x212: {  	v4 =	vld [tilespmem:s25+$0x7000];
	_ =	sdelay $0x4  }
0x213: {  	[tilespmem:s31+$0x1008] =	vst v4  }
0x214: {  	v4 =	vld [tilespmem:s25+$0x7080];
	_ =	sdelay $0x4  }
0x215: {  	[tilespmem:s31+$0x1209] =	vst v4  }
0x216: {  	v4 =	vld [tilespmem:s25+$0x7100];
	_ =	sdelay $0x4  }
0x217: {  	[tilespmem:s31+$0x140A] =	vst v4  }
0x218: {  	v4 =	vld [tilespmem:s25+$0x7180];
	_ =	sdelay $0x4  }
0x219: {  	[tilespmem:s31+$0x160B] =	vst v4  }
0x21a: {  	v4 =	vld [tilespmem:s25+$0x7200];
	_ =	sdelay $0x4  }
0x21b: {  	[tilespmem:s31+$0x180C] =	vst v4  }
0x21c: {  	v4 =	vld [tilespmem:s25+$0x7280];
	_ =	sdelay $0x4  }
0x21d: {  	[tilespmem:s31+$0x1A0D] =	vst v4  }
0x21e: {  	v4 =	vld [tilespmem:s25+$0x7300];
	_ =	sdelay $0x4  }
0x21f: {  	[tilespmem:s31+$0x1C0E] =	vst v4  }
.Ltmp4:
0x220: {  	v4 =	vld [tilespmem:s25+$0x7380];
	(pc) =	sbr.rel @p1 .LBB2_7-.Ltmp4, $3  }
0x221: {  	_ =	sdelay $0x1  }
0x222: {  	s3 =	sadd.s32 $0x80, s3  }
0x223: {  	s1 =	sadd.s32 $0x10, s1;
	s12 =	sand.u32 $0xC00, s3;
	s11 =	sand.u32 $0x70, s2  }
0x224: {  	s11 =	sor.u32 s11, s12;
	[tilespmem:s31+$0x1E0F] =	vst v4  }
0x225: {  	v4 =	vld [tilespmem:s11+$0x4000];
	_ =	sdelay $0x3  }
0x226: {  	s1 =	sadd.s32 $0x10, s31  }
0x227: {  	[tilespmem:s1+$0xFFFFDFF0] =	vst v4  }
0x228: {  	v4 =	vld [tilespmem:s11+$0x4080];
	_ =	sdelay $0x4  }
0x229: {  	[tilespmem:s1+$0xFFFFE1F1] =	vst v4  }
0x22a: {  	v4 =	vld [tilespmem:s11+$0x4100];
	_ =	sdelay $0x4  }
0x22b: {  	[tilespmem:s1+$0xFFFFE3F2] =	vst v4  }
0x22c: {  	v4 =	vld [tilespmem:s11+$0x4180];
	_ =	sdelay $0x4  }
0x22d: {  	[tilespmem:s1+$0xFFFFE5F3] =	vst v4  }
0x22e: {  	v4 =	vld [tilespmem:s11+$0x4200];
	_ =	sdelay $0x4  }
0x22f: {  	[tilespmem:s1+$0xFFFFE7F4] =	vst v4  }
0x230: {  	v4 =	vld [tilespmem:s11+$0x4280];
	_ =	sdelay $0x4  }
0x231: {  	[tilespmem:s1+$0xFFFFE9F5] =	vst v4  }
0x232: {  	v4 =	vld [tilespmem:s11+$0x4300];
	_ =	sdelay $0x3  }
0x233: {  	s2 =	sor.u32 s3, s2  }
0x234: {  	s2 =	sor.u32 $0x380, s2;
	[tilespmem:s1+$0xFFFFEBF6] =	vst v4  }
0x235: {  	v4 =	vld [tilespmem:s2+$0x4000];
	_ =	sdelay $0x4  }
0x236: {  	[tilespmem:s1+$0xFFFFEDF7] =	vst v4  }
0x237: {  	v4 =	vld [tilespmem:s11+$0x5000];
	_ =	sdelay $0x4  }
0x238: {  	[tilespmem:s1+$0xFFFFEFF8] =	vst v4  }
0x239: {  	v4 =	vld [tilespmem:s11+$0x5080];
	_ =	sdelay $0x4  }
0x23a: {  	[tilespmem:s1+$0xFFFFF1F9] =	vst v4  }
0x23b: {  	v4 =	vld [tilespmem:s11+$0x5100];
	_ =	sdelay $0x4  }
0x23c: {  	[tilespmem:s1+$0xFFFFF3FA] =	vst v4  }
0x23d: {  	v4 =	vld [tilespmem:s11+$0x5180];
	_ =	sdelay $0x4  }
0x23e: {  	[tilespmem:s1+$0xFFFFF5FB] =	vst v4  }
0x23f: {  	v4 =	vld [tilespmem:s11+$0x5200];
	_ =	sdelay $0x4  }
0x240: {  	[tilespmem:s1+$0xFFFFF7FC] =	vst v4  }
0x241: {  	v4 =	vld [tilespmem:s11+$0x5280];
	_ =	sdelay $0x4  }
0x242: {  	[tilespmem:s1+$0xFFFFF9FD] =	vst v4  }
0x243: {  	v4 =	vld [tilespmem:s11+$0x5300];
	_ =	sdelay $0x4  }
0x244: {  	[tilespmem:s1+$0xFFFFFBFE] =	vst v4  }
0x245: {  	v4 =	vld [tilespmem:s11+$0x5380];
	_ =	sdelay $0x4  }
0x246: {  	[tilespmem:s1+$0xFFFFFDFF] =	vst v4  }
0x247: {  	v4 =	vld [tilespmem:s11+$0x6000];
	_ =	sdelay $0x4  }
0x248: {  	[tilespmem:s1+$0x0] =	vst v4  }
0x249: {  	v4 =	vld [tilespmem:s11+$0x6080];
	_ =	sdelay $0x4  }
0x24a: {  	[tilespmem:s1+$0x201] =	vst v4  }
0x24b: {  	v4 =	vld [tilespmem:s11+$0x6100];
	_ =	sdelay $0x4  }
0x24c: {  	[tilespmem:s1+$0x402] =	vst v4  }
0x24d: {  	v4 =	vld [tilespmem:s11+$0x6180];
	_ =	sdelay $0x4  }
0x24e: {  	[tilespmem:s1+$0x603] =	vst v4  }
0x24f: {  	v4 =	vld [tilespmem:s11+$0x6200];
	_ =	sdelay $0x4  }
0x250: {  	[tilespmem:s1+$0x804] =	vst v4  }
0x251: {  	v4 =	vld [tilespmem:s11+$0x6280];
	_ =	sdelay $0x4  }
0x252: {  	[tilespmem:s1+$0xA05] =	vst v4  }
0x253: {  	v4 =	vld [tilespmem:s11+$0x6300];
	_ =	sdelay $0x4  }
0x254: {  	[tilespmem:s1+$0xC06] =	vst v4  }
0x255: {  	v4 =	vld [tilespmem:s11+$0x6380];
	_ =	sdelay $0x4  }
0x256: {  	[tilespmem:s1+$0xE07] =	vst v4  }
0x257: {  	v4 =	vld [tilespmem:s11+$0x7000];
	_ =	sdelay $0x4  }
0x258: {  	[tilespmem:s1+$0x1008] =	vst v4  }
0x259: {  	v4 =	vld [tilespmem:s11+$0x7080];
	_ =	sdelay $0x4  }
0x25a: {  	[tilespmem:s1+$0x1209] =	vst v4  }
0x25b: {  	v4 =	vld [tilespmem:s11+$0x7100];
	_ =	sdelay $0x4  }
0x25c: {  	[tilespmem:s1+$0x140A] =	vst v4  }
0x25d: {  	v4 =	vld [tilespmem:s11+$0x7180];
	_ =	sdelay $0x4  }
0x25e: {  	[tilespmem:s1+$0x160B] =	vst v4  }
0x25f: {  	v4 =	vld [tilespmem:s11+$0x7200];
	_ =	sdelay $0x4  }
0x260: {  	[tilespmem:s1+$0x180C] =	vst v4  }
0x261: {  	v4 =	vld [tilespmem:s11+$0x7280];
	_ =	sdelay $0x4  }
0x262: {  	[tilespmem:s1+$0x1A0D] =	vst v4  }
0x263: {  	v4 =	vld [tilespmem:s11+$0x7300];
	_ =	sdelay $0x4  }
0x264: {  	[tilespmem:s1+$0x1C0E] =	vst v4  }
0x265: {  	v4 =	vld [tilespmem:s11+$0x7380];
	s11 =	simm.s32 $0x0  }
0x266: {  	v5 =	vadd.s32 s11, v1  }
0x267: {  	v6 =	vadd.s32 s11, v2;
	_ =	sdelay $0x2  }
0x268: {  	[tilespmem:s1+$0x1E0F] =	vst v4  }
0x269: {  	v4 =	vld.idx.msk [tilespmem:v5+s19+$0x0], $0xffff  }
0x26a: {  	s12 =	simm.s32 $0x1;
	v5 =	vld.idx.msk [tilespmem:v6+s19+$0x0], $0xffff  }
0x26b: {  	v6 =	vadd.s32 s12, v1  }
0x26c: {  	v7 =	vadd.s32 s12, v2  }
0x26d: {  	s1 =	simm.s32 $0xC080  }
0x26e: {  	[tilespmem:s1+$0xFFFFFF80] =	vst v4  }
0x26f: {  	[tilespmem:s1+$0xFFFFFF90] =	vst v5  }
0x270: {  	v4 =	vld.idx.msk [tilespmem:v6+s19+$0x0], $0xffff  }
0x271: {  	s17 =	simm.s32 $0x2;
	v5 =	vld.idx.msk [tilespmem:v7+s19+$0x0], $0xffff  }
0x272: {  	v6 =	vadd.s32 s17, v1  }
0x273: {  	v7 =	vadd.s32 s17, v2  }
0x274: {  	s25 =	simm.s32 $0x20  }
0x275: {  	s2 =	sor.u32 $0x30, s25;
	[tilespmem:s1+$0xFFFFFFA0] =	vst v4  }
0x276: {  	[tilespmem:s2+$0xC000] =	vst v5  }
0x277: {  	v4 =	vld.idx.msk [tilespmem:v6+s19+$0x0], $0xffff  }
0x278: {  	s3 =	simm.s32 $0x3;
	v5 =	vld.idx.msk [tilespmem:v7+s19+$0x0], $0xffff  }
0x279: {  	v6 =	vadd.s32 s3, v1  }
0x27a: {  	v7 =	vadd.s32 s3, v2  }
0x27b: {  	s11 =	simm.s32 $0x40  }
0x27c: {  	s2 =	sor.u32 $0x50, s11;
	[tilespmem:s1+$0xFFFFFFC0] =	vst v4  }
0x27d: {  	[tilespmem:s2+$0xC000] =	vst v5  }
0x27e: {  	v4 =	vld.idx.msk [tilespmem:v6+s19+$0x0], $0xffff  }
0x27f: {  	s12 =	simm.s32 $0x4;
	v5 =	vld.idx.msk [tilespmem:v7+s19+$0x0], $0xffff  }
0x280: {  	v6 =	vadd.s32 s12, v1  }
0x281: {  	v7 =	vadd.s32 s12, v2  }
0x282: {  	s17 =	simm.s32 $0x60  }
0x283: {  	s2 =	sor.u32 $0x70, s17;
	[tilespmem:s1+$0xFFFFFFE0] =	vst v4  }
0x284: {  	[tilespmem:s2+$0xC000] =	vst v5  }
0x285: {  	v4 =	vld.idx.msk [tilespmem:v6+s19+$0x0], $0xffff  }
0x286: {  	s25 =	simm.s32 $0x5;
	v5 =	vld.idx.msk [tilespmem:v7+s19+$0x0], $0xffff  }
0x287: {  	v6 =	vadd.s32 s25, v1  }
0x288: {  	v7 =	vadd.s32 s25, v2;
	_ =	sdelay $0x1  }
0x289: {  	[tilespmem:s1+$0x0] =	vst v4  }
0x28a: {  	[tilespmem:s1+$0x10] =	vst v5  }
0x28b: {  	v4 =	vld.idx.msk [tilespmem:v6+s19+$0x0], $0xffff  }
0x28c: {  	s3 =	simm.s32 $0x6;
	v5 =	vld.idx.msk [tilespmem:v7+s19+$0x0], $0xffff  }
0x28d: {  	v6 =	vadd.s32 s3, v1  }
0x28e: {  	v7 =	vadd.s32 s3, v2  }
0x28f: {  	s11 =	simm.s32 $0xA0  }
0x290: {  	s2 =	sor.u32 $0x30, s11;
	[tilespmem:s1+$0x20] =	vst v4  }
0x291: {  	[tilespmem:s2+$0xC000] =	vst v5  }
0x292: {  	v4 =	vld.idx.msk [tilespmem:v6+s19+$0x0], $0xffff  }
0x293: {  	s12 =	simm.s32 $0x7;
	v5 =	vld.idx.msk [tilespmem:v7+s19+$0x0], $0xffff  }
0x294: {  	v6 =	vadd.s32 s12, v1  }
0x295: {  	v7 =	vadd.s32 s12, v2  }
0x296: {  	s17 =	simm.s32 $0xC0  }
0x297: {  	s2 =	sor.u32 $0x50, s17;
	[tilespmem:s1+$0x40] =	vst v4  }
0x298: {  	[tilespmem:s2+$0xC000] =	vst v5  }
0x299: {  	v4 =	vld.idx.msk [tilespmem:v6+s19+$0x0], $0xffff  }
0x29a: {  	s31 =	simm.s32 $0x17;
	s25 =	simm.s32 $0x8;
	s3 =	simm.s32 $0xE0;
	v5 =	vld.idx.msk [tilespmem:v7+s19+$0x0], $0xffff  }
0x29b: {  	s12 =	sor.u32 $0x70, s3;
	s2 =	simm.s32 $0xF;
	v7 =	vadd.s32 s25, v1;
	v6 =	vadd.s32 s25, v2;
	s25 =	simm.s32 $0xC080  }
.LBB2_9:
0x29c: {  	s3 =	sadd.s32 $0x100, s3  }
0x29d: {  	s1 =	sadd.s32 $0x100, s1;
	s11 =	smov.u32 s31;
	s17 =	sadd.s32 $0x8, s31  }
0x29e: {  	p1 =	sne.s32 s31, $0x1FF;
	[tilespmem:s25+$0x60] =	vst v4;
	s25 =	smov.u32 s1  }
0x29f: {  	[tilespmem:s12+$0xC000] =	vst v5  }
0x2a0: {  	v4 =	vld.idx.msk [tilespmem:v7+s19+$0x0], $0xffff  }
0x2a1: {  	v5 =	vld.idx.msk [tilespmem:v6+s19+$0x0], $0xffff  }
0x2a2: {  	s12 =	sadd.s32 $0xFFFFFFFA, s2  }
0x2a3: {  	v6 =	vadd.s32 s12, v1  }
0x2a4: {  	v7 =	vadd.s32 s12, v2;
	_ =	sdelay $0x1  }
0x2a5: {  	[tilespmem:s1+$0xFFFFFF80] =	vst v4  }
0x2a6: {  	[tilespmem:s1+$0xFFFFFF90] =	vst v5  }
0x2a7: {  	v4 =	vld.idx.msk [tilespmem:v6+s19+$0x0], $0xffff  }
0x2a8: {  	v5 =	vld.idx.msk [tilespmem:v7+s19+$0x0], $0xffff  }
0x2a9: {  	s12 =	sadd.s32 $0xFFFFFFFB, s2  }
0x2aa: {  	v6 =	vadd.s32 s12, v1  }
0x2ab: {  	s31 =	sadd.s32 $0xFFFFFF40, s3;
	v7 =	vadd.s32 s12, v2  }
0x2ac: {  	s12 =	sor.u32 $0x30, s31  }
0x2ad: {  	[tilespmem:s1+$0xFFFFFFA0] =	vst v4  }
0x2ae: {  	[tilespmem:s12+$0xC000] =	vst v5  }
0x2af: {  	v4 =	vld.idx.msk [tilespmem:v6+s19+$0x0], $0xffff  }
0x2b0: {  	v5 =	vld.idx.msk [tilespmem:v7+s19+$0x0], $0xffff  }
0x2b1: {  	s12 =	sadd.s32 $0xFFFFFFFC, s2  }
0x2b2: {  	v6 =	vadd.s32 s12, v1  }
0x2b3: {  	s31 =	sadd.s32 $0xFFFFFF60, s3;
	v7 =	vadd.s32 s12, v2  }
0x2b4: {  	s12 =	sor.u32 $0x50, s31  }
0x2b5: {  	[tilespmem:s1+$0xFFFFFFC0] =	vst v4  }
0x2b6: {  	[tilespmem:s12+$0xC000] =	vst v5  }
0x2b7: {  	v4 =	vld.idx.msk [tilespmem:v6+s19+$0x0], $0xffff  }
0x2b8: {  	v5 =	vld.idx.msk [tilespmem:v7+s19+$0x0], $0xffff  }
0x2b9: {  	s12 =	sadd.s32 $0xFFFFFFFD, s2  }
0x2ba: {  	v6 =	vadd.s32 s12, v1;
	v7 =	vadd.s32 s12, v2  }
0x2bb: {  	s12 =	sadd.s32 $0xFFFFFF80, s3  }
0x2bc: {  	s12 =	sor.u32 $0x70, s12  }
0x2bd: {  	[tilespmem:s1+$0xFFFFFFE0] =	vst v4  }
0x2be: {  	[tilespmem:s12+$0xC000] =	vst v5  }
0x2bf: {  	v4 =	vld.idx.msk [tilespmem:v6+s19+$0x0], $0xffff  }
0x2c0: {  	v5 =	vld.idx.msk [tilespmem:v7+s19+$0x0], $0xffff  }
0x2c1: {  	s12 =	sadd.s32 $0xFFFFFFFE, s2  }
0x2c2: {  	v6 =	vadd.s32 s12, v1  }
0x2c3: {  	v7 =	vadd.s32 s12, v2;
	_ =	sdelay $0x1  }
0x2c4: {  	[tilespmem:s1+$0x0] =	vst v4  }
0x2c5: {  	[tilespmem:s1+$0x10] =	vst v5  }
0x2c6: {  	v4 =	vld.idx.msk [tilespmem:v6+s19+$0x0], $0xffff  }
0x2c7: {  	v5 =	vld.idx.msk [tilespmem:v7+s19+$0x0], $0xffff  }
0x2c8: {  	s12 =	sadd.s32 $0xFFFFFFFF, s2  }
0x2c9: {  	s31 =	sadd.s32 $0xFFFFFFC0, s3;
	v6 =	vadd.s32 s12, v1  }
0x2ca: {  	s31 =	sor.u32 $0x30, s31;
	v7 =	vadd.s32 s12, v2;
	_ =	sdelay $0x1  }
0x2cb: {  	[tilespmem:s1+$0x20] =	vst v4  }
0x2cc: {  	[tilespmem:s31+$0xC000] =	vst v5  }
0x2cd: {  	v4 =	vld.idx.msk [tilespmem:v6+s19+$0x0], $0xffff  }
0x2ce: {  	v5 =	vld.idx.msk [tilespmem:v7+s19+$0x0], $0xffff;
	_ =	sdelay $0x1  }
0x2cf: {  	s12 =	sadd.s32 $0xFFFFFFE0, s3;
	v6 =	vadd.s32 s2, v1  }
0x2d0: {  	s12 =	sor.u32 $0x50, s12;
	v7 =	vadd.s32 s2, v2;
	s2 =	smov.u32 s11;
	_ =	sdelay $0x1  }
0x2d1: {  	[tilespmem:s1+$0x40] =	vst v4  }
0x2d2: {  	[tilespmem:s12+$0xC000] =	vst v5  }
.Ltmp5:
0x2d3: {  	v4 =	vld.idx.msk [tilespmem:v6+s19+$0x0], $0xffff;
	(pc) =	sbr.rel @p1 .LBB2_9-.Ltmp5, $4  }
0x2d4: {  	v5 =	vld.idx.msk [tilespmem:v7+s19+$0x0], $0xffff  }
0x2d5: {  	s11 =	sadd.s32 $0xFFFFFFF9, s2  }
0x2d6: {  	v6 =	vadd.s32 s11, v2;
	v7 =	vadd.s32 s11, v1  }
0x2d7: {  	s31 =	smov.u32 s17;
	s12 =	sor.u32 $0x70, s3  }
0x2d8: {  	_ =	sdelay $0x1  }
0x2d9: {  	[tilespmem:s25+$0x60] =	vst v4  }
0x2da: {  	[tilespmem:s12+$0xC000] =	vst v5  }
0x2db: {  	v4 =	vld.idx.msk [tilespmem:v7+s19+$0x0], $0xffff  }
0x2dc: {  	s11 =	sadd.s32 $0xFFFFFFFA, s2;
	v5 =	vld.idx.msk [tilespmem:v6+s19+$0x0], $0xffff  }
0x2dd: {  	v6 =	vadd.s32 s11, v1  }
0x2de: {  	v7 =	vadd.s32 s11, v2  }
0x2df: {  	s1 =	sadd.s32 $0x100, s1  }
0x2e0: {  	[tilespmem:s1+$0xFFFFFF80] =	vst v4  }
0x2e1: {  	[tilespmem:s1+$0xFFFFFF90] =	vst v5  }
0x2e2: {  	v4 =	vld.idx.msk [tilespmem:v6+s19+$0x0], $0xffff  }
0x2e3: {  	s31 =	sadd.s32 $0xFFFFFFFB, s2;
	v5 =	vld.idx.msk [tilespmem:v7+s19+$0x0], $0xffff  }
0x2e4: {  	v6 =	vadd.s32 s31, v1  }
0x2e5: {  	s3 =	sadd.s32 $0x100, s3;
	v7 =	vadd.s32 s31, v2  }
0x2e6: {  	s12 =	sadd.s32 $0xFFFFFF40, s3  }
0x2e7: {  	s11 =	sor.u32 $0x30, s12;
	[tilespmem:s1+$0xFFFFFFA0] =	vst v4  }
0x2e8: {  	[tilespmem:s11+$0xC000] =	vst v5  }
0x2e9: {  	v4 =	vld.idx.msk [tilespmem:v6+s19+$0x0], $0xffff  }
0x2ea: {  	s17 =	sadd.s32 $0xFFFFFFFC, s2;
	v5 =	vld.idx.msk [tilespmem:v7+s19+$0x0], $0xffff  }
0x2eb: {  	v6 =	vadd.s32 s17, v1  }
0x2ec: {  	v7 =	vadd.s32 s17, v2  }
0x2ed: {  	s25 =	sadd.s32 $0xFFFFFF60, s3  }
0x2ee: {  	s11 =	sor.u32 $0x50, s25;
	[tilespmem:s1+$0xFFFFFFC0] =	vst v4  }
0x2ef: {  	[tilespmem:s11+$0xC000] =	vst v5  }
0x2f0: {  	v4 =	vld.idx.msk [tilespmem:v6+s19+$0x0], $0xffff  }
0x2f1: {  	s31 =	sadd.s32 $0xFFFFFFFD, s2;
	v5 =	vld.idx.msk [tilespmem:v7+s19+$0x0], $0xffff  }
0x2f2: {  	v6 =	vadd.s32 s31, v1  }
0x2f3: {  	v7 =	vadd.s32 s31, v2  }
0x2f4: {  	s12 =	sadd.s32 $0xFFFFFF80, s3  }
0x2f5: {  	s11 =	sor.u32 $0x70, s12;
	[tilespmem:s1+$0xFFFFFFE0] =	vst v4  }
0x2f6: {  	[tilespmem:s11+$0xC000] =	vst v5  }
0x2f7: {  	v4 =	vld.idx.msk [tilespmem:v6+s19+$0x0], $0xffff  }
0x2f8: {  	s17 =	sadd.s32 $0xFFFFFFFE, s2;
	v5 =	vld.idx.msk [tilespmem:v7+s19+$0x0], $0xffff  }
0x2f9: {  	v6 =	vadd.s32 s17, v1  }
0x2fa: {  	v7 =	vadd.s32 s17, v2;
	_ =	sdelay $0x1  }
0x2fb: {  	[tilespmem:s1+$0x0] =	vst v4  }
0x2fc: {  	[tilespmem:s1+$0x10] =	vst v5  }
0x2fd: {  	v4 =	vld.idx.msk [tilespmem:v6+s19+$0x0], $0xffff  }
0x2fe: {  	s25 =	sadd.s32 $0xFFFFFFFF, s2;
	v5 =	vld.idx.msk [tilespmem:v7+s19+$0x0], $0xffff  }
0x2ff: {  	v6 =	vadd.s32 s25, v1  }
0x300: {  	v7 =	vadd.s32 s25, v2  }
0x301: {  	s31 =	sadd.s32 $0xFFFFFFC0, s3  }
0x302: {  	s11 =	sor.u32 $0x30, s31;
	[tilespmem:s1+$0x20] =	vst v4  }
0x303: {  	[tilespmem:s11+$0xC000] =	vst v5  }
0x304: {  	v4 =	vld.idx.msk [tilespmem:v6+s19+$0x0], $0xffff  }
0x305: {  	v5 =	vld.idx.msk [tilespmem:v7+s19+$0x0], $0xffff  }
0x306: {  	v6 =	vadd.s32 s2, v1  }
0x307: {  	v7 =	vadd.s32 s2, v2  }
0x308: {  	s12 =	sadd.s32 $0xFFFFFFE0, s3  }
0x309: {  	s2 =	sor.u32 $0x50, s12;
	[tilespmem:s1+$0x40] =	vst v4  }
0x30a: {  	[tilespmem:s2+$0xC000] =	vst v5  }
0x30b: {  	v4 =	vld.idx.msk [tilespmem:v6+s19+$0x0], $0xffff  }
0x30c: {  	v5 =	vld.idx.msk [tilespmem:v7+s19+$0x0], $0xffff;
	_ =	sdelay $0x3  }
0x30d: {  	s29 =	sadd.s32 $0x1, s29;
	s17 =	sor.u32 $0x70, s3;
	s25 =	sor.u32 s13, s30;
	[tilespmem:s1+$0x60] =	vst v4  }
0x30e: {  	s30 =	sshll.u32 s29, $0x6;
	s1 =	sadd.s32 s6, s25;
	[tilespmem:s17+$0xC000] =	vst v5  }
0x30f: {  	[hbm4b:s1+s4] =	stream.linear.scatter [tilespmem:s22], [sflag:$0x4], $0x4000, $0x38;
	[tilespmem:$0x16880] =	vst v63  }
0x310: {  	s1 =	sor.u32 s5, s30;
	_ =	swait.ge [sflag:s23], $0x4000  }
0x311: {  	s31 =	sshll.u32 s1, $0x9;
	s1 =	sor.u32 $0x20, s1;
	[sflag:s23] =	ssyncset.done $0x0  }
0x312: {  	s2 =	sadd.s32 s0, s31;
	p1 =	sgt.u32 s1, $0x7A0;
	[sflag:s23] =	ssyncadd.s32 $0xFFFFC000  }
0x313: {  	[tilespmem:s4], [sflag:$0x1] =	stream.strided.gather [hbm4b:s2+s15], $0x4000, s16, s15, $0x38;
	[tilespmem:$0x16880] =	vst v63  }
0x314: {  	s1 =	sshll.u32 @!p1 s1, $0x9;
	_ =	swait.ge [sflag:s24], $0x4000  }
0x315: {  	s3 =	simm.s32 @!p1 $0x7A1400;
	s11 =	simm.s32 @!p1 $0x4000;
	[sflag:s24] =	ssyncset.done $0x0  }
0x316: {  	s1 =	sadd.s32 @!p1 s0, s1;
	s2 =	simm.s32 @!p1 $0x1000;
	[sflag:s24] =	ssyncadd.s32 $0xFFFFC000  }
0x317: {  	[tilespmem:s11], [sflag:$0x2] =	stream.strided.gather @!p1 [hbm4b:s1+s2], $0x4000, s3, s2, $0x38;
	[tilespmem:$0x16880] =	vst v63  }
0x318: {  	p1 =	sne.s32 s29, $0x1E  }
.Ltmp6:
0x319: {  	_ = 	snop;
	(pc) =	sbr.rel @p1 .LBB2_2-.Ltmp6, $1  }
0x31a: {  	_ =	sdelay $0x3  }
0x31b: {  	_ =	swait.ge [sflag:s18], $0x4000;
	s2 =	simm.s32 $0x0  }
0x31c: {  	[sflag:s18] =	ssyncset.done $0x0;
	s1 =	sand.u32 $0x70, s2;
	s3 =	sand.u32 $0xC00, s2  }
0x31d: {  	[sflag:s18] =	ssyncadd.s32 $0xFFFFC000;
	s1 =	sor.u32 s1, s3  }
0x31e: {  	v4 =	vld [tilespmem:s1+$0x0];
	_ =	sdelay $0x3  }
0x31f: {  	s29 =	simm.s32 $0x12010  }
0x320: {  	[tilespmem:s29+$0xFFFFDFF0] =	vst v4  }
0x321: {  	v4 =	vld [tilespmem:s1+$0x80];
	_ =	sdelay $0x4  }
0x322: {  	[tilespmem:s29+$0xFFFFE1F1] =	vst v4  }
0x323: {  	v4 =	vld [tilespmem:s1+$0x100];
	_ =	sdelay $0x4  }
0x324: {  	[tilespmem:s29+$0xFFFFE3F2] =	vst v4  }
0x325: {  	v4 =	vld [tilespmem:s1+$0x180];
	_ =	sdelay $0x4  }
0x326: {  	[tilespmem:s29+$0xFFFFE5F3] =	vst v4  }
0x327: {  	v4 =	vld [tilespmem:s1+$0x200];
	_ =	sdelay $0x4  }
0x328: {  	[tilespmem:s29+$0xFFFFE7F4] =	vst v4  }
0x329: {  	v4 =	vld [tilespmem:s1+$0x280];
	_ =	sdelay $0x4  }
0x32a: {  	[tilespmem:s29+$0xFFFFE9F5] =	vst v4  }
0x32b: {  	v4 =	vld [tilespmem:s1+$0x300];
	_ =	sdelay $0x3  }
0x32c: {  	s2 =	sor.u32 s2, s2  }
0x32d: {  	s2 =	sor.u32 $0x380, s2;
	[tilespmem:s29+$0xFFFFEBF6] =	vst v4  }
0x32e: {  	v4 =	vld [tilespmem:s2+$0x0];
	_ =	sdelay $0x4  }
0x32f: {  	[tilespmem:s29+$0xFFFFEDF7] =	vst v4  }
0x330: {  	v4 =	vld [tilespmem:s1+$0x1000];
	_ =	sdelay $0x4  }
0x331: {  	[tilespmem:s29+$0xFFFFEFF8] =	vst v4  }
0x332: {  	v4 =	vld [tilespmem:s1+$0x1080];
	_ =	sdelay $0x4  }
0x333: {  	[tilespmem:s29+$0xFFFFF1F9] =	vst v4  }
0x334: {  	v4 =	vld [tilespmem:s1+$0x1100];
	_ =	sdelay $0x4  }
0x335: {  	[tilespmem:s29+$0xFFFFF3FA] =	vst v4  }
0x336: {  	v4 =	vld [tilespmem:s1+$0x1180];
	_ =	sdelay $0x4  }
0x337: {  	[tilespmem:s29+$0xFFFFF5FB] =	vst v4  }
0x338: {  	v4 =	vld [tilespmem:s1+$0x1200];
	_ =	sdelay $0x4  }
0x339: {  	[tilespmem:s29+$0xFFFFF7FC] =	vst v4  }
0x33a: {  	v4 =	vld [tilespmem:s1+$0x1280];
	_ =	sdelay $0x4  }
0x33b: {  	[tilespmem:s29+$0xFFFFF9FD] =	vst v4  }
0x33c: {  	v4 =	vld [tilespmem:s1+$0x1300];
	_ =	sdelay $0x4  }
0x33d: {  	[tilespmem:s29+$0xFFFFFBFE] =	vst v4  }
0x33e: {  	v4 =	vld [tilespmem:s1+$0x1380];
	_ =	sdelay $0x4  }
0x33f: {  	[tilespmem:s29+$0xFFFFFDFF] =	vst v4  }
0x340: {  	v4 =	vld [tilespmem:s1+$0x2000];
	_ =	sdelay $0x4  }
0x341: {  	[tilespmem:s29+$0x0] =	vst v4  }
0x342: {  	v4 =	vld [tilespmem:s1+$0x2080];
	_ =	sdelay $0x4  }
0x343: {  	[tilespmem:s29+$0x201] =	vst v4  }
0x344: {  	v4 =	vld [tilespmem:s1+$0x2100];
	_ =	sdelay $0x4  }
0x345: {  	[tilespmem:s29+$0x402] =	vst v4  }
0x346: {  	v4 =	vld [tilespmem:s1+$0x2180];
	_ =	sdelay $0x4  }
0x347: {  	[tilespmem:s29+$0x603] =	vst v4  }
0x348: {  	v4 =	vld [tilespmem:s1+$0x2200];
	_ =	sdelay $0x4  }
0x349: {  	[tilespmem:s29+$0x804] =	vst v4  }
0x34a: {  	v4 =	vld [tilespmem:s1+$0x2280];
	_ =	sdelay $0x4  }
0x34b: {  	[tilespmem:s29+$0xA05] =	vst v4  }
0x34c: {  	v4 =	vld [tilespmem:s1+$0x2300];
	_ =	sdelay $0x4  }
0x34d: {  	[tilespmem:s29+$0xC06] =	vst v4  }
0x34e: {  	v4 =	vld [tilespmem:s1+$0x2380];
	_ =	sdelay $0x4  }
0x34f: {  	[tilespmem:s29+$0xE07] =	vst v4  }
0x350: {  	v4 =	vld [tilespmem:s1+$0x3000];
	_ =	sdelay $0x4  }
0x351: {  	[tilespmem:s29+$0x1008] =	vst v4  }
0x352: {  	v4 =	vld [tilespmem:s1+$0x3080];
	_ =	sdelay $0x4  }
0x353: {  	[tilespmem:s29+$0x1209] =	vst v4  }
0x354: {  	v4 =	vld [tilespmem:s1+$0x3100];
	_ =	sdelay $0x4  }
0x355: {  	[tilespmem:s29+$0x140A] =	vst v4  }
0x356: {  	v4 =	vld [tilespmem:s1+$0x3180];
	_ =	sdelay $0x4  }
0x357: {  	[tilespmem:s29+$0x160B] =	vst v4  }
0x358: {  	v4 =	vld [tilespmem:s1+$0x3200];
	_ =	sdelay $0x4  }
0x359: {  	[tilespmem:s29+$0x180C] =	vst v4  }
0x35a: {  	v4 =	vld [tilespmem:s1+$0x3280];
	_ =	sdelay $0x4  }
0x35b: {  	[tilespmem:s29+$0x1A0D] =	vst v4  }
0x35c: {  	v4 =	vld [tilespmem:s1+$0x3300];
	_ =	sdelay $0x4  }
0x35d: {  	[tilespmem:s29+$0x1C0E] =	vst v4  }
0x35e: {  	v4 =	vld [tilespmem:s1+$0x3380];
	_ =	sdelay $0x2  }
0x35f: {  	s3 =	simm.s32 $0x80;
	s2 =	simm.s32 $0x10  }
0x360: {  	s12 =	sand.u32 $0xC00, s3;
	s11 =	sand.u32 $0x70, s2;
	s1 =	simm.s32 $0x20  }
.LBB2_12:
0x361: {  	p1 =	sne.s32 s1, $0x1F0;
	s25 =	sor.u32 s11, s12;
	[tilespmem:s29+$0x1E0F] =	vst v4  }
0x362: {  	v4 =	vld [tilespmem:s25+$0x0];
	_ =	sdelay $0x3  }
0x363: {  	s29 =	sadd.s32 $0x10, s29  }
0x364: {  	[tilespmem:s29+$0xFFFFDFF0] =	vst v4  }
0x365: {  	v4 =	vld [tilespmem:s25+$0x80];
	_ =	sdelay $0x4  }
0x366: {  	[tilespmem:s29+$0xFFFFE1F1] =	vst v4  }
0x367: {  	v4 =	vld [tilespmem:s25+$0x100];
	_ =	sdelay $0x4  }
0x368: {  	[tilespmem:s29+$0xFFFFE3F2] =	vst v4  }
0x369: {  	v4 =	vld [tilespmem:s25+$0x180];
	_ =	sdelay $0x4  }
0x36a: {  	[tilespmem:s29+$0xFFFFE5F3] =	vst v4  }
0x36b: {  	v4 =	vld [tilespmem:s25+$0x200];
	_ =	sdelay $0x4  }
0x36c: {  	[tilespmem:s29+$0xFFFFE7F4] =	vst v4  }
0x36d: {  	v4 =	vld [tilespmem:s25+$0x280];
	_ =	sdelay $0x4  }
0x36e: {  	[tilespmem:s29+$0xFFFFE9F5] =	vst v4  }
0x36f: {  	v4 =	vld [tilespmem:s25+$0x300];
	_ =	sdelay $0x3  }
0x370: {  	s11 =	sor.u32 s3, s2;
	s2 =	smov.u32 s1  }
0x371: {  	s11 =	sor.u32 $0x380, s11;
	[tilespmem:s29+$0xFFFFEBF6] =	vst v4  }
0x372: {  	v4 =	vld [tilespmem:s11+$0x0];
	_ =	sdelay $0x4  }
0x373: {  	[tilespmem:s29+$0xFFFFEDF7] =	vst v4  }
0x374: {  	v4 =	vld [tilespmem:s25+$0x1000];
	_ =	sdelay $0x4  }
0x375: {  	[tilespmem:s29+$0xFFFFEFF8] =	vst v4  }
0x376: {  	v4 =	vld [tilespmem:s25+$0x1080];
	_ =	sdelay $0x4  }
0x377: {  	[tilespmem:s29+$0xFFFFF1F9] =	vst v4  }
0x378: {  	v4 =	vld [tilespmem:s25+$0x1100];
	_ =	sdelay $0x4  }
0x379: {  	[tilespmem:s29+$0xFFFFF3FA] =	vst v4  }
0x37a: {  	v4 =	vld [tilespmem:s25+$0x1180];
	_ =	sdelay $0x4  }
0x37b: {  	[tilespmem:s29+$0xFFFFF5FB] =	vst v4  }
0x37c: {  	v4 =	vld [tilespmem:s25+$0x1200];
	_ =	sdelay $0x4  }
0x37d: {  	[tilespmem:s29+$0xFFFFF7FC] =	vst v4  }
0x37e: {  	v4 =	vld [tilespmem:s25+$0x1280];
	_ =	sdelay $0x4  }
0x37f: {  	[tilespmem:s29+$0xFFFFF9FD] =	vst v4  }
0x380: {  	v4 =	vld [tilespmem:s25+$0x1300];
	_ =	sdelay $0x4  }
0x381: {  	[tilespmem:s29+$0xFFFFFBFE] =	vst v4  }
0x382: {  	v4 =	vld [tilespmem:s25+$0x1380];
	_ =	sdelay $0x4  }
0x383: {  	[tilespmem:s29+$0xFFFFFDFF] =	vst v4  }
0x384: {  	v4 =	vld [tilespmem:s25+$0x2000];
	_ =	sdelay $0x4  }
0x385: {  	[tilespmem:s29+$0x0] =	vst v4  }
0x386: {  	v4 =	vld [tilespmem:s25+$0x2080];
	_ =	sdelay $0x4  }
0x387: {  	[tilespmem:s29+$0x201] =	vst v4  }
0x388: {  	v4 =	vld [tilespmem:s25+$0x2100];
	_ =	sdelay $0x4  }
0x389: {  	[tilespmem:s29+$0x402] =	vst v4  }
0x38a: {  	v4 =	vld [tilespmem:s25+$0x2180];
	_ =	sdelay $0x4  }
0x38b: {  	[tilespmem:s29+$0x603] =	vst v4  }
0x38c: {  	v4 =	vld [tilespmem:s25+$0x2200];
	_ =	sdelay $0x4  }
0x38d: {  	[tilespmem:s29+$0x804] =	vst v4  }
0x38e: {  	v4 =	vld [tilespmem:s25+$0x2280];
	_ =	sdelay $0x4  }
0x38f: {  	[tilespmem:s29+$0xA05] =	vst v4  }
0x390: {  	v4 =	vld [tilespmem:s25+$0x2300];
	_ =	sdelay $0x4  }
0x391: {  	[tilespmem:s29+$0xC06] =	vst v4  }
0x392: {  	v4 =	vld [tilespmem:s25+$0x2380];
	_ =	sdelay $0x4  }
0x393: {  	[tilespmem:s29+$0xE07] =	vst v4  }
0x394: {  	v4 =	vld [tilespmem:s25+$0x3000];
	_ =	sdelay $0x4  }
0x395: {  	[tilespmem:s29+$0x1008] =	vst v4  }
0x396: {  	v4 =	vld [tilespmem:s25+$0x3080];
	_ =	sdelay $0x4  }
0x397: {  	[tilespmem:s29+$0x1209] =	vst v4  }
0x398: {  	v4 =	vld [tilespmem:s25+$0x3100];
	_ =	sdelay $0x4  }
0x399: {  	[tilespmem:s29+$0x140A] =	vst v4  }
0x39a: {  	v4 =	vld [tilespmem:s25+$0x3180];
	_ =	sdelay $0x4  }
0x39b: {  	[tilespmem:s29+$0x160B] =	vst v4  }
0x39c: {  	v4 =	vld [tilespmem:s25+$0x3200];
	_ =	sdelay $0x4  }
0x39d: {  	[tilespmem:s29+$0x180C] =	vst v4  }
0x39e: {  	v4 =	vld [tilespmem:s25+$0x3280];
	_ =	sdelay $0x4  }
0x39f: {  	[tilespmem:s29+$0x1A0D] =	vst v4  }
0x3a0: {  	v4 =	vld [tilespmem:s25+$0x3300];
	_ =	sdelay $0x4  }
0x3a1: {  	[tilespmem:s29+$0x1C0E] =	vst v4  }
.Ltmp7:
0x3a2: {  	v4 =	vld [tilespmem:s25+$0x3380];
	(pc) =	sbr.rel @p1 .LBB2_12-.Ltmp7, $3  }
0x3a3: {  	_ =	sdelay $0x1  }
0x3a4: {  	s3 =	sadd.s32 $0x80, s3  }
0x3a5: {  	s1 =	sadd.s32 $0x10, s1;
	s12 =	sand.u32 $0xC00, s3;
	s11 =	sand.u32 $0x70, s2  }
0x3a6: {  	s11 =	sor.u32 s11, s12;
	[tilespmem:s29+$0x1E0F] =	vst v4  }
0x3a7: {  	v4 =	vld [tilespmem:s11+$0x0];
	_ =	sdelay $0x3  }
0x3a8: {  	s1 =	sadd.s32 $0x10, s29  }
0x3a9: {  	[tilespmem:s1+$0xFFFFDFF0] =	vst v4  }
0x3aa: {  	v4 =	vld [tilespmem:s11+$0x80];
	_ =	sdelay $0x4  }
0x3ab: {  	[tilespmem:s1+$0xFFFFE1F1] =	vst v4  }
0x3ac: {  	v4 =	vld [tilespmem:s11+$0x100];
	_ =	sdelay $0x4  }
0x3ad: {  	[tilespmem:s1+$0xFFFFE3F2] =	vst v4  }
0x3ae: {  	v4 =	vld [tilespmem:s11+$0x180];
	_ =	sdelay $0x4  }
0x3af: {  	[tilespmem:s1+$0xFFFFE5F3] =	vst v4  }
0x3b0: {  	v4 =	vld [tilespmem:s11+$0x200];
	_ =	sdelay $0x4  }
0x3b1: {  	[tilespmem:s1+$0xFFFFE7F4] =	vst v4  }
0x3b2: {  	v4 =	vld [tilespmem:s11+$0x280];
	_ =	sdelay $0x4  }
0x3b3: {  	[tilespmem:s1+$0xFFFFE9F5] =	vst v4  }
0x3b4: {  	v4 =	vld [tilespmem:s11+$0x300];
	_ =	sdelay $0x3  }
0x3b5: {  	s2 =	sor.u32 s3, s2  }
0x3b6: {  	s2 =	sor.u32 $0x380, s2;
	[tilespmem:s1+$0xFFFFEBF6] =	vst v4  }
0x3b7: {  	v4 =	vld [tilespmem:s2+$0x0];
	_ =	sdelay $0x4  }
0x3b8: {  	[tilespmem:s1+$0xFFFFEDF7] =	vst v4  }
0x3b9: {  	v4 =	vld [tilespmem:s11+$0x1000];
	_ =	sdelay $0x4  }
0x3ba: {  	[tilespmem:s1+$0xFFFFEFF8] =	vst v4  }
0x3bb: {  	v4 =	vld [tilespmem:s11+$0x1080];
	_ =	sdelay $0x4  }
0x3bc: {  	[tilespmem:s1+$0xFFFFF1F9] =	vst v4  }
0x3bd: {  	v4 =	vld [tilespmem:s11+$0x1100];
	_ =	sdelay $0x4  }
0x3be: {  	[tilespmem:s1+$0xFFFFF3FA] =	vst v4  }
0x3bf: {  	v4 =	vld [tilespmem:s11+$0x1180];
	_ =	sdelay $0x4  }
0x3c0: {  	[tilespmem:s1+$0xFFFFF5FB] =	vst v4  }
0x3c1: {  	v4 =	vld [tilespmem:s11+$0x1200];
	_ =	sdelay $0x4  }
0x3c2: {  	[tilespmem:s1+$0xFFFFF7FC] =	vst v4  }
0x3c3: {  	v4 =	vld [tilespmem:s11+$0x1280];
	_ =	sdelay $0x4  }
0x3c4: {  	[tilespmem:s1+$0xFFFFF9FD] =	vst v4  }
0x3c5: {  	v4 =	vld [tilespmem:s11+$0x1300];
	_ =	sdelay $0x4  }
0x3c6: {  	[tilespmem:s1+$0xFFFFFBFE] =	vst v4  }
0x3c7: {  	v4 =	vld [tilespmem:s11+$0x1380];
	_ =	sdelay $0x4  }
0x3c8: {  	[tilespmem:s1+$0xFFFFFDFF] =	vst v4  }
0x3c9: {  	v4 =	vld [tilespmem:s11+$0x2000];
	_ =	sdelay $0x4  }
0x3ca: {  	[tilespmem:s1+$0x0] =	vst v4  }
0x3cb: {  	v4 =	vld [tilespmem:s11+$0x2080];
	_ =	sdelay $0x4  }
0x3cc: {  	[tilespmem:s1+$0x201] =	vst v4  }
0x3cd: {  	v4 =	vld [tilespmem:s11+$0x2100];
	_ =	sdelay $0x4  }
0x3ce: {  	[tilespmem:s1+$0x402] =	vst v4  }
0x3cf: {  	v4 =	vld [tilespmem:s11+$0x2180];
	_ =	sdelay $0x4  }
0x3d0: {  	[tilespmem:s1+$0x603] =	vst v4  }
0x3d1: {  	v4 =	vld [tilespmem:s11+$0x2200];
	_ =	sdelay $0x4  }
0x3d2: {  	[tilespmem:s1+$0x804] =	vst v4  }
0x3d3: {  	v4 =	vld [tilespmem:s11+$0x2280];
	_ =	sdelay $0x4  }
0x3d4: {  	[tilespmem:s1+$0xA05] =	vst v4  }
0x3d5: {  	v4 =	vld [tilespmem:s11+$0x2300];
	_ =	sdelay $0x4  }
0x3d6: {  	[tilespmem:s1+$0xC06] =	vst v4  }
0x3d7: {  	v4 =	vld [tilespmem:s11+$0x2380];
	_ =	sdelay $0x4  }
0x3d8: {  	[tilespmem:s1+$0xE07] =	vst v4  }
0x3d9: {  	v4 =	vld [tilespmem:s11+$0x3000];
	_ =	sdelay $0x4  }
0x3da: {  	[tilespmem:s1+$0x1008] =	vst v4  }
0x3db: {  	v4 =	vld [tilespmem:s11+$0x3080];
	_ =	sdelay $0x4  }
0x3dc: {  	[tilespmem:s1+$0x1209] =	vst v4  }
0x3dd: {  	v4 =	vld [tilespmem:s11+$0x3100];
	_ =	sdelay $0x4  }
0x3de: {  	[tilespmem:s1+$0x140A] =	vst v4  }
0x3df: {  	v4 =	vld [tilespmem:s11+$0x3180];
	_ =	sdelay $0x4  }
0x3e0: {  	[tilespmem:s1+$0x160B] =	vst v4  }
0x3e1: {  	v4 =	vld [tilespmem:s11+$0x3200];
	_ =	sdelay $0x4  }
0x3e2: {  	[tilespmem:s1+$0x180C] =	vst v4  }
0x3e3: {  	v4 =	vld [tilespmem:s11+$0x3280];
	_ =	sdelay $0x4  }
0x3e4: {  	[tilespmem:s1+$0x1A0D] =	vst v4  }
0x3e5: {  	v4 =	vld [tilespmem:s11+$0x3300];
	_ =	sdelay $0x4  }
0x3e6: {  	[tilespmem:s1+$0x1C0E] =	vst v4  }
0x3e7: {  	s12 =	simm.s32 $0x0;
	v4 =	vld [tilespmem:s11+$0x3380]  }
0x3e8: {  	v5 =	vadd.s32 s12, v1  }
0x3e9: {  	v6 =	vadd.s32 s12, v2;
	_ =	sdelay $0x2  }
0x3ea: {  	[tilespmem:s1+$0x1E0F] =	vst v4  }
0x3eb: {  	v4 =	vld.idx.msk [tilespmem:v5+s19+$0x0], $0xffff  }
0x3ec: {  	s17 =	simm.s32 $0x1;
	v5 =	vld.idx.msk [tilespmem:v6+s19+$0x0], $0xffff  }
0x3ed: {  	v6 =	vadd.s32 s17, v1  }
0x3ee: {  	v7 =	vadd.s32 s17, v2  }
0x3ef: {  	s1 =	simm.s32 $0x8080  }
0x3f0: {  	[tilespmem:s1+$0xFFFFFF80] =	vst v4  }
0x3f1: {  	[tilespmem:s1+$0xFFFFFF90] =	vst v5  }
0x3f2: {  	v4 =	vld.idx.msk [tilespmem:v6+s19+$0x0], $0xffff  }
0x3f3: {  	s25 =	simm.s32 $0x2;
	v5 =	vld.idx.msk [tilespmem:v7+s19+$0x0], $0xffff  }
0x3f4: {  	v6 =	vadd.s32 s25, v1  }
0x3f5: {  	v7 =	vadd.s32 s25, v2  }
0x3f6: {  	s29 =	simm.s32 $0x20  }
0x3f7: {  	s2 =	sor.u32 $0x30, s29;
	[tilespmem:s1+$0xFFFFFFA0] =	vst v4  }
0x3f8: {  	[tilespmem:s2+$0x8000] =	vst v5  }
0x3f9: {  	v4 =	vld.idx.msk [tilespmem:v6+s19+$0x0], $0xffff  }
0x3fa: {  	s30 =	simm.s32 $0x3;
	v5 =	vld.idx.msk [tilespmem:v7+s19+$0x0], $0xffff  }
0x3fb: {  	v6 =	vadd.s32 s30, v1  }
0x3fc: {  	v7 =	vadd.s32 s30, v2  }
0x3fd: {  	s31 =	simm.s32 $0x40  }
0x3fe: {  	s2 =	sor.u32 $0x50, s31;
	[tilespmem:s1+$0xFFFFFFC0] =	vst v4  }
0x3ff: {  	[tilespmem:s2+$0x8000] =	vst v5  }
0x400: {  	v4 =	vld.idx.msk [tilespmem:v6+s19+$0x0], $0xffff  }
0x401: {  	s3 =	simm.s32 $0x4;
	v5 =	vld.idx.msk [tilespmem:v7+s19+$0x0], $0xffff  }
0x402: {  	v6 =	vadd.s32 s3, v1  }
0x403: {  	v7 =	vadd.s32 s3, v2  }
0x404: {  	s11 =	simm.s32 $0x60  }
0x405: {  	s2 =	sor.u32 $0x70, s11;
	[tilespmem:s1+$0xFFFFFFE0] =	vst v4  }
0x406: {  	[tilespmem:s2+$0x8000] =	vst v5  }
0x407: {  	v4 =	vld.idx.msk [tilespmem:v6+s19+$0x0], $0xffff  }
0x408: {  	s12 =	simm.s32 $0x5;
	v5 =	vld.idx.msk [tilespmem:v7+s19+$0x0], $0xffff  }
0x409: {  	v6 =	vadd.s32 s12, v1  }
0x40a: {  	v7 =	vadd.s32 s12, v2;
	_ =	sdelay $0x1  }
0x40b: {  	[tilespmem:s1+$0x0] =	vst v4  }
0x40c: {  	[tilespmem:s1+$0x10] =	vst v5  }
0x40d: {  	v4 =	vld.idx.msk [tilespmem:v6+s19+$0x0], $0xffff  }
0x40e: {  	s17 =	simm.s32 $0x6;
	v5 =	vld.idx.msk [tilespmem:v7+s19+$0x0], $0xffff  }
0x40f: {  	v6 =	vadd.s32 s17, v1  }
0x410: {  	v7 =	vadd.s32 s17, v2  }
0x411: {  	s25 =	simm.s32 $0xA0  }
0x412: {  	s2 =	sor.u32 $0x30, s25;
	[tilespmem:s1+$0x20] =	vst v4  }
0x413: {  	[tilespmem:s2+$0x8000] =	vst v5  }
0x414: {  	v4 =	vld.idx.msk [tilespmem:v6+s19+$0x0], $0xffff  }
0x415: {  	s29 =	simm.s32 $0x7;
	v5 =	vld.idx.msk [tilespmem:v7+s19+$0x0], $0xffff  }
0x416: {  	v6 =	vadd.s32 s29, v1  }
0x417: {  	v7 =	vadd.s32 s29, v2  }
0x418: {  	s30 =	simm.s32 $0xC0  }
0x419: {  	s2 =	sor.u32 $0x50, s30;
	[tilespmem:s1+$0x40] =	vst v4  }
0x41a: {  	[tilespmem:s2+$0x8000] =	vst v5  }
0x41b: {  	v4 =	vld.idx.msk [tilespmem:v6+s19+$0x0], $0xffff  }
0x41c: {  	s31 =	simm.s32 $0x8;
	s3 =	simm.s32 $0xE0;
	s25 =	simm.s32 $0x8080;
	v5 =	vld.idx.msk [tilespmem:v7+s19+$0x0], $0xffff  }
0x41d: {  	s12 =	sor.u32 $0x70, s3;
	s17 =	simm.s32 $0x17;
	s2 =	simm.s32 $0xF;
	v7 =	vadd.s32 s31, v1;
	v6 =	vadd.s32 s31, v2  }
.LBB2_14:
0x41e: {  	s3 =	sadd.s32 $0x100, s3  }
0x41f: {  	s1 =	sadd.s32 $0x100, s1;
	s11 =	smov.u32 s17;
	s29 =	sadd.s32 $0x8, s17  }
0x420: {  	p1 =	sne.s32 s17, $0x1FF;
	[tilespmem:s25+$0x60] =	vst v4;
	s25 =	smov.u32 s1  }
0x421: {  	[tilespmem:s12+$0x8000] =	vst v5  }
0x422: {  	v4 =	vld.idx.msk [tilespmem:v7+s19+$0x0], $0xffff  }
0x423: {  	v5 =	vld.idx.msk [tilespmem:v6+s19+$0x0], $0xffff  }
0x424: {  	s12 =	sadd.s32 $0xFFFFFFFA, s2  }
0x425: {  	v6 =	vadd.s32 s12, v1  }
0x426: {  	v7 =	vadd.s32 s12, v2;
	_ =	sdelay $0x1  }
0x427: {  	[tilespmem:s1+$0xFFFFFF80] =	vst v4  }
0x428: {  	[tilespmem:s1+$0xFFFFFF90] =	vst v5  }
0x429: {  	v4 =	vld.idx.msk [tilespmem:v6+s19+$0x0], $0xffff  }
0x42a: {  	v5 =	vld.idx.msk [tilespmem:v7+s19+$0x0], $0xffff  }
0x42b: {  	s12 =	sadd.s32 $0xFFFFFFFB, s2  }
0x42c: {  	v6 =	vadd.s32 s12, v1  }
0x42d: {  	s17 =	sadd.s32 $0xFFFFFF40, s3;
	v7 =	vadd.s32 s12, v2  }
0x42e: {  	s12 =	sor.u32 $0x30, s17  }
0x42f: {  	[tilespmem:s1+$0xFFFFFFA0] =	vst v4  }
0x430: {  	[tilespmem:s12+$0x8000] =	vst v5  }
0x431: {  	v4 =	vld.idx.msk [tilespmem:v6+s19+$0x0], $0xffff  }
0x432: {  	v5 =	vld.idx.msk [tilespmem:v7+s19+$0x0], $0xffff  }
0x433: {  	s12 =	sadd.s32 $0xFFFFFFFC, s2  }
0x434: {  	v6 =	vadd.s32 s12, v1  }
0x435: {  	s17 =	sadd.s32 $0xFFFFFF60, s3;
	v7 =	vadd.s32 s12, v2  }
0x436: {  	s12 =	sor.u32 $0x50, s17  }
0x437: {  	[tilespmem:s1+$0xFFFFFFC0] =	vst v4  }
0x438: {  	[tilespmem:s12+$0x8000] =	vst v5  }
0x439: {  	v4 =	vld.idx.msk [tilespmem:v6+s19+$0x0], $0xffff  }
0x43a: {  	v5 =	vld.idx.msk [tilespmem:v7+s19+$0x0], $0xffff  }
0x43b: {  	s12 =	sadd.s32 $0xFFFFFFFD, s2  }
0x43c: {  	v6 =	vadd.s32 s12, v1;
	v7 =	vadd.s32 s12, v2  }
0x43d: {  	s12 =	sadd.s32 $0xFFFFFF80, s3  }
0x43e: {  	s12 =	sor.u32 $0x70, s12  }
0x43f: {  	[tilespmem:s1+$0xFFFFFFE0] =	vst v4  }
0x440: {  	[tilespmem:s12+$0x8000] =	vst v5  }
0x441: {  	v4 =	vld.idx.msk [tilespmem:v6+s19+$0x0], $0xffff  }
0x442: {  	v5 =	vld.idx.msk [tilespmem:v7+s19+$0x0], $0xffff  }
0x443: {  	s12 =	sadd.s32 $0xFFFFFFFE, s2  }
0x444: {  	v6 =	vadd.s32 s12, v1  }
0x445: {  	v7 =	vadd.s32 s12, v2;
	_ =	sdelay $0x1  }
0x446: {  	[tilespmem:s1+$0x0] =	vst v4  }
0x447: {  	[tilespmem:s1+$0x10] =	vst v5  }
0x448: {  	v4 =	vld.idx.msk [tilespmem:v6+s19+$0x0], $0xffff  }
0x449: {  	v5 =	vld.idx.msk [tilespmem:v7+s19+$0x0], $0xffff  }
0x44a: {  	s12 =	sadd.s32 $0xFFFFFFFF, s2  }
0x44b: {  	s17 =	sadd.s32 $0xFFFFFFC0, s3;
	v6 =	vadd.s32 s12, v1  }
0x44c: {  	s17 =	sor.u32 $0x30, s17;
	v7 =	vadd.s32 s12, v2;
	_ =	sdelay $0x1  }
0x44d: {  	[tilespmem:s1+$0x20] =	vst v4  }
0x44e: {  	[tilespmem:s17+$0x8000] =	vst v5  }
0x44f: {  	v4 =	vld.idx.msk [tilespmem:v6+s19+$0x0], $0xffff  }
0x450: {  	v5 =	vld.idx.msk [tilespmem:v7+s19+$0x0], $0xffff;
	_ =	sdelay $0x1  }
0x451: {  	s12 =	sadd.s32 $0xFFFFFFE0, s3;
	v6 =	vadd.s32 s2, v1  }
0x452: {  	s12 =	sor.u32 $0x50, s12;
	v7 =	vadd.s32 s2, v2;
	s2 =	smov.u32 s11;
	_ =	sdelay $0x1  }
0x453: {  	[tilespmem:s1+$0x40] =	vst v4  }
0x454: {  	[tilespmem:s12+$0x8000] =	vst v5  }
.Ltmp8:
0x455: {  	v4 =	vld.idx.msk [tilespmem:v6+s19+$0x0], $0xffff;
	(pc) =	sbr.rel @p1 .LBB2_14-.Ltmp8, $4  }
0x456: {  	v5 =	vld.idx.msk [tilespmem:v7+s19+$0x0], $0xffff  }
0x457: {  	s11 =	sadd.s32 $0xFFFFFFF9, s2  }
0x458: {  	v6 =	vadd.s32 s11, v2;
	v7 =	vadd.s32 s11, v1  }
0x459: {  	s17 =	smov.u32 s29;
	s12 =	sor.u32 $0x70, s3  }
0x45a: {  	_ =	sdelay $0x1  }
0x45b: {  	[tilespmem:s25+$0x60] =	vst v4  }
0x45c: {  	[tilespmem:s12+$0x8000] =	vst v5  }
0x45d: {  	v4 =	vld.idx.msk [tilespmem:v7+s19+$0x0], $0xffff  }
0x45e: {  	s11 =	sadd.s32 $0xFFFFFFFA, s2;
	v5 =	vld.idx.msk [tilespmem:v6+s19+$0x0], $0xffff  }
0x45f: {  	v6 =	vadd.s32 s11, v1  }
0x460: {  	v7 =	vadd.s32 s11, v2  }
0x461: {  	s1 =	sadd.s32 $0x100, s1  }
0x462: {  	[tilespmem:s1+$0xFFFFFF80] =	vst v4  }
0x463: {  	[tilespmem:s1+$0xFFFFFF90] =	vst v5  }
0x464: {  	v4 =	vld.idx.msk [tilespmem:v6+s19+$0x0], $0xffff  }
0x465: {  	s17 =	sadd.s32 $0xFFFFFFFB, s2;
	v5 =	vld.idx.msk [tilespmem:v7+s19+$0x0], $0xffff  }
0x466: {  	v6 =	vadd.s32 s17, v1  }
0x467: {  	s3 =	sadd.s32 $0x100, s3;
	v7 =	vadd.s32 s17, v2  }
0x468: {  	s25 =	sadd.s32 $0xFFFFFF40, s3  }
0x469: {  	s11 =	sor.u32 $0x30, s25;
	[tilespmem:s1+$0xFFFFFFA0] =	vst v4  }
0x46a: {  	[tilespmem:s11+$0x8000] =	vst v5  }
0x46b: {  	v4 =	vld.idx.msk [tilespmem:v6+s19+$0x0], $0xffff  }
0x46c: {  	s29 =	sadd.s32 $0xFFFFFFFC, s2;
	v5 =	vld.idx.msk [tilespmem:v7+s19+$0x0], $0xffff  }
0x46d: {  	v6 =	vadd.s32 s29, v1  }
0x46e: {  	v7 =	vadd.s32 s29, v2  }
0x46f: {  	s30 =	sadd.s32 $0xFFFFFF60, s3  }
0x470: {  	s11 =	sor.u32 $0x50, s30;
	[tilespmem:s1+$0xFFFFFFC0] =	vst v4  }
0x471: {  	[tilespmem:s11+$0x8000] =	vst v5  }
0x472: {  	v4 =	vld.idx.msk [tilespmem:v6+s19+$0x0], $0xffff  }
0x473: {  	s31 =	sadd.s32 $0xFFFFFFFD, s2;
	v5 =	vld.idx.msk [tilespmem:v7+s19+$0x0], $0xffff  }
0x474: {  	v6 =	vadd.s32 s31, v1  }
0x475: {  	v7 =	vadd.s32 s31, v2  }
0x476: {  	s12 =	sadd.s32 $0xFFFFFF80, s3  }
0x477: {  	s11 =	sor.u32 $0x70, s12;
	[tilespmem:s1+$0xFFFFFFE0] =	vst v4  }
0x478: {  	[tilespmem:s11+$0x8000] =	vst v5  }
0x479: {  	v4 =	vld.idx.msk [tilespmem:v6+s19+$0x0], $0xffff  }
0x47a: {  	s17 =	sadd.s32 $0xFFFFFFFE, s2;
	v5 =	vld.idx.msk [tilespmem:v7+s19+$0x0], $0xffff  }
0x47b: {  	v6 =	vadd.s32 s17, v1  }
0x47c: {  	v7 =	vadd.s32 s17, v2;
	_ =	sdelay $0x1  }
0x47d: {  	[tilespmem:s1+$0x0] =	vst v4  }
0x47e: {  	[tilespmem:s1+$0x10] =	vst v5  }
0x47f: {  	v4 =	vld.idx.msk [tilespmem:v6+s19+$0x0], $0xffff  }
0x480: {  	s25 =	sadd.s32 $0xFFFFFFFF, s2;
	v5 =	vld.idx.msk [tilespmem:v7+s19+$0x0], $0xffff  }
0x481: {  	v6 =	vadd.s32 s25, v1  }
0x482: {  	v7 =	vadd.s32 s25, v2  }
0x483: {  	s29 =	sadd.s32 $0xFFFFFFC0, s3  }
0x484: {  	s11 =	sor.u32 $0x30, s29;
	[tilespmem:s1+$0x20] =	vst v4  }
0x485: {  	[tilespmem:s11+$0x8000] =	vst v5  }
0x486: {  	v4 =	vld.idx.msk [tilespmem:v6+s19+$0x0], $0xffff  }
0x487: {  	v5 =	vld.idx.msk [tilespmem:v7+s19+$0x0], $0xffff  }
0x488: {  	v6 =	vadd.s32 s2, v1  }
0x489: {  	v7 =	vadd.s32 s2, v2  }
0x48a: {  	s30 =	sadd.s32 $0xFFFFFFE0, s3  }
0x48b: {  	s2 =	sor.u32 $0x50, s30;
	[tilespmem:s1+$0x40] =	vst v4  }
0x48c: {  	[tilespmem:s2+$0x8000] =	vst v5  }
0x48d: {  	v4 =	vld.idx.msk [tilespmem:v6+s19+$0x0], $0xffff  }
0x48e: {  	v5 =	vld.idx.msk [tilespmem:v7+s19+$0x0], $0xffff;
	_ =	sdelay $0x1  }
.Ltmp9:
0x48f: {  	_ = 	snop;
	(pc) =	sbr.rel @p0 .LBB2_23-.Ltmp9, $4  }
0x490: {  	_ = 	snop  }
0x491: {  	s31 =	sor.u32 $0x70, s3;
	[tilespmem:s1+$0x60] =	vst v4  }
0x492: {  	[tilespmem:s31+$0x8000] =	vst v5  }
0x493: {  	[hbm4b:s10+s4] =	stream.linear.scatter [tilespmem:s20], [sflag:$0x3], $0x4000, $0x38;
	[tilespmem:$0x16880] =	vst v63  }
0x494: {  	_ =	swait.ge [sflag:s21], $0x4000;
	s2 =	simm.s32 $0x0  }
0x495: {  	[sflag:s21] =	ssyncset.done $0x0;
	s1 =	sand.u32 $0x70, s2;
	s3 =	sand.u32 $0xC00, s2  }
0x496: {  	[sflag:s21] =	ssyncadd.s32 $0xFFFFC000;
	s1 =	sor.u32 s1, s3  }
0x497: {  	v4 =	vld [tilespmem:s1+$0x4000];
	_ =	sdelay $0x3  }
0x498: {  	s29 =	simm.s32 $0x12010  }
0x499: {  	[tilespmem:s29+$0xFFFFDFF0] =	vst v4  }
0x49a: {  	v4 =	vld [tilespmem:s1+$0x4080];
	_ =	sdelay $0x4  }
0x49b: {  	[tilespmem:s29+$0xFFFFE1F1] =	vst v4  }
0x49c: {  	v4 =	vld [tilespmem:s1+$0x4100];
	_ =	sdelay $0x4  }
0x49d: {  	[tilespmem:s29+$0xFFFFE3F2] =	vst v4  }
0x49e: {  	v4 =	vld [tilespmem:s1+$0x4180];
	_ =	sdelay $0x4  }
0x49f: {  	[tilespmem:s29+$0xFFFFE5F3] =	vst v4  }
0x4a0: {  	v4 =	vld [tilespmem:s1+$0x4200];
	_ =	sdelay $0x4  }
0x4a1: {  	[tilespmem:s29+$0xFFFFE7F4] =	vst v4  }
0x4a2: {  	v4 =	vld [tilespmem:s1+$0x4280];
	_ =	sdelay $0x4  }
0x4a3: {  	[tilespmem:s29+$0xFFFFE9F5] =	vst v4  }
0x4a4: {  	v4 =	vld [tilespmem:s1+$0x4300];
	_ =	sdelay $0x3  }
0x4a5: {  	s2 =	sor.u32 s2, s2  }
0x4a6: {  	s2 =	sor.u32 $0x380, s2;
	[tilespmem:s29+$0xFFFFEBF6] =	vst v4  }
0x4a7: {  	v4 =	vld [tilespmem:s2+$0x4000];
	_ =	sdelay $0x4  }
0x4a8: {  	[tilespmem:s29+$0xFFFFEDF7] =	vst v4  }
0x4a9: {  	v4 =	vld [tilespmem:s1+$0x5000];
	_ =	sdelay $0x4  }
0x4aa: {  	[tilespmem:s29+$0xFFFFEFF8] =	vst v4  }
0x4ab: {  	v4 =	vld [tilespmem:s1+$0x5080];
	_ =	sdelay $0x4  }
0x4ac: {  	[tilespmem:s29+$0xFFFFF1F9] =	vst v4  }
0x4ad: {  	v4 =	vld [tilespmem:s1+$0x5100];
	_ =	sdelay $0x4  }
0x4ae: {  	[tilespmem:s29+$0xFFFFF3FA] =	vst v4  }
0x4af: {  	v4 =	vld [tilespmem:s1+$0x5180];
	_ =	sdelay $0x4  }
0x4b0: {  	[tilespmem:s29+$0xFFFFF5FB] =	vst v4  }
0x4b1: {  	v4 =	vld [tilespmem:s1+$0x5200];
	_ =	sdelay $0x4  }
0x4b2: {  	[tilespmem:s29+$0xFFFFF7FC] =	vst v4  }
0x4b3: {  	v4 =	vld [tilespmem:s1+$0x5280];
	_ =	sdelay $0x4  }
0x4b4: {  	[tilespmem:s29+$0xFFFFF9FD] =	vst v4  }
0x4b5: {  	v4 =	vld [tilespmem:s1+$0x5300];
	_ =	sdelay $0x4  }
0x4b6: {  	[tilespmem:s29+$0xFFFFFBFE] =	vst v4  }
0x4b7: {  	v4 =	vld [tilespmem:s1+$0x5380];
	_ =	sdelay $0x4  }
0x4b8: {  	[tilespmem:s29+$0xFFFFFDFF] =	vst v4  }
0x4b9: {  	v4 =	vld [tilespmem:s1+$0x6000];
	_ =	sdelay $0x4  }
0x4ba: {  	[tilespmem:s29+$0x0] =	vst v4  }
0x4bb: {  	v4 =	vld [tilespmem:s1+$0x6080];
	_ =	sdelay $0x4  }
0x4bc: {  	[tilespmem:s29+$0x201] =	vst v4  }
0x4bd: {  	v4 =	vld [tilespmem:s1+$0x6100];
	_ =	sdelay $0x4  }
0x4be: {  	[tilespmem:s29+$0x402] =	vst v4  }
0x4bf: {  	v4 =	vld [tilespmem:s1+$0x6180];
	_ =	sdelay $0x4  }
0x4c0: {  	[tilespmem:s29+$0x603] =	vst v4  }
0x4c1: {  	v4 =	vld [tilespmem:s1+$0x6200];
	_ =	sdelay $0x4  }
0x4c2: {  	[tilespmem:s29+$0x804] =	vst v4  }
0x4c3: {  	v4 =	vld [tilespmem:s1+$0x6280];
	_ =	sdelay $0x4  }
0x4c4: {  	[tilespmem:s29+$0xA05] =	vst v4  }
0x4c5: {  	v4 =	vld [tilespmem:s1+$0x6300];
	_ =	sdelay $0x4  }
0x4c6: {  	[tilespmem:s29+$0xC06] =	vst v4  }
0x4c7: {  	v4 =	vld [tilespmem:s1+$0x6380];
	_ =	sdelay $0x4  }
0x4c8: {  	[tilespmem:s29+$0xE07] =	vst v4  }
0x4c9: {  	v4 =	vld [tilespmem:s1+$0x7000];
	_ =	sdelay $0x4  }
0x4ca: {  	[tilespmem:s29+$0x1008] =	vst v4  }
0x4cb: {  	v4 =	vld [tilespmem:s1+$0x7080];
	_ =	sdelay $0x4  }
0x4cc: {  	[tilespmem:s29+$0x1209] =	vst v4  }
0x4cd: {  	v4 =	vld [tilespmem:s1+$0x7100];
	_ =	sdelay $0x4  }
0x4ce: {  	[tilespmem:s29+$0x140A] =	vst v4  }
0x4cf: {  	v4 =	vld [tilespmem:s1+$0x7180];
	_ =	sdelay $0x4  }
0x4d0: {  	[tilespmem:s29+$0x160B] =	vst v4  }
0x4d1: {  	v4 =	vld [tilespmem:s1+$0x7200];
	_ =	sdelay $0x4  }
0x4d2: {  	[tilespmem:s29+$0x180C] =	vst v4  }
0x4d3: {  	v4 =	vld [tilespmem:s1+$0x7280];
	_ =	sdelay $0x4  }
0x4d4: {  	[tilespmem:s29+$0x1A0D] =	vst v4  }
0x4d5: {  	v4 =	vld [tilespmem:s1+$0x7300];
	_ =	sdelay $0x4  }
0x4d6: {  	[tilespmem:s29+$0x1C0E] =	vst v4  }
0x4d7: {  	v4 =	vld [tilespmem:s1+$0x7380];
	_ =	sdelay $0x2  }
0x4d8: {  	s3 =	simm.s32 $0x80;
	s2 =	simm.s32 $0x10  }
0x4d9: {  	s12 =	sand.u32 $0xC00, s3;
	s11 =	sand.u32 $0x70, s2;
	s1 =	simm.s32 $0x20  }
.LBB2_17:
0x4da: {  	p1 =	sne.s32 s1, $0x1F0;
	s25 =	sor.u32 s11, s12;
	[tilespmem:s29+$0x1E0F] =	vst v4  }
0x4db: {  	v4 =	vld [tilespmem:s25+$0x4000];
	_ =	sdelay $0x3  }
0x4dc: {  	s29 =	sadd.s32 $0x10, s29  }
0x4dd: {  	[tilespmem:s29+$0xFFFFDFF0] =	vst v4  }
0x4de: {  	v4 =	vld [tilespmem:s25+$0x4080];
	_ =	sdelay $0x4  }
0x4df: {  	[tilespmem:s29+$0xFFFFE1F1] =	vst v4  }
0x4e0: {  	v4 =	vld [tilespmem:s25+$0x4100];
	_ =	sdelay $0x4  }
0x4e1: {  	[tilespmem:s29+$0xFFFFE3F2] =	vst v4  }
0x4e2: {  	v4 =	vld [tilespmem:s25+$0x4180];
	_ =	sdelay $0x4  }
0x4e3: {  	[tilespmem:s29+$0xFFFFE5F3] =	vst v4  }
0x4e4: {  	v4 =	vld [tilespmem:s25+$0x4200];
	_ =	sdelay $0x4  }
0x4e5: {  	[tilespmem:s29+$0xFFFFE7F4] =	vst v4  }
0x4e6: {  	v4 =	vld [tilespmem:s25+$0x4280];
	_ =	sdelay $0x4  }
0x4e7: {  	[tilespmem:s29+$0xFFFFE9F5] =	vst v4  }
0x4e8: {  	v4 =	vld [tilespmem:s25+$0x4300];
	_ =	sdelay $0x3  }
0x4e9: {  	s11 =	sor.u32 s3, s2;
	s2 =	smov.u32 s1  }
0x4ea: {  	s11 =	sor.u32 $0x380, s11;
	[tilespmem:s29+$0xFFFFEBF6] =	vst v4  }
0x4eb: {  	v4 =	vld [tilespmem:s11+$0x4000];
	_ =	sdelay $0x4  }
0x4ec: {  	[tilespmem:s29+$0xFFFFEDF7] =	vst v4  }
0x4ed: {  	v4 =	vld [tilespmem:s25+$0x5000];
	_ =	sdelay $0x4  }
0x4ee: {  	[tilespmem:s29+$0xFFFFEFF8] =	vst v4  }
0x4ef: {  	v4 =	vld [tilespmem:s25+$0x5080];
	_ =	sdelay $0x4  }
0x4f0: {  	[tilespmem:s29+$0xFFFFF1F9] =	vst v4  }
0x4f1: {  	v4 =	vld [tilespmem:s25+$0x5100];
	_ =	sdelay $0x4  }
0x4f2: {  	[tilespmem:s29+$0xFFFFF3FA] =	vst v4  }
0x4f3: {  	v4 =	vld [tilespmem:s25+$0x5180];
	_ =	sdelay $0x4  }
0x4f4: {  	[tilespmem:s29+$0xFFFFF5FB] =	vst v4  }
0x4f5: {  	v4 =	vld [tilespmem:s25+$0x5200];
	_ =	sdelay $0x4  }
0x4f6: {  	[tilespmem:s29+$0xFFFFF7FC] =	vst v4  }
0x4f7: {  	v4 =	vld [tilespmem:s25+$0x5280];
	_ =	sdelay $0x4  }
0x4f8: {  	[tilespmem:s29+$0xFFFFF9FD] =	vst v4  }
0x4f9: {  	v4 =	vld [tilespmem:s25+$0x5300];
	_ =	sdelay $0x4  }
0x4fa: {  	[tilespmem:s29+$0xFFFFFBFE] =	vst v4  }
0x4fb: {  	v4 =	vld [tilespmem:s25+$0x5380];
	_ =	sdelay $0x4  }
0x4fc: {  	[tilespmem:s29+$0xFFFFFDFF] =	vst v4  }
0x4fd: {  	v4 =	vld [tilespmem:s25+$0x6000];
	_ =	sdelay $0x4  }
0x4fe: {  	[tilespmem:s29+$0x0] =	vst v4  }
0x4ff: {  	v4 =	vld [tilespmem:s25+$0x6080];
	_ =	sdelay $0x4  }
0x500: {  	[tilespmem:s29+$0x201] =	vst v4  }
0x501: {  	v4 =	vld [tilespmem:s25+$0x6100];
	_ =	sdelay $0x4  }
0x502: {  	[tilespmem:s29+$0x402] =	vst v4  }
0x503: {  	v4 =	vld [tilespmem:s25+$0x6180];
	_ =	sdelay $0x4  }
0x504: {  	[tilespmem:s29+$0x603] =	vst v4  }
0x505: {  	v4 =	vld [tilespmem:s25+$0x6200];
	_ =	sdelay $0x4  }
0x506: {  	[tilespmem:s29+$0x804] =	vst v4  }
0x507: {  	v4 =	vld [tilespmem:s25+$0x6280];
	_ =	sdelay $0x4  }
0x508: {  	[tilespmem:s29+$0xA05] =	vst v4  }
0x509: {  	v4 =	vld [tilespmem:s25+$0x6300];
	_ =	sdelay $0x4  }
0x50a: {  	[tilespmem:s29+$0xC06] =	vst v4  }
0x50b: {  	v4 =	vld [tilespmem:s25+$0x6380];
	_ =	sdelay $0x4  }
0x50c: {  	[tilespmem:s29+$0xE07] =	vst v4  }
0x50d: {  	v4 =	vld [tilespmem:s25+$0x7000];
	_ =	sdelay $0x4  }
0x50e: {  	[tilespmem:s29+$0x1008] =	vst v4  }
0x50f: {  	v4 =	vld [tilespmem:s25+$0x7080];
	_ =	sdelay $0x4  }
0x510: {  	[tilespmem:s29+$0x1209] =	vst v4  }
0x511: {  	v4 =	vld [tilespmem:s25+$0x7100];
	_ =	sdelay $0x4  }
0x512: {  	[tilespmem:s29+$0x140A] =	vst v4  }
0x513: {  	v4 =	vld [tilespmem:s25+$0x7180];
	_ =	sdelay $0x4  }
0x514: {  	[tilespmem:s29+$0x160B] =	vst v4  }
0x515: {  	v4 =	vld [tilespmem:s25+$0x7200];
	_ =	sdelay $0x4  }
0x516: {  	[tilespmem:s29+$0x180C] =	vst v4  }
0x517: {  	v4 =	vld [tilespmem:s25+$0x7280];
	_ =	sdelay $0x4  }
0x518: {  	[tilespmem:s29+$0x1A0D] =	vst v4  }
0x519: {  	v4 =	vld [tilespmem:s25+$0x7300];
	_ =	sdelay $0x4  }
0x51a: {  	[tilespmem:s29+$0x1C0E] =	vst v4  }
.Ltmp10:
0x51b: {  	v4 =	vld [tilespmem:s25+$0x7380];
	(pc) =	sbr.rel @p1 .LBB2_17-.Ltmp10, $3  }
0x51c: {  	_ =	sdelay $0x1  }
0x51d: {  	s3 =	sadd.s32 $0x80, s3  }
0x51e: {  	s1 =	sadd.s32 $0x10, s1;
	s12 =	sand.u32 $0xC00, s3;
	s11 =	sand.u32 $0x70, s2  }
0x51f: {  	s11 =	sor.u32 s11, s12;
	[tilespmem:s29+$0x1E0F] =	vst v4  }
0x520: {  	v4 =	vld [tilespmem:s11+$0x4000];
	_ =	sdelay $0x3  }
0x521: {  	s1 =	sadd.s32 $0x10, s29  }
0x522: {  	[tilespmem:s1+$0xFFFFDFF0] =	vst v4  }
0x523: {  	v4 =	vld [tilespmem:s11+$0x4080];
	_ =	sdelay $0x4  }
0x524: {  	[tilespmem:s1+$0xFFFFE1F1] =	vst v4  }
0x525: {  	v4 =	vld [tilespmem:s11+$0x4100];
	_ =	sdelay $0x4  }
0x526: {  	[tilespmem:s1+$0xFFFFE3F2] =	vst v4  }
0x527: {  	v4 =	vld [tilespmem:s11+$0x4180];
	_ =	sdelay $0x4  }
0x528: {  	[tilespmem:s1+$0xFFFFE5F3] =	vst v4  }
0x529: {  	v4 =	vld [tilespmem:s11+$0x4200];
	_ =	sdelay $0x4  }
0x52a: {  	[tilespmem:s1+$0xFFFFE7F4] =	vst v4  }
0x52b: {  	v4 =	vld [tilespmem:s11+$0x4280];
	_ =	sdelay $0x4  }
0x52c: {  	[tilespmem:s1+$0xFFFFE9F5] =	vst v4  }
0x52d: {  	v4 =	vld [tilespmem:s11+$0x4300];
	_ =	sdelay $0x3  }
0x52e: {  	s2 =	sor.u32 s3, s2  }
0x52f: {  	s2 =	sor.u32 $0x380, s2;
	[tilespmem:s1+$0xFFFFEBF6] =	vst v4  }
0x530: {  	v4 =	vld [tilespmem:s2+$0x4000];
	_ =	sdelay $0x4  }
0x531: {  	[tilespmem:s1+$0xFFFFEDF7] =	vst v4  }
0x532: {  	v4 =	vld [tilespmem:s11+$0x5000];
	_ =	sdelay $0x4  }
0x533: {  	[tilespmem:s1+$0xFFFFEFF8] =	vst v4  }
0x534: {  	v4 =	vld [tilespmem:s11+$0x5080];
	_ =	sdelay $0x4  }
0x535: {  	[tilespmem:s1+$0xFFFFF1F9] =	vst v4  }
0x536: {  	v4 =	vld [tilespmem:s11+$0x5100];
	_ =	sdelay $0x4  }
0x537: {  	[tilespmem:s1+$0xFFFFF3FA] =	vst v4  }
0x538: {  	v4 =	vld [tilespmem:s11+$0x5180];
	_ =	sdelay $0x4  }
0x539: {  	[tilespmem:s1+$0xFFFFF5FB] =	vst v4  }
0x53a: {  	v4 =	vld [tilespmem:s11+$0x5200];
	_ =	sdelay $0x4  }
0x53b: {  	[tilespmem:s1+$0xFFFFF7FC] =	vst v4  }
0x53c: {  	v4 =	vld [tilespmem:s11+$0x5280];
	_ =	sdelay $0x4  }
0x53d: {  	[tilespmem:s1+$0xFFFFF9FD] =	vst v4  }
0x53e: {  	v4 =	vld [tilespmem:s11+$0x5300];
	_ =	sdelay $0x4  }
0x53f: {  	[tilespmem:s1+$0xFFFFFBFE] =	vst v4  }
0x540: {  	v4 =	vld [tilespmem:s11+$0x5380];
	_ =	sdelay $0x4  }
0x541: {  	[tilespmem:s1+$0xFFFFFDFF] =	vst v4  }
0x542: {  	v4 =	vld [tilespmem:s11+$0x6000];
	_ =	sdelay $0x4  }
0x543: {  	[tilespmem:s1+$0x0] =	vst v4  }
0x544: {  	v4 =	vld [tilespmem:s11+$0x6080];
	_ =	sdelay $0x4  }
0x545: {  	[tilespmem:s1+$0x201] =	vst v4  }
0x546: {  	v4 =	vld [tilespmem:s11+$0x6100];
	_ =	sdelay $0x4  }
0x547: {  	[tilespmem:s1+$0x402] =	vst v4  }
0x548: {  	v4 =	vld [tilespmem:s11+$0x6180];
	_ =	sdelay $0x4  }
0x549: {  	[tilespmem:s1+$0x603] =	vst v4  }
0x54a: {  	v4 =	vld [tilespmem:s11+$0x6200];
	_ =	sdelay $0x4  }
0x54b: {  	[tilespmem:s1+$0x804] =	vst v4  }
0x54c: {  	v4 =	vld [tilespmem:s11+$0x6280];
	_ =	sdelay $0x4  }
0x54d: {  	[tilespmem:s1+$0xA05] =	vst v4  }
0x54e: {  	v4 =	vld [tilespmem:s11+$0x6300];
	_ =	sdelay $0x4  }
0x54f: {  	[tilespmem:s1+$0xC06] =	vst v4  }
0x550: {  	v4 =	vld [tilespmem:s11+$0x6380];
	_ =	sdelay $0x4  }
0x551: {  	[tilespmem:s1+$0xE07] =	vst v4  }
0x552: {  	v4 =	vld [tilespmem:s11+$0x7000];
	_ =	sdelay $0x4  }
0x553: {  	[tilespmem:s1+$0x1008] =	vst v4  }
0x554: {  	v4 =	vld [tilespmem:s11+$0x7080];
	_ =	sdelay $0x4  }
0x555: {  	[tilespmem:s1+$0x1209] =	vst v4  }
0x556: {  	v4 =	vld [tilespmem:s11+$0x7100];
	_ =	sdelay $0x4  }
0x557: {  	[tilespmem:s1+$0x140A] =	vst v4  }
0x558: {  	v4 =	vld [tilespmem:s11+$0x7180];
	_ =	sdelay $0x4  }
0x559: {  	[tilespmem:s1+$0x160B] =	vst v4  }
0x55a: {  	v4 =	vld [tilespmem:s11+$0x7200];
	_ =	sdelay $0x4  }
0x55b: {  	[tilespmem:s1+$0x180C] =	vst v4  }
0x55c: {  	v4 =	vld [tilespmem:s11+$0x7280];
	_ =	sdelay $0x4  }
0x55d: {  	[tilespmem:s1+$0x1A0D] =	vst v4  }
0x55e: {  	v4 =	vld [tilespmem:s11+$0x7300];
	_ =	sdelay $0x4  }
0x55f: {  	[tilespmem:s1+$0x1C0E] =	vst v4  }
0x560: {  	s12 =	simm.s32 $0x0;
	v4 =	vld [tilespmem:s11+$0x7380]  }
0x561: {  	v5 =	vadd.s32 s12, v1  }
0x562: {  	v6 =	vadd.s32 s12, v2;
	_ =	sdelay $0x2  }
0x563: {  	[tilespmem:s1+$0x1E0F] =	vst v4  }
0x564: {  	v4 =	vld.idx.msk [tilespmem:v5+s19+$0x0], $0xffff  }
0x565: {  	s17 =	simm.s32 $0x1;
	v5 =	vld.idx.msk [tilespmem:v6+s19+$0x0], $0xffff  }
0x566: {  	v6 =	vadd.s32 s17, v1  }
0x567: {  	v7 =	vadd.s32 s17, v2  }
0x568: {  	s1 =	simm.s32 $0xC080  }
0x569: {  	[tilespmem:s1+$0xFFFFFF80] =	vst v4  }
0x56a: {  	[tilespmem:s1+$0xFFFFFF90] =	vst v5  }
0x56b: {  	v4 =	vld.idx.msk [tilespmem:v6+s19+$0x0], $0xffff  }
0x56c: {  	s25 =	simm.s32 $0x2;
	v5 =	vld.idx.msk [tilespmem:v7+s19+$0x0], $0xffff  }
0x56d: {  	v6 =	vadd.s32 s25, v1  }
0x56e: {  	v7 =	vadd.s32 s25, v2  }
0x56f: {  	s29 =	simm.s32 $0x20  }
0x570: {  	s2 =	sor.u32 $0x30, s29;
	[tilespmem:s1+$0xFFFFFFA0] =	vst v4  }
0x571: {  	[tilespmem:s2+$0xC000] =	vst v5  }
0x572: {  	v4 =	vld.idx.msk [tilespmem:v6+s19+$0x0], $0xffff  }
0x573: {  	s30 =	simm.s32 $0x3;
	v5 =	vld.idx.msk [tilespmem:v7+s19+$0x0], $0xffff  }
0x574: {  	v6 =	vadd.s32 s30, v1  }
0x575: {  	v7 =	vadd.s32 s30, v2  }
0x576: {  	s31 =	simm.s32 $0x40  }
0x577: {  	s2 =	sor.u32 $0x50, s31;
	[tilespmem:s1+$0xFFFFFFC0] =	vst v4  }
0x578: {  	[tilespmem:s2+$0xC000] =	vst v5  }
0x579: {  	v4 =	vld.idx.msk [tilespmem:v6+s19+$0x0], $0xffff  }
0x57a: {  	s3 =	simm.s32 $0x4;
	v5 =	vld.idx.msk [tilespmem:v7+s19+$0x0], $0xffff  }
0x57b: {  	v6 =	vadd.s32 s3, v1  }
0x57c: {  	v7 =	vadd.s32 s3, v2  }
0x57d: {  	s11 =	simm.s32 $0x60  }
0x57e: {  	s2 =	sor.u32 $0x70, s11;
	[tilespmem:s1+$0xFFFFFFE0] =	vst v4  }
0x57f: {  	[tilespmem:s2+$0xC000] =	vst v5  }
0x580: {  	v4 =	vld.idx.msk [tilespmem:v6+s19+$0x0], $0xffff  }
0x581: {  	s12 =	simm.s32 $0x5;
	v5 =	vld.idx.msk [tilespmem:v7+s19+$0x0], $0xffff  }
0x582: {  	v6 =	vadd.s32 s12, v1  }
0x583: {  	v7 =	vadd.s32 s12, v2;
	_ =	sdelay $0x1  }
0x584: {  	[tilespmem:s1+$0x0] =	vst v4  }
0x585: {  	[tilespmem:s1+$0x10] =	vst v5  }
0x586: {  	v4 =	vld.idx.msk [tilespmem:v6+s19+$0x0], $0xffff  }
0x587: {  	s17 =	simm.s32 $0x6;
	v5 =	vld.idx.msk [tilespmem:v7+s19+$0x0], $0xffff  }
0x588: {  	v6 =	vadd.s32 s17, v1  }
0x589: {  	v7 =	vadd.s32 s17, v2  }
0x58a: {  	s25 =	simm.s32 $0xA0  }
0x58b: {  	s2 =	sor.u32 $0x30, s25;
	[tilespmem:s1+$0x20] =	vst v4  }
0x58c: {  	[tilespmem:s2+$0xC000] =	vst v5  }
0x58d: {  	v4 =	vld.idx.msk [tilespmem:v6+s19+$0x0], $0xffff  }
0x58e: {  	s29 =	simm.s32 $0x7;
	v5 =	vld.idx.msk [tilespmem:v7+s19+$0x0], $0xffff  }
0x58f: {  	v6 =	vadd.s32 s29, v1  }
0x590: {  	v7 =	vadd.s32 s29, v2  }
0x591: {  	s30 =	simm.s32 $0xC0  }
0x592: {  	s2 =	sor.u32 $0x50, s30;
	[tilespmem:s1+$0x40] =	vst v4  }
0x593: {  	[tilespmem:s2+$0xC000] =	vst v5  }
0x594: {  	v4 =	vld.idx.msk [tilespmem:v6+s19+$0x0], $0xffff  }
0x595: {  	s31 =	simm.s32 $0x8;
	s3 =	simm.s32 $0xE0;
	s25 =	simm.s32 $0xC080;
	v5 =	vld.idx.msk [tilespmem:v7+s19+$0x0], $0xffff  }
0x596: {  	s12 =	sor.u32 $0x70, s3;
	s17 =	simm.s32 $0x17;
	s2 =	simm.s32 $0xF;
	v7 =	vadd.s32 s31, v1;
	v6 =	vadd.s32 s31, v2  }
.LBB2_19:
0x597: {  	s3 =	sadd.s32 $0x100, s3  }
0x598: {  	s1 =	sadd.s32 $0x100, s1;
	s11 =	smov.u32 s17;
	s29 =	sadd.s32 $0x8, s17  }
0x599: {  	p1 =	seq.s32 s17, $0x1FF;
	[tilespmem:s25+$0x60] =	vst v4;
	s25 =	smov.u32 s1  }
0x59a: {  	[tilespmem:s12+$0xC000] =	vst v5  }
0x59b: {  	v4 =	vld.idx.msk [tilespmem:v7+s19+$0x0], $0xffff  }
0x59c: {  	v5 =	vld.idx.msk [tilespmem:v6+s19+$0x0], $0xffff  }
0x59d: {  	s12 =	sadd.s32 $0xFFFFFFFA, s2  }
0x59e: {  	v6 =	vadd.s32 s12, v1  }
0x59f: {  	v7 =	vadd.s32 s12, v2;
	_ =	sdelay $0x1  }
0x5a0: {  	[tilespmem:s1+$0xFFFFFF80] =	vst v4  }
0x5a1: {  	[tilespmem:s1+$0xFFFFFF90] =	vst v5  }
0x5a2: {  	v4 =	vld.idx.msk [tilespmem:v6+s19+$0x0], $0xffff  }
0x5a3: {  	v5 =	vld.idx.msk [tilespmem:v7+s19+$0x0], $0xffff  }
0x5a4: {  	s12 =	sadd.s32 $0xFFFFFFFB, s2  }
0x5a5: {  	v6 =	vadd.s32 s12, v1  }
0x5a6: {  	s17 =	sadd.s32 $0xFFFFFF40, s3;
	v7 =	vadd.s32 s12, v2  }
0x5a7: {  	s12 =	sor.u32 $0x30, s17  }
0x5a8: {  	[tilespmem:s1+$0xFFFFFFA0] =	vst v4  }
0x5a9: {  	[tilespmem:s12+$0xC000] =	vst v5  }
0x5aa: {  	v4 =	vld.idx.msk [tilespmem:v6+s19+$0x0], $0xffff  }
0x5ab: {  	v5 =	vld.idx.msk [tilespmem:v7+s19+$0x0], $0xffff  }
0x5ac: {  	s12 =	sadd.s32 $0xFFFFFFFC, s2  }
0x5ad: {  	v6 =	vadd.s32 s12, v1  }
0x5ae: {  	s17 =	sadd.s32 $0xFFFFFF60, s3;
	v7 =	vadd.s32 s12, v2  }
0x5af: {  	s12 =	sor.u32 $0x50, s17  }
0x5b0: {  	[tilespmem:s1+$0xFFFFFFC0] =	vst v4  }
0x5b1: {  	[tilespmem:s12+$0xC000] =	vst v5  }
0x5b2: {  	v4 =	vld.idx.msk [tilespmem:v6+s19+$0x0], $0xffff  }
0x5b3: {  	v5 =	vld.idx.msk [tilespmem:v7+s19+$0x0], $0xffff  }
0x5b4: {  	s12 =	sadd.s32 $0xFFFFFFFD, s2  }
0x5b5: {  	v6 =	vadd.s32 s12, v1;
	v7 =	vadd.s32 s12, v2  }
0x5b6: {  	s12 =	sadd.s32 $0xFFFFFF80, s3  }
0x5b7: {  	s12 =	sor.u32 $0x70, s12  }
0x5b8: {  	[tilespmem:s1+$0xFFFFFFE0] =	vst v4  }
0x5b9: {  	[tilespmem:s12+$0xC000] =	vst v5  }
0x5ba: {  	v4 =	vld.idx.msk [tilespmem:v6+s19+$0x0], $0xffff  }
0x5bb: {  	v5 =	vld.idx.msk [tilespmem:v7+s19+$0x0], $0xffff  }
0x5bc: {  	s12 =	sadd.s32 $0xFFFFFFFE, s2  }
0x5bd: {  	v6 =	vadd.s32 s12, v1  }
0x5be: {  	v7 =	vadd.s32 s12, v2;
	_ =	sdelay $0x1  }
0x5bf: {  	[tilespmem:s1+$0x0] =	vst v4  }
0x5c0: {  	[tilespmem:s1+$0x10] =	vst v5  }
0x5c1: {  	v4 =	vld.idx.msk [tilespmem:v6+s19+$0x0], $0xffff  }
0x5c2: {  	v5 =	vld.idx.msk [tilespmem:v7+s19+$0x0], $0xffff  }
0x5c3: {  	s12 =	sadd.s32 $0xFFFFFFFF, s2  }
0x5c4: {  	s17 =	sadd.s32 $0xFFFFFFC0, s3;
	v6 =	vadd.s32 s12, v1  }
0x5c5: {  	s17 =	sor.u32 $0x30, s17;
	v7 =	vadd.s32 s12, v2;
	_ =	sdelay $0x1  }
0x5c6: {  	[tilespmem:s1+$0x20] =	vst v4  }
0x5c7: {  	[tilespmem:s17+$0xC000] =	vst v5  }
0x5c8: {  	v4 =	vld.idx.msk [tilespmem:v6+s19+$0x0], $0xffff  }
0x5c9: {  	v5 =	vld.idx.msk [tilespmem:v7+s19+$0x0], $0xffff;
	_ =	sdelay $0x1  }
0x5ca: {  	s12 =	sadd.s32 $0xFFFFFFE0, s3;
	v6 =	vadd.s32 s2, v1  }
0x5cb: {  	s12 =	sor.u32 $0x50, s12;
	v7 =	vadd.s32 s2, v2;
	s2 =	smov.u32 s11;
	_ =	sdelay $0x1  }
0x5cc: {  	[tilespmem:s1+$0x40] =	vst v4  }
0x5cd: {  	[tilespmem:s12+$0xC000] =	vst v5  }
.Ltmp11:
0x5ce: {  	v4 =	vld.idx.msk [tilespmem:v6+s19+$0x0], $0xffff;
	(pc) =	sbr.rel @!p1 .LBB2_19-.Ltmp11, $4  }
0x5cf: {  	v5 =	vld.idx.msk [tilespmem:v7+s19+$0x0], $0xffff  }
0x5d0: {  	s11 =	sadd.s32 $0xFFFFFFF9, s2  }
0x5d1: {  	v6 =	vadd.s32 s11, v2;
	v7 =	vadd.s32 s11, v1  }
0x5d2: {  	s17 =	smov.u32 s29;
	s12 =	sor.u32 $0x70, s3  }
0x5d3: {  	_ =	sdelay $0x1  }
0x5d4: {  	[tilespmem:s25+$0x60] =	vst v4  }
0x5d5: {  	[tilespmem:s12+$0xC000] =	vst v5  }
0x5d6: {  	v4 =	vld.idx.msk [tilespmem:v7+s19+$0x0], $0xffff  }
0x5d7: {  	s11 =	sadd.s32 $0xFFFFFFFA, s2;
	v5 =	vld.idx.msk [tilespmem:v6+s19+$0x0], $0xffff  }
0x5d8: {  	v6 =	vadd.s32 s11, v1  }
0x5d9: {  	v7 =	vadd.s32 s11, v2  }
0x5da: {  	s1 =	sadd.s32 $0x100, s1  }
0x5db: {  	[tilespmem:s1+$0xFFFFFF80] =	vst v4  }
0x5dc: {  	[tilespmem:s1+$0xFFFFFF90] =	vst v5  }
0x5dd: {  	v4 =	vld.idx.msk [tilespmem:v6+s19+$0x0], $0xffff  }
0x5de: {  	s29 =	sadd.s32 $0xFFFFFFFB, s2;
	v5 =	vld.idx.msk [tilespmem:v7+s19+$0x0], $0xffff  }
0x5df: {  	v6 =	vadd.s32 s29, v1  }
0x5e0: {  	s3 =	sadd.s32 $0x100, s3;
	v7 =	vadd.s32 s29, v2  }
0x5e1: {  	s30 =	sadd.s32 $0xFFFFFF40, s3  }
0x5e2: {  	s11 =	sor.u32 $0x30, s30;
	[tilespmem:s1+$0xFFFFFFA0] =	vst v4  }
0x5e3: {  	[tilespmem:s11+$0xC000] =	vst v5  }
0x5e4: {  	v4 =	vld.idx.msk [tilespmem:v6+s19+$0x0], $0xffff  }
0x5e5: {  	s31 =	sadd.s32 $0xFFFFFFFC, s2;
	v5 =	vld.idx.msk [tilespmem:v7+s19+$0x0], $0xffff  }
0x5e6: {  	v6 =	vadd.s32 s31, v1  }
0x5e7: {  	v7 =	vadd.s32 s31, v2  }
0x5e8: {  	s12 =	sadd.s32 $0xFFFFFF60, s3  }
0x5e9: {  	s11 =	sor.u32 $0x50, s12;
	[tilespmem:s1+$0xFFFFFFC0] =	vst v4  }
0x5ea: {  	[tilespmem:s11+$0xC000] =	vst v5  }
0x5eb: {  	v4 =	vld.idx.msk [tilespmem:v6+s19+$0x0], $0xffff  }
0x5ec: {  	s17 =	sadd.s32 $0xFFFFFFFD, s2;
	v5 =	vld.idx.msk [tilespmem:v7+s19+$0x0], $0xffff  }
0x5ed: {  	v6 =	vadd.s32 s17, v1  }
0x5ee: {  	v7 =	vadd.s32 s17, v2  }
0x5ef: {  	s25 =	sadd.s32 $0xFFFFFF80, s3  }
0x5f0: {  	s11 =	sor.u32 $0x70, s25;
	[tilespmem:s1+$0xFFFFFFE0] =	vst v4  }
0x5f1: {  	[tilespmem:s11+$0xC000] =	vst v5  }
0x5f2: {  	v4 =	vld.idx.msk [tilespmem:v6+s19+$0x0], $0xffff  }
0x5f3: {  	s29 =	sadd.s32 $0xFFFFFFFE, s2;
	v5 =	vld.idx.msk [tilespmem:v7+s19+$0x0], $0xffff  }
0x5f4: {  	v6 =	vadd.s32 s29, v1  }
0x5f5: {  	v7 =	vadd.s32 s29, v2;
	_ =	sdelay $0x1  }
0x5f6: {  	[tilespmem:s1+$0x0] =	vst v4  }
0x5f7: {  	[tilespmem:s1+$0x10] =	vst v5  }
0x5f8: {  	v4 =	vld.idx.msk [tilespmem:v6+s19+$0x0], $0xffff  }
0x5f9: {  	s30 =	sadd.s32 $0xFFFFFFFF, s2;
	v5 =	vld.idx.msk [tilespmem:v7+s19+$0x0], $0xffff  }
0x5fa: {  	v6 =	vadd.s32 s30, v1  }
0x5fb: {  	v7 =	vadd.s32 s30, v2  }
0x5fc: {  	s31 =	sadd.s32 $0xFFFFFFC0, s3  }
0x5fd: {  	s11 =	sor.u32 $0x30, s31;
	[tilespmem:s1+$0x20] =	vst v4  }
0x5fe: {  	[tilespmem:s11+$0xC000] =	vst v5  }
0x5ff: {  	v4 =	vld.idx.msk [tilespmem:v6+s19+$0x0], $0xffff  }
0x600: {  	v5 =	vld.idx.msk [tilespmem:v7+s19+$0x0], $0xffff  }
0x601: {  	v6 =	vadd.s32 s2, v1  }
0x602: {  	v7 =	vadd.s32 s2, v2  }
0x603: {  	s12 =	sadd.s32 $0xFFFFFFE0, s3  }
0x604: {  	s2 =	sor.u32 $0x50, s12;
	[tilespmem:s1+$0x40] =	vst v4  }
0x605: {  	[tilespmem:s2+$0xC000] =	vst v5  }
0x606: {  	v4 =	vld.idx.msk [tilespmem:v6+s19+$0x0], $0xffff  }
0x607: {  	v5 =	vld.idx.msk [tilespmem:v7+s19+$0x0], $0xffff;
	_ =	sdelay $0x3  }
0x608: {  	s17 =	sor.u32 $0x70, s3;
	[tilespmem:s1+$0x60] =	vst v4  }
0x609: {  	s25 =	rddreg [dreg:$0x4];
	[tilespmem:s17+$0xC000] =	vst v5  }
0x60a: {  	[hbm4b:s25+s4] =	stream.linear.scatter [tilespmem:s22], [sflag:$0x4], $0x4000, $0x38;
	[tilespmem:$0x16880] =	vst v63  }
0x60b: {  	_ =	swait.ge [sflag:s23], $0x4000  }
0x60c: {  	[sflag:s23] =	ssyncset.done $0x0  }
0x60d: {  	[sflag:s23] =	ssyncadd.s32 $0xFFFFC000  }
0x60e: {  	_ =	swait.ge [sflag:s24], $0x4000  }
0x60f: {  	[sflag:s24] =	ssyncset.done $0x0  }
0x610: {  	[sflag:s24] =	ssyncadd.s32 $0xFFFFC000  }
0x611: {  	s30 =	simm.s32 $0x14080;
	s29 =	rddreg [dreg:$0x1]  }
0x612: {  	[tilespmem:s30], [sflag:$0x1] =	stream.linear.gather [hbm4b:s29+s4], $0x2000, $0x38;
	[tilespmem:$0x16880] =	vst v63  }
0x613: {  	_ =	swait.ge [sflag:s18], $0x2000  }
0x614: {  	[sflag:s18] =	ssyncset.done $0x0  }
0x615: {  	[sflag:s18] =	ssyncadd.s32 $0xFFFFE000  }
0x616: {  	v4 =	vld [tilespmem:$0x14080];
	_ =	sdelay $0x2  }
0x617: {  	v5 =	vld [tilespmem:$0x1FFB0];
	_ =	sdelay $0x1  }
0x618: {  	[tilespmem:v0+s26+$0x0] =	vst.idx.msk $0xffff, v4  }
0x619: {  	v4 =	vld [tilespmem:$0x14090];
	_ =	sdelay $0x4  }
0x61a: {  	[tilespmem:v5+s26+$0x0] =	vst.idx.msk $0xffff, v4;
	v5 =	vld [tilespmem:$0x1FFC0];
	_ =	sdelay $0x2  }
0x61b: {  	v4 =	vld [tilespmem:$0x14100];
	_ =	sdelay $0x4  }
0x61c: {  	[tilespmem:v5+s26+$0x0] =	vst.idx.msk $0xffff, v4;
	v5 =	vld [tilespmem:$0x1FFD0];
	_ =	sdelay $0x2  }
0x61d: {  	v4 =	vld [tilespmem:$0x14110];
	_ =	sdelay $0x4  }
0x61e: {  	[tilespmem:v5+s26+$0x0] =	vst.idx.msk $0xffff, v4;
	v5 =	vld [tilespmem:$0x1FFE0];
	_ =	sdelay $0x2  }
0x61f: {  	v4 =	vld [tilespmem:$0x14180];
	_ =	sdelay $0x4  }
0x620: {  	[tilespmem:v5+s26+$0x0] =	vst.idx.msk $0xffff, v4;
	v5 =	vld [tilespmem:$0x1FFF0];
	_ =	sdelay $0x2  }
0x621: {  	v4 =	vld [tilespmem:$0x14190];
	_ =	sdelay $0x4  }
0x622: {  	[tilespmem:v5+s26+$0x0] =	vst.idx.msk $0xffff, v4  }
0x623: {  	v4 =	vld [tilespmem:$0x14200];
	_ =	sdelay $0x4  }
0x624: {  	[tilespmem:v8+s26+$0x0] =	vst.idx.msk $0xffff, v4  }
0x625: {  	v4 =	vld [tilespmem:$0x14210];
	_ =	sdelay $0x4  }
0x626: {  	[tilespmem:v9+s26+$0x0] =	vst.idx.msk $0xffff, v4  }
0x627: {  	v4 =	vld [tilespmem:$0x14280];
	_ =	sdelay $0x4  }
0x628: {  	[tilespmem:v10+s26+$0x0] =	vst.idx.msk $0xffff, v4  }
0x629: {  	v4 =	vld [tilespmem:$0x14290];
	_ =	sdelay $0x4  }
0x62a: {  	[tilespmem:v11+s26+$0x0] =	vst.idx.msk $0xffff, v4  }
0x62b: {  	v4 =	vld [tilespmem:$0x14300];
	_ =	sdelay $0x4  }
0x62c: {  	[tilespmem:v12+s26+$0x0] =	vst.idx.msk $0xffff, v4  }
0x62d: {  	v4 =	vld [tilespmem:$0x14310];
	_ =	sdelay $0x4  }
0x62e: {  	[tilespmem:v13+s26+$0x0] =	vst.idx.msk $0xffff, v4  }
0x62f: {  	v4 =	vld [tilespmem:$0x14380];
	_ =	sdelay $0x4  }
0x630: {  	[tilespmem:v14+s26+$0x0] =	vst.idx.msk $0xffff, v4  }
0x631: {  	v4 =	vld [tilespmem:$0x14390];
	_ =	sdelay $0x4  }
0x632: {  	[tilespmem:v15+s26+$0x0] =	vst.idx.msk $0xffff, v4  }
0x633: {  	v4 =	vld [tilespmem:$0x14400];
	_ =	sdelay $0x4  }
0x634: {  	[tilespmem:v16+s26+$0x0] =	vst.idx.msk $0xffff, v4  }
0x635: {  	v4 =	vld [tilespmem:$0x14410];
	_ =	sdelay $0x4  }
0x636: {  	[tilespmem:v17+s26+$0x0] =	vst.idx.msk $0xffff, v4  }
0x637: {  	v4 =	vld [tilespmem:$0x14480];
	_ =	sdelay $0x4  }
0x638: {  	[tilespmem:v18+s26+$0x0] =	vst.idx.msk $0xffff, v4  }
0x639: {  	v4 =	vld [tilespmem:$0x14490];
	_ =	sdelay $0x4  }
0x63a: {  	[tilespmem:v19+s26+$0x0] =	vst.idx.msk $0xffff, v4  }
0x63b: {  	v4 =	vld [tilespmem:$0x14500];
	_ =	sdelay $0x4  }
0x63c: {  	[tilespmem:v20+s26+$0x0] =	vst.idx.msk $0xffff, v4  }
0x63d: {  	v4 =	vld [tilespmem:$0x14510];
	_ =	sdelay $0x4  }
0x63e: {  	[tilespmem:v21+s26+$0x0] =	vst.idx.msk $0xffff, v4  }
0x63f: {  	v4 =	vld [tilespmem:$0x14580];
	_ =	sdelay $0x4  }
0x640: {  	[tilespmem:v22+s26+$0x0] =	vst.idx.msk $0xffff, v4  }
0x641: {  	v4 =	vld [tilespmem:$0x14590];
	_ =	sdelay $0x4  }
0x642: {  	[tilespmem:v23+s26+$0x0] =	vst.idx.msk $0xffff, v4  }
0x643: {  	v4 =	vld [tilespmem:$0x14600];
	_ =	sdelay $0x4  }
0x644: {  	[tilespmem:v24+s26+$0x0] =	vst.idx.msk $0xffff, v4  }
0x645: {  	v4 =	vld [tilespmem:$0x14610];
	_ =	sdelay $0x4  }
0x646: {  	[tilespmem:v25+s26+$0x0] =	vst.idx.msk $0xffff, v4  }
0x647: {  	v4 =	vld [tilespmem:$0x14680];
	_ =	sdelay $0x4  }
0x648: {  	[tilespmem:v26+s26+$0x0] =	vst.idx.msk $0xffff, v4  }
0x649: {  	v4 =	vld [tilespmem:$0x14690];
	_ =	sdelay $0x4  }
0x64a: {  	[tilespmem:v27+s26+$0x0] =	vst.idx.msk $0xffff, v4  }
0x64b: {  	v4 =	vld [tilespmem:$0x14700];
	_ =	sdelay $0x4  }
0x64c: {  	[tilespmem:v28+s26+$0x0] =	vst.idx.msk $0xffff, v4  }
0x64d: {  	v4 =	vld [tilespmem:$0x14710];
	_ =	sdelay $0x4  }
0x64e: {  	[tilespmem:v29+s26+$0x0] =	vst.idx.msk $0xffff, v4  }
0x64f: {  	v4 =	vld [tilespmem:$0x14780];
	_ =	sdelay $0x4  }
0x650: {  	[tilespmem:v30+s26+$0x0] =	vst.idx.msk $0xffff, v4  }
0x651: {  	v4 =	vld [tilespmem:$0x14790];
	_ =	sdelay $0x4  }
0x652: {  	[tilespmem:v31+s26+$0x0] =	vst.idx.msk $0xffff, v4  }
0x653: {  	v4 =	vld [tilespmem:$0x14800];
	_ =	sdelay $0x4  }
0x654: {  	[tilespmem:v32+s26+$0x0] =	vst.idx.msk $0xffff, v4  }
0x655: {  	v4 =	vld [tilespmem:$0x14810];
	_ =	sdelay $0x4  }
0x656: {  	[tilespmem:v33+s26+$0x0] =	vst.idx.msk $0xffff, v4  }
0x657: {  	v4 =	vld [tilespmem:$0x14880];
	_ =	sdelay $0x4  }
0x658: {  	[tilespmem:v34+s26+$0x0] =	vst.idx.msk $0xffff, v4  }
0x659: {  	v4 =	vld [tilespmem:$0x14890];
	_ =	sdelay $0x4  }
0x65a: {  	[tilespmem:v35+s26+$0x0] =	vst.idx.msk $0xffff, v4  }
0x65b: {  	v4 =	vld [tilespmem:$0x14900];
	_ =	sdelay $0x4  }
0x65c: {  	[tilespmem:v36+s26+$0x0] =	vst.idx.msk $0xffff, v4  }
0x65d: {  	v4 =	vld [tilespmem:$0x14910];
	_ =	sdelay $0x4  }
0x65e: {  	[tilespmem:v37+s26+$0x0] =	vst.idx.msk $0xffff, v4  }
0x65f: {  	v4 =	vld [tilespmem:$0x14980];
	_ =	sdelay $0x4  }
0x660: {  	[tilespmem:v38+s26+$0x0] =	vst.idx.msk $0xffff, v4  }
0x661: {  	v4 =	vld [tilespmem:$0x14990];
	_ =	sdelay $0x4  }
0x662: {  	[tilespmem:v39+s26+$0x0] =	vst.idx.msk $0xffff, v4  }
0x663: {  	v4 =	vld [tilespmem:$0x14A00];
	_ =	sdelay $0x4  }
0x664: {  	[tilespmem:v40+s26+$0x0] =	vst.idx.msk $0xffff, v4  }
0x665: {  	v4 =	vld [tilespmem:$0x14A10];
	_ =	sdelay $0x4  }
0x666: {  	[tilespmem:v41+s26+$0x0] =	vst.idx.msk $0xffff, v4  }
0x667: {  	v4 =	vld [tilespmem:$0x14A80];
	_ =	sdelay $0x4  }
0x668: {  	[tilespmem:v42+s26+$0x0] =	vst.idx.msk $0xffff, v4  }
0x669: {  	v4 =	vld [tilespmem:$0x14A90];
	_ =	sdelay $0x4  }
0x66a: {  	[tilespmem:v43+s26+$0x0] =	vst.idx.msk $0xffff, v4  }
0x66b: {  	v4 =	vld [tilespmem:$0x14B00];
	_ =	sdelay $0x4  }
0x66c: {  	[tilespmem:v44+s26+$0x0] =	vst.idx.msk $0xffff, v4  }
0x66d: {  	v4 =	vld [tilespmem:$0x14B10];
	_ =	sdelay $0x4  }
0x66e: {  	[tilespmem:v45+s26+$0x0] =	vst.idx.msk $0xffff, v4  }
0x66f: {  	v4 =	vld [tilespmem:$0x14B80];
	_ =	sdelay $0x4  }
0x670: {  	[tilespmem:v46+s26+$0x0] =	vst.idx.msk $0xffff, v4  }
0x671: {  	v4 =	vld [tilespmem:$0x14B90];
	_ =	sdelay $0x4  }
0x672: {  	[tilespmem:v47+s26+$0x0] =	vst.idx.msk $0xffff, v4  }
0x673: {  	v4 =	vld [tilespmem:$0x14C00];
	_ =	sdelay $0x4  }
0x674: {  	[tilespmem:v48+s26+$0x0] =	vst.idx.msk $0xffff, v4  }
0x675: {  	v4 =	vld [tilespmem:$0x14C10];
	_ =	sdelay $0x4  }
0x676: {  	[tilespmem:v49+s26+$0x0] =	vst.idx.msk $0xffff, v4  }
0x677: {  	v4 =	vld [tilespmem:$0x14C80];
	_ =	sdelay $0x4  }
0x678: {  	[tilespmem:v50+s26+$0x0] =	vst.idx.msk $0xffff, v4  }
0x679: {  	v4 =	vld [tilespmem:$0x14C90];
	_ =	sdelay $0x4  }
0x67a: {  	[tilespmem:v51+s26+$0x0] =	vst.idx.msk $0xffff, v4  }
0x67b: {  	v4 =	vld [tilespmem:$0x14D00];
	_ =	sdelay $0x4  }
0x67c: {  	[tilespmem:v52+s26+$0x0] =	vst.idx.msk $0xffff, v4  }
0x67d: {  	v4 =	vld [tilespmem:$0x14D10];
	_ =	sdelay $0x4  }
0x67e: {  	[tilespmem:v53+s26+$0x0] =	vst.idx.msk $0xffff, v4  }
0x67f: {  	v4 =	vld [tilespmem:$0x14D80];
	_ =	sdelay $0x4  }
0x680: {  	[tilespmem:v54+s26+$0x0] =	vst.idx.msk $0xffff, v4  }
0x681: {  	v4 =	vld [tilespmem:$0x14D90];
	_ =	sdelay $0x4  }
0x682: {  	[tilespmem:v55+s26+$0x0] =	vst.idx.msk $0xffff, v4  }
0x683: {  	v4 =	vld [tilespmem:$0x14E00];
	_ =	sdelay $0x4  }
0x684: {  	[tilespmem:v56+s26+$0x0] =	vst.idx.msk $0xffff, v4  }
0x685: {  	v4 =	vld [tilespmem:$0x14E10];
	_ =	sdelay $0x4  }
0x686: {  	[tilespmem:v57+s26+$0x0] =	vst.idx.msk $0xffff, v4  }
0x687: {  	v4 =	vld [tilespmem:$0x14E80];
	_ =	sdelay $0x4  }
0x688: {  	[tilespmem:v58+s26+$0x0] =	vst.idx.msk $0xffff, v4  }
0x689: {  	v4 =	vld [tilespmem:$0x14E90];
	_ =	sdelay $0x4  }
0x68a: {  	[tilespmem:v59+s26+$0x0] =	vst.idx.msk $0xffff, v4  }
0x68b: {  	v4 =	vld [tilespmem:$0x14F00];
	_ =	sdelay $0x4  }
0x68c: {  	[tilespmem:v60+s26+$0x0] =	vst.idx.msk $0xffff, v4  }
0x68d: {  	v4 =	vld [tilespmem:$0x14F10];
	_ =	sdelay $0x4  }
0x68e: {  	[tilespmem:v61+s26+$0x0] =	vst.idx.msk $0xffff, v4  }
0x68f: {  	v4 =	vld [tilespmem:$0x14F80];
	_ =	sdelay $0x4  }
0x690: {  	[tilespmem:v62+s26+$0x0] =	vst.idx.msk $0xffff, v4  }
0x691: {  	v4 =	vld [tilespmem:$0x14F90];
	_ =	sdelay $0x4  }
0x692: {  	[tilespmem:v63+s26+$0x0] =	vst.idx.msk $0xffff, v4  }
0x693: {  	v4 =	vld [tilespmem:$0x15000];
	_ =	sdelay $0x4  }
0x694: {  	[tilespmem:v3+s26+$0x0] =	vst.idx.msk $0xffff, v4  }
0x695: {  	v5 =	vor.u32 $0x3F0, v0;
	v4 =	vld [tilespmem:$0x15010];
	_ =	sdelay $0x4  }
0x696: {  	[tilespmem:v5+s26+$0x0] =	vst.idx.msk $0xffff, v4  }
0x697: {  	v5 =	vor.u32 $0x400, v0;
	v4 =	vld [tilespmem:$0x15080];
	_ =	sdelay $0x4  }
0x698: {  	[tilespmem:v5+s26+$0x0] =	vst.idx.msk $0xffff, v4  }
0x699: {  	v5 =	vor.u32 $0x410, v0;
	v4 =	vld [tilespmem:$0x15090];
	_ =	sdelay $0x4  }
0x69a: {  	[tilespmem:v5+s26+$0x0] =	vst.idx.msk $0xffff, v4  }
0x69b: {  	v5 =	vor.u32 $0x420, v0;
	v4 =	vld [tilespmem:$0x15100];
	_ =	sdelay $0x4  }
0x69c: {  	[tilespmem:v5+s26+$0x0] =	vst.idx.msk $0xffff, v4  }
0x69d: {  	v5 =	vor.u32 $0x430, v0;
	v4 =	vld [tilespmem:$0x15110];
	_ =	sdelay $0x4  }
0x69e: {  	[tilespmem:v5+s26+$0x0] =	vst.idx.msk $0xffff, v4  }
0x69f: {  	v5 =	vor.u32 $0x440, v0;
	v4 =	vld [tilespmem:$0x15180];
	_ =	sdelay $0x4  }
0x6a0: {  	[tilespmem:v5+s26+$0x0] =	vst.idx.msk $0xffff, v4  }
0x6a1: {  	v5 =	vor.u32 $0x450, v0;
	v4 =	vld [tilespmem:$0x15190];
	_ =	sdelay $0x4  }
0x6a2: {  	[tilespmem:v5+s26+$0x0] =	vst.idx.msk $0xffff, v4  }
0x6a3: {  	v5 =	vor.u32 $0x460, v0;
	v4 =	vld [tilespmem:$0x15200];
	_ =	sdelay $0x4  }
0x6a4: {  	[tilespmem:v5+s26+$0x0] =	vst.idx.msk $0xffff, v4  }
0x6a5: {  	v5 =	vor.u32 $0x470, v0;
	v4 =	vld [tilespmem:$0x15210];
	_ =	sdelay $0x4  }
0x6a6: {  	[tilespmem:v5+s26+$0x0] =	vst.idx.msk $0xffff, v4  }
0x6a7: {  	v5 =	vor.u32 $0x480, v0;
	v4 =	vld [tilespmem:$0x15280];
	_ =	sdelay $0x4  }
0x6a8: {  	[tilespmem:v5+s26+$0x0] =	vst.idx.msk $0xffff, v4  }
0x6a9: {  	v5 =	vor.u32 $0x490, v0;
	v4 =	vld [tilespmem:$0x15290];
	_ =	sdelay $0x4  }
0x6aa: {  	[tilespmem:v5+s26+$0x0] =	vst.idx.msk $0xffff, v4  }
0x6ab: {  	v5 =	vor.u32 $0x4A0, v0;
	v4 =	vld [tilespmem:$0x15300];
	_ =	sdelay $0x4  }
0x6ac: {  	[tilespmem:v5+s26+$0x0] =	vst.idx.msk $0xffff, v4  }
0x6ad: {  	v5 =	vor.u32 $0x4B0, v0;
	v4 =	vld [tilespmem:$0x15310];
	_ =	sdelay $0x4  }
0x6ae: {  	[tilespmem:v5+s26+$0x0] =	vst.idx.msk $0xffff, v4  }
0x6af: {  	v5 =	vor.u32 $0x4C0, v0;
	v4 =	vld [tilespmem:$0x15380];
	_ =	sdelay $0x4  }
0x6b0: {  	[tilespmem:v5+s26+$0x0] =	vst.idx.msk $0xffff, v4  }
0x6b1: {  	v5 =	vor.u32 $0x4D0, v0;
	v4 =	vld [tilespmem:$0x15390];
	_ =	sdelay $0x4  }
0x6b2: {  	[tilespmem:v5+s26+$0x0] =	vst.idx.msk $0xffff, v4  }
0x6b3: {  	v5 =	vor.u32 $0x4E0, v0;
	v4 =	vld [tilespmem:$0x15400];
	_ =	sdelay $0x4  }
0x6b4: {  	[tilespmem:v5+s26+$0x0] =	vst.idx.msk $0xffff, v4  }
0x6b5: {  	v5 =	vor.u32 $0x4F0, v0;
	v4 =	vld [tilespmem:$0x15410];
	_ =	sdelay $0x4  }
0x6b6: {  	[tilespmem:v5+s26+$0x0] =	vst.idx.msk $0xffff, v4  }
0x6b7: {  	v5 =	vor.u32 $0x500, v0;
	v4 =	vld [tilespmem:$0x15480];
	_ =	sdelay $0x4  }
0x6b8: {  	[tilespmem:v5+s26+$0x0] =	vst.idx.msk $0xffff, v4  }
0x6b9: {  	v5 =	vor.u32 $0x510, v0;
	v4 =	vld [tilespmem:$0x15490];
	_ =	sdelay $0x4  }
0x6ba: {  	[tilespmem:v5+s26+$0x0] =	vst.idx.msk $0xffff, v4  }
0x6bb: {  	v5 =	vor.u32 $0x520, v0;
	v4 =	vld [tilespmem:$0x15500];
	_ =	sdelay $0x4  }
0x6bc: {  	[tilespmem:v5+s26+$0x0] =	vst.idx.msk $0xffff, v4  }
0x6bd: {  	v5 =	vor.u32 $0x530, v0;
	v4 =	vld [tilespmem:$0x15510];
	_ =	sdelay $0x4  }
0x6be: {  	[tilespmem:v5+s26+$0x0] =	vst.idx.msk $0xffff, v4  }
0x6bf: {  	v5 =	vor.u32 $0x540, v0;
	v4 =	vld [tilespmem:$0x15580];
	_ =	sdelay $0x4  }
0x6c0: {  	[tilespmem:v5+s26+$0x0] =	vst.idx.msk $0xffff, v4  }
0x6c1: {  	v5 =	vor.u32 $0x550, v0;
	v4 =	vld [tilespmem:$0x15590];
	_ =	sdelay $0x4  }
0x6c2: {  	[tilespmem:v5+s26+$0x0] =	vst.idx.msk $0xffff, v4  }
0x6c3: {  	v5 =	vor.u32 $0x560, v0;
	v4 =	vld [tilespmem:$0x15600];
	_ =	sdelay $0x4  }
0x6c4: {  	[tilespmem:v5+s26+$0x0] =	vst.idx.msk $0xffff, v4  }
0x6c5: {  	v5 =	vor.u32 $0x570, v0;
	v4 =	vld [tilespmem:$0x15610];
	_ =	sdelay $0x4  }
0x6c6: {  	[tilespmem:v5+s26+$0x0] =	vst.idx.msk $0xffff, v4  }
0x6c7: {  	v5 =	vor.u32 $0x580, v0;
	v4 =	vld [tilespmem:$0x15680];
	_ =	sdelay $0x4  }
0x6c8: {  	[tilespmem:v5+s26+$0x0] =	vst.idx.msk $0xffff, v4  }
0x6c9: {  	v5 =	vor.u32 $0x590, v0;
	v4 =	vld [tilespmem:$0x15690];
	_ =	sdelay $0x4  }
0x6ca: {  	[tilespmem:v5+s26+$0x0] =	vst.idx.msk $0xffff, v4  }
0x6cb: {  	v5 =	vor.u32 $0x5A0, v0;
	v4 =	vld [tilespmem:$0x15700];
	_ =	sdelay $0x4  }
0x6cc: {  	[tilespmem:v5+s26+$0x0] =	vst.idx.msk $0xffff, v4  }
0x6cd: {  	v5 =	vor.u32 $0x5B0, v0;
	v4 =	vld [tilespmem:$0x15710];
	_ =	sdelay $0x4  }
0x6ce: {  	[tilespmem:v5+s26+$0x0] =	vst.idx.msk $0xffff, v4  }
0x6cf: {  	v5 =	vor.u32 $0x5C0, v0;
	v4 =	vld [tilespmem:$0x15780];
	_ =	sdelay $0x4  }
0x6d0: {  	[tilespmem:v5+s26+$0x0] =	vst.idx.msk $0xffff, v4  }
0x6d1: {  	v5 =	vor.u32 $0x5D0, v0;
	v4 =	vld [tilespmem:$0x15790];
	_ =	sdelay $0x4  }
0x6d2: {  	[tilespmem:v5+s26+$0x0] =	vst.idx.msk $0xffff, v4  }
0x6d3: {  	v5 =	vor.u32 $0x5E0, v0;
	v4 =	vld [tilespmem:$0x15800];
	_ =	sdelay $0x4  }
0x6d4: {  	[tilespmem:v5+s26+$0x0] =	vst.idx.msk $0xffff, v4  }
0x6d5: {  	v5 =	vor.u32 $0x5F0, v0;
	v4 =	vld [tilespmem:$0x15810];
	_ =	sdelay $0x4  }
0x6d6: {  	[tilespmem:v5+s26+$0x0] =	vst.idx.msk $0xffff, v4  }
0x6d7: {  	v5 =	vor.u32 $0x600, v0;
	v4 =	vld [tilespmem:$0x15880];
	_ =	sdelay $0x4  }
0x6d8: {  	[tilespmem:v5+s26+$0x0] =	vst.idx.msk $0xffff, v4  }
0x6d9: {  	v5 =	vor.u32 $0x610, v0;
	v4 =	vld [tilespmem:$0x15890];
	_ =	sdelay $0x4  }
0x6da: {  	[tilespmem:v5+s26+$0x0] =	vst.idx.msk $0xffff, v4  }
0x6db: {  	v5 =	vor.u32 $0x620, v0;
	v4 =	vld [tilespmem:$0x15900];
	_ =	sdelay $0x4  }
0x6dc: {  	[tilespmem:v5+s26+$0x0] =	vst.idx.msk $0xffff, v4  }
0x6dd: {  	v5 =	vor.u32 $0x630, v0;
	v4 =	vld [tilespmem:$0x15910];
	_ =	sdelay $0x4  }
0x6de: {  	[tilespmem:v5+s26+$0x0] =	vst.idx.msk $0xffff, v4  }
0x6df: {  	v5 =	vor.u32 $0x640, v0;
	v4 =	vld [tilespmem:$0x15980];
	_ =	sdelay $0x4  }
0x6e0: {  	[tilespmem:v5+s26+$0x0] =	vst.idx.msk $0xffff, v4  }
0x6e1: {  	v5 =	vor.u32 $0x650, v0;
	v4 =	vld [tilespmem:$0x15990];
	_ =	sdelay $0x4  }
0x6e2: {  	[tilespmem:v5+s26+$0x0] =	vst.idx.msk $0xffff, v4  }
0x6e3: {  	v5 =	vor.u32 $0x660, v0;
	v4 =	vld [tilespmem:$0x15A00];
	_ =	sdelay $0x4  }
0x6e4: {  	[tilespmem:v5+s26+$0x0] =	vst.idx.msk $0xffff, v4  }
0x6e5: {  	v5 =	vor.u32 $0x670, v0;
	v4 =	vld [tilespmem:$0x15A10];
	_ =	sdelay $0x4  }
0x6e6: {  	[tilespmem:v5+s26+$0x0] =	vst.idx.msk $0xffff, v4  }
0x6e7: {  	v5 =	vor.u32 $0x680, v0;
	v4 =	vld [tilespmem:$0x15A80];
	_ =	sdelay $0x4  }
0x6e8: {  	[tilespmem:v5+s26+$0x0] =	vst.idx.msk $0xffff, v4  }
0x6e9: {  	v5 =	vor.u32 $0x690, v0;
	v4 =	vld [tilespmem:$0x15A90];
	_ =	sdelay $0x4  }
0x6ea: {  	[tilespmem:v5+s26+$0x0] =	vst.idx.msk $0xffff, v4  }
0x6eb: {  	v5 =	vor.u32 $0x6A0, v0;
	v4 =	vld [tilespmem:$0x15B00];
	_ =	sdelay $0x4  }
0x6ec: {  	[tilespmem:v5+s26+$0x0] =	vst.idx.msk $0xffff, v4  }
0x6ed: {  	v5 =	vor.u32 $0x6B0, v0;
	v4 =	vld [tilespmem:$0x15B10];
	_ =	sdelay $0x4  }
0x6ee: {  	[tilespmem:v5+s26+$0x0] =	vst.idx.msk $0xffff, v4  }
0x6ef: {  	v5 =	vor.u32 $0x6C0, v0;
	v4 =	vld [tilespmem:$0x15B80];
	_ =	sdelay $0x4  }
0x6f0: {  	[tilespmem:v5+s26+$0x0] =	vst.idx.msk $0xffff, v4  }
0x6f1: {  	v5 =	vor.u32 $0x6D0, v0;
	v4 =	vld [tilespmem:$0x15B90];
	_ =	sdelay $0x4  }
0x6f2: {  	[tilespmem:v5+s26+$0x0] =	vst.idx.msk $0xffff, v4  }
0x6f3: {  	v5 =	vor.u32 $0x6E0, v0;
	v4 =	vld [tilespmem:$0x15C00];
	_ =	sdelay $0x4  }
0x6f4: {  	[tilespmem:v5+s26+$0x0] =	vst.idx.msk $0xffff, v4  }
0x6f5: {  	v5 =	vor.u32 $0x6F0, v0;
	v4 =	vld [tilespmem:$0x15C10];
	_ =	sdelay $0x4  }
0x6f6: {  	[tilespmem:v5+s26+$0x0] =	vst.idx.msk $0xffff, v4  }
0x6f7: {  	v5 =	vor.u32 $0x700, v0;
	v4 =	vld [tilespmem:$0x15C80];
	_ =	sdelay $0x4  }
0x6f8: {  	[tilespmem:v5+s26+$0x0] =	vst.idx.msk $0xffff, v4  }
0x6f9: {  	v5 =	vor.u32 $0x710, v0;
	v4 =	vld [tilespmem:$0x15C90];
	_ =	sdelay $0x4  }
0x6fa: {  	[tilespmem:v5+s26+$0x0] =	vst.idx.msk $0xffff, v4  }
0x6fb: {  	v5 =	vor.u32 $0x720, v0;
	v4 =	vld [tilespmem:$0x15D00];
	_ =	sdelay $0x4  }
0x6fc: {  	[tilespmem:v5+s26+$0x0] =	vst.idx.msk $0xffff, v4  }
0x6fd: {  	v5 =	vor.u32 $0x730, v0;
	v4 =	vld [tilespmem:$0x15D10];
	_ =	sdelay $0x4  }
0x6fe: {  	[tilespmem:v5+s26+$0x0] =	vst.idx.msk $0xffff, v4  }
0x6ff: {  	v5 =	vor.u32 $0x740, v0;
	v4 =	vld [tilespmem:$0x15D80];
	_ =	sdelay $0x4  }
0x700: {  	[tilespmem:v5+s26+$0x0] =	vst.idx.msk $0xffff, v4  }
0x701: {  	v5 =	vor.u32 $0x750, v0;
	v4 =	vld [tilespmem:$0x15D90];
	_ =	sdelay $0x4  }
0x702: {  	[tilespmem:v5+s26+$0x0] =	vst.idx.msk $0xffff, v4  }
0x703: {  	v5 =	vor.u32 $0x760, v0;
	v4 =	vld [tilespmem:$0x15E00];
	_ =	sdelay $0x4  }
0x704: {  	[tilespmem:v5+s26+$0x0] =	vst.idx.msk $0xffff, v4  }
0x705: {  	v5 =	vor.u32 $0x770, v0;
	v4 =	vld [tilespmem:$0x15E10];
	_ =	sdelay $0x4  }
0x706: {  	[tilespmem:v5+s26+$0x0] =	vst.idx.msk $0xffff, v4  }
0x707: {  	v5 =	vor.u32 $0x780, v0;
	v4 =	vld [tilespmem:$0x15E80];
	_ =	sdelay $0x4  }
0x708: {  	[tilespmem:v5+s26+$0x0] =	vst.idx.msk $0xffff, v4  }
0x709: {  	v5 =	vor.u32 $0x790, v0;
	v4 =	vld [tilespmem:$0x15E90];
	_ =	sdelay $0x4  }
0x70a: {  	[tilespmem:v5+s26+$0x0] =	vst.idx.msk $0xffff, v4  }
0x70b: {  	v5 =	vor.u32 $0x7A0, v0;
	v4 =	vld [tilespmem:$0x15F00];
	_ =	sdelay $0x4  }
0x70c: {  	[tilespmem:v5+s26+$0x0] =	vst.idx.msk $0xffff, v4  }
0x70d: {  	v5 =	vor.u32 $0x7B0, v0;
	v4 =	vld [tilespmem:$0x15F10];
	_ =	sdelay $0x4  }
0x70e: {  	[tilespmem:v5+s26+$0x0] =	vst.idx.msk $0xffff, v4  }
0x70f: {  	v5 =	vor.u32 $0x7C0, v0;
	v4 =	vld [tilespmem:$0x15F80];
	_ =	sdelay $0x4  }
0x710: {  	[tilespmem:v5+s26+$0x0] =	vst.idx.msk $0xffff, v4  }
0x711: {  	v5 =	vor.u32 $0x7D0, v0;
	v4 =	vld [tilespmem:$0x15F90];
	_ =	sdelay $0x4  }
0x712: {  	[tilespmem:v5+s26+$0x0] =	vst.idx.msk $0xffff, v4  }
0x713: {  	v5 =	vor.u32 $0x7E0, v0;
	v4 =	vld [tilespmem:$0x16000];
	_ =	sdelay $0x4  }
0x714: {  	[tilespmem:v5+s26+$0x0] =	vst.idx.msk $0xffff, v4  }
0x715: {  	v5 =	vor.u32 $0x7F0, v0;
	v4 =	vld [tilespmem:$0x16010];
	_ =	sdelay $0x4  }
.Ltmp12:
0x716: {  	s31 =	rddreg [dreg:$0x5];
	[tilespmem:v5+s26+$0x0] =	vst.idx.msk $0xffff, v4;
	(pc) =	sbr.rel .LBB2_21-.Ltmp12, $4  }
0x717: {  	[hbm4b:s31+s4] =	stream.linear.scatter [tilespmem:s26], [sflag:$0x1], $0x800, $0x38;
	[tilespmem:$0x16880] =	vst v63  }
0x718: {  	_ =	swait.ge [sflag:s18], $0x800  }
0x719: {  	[sflag:s18] =	ssyncset.done $0x0  }
0x71a: {  	[sflag:s18] =	ssyncadd.s32 $0xFFFFF800  }
.LBB2_22:
0x71b: {  	_ =	sfence.sel $0x180000  }
0x71c: {  	[bflag:$0x0] =	sbarrier.arrive $0xFFFF  }
0x71d: {  	_ =	strace $0x90000047  }
0x71e: {  	s0 =	stileid.u32;
	[bflag:$0x2] =	sbarrier.arrive $0xFFFF  }
0x71f: {  	p0 =	sne.s32 s0, $0x0;
	s0 =	rddreg [dreg:$0x3]  }
0x720: {  	s0 =	sadd.s32 @!p0 $0x100000, s0  }
0x721: {  	[sflag:s0] =	ssyncadd.tile.s32 @!p0 $0x1;
	_ =	shalt  }
.Lfunc_end2:
_tile_overlayer_lowered:
.L_overlay_start_2:
0x722: {  	(tag) =	ssettag $0x2  }
0x723: {  	s0 =	rddreg [dreg:$0x0];
	s2 =	stileid.u32  }
0x724: {  	s1 =	rddreg [dreg:$0x1];
	p0 =	sne.s32 s2, $0x0  }
0x725: {  	s3 =	rddreg [dreg:$0x2];
	[bflag:$0x3] =	sbarrier.arrive $0xFFFF;
	s2 =	simm.s32 @!p0 $0x1C05  }
0x726: {  	[timem:s3], [sflag:s2] =	dma.local @!p0 [hbm:s0], s1  }
0x727: {  	s0 =	simm.s32 @!p0 $0x5  }
0x728: {  	_ =	swait.ge @!p0 [sflag:s0], s1  }
0x729: {  	s1 =	ssub.s32 @!p0 $0x0, s1;
	[sflag:s0] =	ssyncset.done @!p0 $0x0  }
0x72a: {  	[sflag:s0] =	ssyncadd.s32 @!p0 s1  }
0x72b: {  	[bflag:$0x3] =	sbarrier.arrive $0xFFFF  }
0x72c: {  	_ =	shalt  }

// kernel: kernel.7.cloned.1.call-start
scs
__scs_entry_jumppad:
0x0: {  	(pc) =	sbr.rel $0x88, $3  }
0x1: {  	(tag) =	ssettag $0x0;
	lr =	simm.s32 $0x1  }
0x2: {  	[smem:$0x3F9F] =	sst lr;
	_ =	strace $0xD0000000  }
0x3: {  	_ = 	snop  }
0x4: {  	_ = 	snop  }
0x5: {  	_ = 	snop  }
0x6: {  	_ = 	snop  }
0x7: {  	_ = 	snop  }
__scs_overlays_trampoline_lowered:
0x8: {  	[smem:$0x3FAE] =	sst s0  }
0x9: {  	[smem:$0x3FAF] =	sst s1  }
0xa: {  	[smem:$0x3FB0] =	sst s2  }
0xb: {  	[smem:$0x3FB1] =	sst s3  }
0xc: {  	[smem:$0x3FB2] =	sst s4  }
0xd: {  	[smem:$0x3FB3] =	sst s5  }
0xe: {  	[smem:$0x3FB4] =	sst s6  }
0xf: {  	[smem:$0x3FB5] =	sst s7  }
0x10: {  	[smem:$0x3FB6] =	sst s8  }
0x11: {  	[smem:$0x3FB7] =	sst s9;
	s0 =	simm.s32 @!p0 $0x0  }
0x12: {  	s1 =	sld [smem:$0x3F9D];
	s0 =	simm.s32 @p0 $0x1  }
0x13: {  	[smem:$0x3FB8] =	sst s0;
	s0 =	simm.s32 @!p1 $0x0  }
0x14: {  	s2 =	sld [smem:$0x3F9C];
	s0 =	simm.s32 @p1 $0x1  }
0x15: {  	[smem:$0x3FB9] =	sst s0;
	s0 =	simm.s32 @!p2 $0x0  }
0x16: {  	s3 =	sld [smem:$0x3FDB];
	s0 =	simm.s32 @p2 $0x1  }
0x17: {  	s4 =	simm.s32 $0x1BF5;
	[smem:$0x3FBB] =	sst s0  }
0x18: {  	s0 =	sld [smem:$0x3F9E];
	_ =	swait.ge [sflag:s4], $0x0  }
0x19: {  	s7 =	sld [smem:$0x3F9F]  }
0x1a: {  	s8 =	sadd.s32 $0xFFFFE003, lr  }
0x1b: {  	s9 =	sadd.s32 $0xFFFFFEF7, lr;
	s5 =	simm.s32 $0xFFFFFFFF;
	p2 =	slt.u32 s8, $0xFFFFF086  }
0x1c: {  	p1 =	slt.u32 s9, $0xF7A;
	s5 =	simm.s32 @!p2 $0x0  }
0x1d: {  	s5 =	simm.s32 @p1 $0x1;
	p0 =	seq.s32 s7, s2  }
0x1e: {  	s7 =	smul.u32 @!p0 $0xF7A, s2;
	p2 =	seq.s32 @!p0 s5, $0x0  }
0x1f: {  	s9 =	smul.u32 $0xF7A, s1;
	s8 =	simm.s32 @!p0 $0x1BF5;
	p2 =	por !p2, p0  }
0x20: {  	[sflag:s8] =	ssyncset.s32 @!p0 $0xFFFFF086;
	s6 =	sadd.s32 @!p0 s3, s7;
	s7 =	simm.s32 @!p0 $0x108  }
0x21: {  	s3 =	sadd.s32 s3, s9;
	s6 =	sadd.s32 @!p0 $0x88, s6;
	s7 =	simm.s32 @p2 $0x1082  }
0x22: {  	[simem:s7], [sflag:s8] =	dma.local @!p0 [hbm:s6], $0xF7A  }
0x23: {  	s9 =	sor.u32 $0xD0000000, s2;
	s6 =	simm.s32 $0x108;
	_ =	swait.ge @!p0 [sflag:s8], $0x0  }
0x24: {  	s3 =	sadd.s32 $0x88, s3;
	s6 =	simm.s32 @!p1 $0x1082;
	[sflag:s4] =	ssyncset.s32 $0xFFFFF086  }
0x25: {  	[simem:s6], [sflag:s4] =	dma.local [hbm:s3], $0xF7A  }
0x26: {  	[smem:$0x3F9F] =	sst s1;
	(tag) =	ssettag s2;
	_ =	strace s9  }
0x27: {  	s1 =	sld [smem:$0x3FAF]  }
0x28: {  	s2 =	sld [smem:$0x3FB0]  }
0x29: {  	s4 =	sld [smem:$0x3FB2]  }
0x2a: {  	p0 =	seq.s32 s5, $0x0;
	s5 =	sld [smem:$0x3FB3]  }
0x2b: {  	s6 =	sld [smem:$0x3FB4]  }
0x2c: {  	s7 =	sld [smem:$0x3FB5]  }
0x2d: {  	s3 =	simm.s32 $0x108;
	s8 =	sld [smem:$0x3FB6]  }
0x2e: {  	s3 =	simm.s32 @!p0 $0x1082;
	s9 =	sld [smem:$0x3FB7]  }
0x2f: {  	lr =	sadd.s32 s0, s3;
	s0 =	sld [smem:$0x3FAE]  }
0x30: {  	s3 =	sld [smem:$0x3FB1]  }
0x31: {  	[smem:$0x3FBA] =	sst s10  }
0x32: {  	s10 =	sld [smem:$0x3FB8];
	_ =	sdelay $0x3  }
0x33: {  	p0 =	seq.s32 s10, $0x1;
	s10 =	sld [smem:$0x3FBA];
	_ =	sdelay $0x3  }
0x34: {  	[smem:$0x3FBA] =	sst s10  }
0x35: {  	s10 =	sld [smem:$0x3FB9];
	_ =	sdelay $0x3  }
0x36: {  	p1 =	seq.s32 s10, $0x1;
	s10 =	sld [smem:$0x3FBA];
	_ =	sdelay $0x3  }
0x37: {  	[smem:$0x3FBA] =	sst s10  }
0x38: {  	s10 =	sld [smem:$0x3FBB]  }
0x39: {  	_ = 	snop;
	(pc) =	sbr.ind lr, $3  }
0x3a: {  	_ = 	snop  }
0x3b: {  	_ = 	snop  }
0x3c: {  	p2 =	seq.s32 s10, $0x1;
	s10 =	sld [smem:$0x3FBA]  }
0x3d: {  	_ =	shalt  }
0x3e: {  	_ =	shalt  }
0x3f: {  	_ =	shalt  }
0x40: {  	_ =	shalt  }
0x41: {  	_ =	shalt  }
0x42: {  	_ =	shalt  }
0x43: {  	_ =	shalt  }
0x44: {  	_ =	shalt  }
0x45: {  	_ =	shalt  }
0x46: {  	_ =	shalt  }
0x47: {  	_ =	shalt  }
0x48: {  	_ =	shalt  }
0x49: {  	_ =	shalt  }
0x4a: {  	_ =	shalt  }
0x4b: {  	_ =	shalt  }
0x4c: {  	_ =	shalt  }
0x4d: {  	_ =	shalt  }
0x4e: {  	_ =	shalt  }
0x4f: {  	_ =	shalt  }
0x50: {  	_ =	shalt  }
0x51: {  	_ =	shalt  }
0x52: {  	_ =	shalt  }
0x53: {  	_ =	shalt  }
0x54: {  	_ =	shalt  }
0x55: {  	_ =	shalt  }
0x56: {  	_ =	shalt  }
0x57: {  	_ =	shalt  }
0x58: {  	_ =	shalt  }
0x59: {  	_ =	shalt  }
0x5a: {  	_ =	shalt  }
0x5b: {  	_ =	shalt  }
0x5c: {  	_ =	shalt  }
0x5d: {  	_ =	shalt  }
0x5e: {  	_ =	shalt  }
0x5f: {  	_ =	shalt  }
0x60: {  	_ =	shalt  }
0x61: {  	_ =	shalt  }
0x62: {  	_ =	shalt  }
0x63: {  	_ =	shalt  }
0x64: {  	_ =	shalt  }
0x65: {  	_ =	shalt  }
0x66: {  	_ =	shalt  }
0x67: {  	_ =	shalt  }
0x68: {  	_ =	shalt  }
0x69: {  	_ =	shalt  }
0x6a: {  	_ =	shalt  }
0x6b: {  	_ =	shalt  }
0x6c: {  	_ =	shalt  }
0x6d: {  	_ =	shalt  }
0x6e: {  	_ =	shalt  }
0x6f: {  	_ =	shalt  }
0x70: {  	_ =	shalt  }
0x71: {  	_ =	shalt  }
0x72: {  	_ =	shalt  }
0x73: {  	_ =	shalt  }
0x74: {  	_ =	shalt  }
0x75: {  	_ =	shalt  }
0x76: {  	_ =	shalt  }
0x77: {  	_ =	shalt  }
0x78: {  	_ =	shalt  }
0x79: {  	_ =	shalt  }
0x7a: {  	_ =	shalt  }
0x7b: {  	_ =	shalt  }
0x7c: {  	_ =	shalt  }
0x7d: {  	_ =	shalt  }
0x7e: {  	_ =	shalt  }
0x7f: {  	_ =	shalt  }
0x80: {  	_ =	shalt  }
0x81: {  	_ =	shalt  }
0x82: {  	_ =	shalt  }
0x83: {  	_ =	shalt  }
0x84: {  	_ =	shalt  }
0x85: {  	_ =	shalt  }
0x86: {  	_ =	shalt  }
0x87: {  	_ =	shalt  }
.Lfunc_end0:
.L_simem_size_0:
called_computation.2_lowered:
.L_overlay_start_0:
0x88: {  	s2 =	sld [smem:$0x3FD9]  }
0x89: {  	s3 =	sld [smem:$0x3FFE];
	_ =	sdelay $0x1  }
0x8a: {  	s1 =	srdreg.scid  }
0x8b: {  	s0 =	sand.u32 $0x1, s1  }
0x8c: {  	s17 =	sshll.u32 s0, $0xA;
	s2 =	sadd.s32 s3, s2  }
0x8d: {  	s2 =	sadd.s32 s2, s17  }
0x8e: {  	[smem:$0x3FC6] =	sst s2  }
0x8f: {  	_ = 	snop  }
0x90: {  	s2 =	sld [smem:$0x3FD0];
	(tm) =	ssettm $0x1  }
0x91: {  	s18 =	sld [smem:$0x3FFB];
	_ =	sdelay $0x3  }
0x92: {  	_ =	strace s18  }
0x93: {  	s3 =	sld [smem:$0x3FFC];
	_ =	sdelay $0x3  }
0x94: {  	_ =	strace s3  }
0x95: {  	s3 =	sld [smem:$0x3FFD];
	_ =	sdelay $0x3  }
0x96: {  	_ =	strace s3  }
0x97: {  	_ =	strace $0x8FFFFFFF  }
0x98: {  	s19 =	sld [smem:$0x3FDB];
	_ =	sdelay $0x1  }
0x99: {  	s4 =	simm.s32 $_scs_section_size  }
0x9a: {  	s5 =	simm.s32 $_size__tile_overlayer_lowered;
	s6 =	simm.s32 $_tile_overlayer_lowered  }
0x9b: {  	s22 =	simm.s32 $0x1BFF;
	s21 =	sshll.u32 s6, $0x1;
	s3 =	sadd.s32 s4, s19  }
0x9c: {  	s7 =	simm.s32 $0x0;
	s20 =	sshll.u32 s5, $0x1;
	s5 =	sadd.s32 s21, s3  }
0x9d: {  	[timem:s7], [sflag:s22] =	dma.local [hbm:s5], s20  }
0x9e: {  	_ =	swait.ge [sflag:s22], s20  }
0x9f: {  	s4 =	ssub.s32 $0x0, s20;
	[sflag:s22] =	ssyncset.done $0x0  }
0xa0: {  	[sflag:s22] =	ssyncadd.s32 s4;
	_ =	sdelay $0x1  }
0xa1: {  	s23 =	simm.s32 $0x1B8B  }
0xa2: {  	_ =	swait.ge [sflag:s23], $0x1  }
0xa3: {  	[sflag:s23] =	ssyncset.done $0x0  }
0xa4: {  	s25 =	simm.s32 $0x1B8E;
	s24 =	sld [smem:$0x3FFE];
	[sflag:s23] =	ssyncadd.s32 $0xFFFFFFFF  }
0xa5: {  	s26 =	simm.s32 $execute0_lowered;
	[smem:$0x3FD2] =	sst s25  }
0xa6: {  	s5 =	sshll.u32 s26, $0x1;
	_ =	strace $0x80000049;
	[dreg:$0x1] =	wrdreg $0xFFFFFFFF  }
0xa7: {  	s28 =	simm.s32 $_size_execute0_lowered;
	s3 =	sadd.s32 s3, s5;
	[dreg:$0x0] =	wrdreg $0x0  }
0xa8: {  	s5 =	sshll.u32 s28, $0x1;
	[dreg:$0x2] =	wrdreg s3  }
0xa9: {  	[dreg:$0x3] =	wrdreg s5  }
0xaa: {  	[dreg:$0x4] =	wrdreg $0xC0  }
0xab: {  	_ =	task [dreg:s7], $0x5FFFF  }
0xac: {  	[dreg:$0x1] =	wrdreg $0xFFFFFFFF  }
0xad: {  	[dreg:$0x0] =	wrdreg $0x60  }
0xae: {  	[dreg:$0x2] =	wrdreg s24  }
0xaf: {  	[dreg:$0x3] =	wrdreg s2  }
0xb0: {  	[dreg:$0x4] =	wrdreg $0x9  }
0xb1: {  	_ =	task.clear_ibuf [dreg:s7], $0x5FFFF;
	_ =	strace $0x90000049  }
0xb2: {  	s29 =	simm.s32 $0x9;
	_ =	strace $0x8000004B  }
0xb3: {  	_ =	swait.ge [sflag:s29], $0x1  }
0xb4: {  	[sflag:s29] =	ssyncadd.s32 $0xFFFFFFFF  }
0xb5: {  	_ =	strace $0x9000004B  }
0xb6: {  	_ =	sfence  }
0xb7: {  	s30 =	sld [smem:$0x0];
	_ =	sdelay $0x2  }
0xb8: {  	s31 =	sshll.u32 s1, $0xD;
	s1 =	sshrl.u32 s1, $0x2  }
0xb9: {  	s3 =	sand.u32 $0x4000, s31;
	s1 =	sadd.s32 s1, s30  }
0xba: {  	s0 =	sor.u32 s3, s0;
	s1 =	sshll.u32 s1, $0x11  }
0xbb: {  	s0 =	sor.u32 s1, s0  }
0xbc: {  	s0 =	sadd.s32 $0x8F2B, s0  }
0xbd: {  	[sflag:s0] =	ssyncadd.remote.s32 $0x1  }
0xbe: {  	_ =	sfence.sel $0xFFFF  }
0xbf: {  	[dreg:$0x0] =	wrdreg $0xFFFFFFFF;
	(pc) =	sbr.abs _section_cstart, $3  }
0xc0: {  	[dreg:$0x1] =	wrdreg $0xFFFFFFFF  }
0xc1: {  	_ =	task.clear_ibuf [dreg:s7], $0x2FFFF;
	_ =	strace $0x9FFFFFFF  }
0xc2: {  	(tm) =	ssettm $0x7FFFFFFF  }
0xc3: {  	_ =	shalt  }
tec
execute0_lowered:
.L_overlay_start_1:
0x0: {  	(tag) =	ssettag $0x1  }
0x1: {  	s0 =	srdreg.scid  }
0x2: {  	s10 =	stileid.u32;
	s1 =	rddreg [dreg:$0x0]  }
0x3: {  	s13 =	rddreg [dreg:$0x1];
	s15 =	simm.s32 $0x280;
	s16 =	simm.s32 $0x6400  }
0x4: {  	s17 =	simm.s32 $0xB400;
	s19 =	simm.s32 $0x10400;
	s20 =	simm.s32 $0x780  }
0x5: {  	s21 =	simm.s32 $0x15400;
	s22 =	simm.s32 $0x1;
	s23 =	simm.s32 $0x2  }
0x6: {  	s24 =	simm.s32 $0x3;
	s28 =	simm.s32 $0x6;
	s6 =	smul.u32 $0xC800, s10  }
0x7: {  	s29 =	simm.s32 $0x7;
	s0 =	sand.u32 $0x1, s0;
	s14 =	smul.u32 $0x32000, s10  }
0x8: {  	s30 =	simm.s32 $0x8;
	s2 =	sshll.u32 s10, $0x1;
	s9 =	smul.u32 $0x6400, s0  }
0x9: {  	s3 =	sor.u32 s0, s2;
	s5 =	ssub.s32 $0x2, s0;
	s0 =	smul.u32 $0x19000, s0  }
0xa: {  	s31 =	simm.s32 $0x0;
	s2 =	simm.s32 $0x0;
	s4 =	smul.u32 $0x6400, s3  }
0xb: {  	[smem:$0x7FF] =	sst s2;
	s3 =	smul.u32 $0xC8000, s3;
	s7 =	sshrl.u32 s5, $0x1  }
0xc: {  	s26 =	sadd.s32 s14, s13;
	s14 =	simm.s32 $0x9;
	_ =	strace $0x8000004A  }
0xd: {  	s25 =	ssub.s32 s5, s7;
	s9 =	sadd.s32 s9, s6;
	s4 =	sshrl.u32 s4, $0x3  }
0xe: {  	s8 =	sshrl.u32 s3, $0x3;
	s3 =	sadd.s32 $0xE00, s1;
	s9 =	sshll.u32 s9, $0x2  }
0xf: {  	s4 =	sadd.s32 s4, s1;
	s8 =	sadd.s32 s13, s8;
	s12 =	sadd.s32 s9, s13  }
0x10: {  	s9 =	smax.u32 s25, $0x1;
	s13 =	sadd.s32 s0, s26;
	s25 =	simm.s32 $0x4  }
0x11: {  	s26 =	simm.s32 $0x5;
	s4 =	sadd.s32 $0x3D1800, s4;
	s5 =	sadd.s32 $0x16800, s8  }
0x12: {  	s6 =	sadd.s32 $0x17200, s8;
	s7 =	sadd.s32 $0x17C00, s8;
	s8 =	sadd.s32 $0x18600, s8  }
0x13: {  	s10 =	sadd.s32 $0x1E00, s12;
	s11 =	sadd.s32 $0x1400, s12;
	s12 =	sadd.s32 $0xA00, s12  }
.LBB2_1:
0x14: {  	[tilespmem:s2], [sflag:$0x9] =	stream.linear.gather [hbm4b:s4+s2], $0x6400, $0x38;
	[tilespmem:$0x1A400] =	vst v63  }
0x15: {  	_ =	swait.ge [sflag:s14], $0x6400  }
0x16: {  	[sflag:s14] =	ssyncset.done $0x0  }
0x17: {  	[sflag:s14] =	ssyncadd.s32 $0xFFFF9C00  }
0x18: {  	[tilespmem:s16], [sflag:$0x1] =	stream.indirect.gather [hbm4b:s3+s15], $0x20, s2, s15, $0xb8;
	[tilespmem:$0x1A400] =	vst v63  }
0x19: {  	_ = 	snop  }
0x1a: {  	[tilespmem:s17], [sflag:$0x2] =	stream.indirect.gather [hbm4b:s3+s15], $0x20, s15, s15, $0xb8;
	[tilespmem:$0x1A400] =	vst v63  }
0x1b: {  	s0 =	simm.s32 $0x500  }
0x1c: {  	[tilespmem:s19], [sflag:$0x3] =	stream.indirect.gather [hbm4b:s3+s15], $0x20, s0, s15, $0xb8;
	[tilespmem:$0x1A400] =	vst v63  }
0x1d: {  	_ = 	snop  }
0x1e: {  	[tilespmem:s21], [sflag:$0x4] =	stream.indirect.gather [hbm4b:s3+s15], $0x20, s20, s15, $0xb8;
	[tilespmem:$0x1A400] =	vst v63  }
0x1f: {  	_ =	swait.ge [sflag:s22], $0x5000  }
0x20: {  	[sflag:s22] =	ssyncset.done $0x0  }
0x21: {  	s18 =	sadd.s32 $0x0, s13;
	[sflag:s22] =	ssyncadd.s32 $0xFFFFB000  }
0x22: {  	[hbm4b:s18+s2] =	stream.linear.scatter [tilespmem:s16], [sflag:$0x5], $0x5000, $0x38;
	[tilespmem:$0x1A400] =	vst v63  }
0x23: {  	_ =	swait.ge [sflag:s23], $0x5000  }
0x24: {  	[sflag:s23] =	ssyncset.done $0x0  }
0x25: {  	s1 =	sadd.s32 $0x0, s12;
	[sflag:s23] =	ssyncadd.s32 $0xFFFFB000  }
0x26: {  	[hbm4b:s1+s2] =	stream.linear.scatter [tilespmem:s17], [sflag:$0x6], $0x5000, $0x38;
	[tilespmem:$0x1A400] =	vst v63  }
0x27: {  	_ =	swait.ge [sflag:s24], $0x5000  }
0x28: {  	[sflag:s24] =	ssyncset.done $0x0  }
0x29: {  	s18 =	sadd.s32 $0x0, s11;
	[sflag:s24] =	ssyncadd.s32 $0xFFFFB000  }
0x2a: {  	[hbm4b:s18+s2] =	stream.linear.scatter [tilespmem:s19], [sflag:$0x7], $0x5000, $0x38;
	[tilespmem:$0x1A400] =	vst v63  }
0x2b: {  	_ =	swait.ge [sflag:s25], $0x5000  }
0x2c: {  	[sflag:s25] =	ssyncset.done $0x0  }
0x2d: {  	s1 =	sadd.s32 $0x0, s10;
	[sflag:s25] =	ssyncadd.s32 $0xFFFFB000  }
0x2e: {  	[hbm4b:s1+s2] =	stream.linear.scatter [tilespmem:s21], [sflag:$0x8], $0x5000, $0x38;
	[tilespmem:$0x1A400] =	vst v63  }
0x2f: {  	_ =	swait.ge [sflag:s26], $0x5000  }
0x30: {  	[sflag:s26] =	ssyncset.done $0x0  }
0x31: {  	s18 =	simm.s32 $0xA00;
	[sflag:s26] =	ssyncadd.s32 $0xFFFFB000  }
0x32: {  	[tilespmem:s16], [sflag:$0x1] =	stream.indirect.gather [hbm4b:s3+s15], $0x20, s18, s15, $0xb8;
	[tilespmem:$0x1A400] =	vst v63  }
0x33: {  	_ =	swait.ge [sflag:s28], $0x5000  }
0x34: {  	[sflag:s28] =	ssyncset.done $0x0  }
0x35: {  	s1 =	simm.s32 $0xC80;
	[sflag:s28] =	ssyncadd.s32 $0xFFFFB000  }
0x36: {  	[tilespmem:s17], [sflag:$0x2] =	stream.indirect.gather [hbm4b:s3+s15], $0x20, s1, s15, $0xb8;
	[tilespmem:$0x1A400] =	vst v63  }
0x37: {  	_ =	swait.ge [sflag:s29], $0x5000  }
0x38: {  	[sflag:s29] =	ssyncset.done $0x0  }
0x39: {  	s18 =	simm.s32 $0xF00;
	[sflag:s29] =	ssyncadd.s32 $0xFFFFB000  }
0x3a: {  	[tilespmem:s19], [sflag:$0x3] =	stream.indirect.gather [hbm4b:s3+s15], $0x20, s18, s15, $0xb8;
	[tilespmem:$0x1A400] =	vst v63  }
0x3b: {  	_ =	swait.ge [sflag:s30], $0x5000  }
0x3c: {  	[sflag:s30] =	ssyncset.done $0x0  }
0x3d: {  	s0 =	simm.s32 $0x1180;
	s1 =	simm.s32 $0x2800;
	[sflag:s30] =	ssyncadd.s32 $0xFFFFB000  }
.LBB2_2:
0x3e: {  	[tilespmem:s21], [sflag:$0x4] =	stream.indirect.gather [hbm4b:s3+s15], $0x20, s0, s15, $0xb8;
	[tilespmem:$0x1A400] =	vst v63  }
0x3f: {  	s0 =	smov.u32 s1  }
0x40: {  	p0 =	sne.s32 s1, $0x14000;
	s1 =	sadd.s32 $0x2800, s1;
	_ =	swait.ge [sflag:s22], $0x5000  }
0x41: {  	[sflag:s22] =	ssyncset.done $0x0  }
0x42: {  	s18 =	sadd.s32 s0, s13;
	[sflag:s22] =	ssyncadd.s32 $0xFFFFB000  }
0x43: {  	[hbm4b:s18+s2] =	stream.linear.scatter [tilespmem:s16], [sflag:$0x5], $0x5000, $0x38;
	[tilespmem:$0x1A400] =	vst v63  }
0x44: {  	_ =	swait.ge [sflag:s23], $0x5000  }
0x45: {  	[sflag:s23] =	ssyncset.done $0x0  }
0x46: {  	s18 =	sadd.s32 s0, s12;
	[sflag:s23] =	ssyncadd.s32 $0xFFFFB000  }
0x47: {  	[hbm4b:s18+s2] =	stream.linear.scatter [tilespmem:s17], [sflag:$0x6], $0x5000, $0x38;
	[tilespmem:$0x1A400] =	vst v63  }
0x48: {  	_ =	swait.ge [sflag:s24], $0x5000  }
0x49: {  	[sflag:s24] =	ssyncset.done $0x0  }
0x4a: {  	s18 =	sadd.s32 s0, s11;
	[sflag:s24] =	ssyncadd.s32 $0xFFFFB000  }
0x4b: {  	[hbm4b:s18+s2] =	stream.linear.scatter [tilespmem:s19], [sflag:$0x7], $0x5000, $0x38;
	[tilespmem:$0x1A400] =	vst v63  }
0x4c: {  	_ =	swait.ge [sflag:s25], $0x5000  }
0x4d: {  	[sflag:s25] =	ssyncset.done $0x0  }
0x4e: {  	s18 =	sadd.s32 s0, s10;
	[sflag:s25] =	ssyncadd.s32 $0xFFFFB000  }
0x4f: {  	[hbm4b:s18+s2] =	stream.linear.scatter [tilespmem:s21], [sflag:$0x8], $0x5000, $0x38;
	[tilespmem:$0x1A400] =	vst v63  }
0x50: {  	_ =	swait.ge [sflag:s26], $0x5000  }
0x51: {  	s0 =	sshra.s32 s0, $0x2;
	[sflag:s26] =	ssyncset.done $0x0  }
0x52: {  	s18 =	sadd.s32 $0xA00, s0;
	[sflag:s26] =	ssyncadd.s32 $0xFFFFB000  }
0x53: {  	[tilespmem:s16], [sflag:$0x1] =	stream.indirect.gather [hbm4b:s3+s15], $0x20, s18, s15, $0xb8;
	[tilespmem:$0x1A400] =	vst v63  }
0x54: {  	_ =	swait.ge [sflag:s28], $0x5000  }
0x55: {  	[sflag:s28] =	ssyncset.done $0x0  }
0x56: {  	s18 =	sadd.s32 $0xC80, s0;
	[sflag:s28] =	ssyncadd.s32 $0xFFFFB000  }
0x57: {  	[tilespmem:s17], [sflag:$0x2] =	stream.indirect.gather [hbm4b:s3+s15], $0x20, s18, s15, $0xb8;
	[tilespmem:$0x1A400] =	vst v63  }
0x58: {  	_ =	swait.ge [sflag:s29], $0x5000  }
0x59: {  	[sflag:s29] =	ssyncset.done $0x0  }
.Ltmp0:
0x5a: {  	s18 =	sadd.s32 $0xF00, s0;
	[sflag:s29] =	ssyncadd.s32 $0xFFFFB000;
	(pc) =	sbr.rel @p0 .LBB2_2-.Ltmp0, $4  }
0x5b: {  	[tilespmem:s19], [sflag:$0x3] =	stream.indirect.gather [hbm4b:s3+s15], $0x20, s18, s15, $0xb8;
	[tilespmem:$0x1A400] =	vst v63  }
0x5c: {  	_ =	swait.ge [sflag:s30], $0x5000  }
0x5d: {  	[sflag:s30] =	ssyncset.done $0x0  }
0x5e: {  	s0 =	sadd.s32 $0x1180, s0;
	[sflag:s30] =	ssyncadd.s32 $0xFFFFB000  }
0x5f: {  	[tilespmem:s21], [sflag:$0x4] =	stream.indirect.gather [hbm4b:s3+s15], $0x20, s0, s15, $0xb8;
	[tilespmem:$0x1A400] =	vst v63  }
0x60: {  	_ =	swait.ge [sflag:s22], $0x5000  }
0x61: {  	[sflag:s22] =	ssyncset.done $0x0  }
0x62: {  	[sflag:s22] =	ssyncadd.s32 $0xFFFFB000  }
0x63: {  	[hbm4b:s5+s2] =	stream.linear.scatter [tilespmem:s16], [sflag:$0x5], $0x5000, $0x38;
	[tilespmem:$0x1A400] =	vst v63  }
0x64: {  	_ =	swait.ge [sflag:s23], $0x5000  }
0x65: {  	[sflag:s23] =	ssyncset.done $0x0  }
0x66: {  	[sflag:s23] =	ssyncadd.s32 $0xFFFFB000  }
0x67: {  	[hbm4b:s6+s2] =	stream.linear.scatter [tilespmem:s17], [sflag:$0x6], $0x5000, $0x38;
	[tilespmem:$0x1A400] =	vst v63  }
0x68: {  	_ =	swait.ge [sflag:s24], $0x5000  }
0x69: {  	[sflag:s24] =	ssyncset.done $0x0  }
0x6a: {  	[sflag:s24] =	ssyncadd.s32 $0xFFFFB000  }
0x6b: {  	[hbm4b:s7+s2] =	stream.linear.scatter [tilespmem:s19], [sflag:$0x7], $0x5000, $0x38;
	[tilespmem:$0x1A400] =	vst v63  }
0x6c: {  	_ =	swait.ge [sflag:s25], $0x5000  }
0x6d: {  	[sflag:s25] =	ssyncset.done $0x0  }
0x6e: {  	[sflag:s25] =	ssyncadd.s32 $0xFFFFB000  }
0x6f: {  	[hbm4b:s8+s2] =	stream.linear.scatter [tilespmem:s21], [sflag:$0x8], $0x5000, $0x38;
	[tilespmem:$0x1A400] =	vst v63  }
0x70: {  	_ =	swait.ge [sflag:s26], $0x5000  }
0x71: {  	[sflag:s26] =	ssyncset.done $0x0  }
0x72: {  	[sflag:s26] =	ssyncadd.s32 $0xFFFFB000  }
0x73: {  	_ =	swait.ge [sflag:s28], $0x5000  }
0x74: {  	[sflag:s28] =	ssyncset.done $0x0  }
0x75: {  	s31 =	sadd.s32 $0x1, s31;
	[sflag:s28] =	ssyncadd.s32 $0xFFFFB000  }
0x76: {  	p0 =	sne.s32 s31, s9;
	_ =	swait.ge [sflag:s29], $0x5000  }
.Ltmp1:
0x77: {  	[sflag:s29] =	ssyncset.done $0x0;
	(pc) =	sbr.rel @p0 .LBB2_1-.Ltmp1, $4  }
0x78: {  	[sflag:s29] =	ssyncadd.s32 $0xFFFFB000  }
0x79: {  	_ =	swait.ge [sflag:s30], $0x5000  }
0x7a: {  	[sflag:s30] =	ssyncset.done $0x0  }
0x7b: {  	[sflag:s30] =	ssyncadd.s32 $0xFFFFB000  }
0x7c: {  	_ =	sfence.sel $0x180000  }
0x7d: {  	[bflag:$0x0] =	sbarrier.arrive $0xFFFF  }
0x7e: {  	_ =	strace $0x9000004A  }
0x7f: {  	s0 =	stileid.u32;
	[bflag:$0x2] =	sbarrier.arrive $0xFFFF  }
0x80: {  	p0 =	sne.s32 s0, $0x0;
	s0 =	rddreg [dreg:$0x2]  }
0x81: {  	s0 =	sadd.s32 @!p0 $0x100000, s0  }
0x82: {  	[sflag:s0] =	ssyncadd.tile.s32 @!p0 $0x1;
	_ =	shalt  }
.Lfunc_end2:
_tile_overlayer_lowered:
.L_overlay_start_2:
0x83: {  	(tag) =	ssettag $0x2  }
0x84: {  	s0 =	rddreg [dreg:$0x0];
	s2 =	stileid.u32  }
0x85: {  	s1 =	rddreg [dreg:$0x1];
	p0 =	sne.s32 s2, $0x0  }
0x86: {  	s3 =	rddreg [dreg:$0x2];
	[bflag:$0x3] =	sbarrier.arrive $0xFFFF;
	s2 =	simm.s32 @!p0 $0x1C09  }
0x87: {  	[timem:s3], [sflag:s2] =	dma.local @!p0 [hbm:s0], s1  }
0x88: {  	s0 =	simm.s32 @!p0 $0x9  }
0x89: {  	_ =	swait.ge @!p0 [sflag:s0], s1  }
0x8a: {  	s1 =	ssub.s32 @!p0 $0x0, s1;
	[sflag:s0] =	ssyncset.done @!p0 $0x0  }
0x8b: {  	[sflag:s0] =	ssyncadd.s32 @!p0 s1  }
0x8c: {  	[bflag:$0x3] =	sbarrier.arrive $0xFFFF  }
0x8d: {  	_ =	shalt  }

// kernel: sparse-core-data-format-call.cloned.1.call-start
scs
called_computation_lowered:
.L_overlay_start_0:
0x0: {  	s2 =	sld [smem:$0x3FD9]  }
0x1: {  	s3 =	sld [smem:$0x3FFE];
	_ =	sdelay $0x1  }
0x2: {  	s1 =	srdreg.scid  }
0x3: {  	s0 =	sand.u32 $0x1, s1  }
0x4: {  	s18 =	sshll.u32 s0, $0xA;
	s2 =	sadd.s32 s3, s2  }
0x5: {  	s2 =	sadd.s32 s2, s18  }
0x6: {  	[smem:$0x3FC6] =	sst s2  }
0x7: {  	_ = 	snop  }
0x8: {  	s2 =	sld [smem:$0x3FD0];
	(tm) =	ssettm $0x1  }
0x9: {  	s19 =	sld [smem:$0x3FFB];
	_ =	sdelay $0x3  }
0xa: {  	_ =	strace s19  }
0xb: {  	s3 =	sld [smem:$0x3FFC];
	_ =	sdelay $0x3  }
0xc: {  	_ =	strace s3  }
0xd: {  	s3 =	sld [smem:$0x3FFD];
	_ =	sdelay $0x3  }
0xe: {  	_ =	strace s3  }
0xf: {  	_ =	strace $0x8FFFFFFF  }
0x10: {  	s20 =	sld [smem:$0x3FDB];
	_ =	sdelay $0x1  }
0x11: {  	s4 =	simm.s32 $_scs_section_size  }
0x12: {  	s5 =	simm.s32 $_size__tile_overlayer_lowered;
	s6 =	simm.s32 $_tile_overlayer_lowered  }
0x13: {  	s23 =	simm.s32 $0x1BFF;
	s22 =	sshll.u32 s6, $0x1;
	s3 =	sadd.s32 s4, s20  }
0x14: {  	s7 =	simm.s32 $0x0;
	s21 =	sshll.u32 s5, $0x1;
	s5 =	sadd.s32 s22, s3  }
0x15: {  	[timem:s7], [sflag:s23] =	dma.local [hbm:s5], s21  }
0x16: {  	_ =	swait.ge [sflag:s23], s21  }
0x17: {  	s4 =	ssub.s32 $0x0, s21;
	[sflag:s23] =	ssyncset.done $0x0  }
0x18: {  	[sflag:s23] =	ssyncadd.s32 s4;
	_ =	sdelay $0x1  }
0x19: {  	s24 =	simm.s32 $0x1B8B  }
0x1a: {  	_ =	swait.ge [sflag:s24], $0x1  }
0x1b: {  	[sflag:s24] =	ssyncset.done $0x0  }
0x1c: {  	s26 =	simm.s32 $0x1B8E;
	s25 =	sld [smem:$0x3FFE];
	[sflag:s24] =	ssyncadd.s32 $0xFFFFFFFF  }
0x1d: {  	s27 =	simm.s32 $execute0_lowered;
	[smem:$0x3FD2] =	sst s26  }
0x1e: {  	s5 =	sshll.u32 s27, $0x1;
	_ =	strace $0x8000004C;
	[dreg:$0x1] =	wrdreg $0xFFFFFFFF  }
0x1f: {  	s28 =	simm.s32 $_size_execute0_lowered;
	s3 =	sadd.s32 s3, s5;
	[dreg:$0x0] =	wrdreg $0x0  }
0x20: {  	s5 =	sshll.u32 s28, $0x1;
	[dreg:$0x2] =	wrdreg s3  }
0x21: {  	[dreg:$0x3] =	wrdreg s5  }
0x22: {  	[dreg:$0x4] =	wrdreg $0xC0  }
0x23: {  	_ =	task [dreg:s7], $0x5FFFF  }
0x24: {  	[dreg:$0x1] =	wrdreg $0xFFFFFFFF  }
0x25: {  	[dreg:$0x0] =	wrdreg $0x60  }
0x26: {  	[dreg:$0x2] =	wrdreg s25  }
0x27: {  	[dreg:$0x3] =	wrdreg s2  }
0x28: {  	[dreg:$0x4] =	wrdreg $0x9  }
0x29: {  	_ =	task.clear_ibuf [dreg:s7], $0x5FFFF;
	_ =	strace $0x9000004C  }
0x2a: {  	s29 =	simm.s32 $0x9;
	_ =	strace $0x8000004E  }
0x2b: {  	_ =	swait.ge [sflag:s29], $0x1  }
0x2c: {  	[sflag:s29] =	ssyncadd.s32 $0xFFFFFFFF  }
0x2d: {  	_ =	strace $0x9000004E  }
0x2e: {  	_ =	sfence  }
0x2f: {  	s30 =	sld [smem:$0x0];
	_ =	sdelay $0x2  }
0x30: {  	s31 =	sshll.u32 s1, $0xD;
	s1 =	sshrl.u32 s1, $0x2  }
0x31: {  	s3 =	sand.u32 $0x4000, s31;
	s1 =	sadd.s32 s1, s30  }
0x32: {  	s0 =	sor.u32 s3, s0;
	s1 =	sshll.u32 s1, $0x11  }
0x33: {  	s0 =	sor.u32 s1, s0  }
0x34: {  	s0 =	sadd.s32 $0x8F2B, s0  }
0x35: {  	[sflag:s0] =	ssyncadd.remote.s32 $0x1  }
0x36: {  	_ =	sfence.sel $0xFFFF  }
0x37: {  	[dreg:$0x0] =	wrdreg $0xFFFFFFFF;
	(pc) =	sbr.abs _section_cstart, $3  }
0x38: {  	[dreg:$0x1] =	wrdreg $0xFFFFFFFF  }
0x39: {  	_ =	task.clear_ibuf [dreg:s7], $0x2FFFF;
	_ =	strace $0x9FFFFFFF  }
0x3a: {  	(tm) =	ssettm $0x7FFFFFFF  }
0x3b: {  	_ =	shalt  }
tec
execute0_lowered:
.L_overlay_start_1:
0x0: {  	(tag) =	ssettag $0x1  }
0x1: {  	s0 =	srdreg.scid  }
0x2: {  	s1 =	sshll.u32 s0, $0x4  }
0x3: {  	s0 =	stileid.u32;
	s1 =	sand.u32 $0x10, s1  }
0x4: {  	s7 =	rddreg [dreg:$0x0];
	s1 =	sor.u32 s0, s1  }
0x5: {  	s4 =	simm.s32 $0x1;
	s8 =	simm.s32 $0x2;
	s2 =	sshll.u32 s1, $0x7  }
0x6: {  	s13 =	simm.s32 $0x0;
	s9 =	simm.s32 $0x20000;
	s1 =	ssub.s32 $0x4000, s2  }
0x7: {  	s14 =	simm.s32 $0x0;
	s11 =	simm.s32 $0x0;
	s3 =	sand.u32 $0xF80, s1  }
0x8: {  	s12 =	simm.s32 $0x0;
	s5 =	sshrl.u32 s1, $0xC;
	p0 =	sne.s32 s3, $0x0  }
.Ltmp0:
0x9: {  	s1 =	rddreg [dreg:$0x2];
	s4 =	simm.s32 @!p0 $0x0;
	(pc) =	sbr.rel .LBB1_1-.Ltmp0, $4  }
0xa: {  	s6 =	sadd.s32 $0xE00, s7;
	s3 =	rddreg [dreg:$0x1];
	s5 =	sadd.s32 s4, s5  }
0xb: {  	_ =	strace $0x8000004D;
	s4 =	simm.s32 $0x1;
	s5 =	smul.u32 $0x19, s5  }
0xc: {  	s7 =	sadd.s32 $0x40E00, s7;
	s10 =	smov.u32 s2;
	[sflag:s4] =	ssyncpa.u1 $0x0  }
0xd: {  	p0 =	por $0x0, $0x0;
	[sflag:s8] =	ssyncpa.u1 $0x0;
	s8 =	sadd.s32 $0x1, s5  }
.LBB1_7:
0xe: {  	s15 =	sadd.s32 $0x1000, s10  }
0xf: {  	s13 =	sadd.s32 $0x2, s11;
	s17 =	smov.u32 s11;
	p2 =	sgt.s32 s15, $0x3FFF  }
0x10: {  	s17 =	smov.u32 @p2 s13  }
0x11: {  	s15 =	smov.u32 @p2 s2;
	p2 =	sgt.s32 s17, $0x31  }
0x12: {  	s17 =	simm.s32 @p2 $0x0;
	p2 =	sne.s32 s12, s8  }
.Ltmp1:
0x13: {  	p1 =	slt.u32 s12, $0x2;
	(pc) =	sbr.rel @!p2 .LBB1_8-.Ltmp1, $4  }
0x14: {  	s16 =	simm.s32 @!p1 $0x2  }
0x15: {  	s14 =	smov.u32 s11;
	p0 =	por !p0, !p0;
	_ =	swait.ge @!p1 [sflag:s16], $0x2000  }
0x16: {  	s13 =	smov.u32 s10;
	[sflag:s16] =	ssyncset.done @!p1 $0x0;
	s10 =	smov.u32 s15  }
0x17: {  	s12 =	sadd.s32 $0x1, s12;
	[sflag:s16] =	ssyncadd.s32 @!p1 $0xFFFFE000;
	s11 =	smov.u32 s17  }
.LBB1_1:
0x18: {  	p1 =	sge.u32 s12, s5  }
0x19: {  	s15 =	sxor.u32 @!p1 $0xFFFFFFFF, s12;
	s16 =	sshll.u32 @!p1 s11, $0x12  }
0x1a: {  	s17 =	sshll.u32 @!p1 s10, $0x4;
	s19 =	simm.s32 @!p1 $0x20;
	s20 =	simm.s32 @!p1 $0x80  }
0x1b: {  	s15 =	sshll.u32 @!p1 s15, $0xD;
	s17 =	sand.u32 @!p1 $0x3FFF0, s17;
	s18 =	sadd.s32 @!p1 s6, s16  }
0x1c: {  	s16 =	sadd.s32 @!p1 s16, s7;
	s15 =	sand.u32 @!p1 $0x2000, s15;
	s18 =	sadd.s32 @!p1 s17, s18  }
0x1d: {  	[tilespmem:s15], [sflag:$0x1] =	stream.strided.gather @!p1 [hbm4b:s18+s19], $0x1000, s20, s19, $0x38;
	[tilespmem:$0x8080] =	vst v63  }
0x1e: {  	s31 =	sadd.s32 $0xFFFFFFFF, s12;
	s16 =	sadd.s32 @!p1 s17, s16;
	s15 =	sor.u32 @!p1 $0x1000, s15  }
0x1f: {  	[tilespmem:s15], [sflag:$0x1] =	stream.strided.gather @!p1 [hbm4b:s16+s19], $0x1000, s20, s19, $0x38;
	[tilespmem:$0x8080] =	vst v63  }
0x20: {  	p1 =	sge.u32 s31, s5  }
.Ltmp2:
0x21: {  	_ = 	snop;
	(pc) =	sbr.rel @p1 .LBB1_7-.Ltmp2, $1  }
0x22: {  	_ =	sdelay $0x3  }
0x23: {  	s15 =	simm.s32 $0x1;
	s17 =	sand.u32 $0x1, s12  }
0x24: {  	_ =	swait.ge [sflag:s4], $0x2000;
	s15 =	simm.s32 @!p0 $0x0;
	s17 =	smul.u32 $0x8100, s17  }
0x25: {  	p2 =	por $0x1, $0x1;
	[sflag:s4] =	ssyncset.done $0x0;
	s16 =	smul.u32 $0x8100, s15  }
0x26: {  	s18 =	sshll.u32 s15, $0xF;
	[sflag:s4] =	ssyncadd.s32 $0xFFFFE000;
	s30 =	sshrl.u32 s17, $0x2  }
0x27: {  	s31 =	sshrl.u32 s18, $0x2;
	s18 =	simm.s32 $0x0;
	s16 =	sshrl.u32 s16, $0x2  }
0x28: {  	s15 =	sor.u32 $0x4000, s30;
	s17 =	sadd.s32 $0x10, s31;
	s16 =	sor.u32 $0x4000, s16  }
.LBB1_3:
0x29: {  	s19 =	sshll.u32 s18, $0xC  }
0x2a: {  	s19 =	sand.u32 $0x3FFFF000, s19  }
0x2b: {  	s20 =	sadd.s32 s19, s17  }
0x2c: {  	s31 =	smul.u32 $0x4080, s18;
	v1 =	vld [tilespmem:s20+$0x0]  }
0x2d: {  	v0 =	vld [tilespmem:s20+$0xFFFFFFF0]  }
0x2e: {  	s18 =	sshra.s32 s31, $0x2  }
0x2f: {  	s18 =	sadd.s32 s18, s16  }
0x30: {  	s21 =	sadd.s32 $0x0, s18  }
0x31: {  	p1 =	por p2, p2;
	s19 =	simm.s32 $0x4;
	s20 =	sadd.s32 $0x20, s20;
	[tilespmem:s21+$0x810 ss:$0x81] =	vst.msk $0xffff, v1  }
.LBB1_4:
0x32: {  	v1 =	vld [tilespmem:s20+$0x0];
	p2 =	sne.s32 s19, $0x1FC;
	[tilespmem:s21+$0x0 ss:$0x81] =	vst.msk $0xffff, v0;
	s21 =	smov.u32 s19;
	s19 =	sadd.s32 $0x4, s19  }
.Ltmp3:
0x33: {  	v0 =	vld [tilespmem:s20+$0xFFFFFFF0];
	(pc) =	sbr.rel @p2 .LBB1_4-.Ltmp3, $4  }
0x34: {  	_ = 	snop  }
0x35: {  	s21 =	sshra.s32 s21, $0x2  }
0x36: {  	s21 =	sadd.s32 s21, s18  }
0x37: {  	s20 =	sadd.s32 $0x20, s20;
	[tilespmem:s21+$0x810 ss:$0x81] =	vst.msk $0xffff, v1  }
.Ltmp4:
0x38: {  	(pc) =	sbr.rel @p1 .LBB1_3-.Ltmp4, $2  }
0x39: {  	_ =	sdelay $0x2  }
0x3a: {  	[tilespmem:s21+$0x0 ss:$0x81] =	vst.msk $0xffff, v0;
	s18 =	simm.s32 $0x1;
	p2 =	por $0x0, $0x0  }
0x3b: {  	s16 =	sshll.u32 s13, $0x3;
	s17 =	sand.u32 $0x78, s13;
	s14 =	sshll.u32 s14, $0x10  }
.Ltmp5:
0x3c: {  	s30 =	sand.u32 $0xF800, s13;
	s16 =	sand.u32 $0x3C00, s16;
	(pc) =	sbr.rel .LBB1_7-.Ltmp5, $4  }
0x3d: {  	s31 =	sand.u32 $0x7, s13;
	s14 =	sadd.s32 s3, s14;
	s16 =	sor.u32 s17, s16  }
0x3e: {  	s13 =	sshll.u32 s31, $0x12;
	s14 =	sadd.s32 s30, s14;
	s16 =	sshrl.u32 s16, $0x3  }
0x3f: {  	s13 =	sor.u32 $0x400, s13;
	s14 =	sadd.s32 s16, s14  }
0x40: {  	[hbm4b:s14+s13] =	stream.strided.scatter [tilespmem:s15], [sflag:$0x2], $0x2000, s9, s13, $0x20;
	[tilespmem:$0x8080] =	vst v63  }
.LBB1_8:
0x41: {  	_ =	sfence.sel $0x180000  }
0x42: {  	s2 =	simm.s32 $0x1;
	[bflag:$0x0] =	sbarrier.arrive $0xFFFF  }
0x43: {  	s31 =	simm.s32 $0x2;
	[sflag:s2] =	ssyncpa.u1 $0x1  }
0x44: {  	[sflag:s31] =	ssyncpa.u1 $0x1  }
0x45: {  	p0 =	sne.s32 s0, $0x0;
	_ =	strace $0x9000004D  }
0x46: {  	s0 =	sadd.s32 @!p0 $0x100000, s1;
	[bflag:$0x2] =	sbarrier.arrive $0xFFFF  }
0x47: {  	[sflag:s0] =	ssyncadd.tile.s32 @!p0 $0x1;
	_ =	shalt  }
.Lfunc_end1:
_tile_overlayer_lowered:
.L_overlay_start_2:
0x48: {  	(tag) =	ssettag $0x2  }
0x49: {  	s0 =	rddreg [dreg:$0x0];
	s2 =	stileid.u32  }
0x4a: {  	s1 =	rddreg [dreg:$0x1];
	p0 =	sne.s32 s2, $0x0  }
0x4b: {  	s3 =	rddreg [dreg:$0x2];
	[bflag:$0x3] =	sbarrier.arrive $0xFFFF;
	s2 =	simm.s32 @!p0 $0x1C01  }
0x4c: {  	[timem:s3], [sflag:s2] =	dma.local @!p0 [hbm:s0], s1  }
0x4d: {  	s0 =	simm.s32 @!p0 $0x1  }
0x4e: {  	_ =	swait.ge @!p0 [sflag:s0], s1  }
0x4f: {  	s1 =	ssub.s32 @!p0 $0x0, s1;
	[sflag:s0] =	ssyncset.done @!p0 $0x0  }
0x50: {  	[sflag:s0] =	ssyncadd.s32 @!p0 s1  }
0x51: {  	[bflag:$0x3] =	sbarrier.arrive $0xFFFF  }
0x52: {  	_ =	shalt  }

</sc_bundles>
